<compile_context>
chip_gen: v7x
topology: tpu7x:2x2x1
jax: 0.10.2.dev20260603
libtpu: 0.0.44.dev20260713+nightly
codegen_flags: <defaults>
</compile_context>

<pallas_src>
import functools

import jax
import jax.numpy as jnp
import numpy as np
from jax import lax
from jax.experimental import pallas as pl
from jax.experimental.pallas import tpu as pltpu
from jax.experimental.pallas import tpu_sc as plsc

B = 1024
NN = 30000
NNP = 30720
NE = 200000
D = 128
NB = 20
K1 = 3 * B
K2 = 3 * B * NB
R_UPD = NN
R_PROP = NN + K1

NC, NS, L = 2, 16, 16
NW = NC * NS

def _mesh():
    return plsc.VectorSubcoreMesh(core_axis_name="c", subcore_axis_name="s",
                                  num_cores=NC, num_subcores=NS)


def _iota16():
    return lax.broadcasted_iota(jnp.int32, (L,), 0)


@functools.cache
def _win_kernel():
    return pl.kernel(
        _win_body,
        out_type=(
            jax.ShapeDtypeStruct((K1,), jnp.int32),
            jax.ShapeDtypeStruct((K2,), jnp.int32),
            jax.ShapeDtypeStruct((NNP,), jnp.int32),
        ),
        mesh=_mesh(),
        compiler_params=pltpu.CompilerParams(needs_layout_passes=False),
        scratch_types=[
            pltpu.VMEM((NNP,), jnp.int32),
            pltpu.VMEM((NNP,), jnp.int32),
            pltpu.VMEM((NNP // NW,), jnp.int32),
            pltpu.VMEM((NNP // NS,), jnp.int32),
            pltpu.VMEM((NNP // NS,), jnp.int32),
            pltpu.VMEM((K2 // NS,), jnp.int32),
            pltpu.VMEM((K2 // NW,), jnp.int32),
            pltpu.VMEM_SHARED((NS, NNP), jnp.int32),
        ],
    )


def _win_body(nodes_hbm, nidx_hbm, hn_hbm, hg_hbm, g2_hbm,
              Lt, Wf, g1s, macc, mtmp, idxbuf, outbuf, spL):
    cid = lax.axis_index("c")
    sid = lax.axis_index("s")
    wid = cid * NS + sid
    RNG = NNP // NS

    def fill(ref, nvec, val):
        def body(i, _):
            ref[pl.ds(i * L, L)] = jnp.full((L,), val, jnp.int32)
            return 0
        lax.fori_loop(0, nvec, body, 0)

    def scan_list(idx_hbm, count):
        per_tile = count // NS
        base = sid * per_tile
        pltpu.sync_copy(idx_hbm.at[pl.ds(base, per_tile)],
                        idxbuf.at[pl.ds(0, per_tile)])

        def body(i, _):
            idx16 = idxbuf[pl.ds(i * L, L)]
            kv = base + i * L + _iota16()

            def cond(rem):
                return jnp.max(rem) > 0

            def wbody(rem):
                m = rem > 0
                plsc.store_scatter(Lt, [idx16], kv, mask=m)
                chk = plsc.load_gather(Lt, [idx16])
                return jnp.where(m & (chk < kv), 1, 0).astype(jnp.int32)

            lax.while_loop(cond, wbody, jnp.ones((L,), jnp.int32))
            return 0
        lax.fori_loop(0, per_tile // L, body, 0)

    def merge(broadcast):
        pltpu.sync_copy(Lt, spL.at[sid])
        plsc.subcore_barrier()
        rbase = sid * RNG
        fill(macc, RNG // L, -1)

        def slot(s, _):
            pltpu.sync_copy(spL.at[s, pl.ds(rbase, RNG)], mtmp)

            def vb(i, _):
                macc[pl.ds(i * L, L)] = jnp.maximum(macc[pl.ds(i * L, L)],
                                                    mtmp[pl.ds(i * L, L)])
                return 0
            lax.fori_loop(0, RNG // L, vb, 0)
            return 0
        lax.fori_loop(0, NS, slot, 0)
        if broadcast:
            pltpu.sync_copy(macc, spL.at[0, pl.ds(rbase, RNG)])
            plsc.subcore_barrier()
            pltpu.sync_copy(spL.at[0], Wf)
            plsc.subcore_barrier()

    fill(Lt, NNP // L, -1)
    scan_list(nodes_hbm, K1)
    merge(True)

    rb = sid * RNG + cid * (RNG // 2)

    def g1b(i, _):
        w = Wf[pl.ds(rb + i * L, L)]
        nvec = rb + i * L + _iota16()
        g1s[pl.ds(i * L, L)] = jnp.where(w >= 0, R_UPD + w, nvec)
        return 0
    lax.fori_loop(0, NNP // NW // L, g1b, 0)

    ob = wid * (K1 // NW)
    pltpu.sync_copy(nodes_hbm.at[pl.ds(ob, K1 // NW)],
                    idxbuf.at[pl.ds(0, K1 // NW)])

    def hb(i, _):
        idx16 = idxbuf[pl.ds(i * L, L)]
        w = plsc.load_gather(Wf, [idx16])
        outbuf[pl.ds(i * L, L)] = jnp.where(w >= 0, R_UPD + w, idx16)
        return 0
    lax.fori_loop(0, K1 // NW // L, hb, 0)
    pltpu.sync_copy(outbuf.at[pl.ds(0, K1 // NW)], hn_hbm.at[pl.ds(ob, K1 // NW)])

    ob2 = wid * (K2 // NW)
    pltpu.sync_copy(nidx_hbm.at[pl.ds(ob2, K2 // NW)],
                    idxbuf.at[pl.ds(0, K2 // NW)])

    def hb2(i, _):
        idx16 = idxbuf[pl.ds(i * L, L)]
        w = plsc.load_gather(Wf, [idx16])
        outbuf[pl.ds(i * L, L)] = jnp.where(w >= 0, R_UPD + w, idx16)
        return 0
    lax.fori_loop(0, K2 // NW // L, hb2, 0)
    pltpu.sync_copy(outbuf.at[pl.ds(0, K2 // NW)], hg_hbm.at[pl.ds(ob2, K2 // NW)])

    fill(Lt, NNP // L, -1)
    scan_list(nidx_hbm, K2)
    merge(False)

    loff = cid * (RNG // 2)

    def g2b(i, _):
        w = macc[pl.ds(loff + i * L, L)]
        g1x = g1s[pl.ds(i * L, L)]
        outbuf[pl.ds(i * L, L)] = jnp.where(w >= 0, R_PROP + w, g1x)
        return 0
    lax.fori_loop(0, NNP // NW // L, g2b, 0)
    pltpu.sync_copy(outbuf.at[pl.ds(0, NNP // NW)], g2_hbm.at[pl.ds(rb, NNP // NW)])


@functools.cache
def _gather1_kernel():
    return pl.kernel(
        _gather1_body,
        out_type=(
            jax.ShapeDtypeStruct((K1, D), jnp.float32),
            jax.ShapeDtypeStruct((B, D), jnp.float32),
            jax.ShapeDtypeStruct((K1,), jnp.float32),
        ),
        mesh=_mesh(),
        compiler_params=pltpu.CompilerParams(needs_layout_passes=False),
        scratch_types=[
            pltpu.VMEM((K1 // NW,), jnp.int32),
            pltpu.VMEM((K1 // NW, D), jnp.float32),
            pltpu.VMEM((B // NW,), jnp.int32),
            pltpu.VMEM((B // NW, D), jnp.float32),
            pltpu.VMEM((NNP,), jnp.float32),
            pltpu.VMEM((K1 // NW,), jnp.float32),
        ],
    )


def _gather1_body(mem_hbm, eft_hbm, lu_hbm, nodes_hbm, eidx_hbm,
                  rows_out, ef_out, lu_out,
                  idxv, rowbuf, efidx, efbuf, lubuf, luout):
    cid = lax.axis_index("c")
    sid = lax.axis_index("s")
    wid = cid * NS + sid

    kb = K1 // NW
    base = wid * kb
    pltpu.sync_copy(nodes_hbm.at[pl.ds(base, kb)], idxv)
    pltpu.sync_copy(mem_hbm.at[idxv], rowbuf)
    pltpu.sync_copy(rowbuf, rows_out.at[pl.ds(base, kb)])

    eb = B // NW
    base2 = wid * eb
    pltpu.sync_copy(eidx_hbm.at[pl.ds(base2, eb)], efidx)
    pltpu.sync_copy(eft_hbm.at[efidx], efbuf)
    pltpu.sync_copy(efbuf, ef_out.at[pl.ds(base2, eb)])

    pltpu.sync_copy(lu_hbm, lubuf.at[pl.ds(0, NN)])

    def lb(i, _):
        idx16 = idxv[pl.ds(i * L, L)]
        luout[pl.ds(i * L, L)] = plsc.load_gather(lubuf, [idx16])
        return 0
    lax.fori_loop(0, kb // L, lb, 0)
    pltpu.sync_copy(luout, lu_out.at[pl.ds(base, kb)])


_CH = 320


@functools.cache
def _gather2_kernel():
    return pl.kernel(
        _gather2_body,
        out_type=(
            jax.ShapeDtypeStruct((K1, D), jnp.float32),
            jax.ShapeDtypeStruct((K2, D), jnp.float32),
            jax.ShapeDtypeStruct((K2, D), jnp.float32),
        ),
        mesh=_mesh(),
        compiler_params=pltpu.CompilerParams(needs_layout_passes=False),
        scratch_types=[
            pltpu.VMEM((K1 // NW,), jnp.int32),
            pltpu.VMEM((K1 // NW, D), jnp.float32),
            pltpu.VMEM((2 * (K2 // NW),), jnp.int32),
            pltpu.VMEM((_CH, D), jnp.float32),
            pltpu.VMEM((_CH, D), jnp.float32),
            pltpu.SemaphoreType.DMA,
            pltpu.SemaphoreType.DMA,
            pltpu.SemaphoreType.DMA,
            pltpu.SemaphoreType.DMA,
        ],
    )


def _gather2_body(t1_hbm, eft_hbm, hn_hbm, hg_hbm, nedge_hbm,
                  srcmem_out, nmem_out, nef_out,
                  idxv, rowbuf, idxall, rbuf0, rbuf1,
                  gs0, gs1, ws0, ws1):
    cid = lax.axis_index("c")
    sid = lax.axis_index("s")
    wid = cid * NS + sid

    kb = K1 // NW
    base = wid * kb
    pltpu.sync_copy(hn_hbm.at[pl.ds(base, kb)], idxv)
    pltpu.sync_copy(t1_hbm.at[idxv], rowbuf)
    pltpu.sync_copy(rowbuf, srcmem_out.at[pl.ds(base, kb)])

    nb = K2 // NW
    nbase = wid * nb
    pltpu.sync_copy(hg_hbm.at[pl.ds(nbase, nb)], idxall.at[pl.ds(0, nb)])
    pltpu.sync_copy(nedge_hbm.at[pl.ds(nbase, nb)], idxall.at[pl.ds(nb, nb)])

    rbufs = (rbuf0, rbuf1)
    gsems = (gs0, gs1)
    wsems = (ws0, ws1)
    tasks = []
    for t, (tab, out) in enumerate(((t1_hbm, nmem_out), (eft_hbm, nef_out))):
        for c in range(nb // _CH):
            tasks.append((tab, t * nb + c * _CH, out, nbase + c * _CH))
    ghandles = [None, None]
    whandles = [None, None]
    prev = None
    for j, (tab, ioff, out, ooff) in enumerate(tasks):
        b = j % 2
        if whandles[b] is not None:
            whandles[b].wait()
        ghandles[b] = pltpu.async_copy(
            tab.at[idxall.at[pl.ds(ioff, _CH)]], rbufs[b], gsems[b])
        if prev is not None:
            pj, pb = prev
            ghandles[pb].wait()
            _, _, pout, pooff = tasks[pj]
            whandles[pb] = pltpu.async_copy(
                rbufs[pb], pout.at[pl.ds(pooff, _CH)], wsems[pb])
        prev = (j, b)
    lj, lb = prev
    ghandles[lb].wait()
    pltpu.sync_copy(rbufs[lb], tasks[lj][2].at[pl.ds(tasks[lj][3], _CH)])
    if whandles[1 - lb] is not None:
        whandles[1 - lb].wait()


@functools.cache
def _final_kernel():
    return pl.kernel(
        _final_body,
        out_type=jax.ShapeDtypeStruct((NNP, D), jnp.float32),
        mesh=_mesh(),
        compiler_params=pltpu.CompilerParams(needs_layout_passes=False),
        scratch_types=[
            pltpu.VMEM((_CH,), jnp.int32),
            pltpu.VMEM((_CH, D), jnp.float32),
        ],
    )


def _final_body(t2_hbm, g2_hbm, out_hbm, idxc, rbuf):
    cid = lax.axis_index("c")
    sid = lax.axis_index("s")
    wid = cid * NS + sid
    nb = NNP // NW
    nbase = wid * nb
    for c in range(nb // _CH):
        cb = nbase + c * _CH
        pltpu.sync_copy(g2_hbm.at[pl.ds(cb, _CH)], idxc)
        pltpu.sync_copy(t2_hbm.at[idxc], rbuf)
        pltpu.sync_copy(rbuf, out_hbm.at[pl.ds(cb, _CH)])


def _update_body(mem_ref, ef_ref, lu_ref, et_ref, wi_ref, wh_ref, b_ref,
                 tw_ref, tb_ref, out_ref):
    sm = mem_ref[0:B]
    dm = mem_ref[B:2 * B]
    nm = mem_ref[2 * B:3 * B]
    ef = ef_ref[...]
    et = et_ref[...]
    tw = tw_ref[...]
    tb = tb_ref[...]
    std = _fast_cos((et - lu_ref[0:B]) * tw + tb)
    dtd = _fast_cos((et - lu_ref[B:2 * B]) * tw + tb)
    ntd = _fast_cos((et - lu_ref[2 * B:3 * B]) * tw + tb)

    wi = wi_ref[...]
    wh = wh_ref[...]
    bb = b_ref[...]

    def gru(msg, h):
        gi = jnp.dot(msg, wi, preferred_element_type=jnp.float32) + bb
        gh = jnp.dot(h, wh, preferred_element_type=jnp.float32)
        r = jax.nn.sigmoid(gi[:, :D] + gh[:, :D])
        z = jax.nn.sigmoid(gi[:, D:2 * D] + gh[:, D:2 * D])
        n = jnp.tanh(gi[:, 2 * D:] + r * gh[:, 2 * D:])
        return (1.0 - z) * n + z * h

    u1 = gru(jnp.concatenate([sm, dm, ef, std], 1), sm)
    ud = gru(jnp.concatenate([dm, sm, ef, dtd], 1), dm)
    us = gru(jnp.concatenate([sm, nm, ef, std], 1), u1)
    un = gru(jnp.concatenate([nm, sm, ef, ntd], 1), nm)
    out_ref[0:B] = us
    out_ref[B:2 * B] = ud
    out_ref[2 * B:3 * B] = un


_BQ = 64
_NBLK = K1 // _BQ
_BN = _BQ * NB


_INV2PI = np.float32(1.0 / (2 * np.pi))
_CW = tuple(np.float32(v) for v in
            (6.25, 0.032714844, 0.00046920776, 1.2556659e-06))
_COSC = tuple(np.float32(v) for v in
              (1.0, -4.99999998e-01, 4.16666634e-02, -1.38888630e-03,
               2.48005531e-05, -2.75348003e-07, 2.06035912e-09,
               -9.72255609e-12))


def _fast_cos(x):
    k = jnp.floor(x * _INV2PI + np.float32(0.5))
    r = x - k * _CW[0]
    r = r - k * _CW[1]
    r = r - k * _CW[2]
    r = r - k * _CW[3]
    r2 = r * r
    acc = jnp.full_like(x, _COSC[7])
    for i in range(6, -1, -1):
        acc = acc * r2 + _COSC[i]
    return acc


def _timeenc_body(ts_ref, nt_ref, tw_ref, tb_ref, dt_ref):
    tsr = jnp.repeat(ts_ref[...], NB, axis=0)
    dt_ref[...] = _fast_cos((tsr - nt_ref[...]) * tw_ref[...] + tb_ref[...])


def _embed_body(sm_ref, dt_ref, nm_ref, nef_ref, nidx_ref,
                wq_ref, wk_ref, wv_ref, wo_ref, wskip_ref,
                w1_ref, b1_ref, w2_ref, b2_ref, lng_ref, lnb_ref,
                tw_ref, tb_ref, pwi_ref, pwh_ref, pb_ref,
                emb_ref, prop_ref):
    sm = sm_ref[...]
    dt = dt_ref[...]
    nm = nm_ref[...]
    nef = nef_ref[...]
    nidx = nidx_ref[...]
    tw = tw_ref[...]
    tb = tb_ref[...]

    G = (lax.broadcasted_iota(jnp.int32, (_BQ, _BN), 1) // NB
         == lax.broadcasted_iota(jnp.int32, (_BQ, _BN), 0)).astype(jnp.float32)
    GR = (lax.broadcasted_iota(jnp.int32, (_BN, _BQ), 0) // NB
          == lax.broadcasted_iota(jnp.int32, (_BN, _BQ), 1)).astype(jnp.float32)
    Eb = jnp.where(
        lax.broadcasted_iota(jnp.int32, (D, D), 0) // 64
        == lax.broadcasted_iota(jnp.int32, (D, D), 1) // 64,
        np.float32(0.125), np.float32(0.0))

    t0 = jnp.broadcast_to(jnp.cos(tb), (_BQ, D))
    q_in = jnp.concatenate([sm, t0], 1)
    k_in = jnp.concatenate([nm, nef, dt], 1)
    q = jnp.dot(q_in, wq_ref[...], preferred_element_type=jnp.float32)
    k = jnp.dot(k_in, wk_ref[...], preferred_element_type=jnp.float32)
    v = jnp.dot(k_in, wv_ref[...], preferred_element_type=jnp.float32)

    q3 = jnp.dot(GR, q, preferred_element_type=jnp.float32)
    sc = jnp.dot(q3 * k, Eb, preferred_element_type=jnp.float32)
    sc = jnp.where(nidx == 0, -1e9, sc)
    e = jnp.exp(sc)
    denom = jnp.dot(G, e, preferred_element_type=jnp.float32)
    dexp = jnp.dot(GR, denom, preferred_element_type=jnp.float32)
    attnx = e / (dexp + 1e-30)
    out = jnp.dot(G, attnx * v, preferred_element_type=jnp.float32)

    h = (jnp.dot(out, wo_ref[...], preferred_element_type=jnp.float32)
         + jnp.dot(q_in, wskip_ref[...], preferred_element_type=jnp.float32))
    hf = (jnp.dot(jax.nn.relu(
        jnp.dot(h, w1_ref[...], preferred_element_type=jnp.float32) + b1_ref[...]),
        w2_ref[...], preferred_element_type=jnp.float32) + b2_ref[...] + h)
    mu = jnp.mean(hf, -1, keepdims=True)
    var = jnp.mean((hf - mu) ** 2, -1, keepdims=True)
    emb = (hf - mu) / jnp.sqrt(var + 1e-5) * lng_ref[...] + lnb_ref[...]
    emb_ref[...] = emb

    embr = jnp.dot(GR, emb, preferred_element_type=jnp.float32)
    mp = jnp.concatenate([embr, nm, nef, dt], 1)
    gi = jnp.dot(mp, pwi_ref[0], preferred_element_type=jnp.float32) + pb_ref[0]
    gh = jnp.dot(nm, pwh_ref[0], preferred_element_type=jnp.float32)
    r = jax.nn.sigmoid(gi[:, :D] + gh[:, :D])
    z = jax.nn.sigmoid(gi[:, D:2 * D] + gh[:, D:2 * D])
    n = jnp.tanh(gi[:, 2 * D:] + r * gh[:, 2 * D:])
    prop_ref[...] = (1.0 - z) * n + z * nm


def _prob_body(emb_ref, w_ref, b_ref, pos_ref, neg_ref):
    se = emb_ref[0:B]
    de = emb_ref[B:2 * B]
    ne = emb_ref[2 * B:3 * B]
    w1 = w_ref[0:D]
    w2 = w_ref[D:2 * D]
    b = b_ref[...]
    pos_ref[...] = jax.nn.sigmoid(
        jnp.dot(se, w1, preferred_element_type=jnp.float32)
        + jnp.dot(de, w2, preferred_element_type=jnp.float32) + b)
    neg_ref[...] = jax.nn.sigmoid(
        jnp.dot(se, w1, preferred_element_type=jnp.float32)
        + jnp.dot(ne, w2, preferred_element_type=jnp.float32) + b)


def kernel(src_node, dest_node, neg_node, edge_time, edge_src_dest_idx,
           neighbors_idx, neighbor_edge_idx, neighbors_time, memory,
           last_update, edge_features_table, params):
    p = params
    nodes = jnp.concatenate([src_node, dest_node, neg_node]).astype(jnp.int32)
    nidx_f = neighbors_idx.reshape(-1).astype(jnp.int32)
    nedge_f = neighbor_edge_idx.reshape(-1).astype(jnp.int32)
    ntime_f = neighbors_time.reshape(K2, 1)
    ts3 = jnp.concatenate([edge_time, edge_time, edge_time]).reshape(K1, 1)

    mem_rows, ef_rows, lu_g = _gather1_kernel()(
        memory, edge_features_table, last_update, nodes,
        edge_src_dest_idx.astype(jnp.int32))

    upd = pl.pallas_call(
        _update_body,
        out_shape=jax.ShapeDtypeStruct((K1, D), jnp.float32),
    )(mem_rows, ef_rows, lu_g.reshape(K1, 1), edge_time.reshape(B, 1),
      p['upd_Wi'], p['upd_Wh'], p['upd_b'].reshape(1, 3 * D),
      p['time_w'].reshape(1, D), p['time_b'].reshape(1, D))

    h_nodes, h_neigh, g2 = _win_kernel()(nodes, nidx_f)

    t1 = jnp.concatenate([memory, upd], 0)
    srcmem, nmem, nef = _gather2_kernel()(t1, edge_features_table,
                                          h_nodes, h_neigh, nedge_f)

    dtenc = pl.pallas_call(
        _timeenc_body,
        grid=(_NBLK,),
        in_specs=[
            pl.BlockSpec((_BQ, 1), lambda i: (i, 0)),
            pl.BlockSpec((_BN, 1), lambda i: (i, 0)),
            pl.BlockSpec((1, D), lambda i: (0, 0)),
            pl.BlockSpec((1, D), lambda i: (0, 0)),
        ],
        out_specs=pl.BlockSpec((_BN, D), lambda i: (i, 0)),
        out_shape=jax.ShapeDtypeStruct((K2, D), jnp.float32),
    )(ts3, ntime_f, p['time_w'].reshape(1, D), p['time_b'].reshape(1, D))

    bsel = lambda i: (jnp.minimum(i // (_NBLK // 3), 1), 0, 0)
    emb, prop = pl.pallas_call(
        _embed_body,
        grid=(_NBLK,),
        in_specs=[
            pl.BlockSpec((_BQ, D), lambda i: (i, 0)),
            pl.BlockSpec((_BN, D), lambda i: (i, 0)),
            pl.BlockSpec((_BN, D), lambda i: (i, 0)),
            pl.BlockSpec((_BN, D), lambda i: (i, 0)),
            pl.BlockSpec((_BN, 1), lambda i: (i, 0)),
            pl.BlockSpec((2 * D, D), lambda i: (0, 0)),
            pl.BlockSpec((3 * D, D), lambda i: (0, 0)),
            pl.BlockSpec((3 * D, D), lambda i: (0, 0)),
            pl.BlockSpec((D, D), lambda i: (0, 0)),
            pl.BlockSpec((2 * D, D), lambda i: (0, 0)),
            pl.BlockSpec((D, 2 * D), lambda i: (0, 0)),
            pl.BlockSpec((1, 2 * D), lambda i: (0, 0)),
            pl.BlockSpec((2 * D, D), lambda i: (0, 0)),
            pl.BlockSpec((1, D), lambda i: (0, 0)),
            pl.BlockSpec((1, D), lambda i: (0, 0)),
            pl.BlockSpec((1, D), lambda i: (0, 0)),
            pl.BlockSpec((1, D), lambda i: (0, 0)),
            pl.BlockSpec((1, D), lambda i: (0, 0)),
            pl.BlockSpec((1, 4 * D, 3 * D), bsel),
            pl.BlockSpec((1, D, 3 * D), bsel),
            pl.BlockSpec((1, 1, 3 * D), bsel),
        ],
        out_specs=[
            pl.BlockSpec((_BQ, D), lambda i: (i, 0)),
            pl.BlockSpec((_BN, D), lambda i: (i, 0)),
        ],
        out_shape=[
            jax.ShapeDtypeStruct((K1, D), jnp.float32),
            jax.ShapeDtypeStruct((K2, D), jnp.float32),
        ],
    )(srcmem, dtenc, nmem, nef, nidx_f.reshape(K2, 1),
      p['att_Wq'], p['att_Wk'], p['att_Wv'], p['att_Wo'], p['att_skip'],
      p['ffn_W1'], p['ffn_b1'].reshape(1, 2 * D), p['ffn_W2'],
      p['ffn_b2'].reshape(1, D), p['ln_g'].reshape(1, D),
      p['ln_b'].reshape(1, D), p['time_w'].reshape(1, D),
      p['time_b'].reshape(1, D),
      jnp.stack([p['prop_src_Wi'], p['prop_dst_Wi']]),
      jnp.stack([p['prop_src_Wh'], p['prop_dst_Wh']]),
      jnp.stack([p['prop_src_b'], p['prop_dst_b']]).reshape(2, 1, 3 * D))

    t2 = jnp.concatenate([t1, prop], 0)
    mem2p = _final_kernel()(t2, g2)
    memory2 = mem2p[:NN]

    pos, neg = pl.pallas_call(
        _prob_body,
        out_shape=[
            jax.ShapeDtypeStruct((B, 1), jnp.float32),
            jax.ShapeDtypeStruct((B, 1), jnp.float32),
        ],
    )(emb, p['mlp_W'], p['mlp_b'].reshape(1, 1))

    return pos, neg, memory2

# --- scband reference (transcript-rebuilt; emitter-appended) ---
"""Pipeline reference for scband-tgt-33165737460156 (READ-ONLY COPY).

The authoritative reference and input builder live on the scoring server;
editing this copy changes nothing except your own understanding.
"""

import jax, jax.numpy as jnp
import numpy as np

B = 1024
N_NODES = 30000
N_EDGES = 200000
D_MEM = 128
D_EMB = 128
D_TIME = 128
D_EDGE = 128
N_HEAD = 2
D_K = 64
D_V = 64
D_INNER = 256
N_NEIGHBORS = 20


def _glorot(key, shape):
    return jax.random.normal(key, shape, dtype=jnp.float32) / np.sqrt(shape[0])


def setup_inputs(seed: int = 0):
    key = jax.random.key(seed)
    ks = jax.random.split(key, 40)
    inp = {}
    inp['src_node'] = jax.random.randint(ks[0], (B,), 0, N_NODES)
    inp['dest_node'] = jax.random.randint(ks[1], (B,), 0, N_NODES)
    inp['neg_node'] = jax.random.randint(ks[2], (B,), 0, N_NODES)
    inp['edge_time'] = jax.random.uniform(ks[3], (B,), dtype=jnp.float32) * 1e5
    inp['edge_src_dest_idx'] = jax.random.randint(ks[4], (B,), 0, N_EDGES)
    # simulated output of neighbor_finder.get_temporal_neighbor (host-side sampler in the original)
    inp['neighbors_idx'] = jax.random.randint(ks[5], (3 * B, N_NEIGHBORS), 0, N_NODES)
    inp['neighbor_edge_idx'] = jax.random.randint(ks[6], (3 * B, N_NEIGHBORS), 0, N_EDGES)
    inp['neighbors_time'] = jax.random.uniform(ks[7], (3 * B, N_NEIGHBORS), dtype=jnp.float32) * 1e5
    # state buffers
    inp['memory'] = jax.random.normal(ks[8], (N_NODES, D_MEM), dtype=jnp.float32) * 0.1
    inp['last_update'] = jax.random.uniform(ks[9], (N_NODES,), dtype=jnp.float32) * 1e5
    inp['edge_features_table'] = jax.random.normal(ks[10], (N_EDGES, D_EDGE), dtype=jnp.float32) * 0.1
    d_msg_upd = 2 * D_MEM + D_EDGE + D_TIME
    d_msg_prop = D_EMB + D_MEM + D_EDGE + D_TIME
    d_q_in = D_MEM + D_TIME
    d_k_in = D_MEM + D_EDGE + D_TIME
    params = {
        'time_w': jax.random.normal(ks[11], (D_TIME,), dtype=jnp.float32),
        'time_b': jax.random.normal(ks[12], (D_TIME,), dtype=jnp.float32),
        'upd_Wi': _glorot(ks[13], (d_msg_upd, 3 * D_MEM)),
        'upd_Wh': _glorot(ks[14], (D_MEM, 3 * D_MEM)),
        'upd_b': jnp.zeros((3 * D_MEM,), dtype=jnp.float32),
        'prop_src_Wi': _glorot(ks[15], (d_msg_prop, 3 * D_MEM)),
        'prop_src_Wh': _glorot(ks[16], (D_MEM, 3 * D_MEM)),
        'prop_src_b': jnp.zeros((3 * D_MEM,), dtype=jnp.float32),
        'prop_dst_Wi': _glorot(ks[17], (d_msg_prop, 3 * D_MEM)),
        'prop_dst_Wh': _glorot(ks[18], (D_MEM, 3 * D_MEM)),
        'prop_dst_b': jnp.zeros((3 * D_MEM,), dtype=jnp.float32),
        'att_Wq': _glorot(ks[19], (d_q_in, N_HEAD * D_K)),
        'att_Wk': _glorot(ks[20], (d_k_in, N_HEAD * D_K)),
        'att_Wv': _glorot(ks[21], (d_k_in, N_HEAD * D_V)),
        'att_Wo': _glorot(ks[22], (N_HEAD * D_V, D_EMB)),
        'att_skip': _glorot(ks[23], (d_q_in, D_EMB)),
        'ffn_W1': _glorot(ks[24], (D_EMB, D_INNER)),
        'ffn_b1': jnp.zeros((D_INNER,), dtype=jnp.float32),
        'ffn_W2': _glorot(ks[25], (D_INNER, D_EMB)),
        'ffn_b2': jnp.zeros((D_EMB,), dtype=jnp.float32),
        'ln_g': jnp.ones((D_EMB,), dtype=jnp.float32),
        'ln_b': jnp.zeros((D_EMB,), dtype=jnp.float32),
        'mlp_W': _glorot(ks[26], (2 * D_EMB, 1)),
        'mlp_b': jnp.zeros((1,), dtype=jnp.float32),
    }
    inp['params'] = params
    return inp


def time_enc(t, w, b):
    # TGAT-style functional time encoding: t has trailing singleton dim
    return jnp.cos(t * w + b)


def gru(msg, h, Wi, Wh, b):
    gi = msg @ Wi + b
    gh = h @ Wh
    r = jax.nn.sigmoid(gi[..., :D_MEM] + gh[..., :D_MEM])
    z = jax.nn.sigmoid(gi[..., D_MEM:2 * D_MEM] + gh[..., D_MEM:2 * D_MEM])
    n = jnp.tanh(gi[..., 2 * D_MEM:] + r * gh[..., 2 * D_MEM:])
    return (1.0 - z) * n + z * h


def embedder(p, src_memory, src_time, neighbors_memory, edge_time, edge_features, mask):
    nq = src_memory.shape[0]
    t0 = time_enc(jnp.zeros((nq, 1), dtype=jnp.float32), p['time_w'], p['time_b'])
    dt = time_enc((src_time[:, None] - edge_time)[:, :, None], p['time_w'], p['time_b'])
    q_in = jnp.concatenate([src_memory, t0], axis=-1)
    k_in = jnp.concatenate([neighbors_memory, edge_features, dt], axis=-1)
    q = (q_in @ p['att_Wq']).reshape(nq, N_HEAD, D_K)
    k = (k_in @ p['att_Wk']).reshape(nq, N_NEIGHBORS, N_HEAD, D_K)
    v = (k_in @ p['att_Wv']).reshape(nq, N_NEIGHBORS, N_HEAD, D_V)
    scores = jnp.einsum('nhd,nmhd->nhm', q, k) / np.sqrt(D_K)
    scores = jnp.where(mask[:, None, :], -1e9, scores)
    attn = jax.nn.softmax(scores, axis=-1)
    out = jnp.einsum('nhm,nmhv->nhv', attn, v).reshape(nq, N_HEAD * D_V)
    h = out @ p['att_Wo'] + q_in @ p['att_skip']
    hf = jax.nn.relu(h @ p['ffn_W1'] + p['ffn_b1']) @ p['ffn_W2'] + p['ffn_b2'] + h
    mu = hf.mean(-1, keepdims=True)
    var = hf.var(-1, keepdims=True)
    return (hf - mu) / jnp.sqrt(var + 1e-5) * p['ln_g'] + p['ln_b']


def forward_core(src_node, dest_node, neg_node, edge_time, edge_src_dest_idx, neighbors_idx, neighbor_edge_idx, neighbors_time, memory, last_update, edge_features_table, p):
    n_samples = src_node.shape[0]
    nodes = jnp.concatenate([src_node, dest_node, neg_node], axis=0)
    src_last = last_update[src_node]
    dest_last = last_update[dest_node]
    neg_last = last_update[neg_node]
    ef = edge_features_table[edge_src_dest_idx]
    src_mem = memory[src_node]
    dest_mem = memory[dest_node]
    neg_mem = memory[neg_node]
    src_td = time_enc((edge_time - src_last)[:, None], p['time_w'], p['time_b'])
    dest_td = time_enc((edge_time - dest_last)[:, None], p['time_w'], p['time_b'])
    neg_td = time_enc((edge_time - neg_last)[:, None], p['time_w'], p['time_b'])
    msg_sd = jnp.concatenate([src_mem, dest_mem, ef, src_td], axis=1)
    msg_ds = jnp.concatenate([dest_mem, src_mem, ef, dest_td], axis=1)
    msg_sn = jnp.concatenate([src_mem, neg_mem, ef, src_td], axis=1)
    msg_ns = jnp.concatenate([neg_mem, src_mem, ef, neg_td], axis=1)
    upd_src = gru(msg_sd, src_mem, p['upd_Wi'], p['upd_Wh'], p['upd_b'])
    upd_dest = gru(msg_ds, dest_mem, p['upd_Wi'], p['upd_Wh'], p['upd_b'])
    upd_src = gru(msg_sn, upd_src, p['upd_Wi'], p['upd_Wh'], p['upd_b'])
    upd_neg = gru(msg_ns, neg_mem, p['upd_Wi'], p['upd_Wh'], p['upd_b'])
    memory1 = memory.at[src_node].set(upd_src)
    memory1 = memory1.at[dest_node].set(upd_dest)
    memory1 = memory1.at[neg_node].set(upd_neg)
    timestamps = jnp.concatenate([edge_time, edge_time, edge_time], axis=0)
    src_memory_all = memory1[nodes]
    neigh_mem = memory1[neighbors_idx.reshape(-1)].reshape(3 * n_samples, N_NEIGHBORS, D_MEM)
    neigh_ef = edge_features_table[neighbor_edge_idx.reshape(-1)].reshape(3 * n_samples, N_NEIGHBORS, D_EDGE)
    mask = neighbors_idx == 0
    embedding = embedder(p, src_memory_all, timestamps, neigh_mem, neighbors_time, neigh_ef, mask)
    src_emb = embedding[:n_samples]
    dest_emb = embedding[n_samples:2 * n_samples]
    neg_emb = embedding[2 * n_samples:]
    ntd = time_enc((timestamps[:, None] - neighbors_time)[:, :, None], p['time_w'], p['time_b'])
    msg_prop = jnp.concatenate([jnp.repeat(embedding[:, None, :], N_NEIGHBORS, axis=1), neigh_mem, neigh_ef, ntd], axis=2)
    d_msg_prop = msg_prop.shape[2]
    src_mp = msg_prop[:n_samples].reshape(n_samples * N_NEIGHBORS, d_msg_prop)
    dest_mp = msg_prop[n_samples:2 * n_samples].reshape(n_samples * N_NEIGHBORS, d_msg_prop)
    neg_mp = msg_prop[2 * n_samples:].reshape(n_samples * N_NEIGHBORS, d_msg_prop)
    src_nm = neigh_mem[:n_samples].reshape(n_samples * N_NEIGHBORS, D_MEM)
    dest_nm = neigh_mem[n_samples:2 * n_samples].reshape(n_samples * N_NEIGHBORS, D_MEM)
    neg_nm = neigh_mem[2 * n_samples:].reshape(n_samples * N_NEIGHBORS, D_MEM)
    src_prop = gru(src_mp, src_nm, p['prop_src_Wi'], p['prop_src_Wh'], p['prop_src_b'])
    dest_prop = gru(dest_mp, dest_nm, p['prop_dst_Wi'], p['prop_dst_Wh'], p['prop_dst_b'])
    neg_prop = gru(neg_mp, neg_nm, p['prop_dst_Wi'], p['prop_dst_Wh'], p['prop_dst_b'])
    memory2 = memory1.at[neighbors_idx[:n_samples].reshape(-1)].set(src_prop)
    memory2 = memory2.at[neighbors_idx[n_samples:2 * n_samples].reshape(-1)].set(dest_prop)
    memory2 = memory2.at[neighbors_idx[2 * n_samples:].reshape(-1)].set(neg_prop)
    pos_prob = jax.nn.sigmoid(jnp.concatenate([src_emb, dest_emb], axis=1) @ p['mlp_W'] + p['mlp_b'])
    neg_prob = jax.nn.sigmoid(jnp.concatenate([src_emb, neg_emb], axis=1) @ p['mlp_W'] + p['mlp_b'])
    return pos_prob, neg_prob, memory2


def reference(src_node, dest_node, neg_node, edge_time, edge_src_dest_idx, neighbors_idx, neighbor_edge_idx, neighbors_time, memory, last_update, edge_features_table, params):
    return forward_core(src_node, dest_node, neg_node, edge_time, edge_src_dest_idx, neighbors_idx, neighbor_edge_idx, neighbors_time, memory, last_update, edge_features_table, params)

if __name__ == "__main__":
    import jax
    _d = setup_inputs()
    print(jax.jit(kernel)(*tuple(_d.values())))

</pallas_src>

<mosaic_0001>
#map = affine_map<(d0, d1) -> (0)>
module attributes {stable_mosaic.version = 14 : i64} {
  func.func @_win_body(%arg0: i32, %arg1: i32, %arg2: memref<3072xi32, #tpu.memory_space<hbm>>, %arg3: memref<61440xi32, #tpu.memory_space<hbm>>, %arg4: memref<3072xi32, #tpu.memory_space<hbm>>, %arg5: memref<61440xi32, #tpu.memory_space<hbm>>, %arg6: memref<30720xi32, #tpu.memory_space<hbm>>, %arg7: memref<30720xi32, #tpu.memory_space<vmem>>, %arg8: memref<30720xi32, #tpu.memory_space<vmem>>, %arg9: memref<960xi32, #tpu.memory_space<vmem>>, %arg10: memref<1920xi32, #tpu.memory_space<vmem>>, %arg11: memref<1920xi32, #tpu.memory_space<vmem>>, %arg12: memref<3840xi32, #tpu.memory_space<vmem>>, %arg13: memref<1920xi32, #tpu.memory_space<vmem>>, %arg14: memref<16x30720xi32, #tpu.memory_space<vmem_shared>>) attributes {dimension_semantics = [#tpu.dimension_semantics<core_parallel>, #tpu.dimension_semantics<subcore_parallel>], iteration_bounds = array<i64: 2, 16>, scalar_prefetch = 0 : i64, scratch_operands = 8 : i64, tpu.core_type = #tpu.core_type<sc_vector_subcore>, window_params = [{transform_indices = #map}, {transform_indices = #map}, {transform_indices = #map}, {transform_indices = #map}, {transform_indices = #map}]} {
    %mul3A = arith.constant 16 : i32
    %mul3A_0 = arith.muli %arg0, %mul3A : i32
    %add3A = arith.addi %mul3A_0, %arg1 : i32
    %scan3A = arith.constant 0 : i32
    %scan3A_1 = arith.constant 0 : i32
    %scan3A_2 = arith.constant 1920 : i32
    %scan3A_3 = arith.addi %scan3A_1, %scan3A_2 : i32
    %scan3A_4 = arith.constant 1 : i32
    %scan3A_5 = scf.for %scan3A_107 = %scan3A_1 to %scan3A_3 step %scan3A_4 iter_args(%scan3A_108 = %scan3A) -> (i32)  : i32 {
      %broadcast_in_dim3A = arith.constant -1 : i32
      %broadcast_in_dim3A_109 = vector.broadcast %broadcast_in_dim3A : i32 to vector<16xi32>
      %mul3A_110 = arith.constant 16 : i32
      %mul3A_111 = arith.muli %scan3A_107, %mul3A_110 : i32
      %swap3A = arith.index_cast %mul3A_111 : i32 to index
      %swap3A_112 = tpu.vector_load %arg7[%swap3A] {strides = array<i32>} : memref<30720xi32, #tpu.memory_space<vmem>>, vector<16xi32>,
      tpu.vector_store %arg7[%swap3A], %broadcast_in_dim3A_109 {strides = array<i32>} : memref<30720xi32, #tpu.memory_space<vmem>>, vector<16xi32>,
      %scan3A_113 = arith.constant 0 : i32
      scf.yield %scan3A_113 : i32
    }
    %scan3A_6 = arith.constant 1920 : i32
    %mul3A_7 = arith.constant 192 : i32
    %mul3A_8 = arith.muli %arg1, %mul3A_7 : i32
    "tpu.region"() ({
      %run_scoped3A_107 = tpu.sem_alloc : memref<!tpu.dma_semaphore, #tpu.memory_space<semaphore_mem>>
      %dma_start3A = arith.constant 0 : i32
      %dma_start3A_108 = tpu.memref_slice %arg12[%dma_start3A] : memref<3840xi32, #tpu.memory_space<vmem>> -> memref<192xi32, #tpu.memory_space<vmem>>
      %dma_start3A_109 = tpu.memref_slice %arg2[%mul3A_8] : memref<3072xi32, #tpu.memory_space<hbm>> -> memref<192xi32, #tpu.memory_space<hbm>>
      %dma_start3A_110 = arith.constant 0 : i32
      %dma_start3A_111 = tpu.memref_slice %arg12[%dma_start3A_110] : memref<3840xi32, #tpu.memory_space<vmem>> -> memref<192xi32, #tpu.memory_space<vmem>>
      %dma_start3A_112 = tpu.memref_slice %arg2[%mul3A_8] : memref<3072xi32, #tpu.memory_space<hbm>> -> memref<192xi32, #tpu.memory_space<hbm>>
      tpu.enqueue_dma source(%dma_start3A_112 : memref<192xi32, #tpu.memory_space<hbm>>) target(%dma_start3A_111 : memref<192xi32, #tpu.memory_space<vmem>>) target_semaphore(%run_scoped3A_107 : memref<!tpu.dma_semaphore, #tpu.memory_space<semaphore_mem>>)
      %dma_wait3A = arith.constant 0 : i32
      %dma_wait3A_113 = tpu.memref_slice %arg12[%dma_wait3A] : memref<3840xi32, #tpu.memory_space<vmem>> -> memref<192xi32, #tpu.memory_space<vmem>>
      %dma_wait3A_114 = tpu.memref_slice %arg2[%mul3A_8] : memref<3072xi32, #tpu.memory_space<hbm>> -> memref<192xi32, #tpu.memory_space<hbm>>
      %dma_wait3A_115 = arith.constant 0 : i32
      %dma_wait3A_116 = tpu.memref_slice %arg12[%dma_wait3A_115] : memref<3840xi32, #tpu.memory_space<vmem>> -> memref<192xi32, #tpu.memory_space<vmem>>
      %dma_wait3A_117 = tpu.memref_slice %arg2[%mul3A_8] : memref<3072xi32, #tpu.memory_space<hbm>> -> memref<192xi32, #tpu.memory_space<hbm>>
      tpu.wait_dma2 semaphore(%run_scoped3A_107 : memref<!tpu.dma_semaphore, #tpu.memory_space<semaphore_mem>>) src(%dma_wait3A_117 : memref<192xi32, #tpu.memory_space<hbm>>) dst(%dma_wait3A_116 : memref<192xi32, #tpu.memory_space<vmem>>)
      tpu.yield
    }) : () -> ()
    %scan3A_9 = arith.constant 0 : i32
    %scan3A_10 = arith.constant 0 : i32
    %scan3A_11 = arith.constant 12 : i32
    %scan3A_12 = arith.addi %scan3A_10, %scan3A_11 : i32
    %scan3A_13 = arith.constant 1 : i32
    %scan3A_14 = scf.for %scan3A_107 = %scan3A_10 to %scan3A_12 step %scan3A_13 iter_args(%scan3A_108 = %scan3A_9) -> (i32)  : i32 {
      %mul3A_109 = arith.constant 16 : i32
      %mul3A_110 = arith.muli %scan3A_107, %mul3A_109 : i32
      %get3A = arith.index_cast %mul3A_110 : i32 to index
      %get3A_111 = tpu.vector_load %arg12[%get3A] {strides = array<i32>} : memref<3840xi32, #tpu.memory_space<vmem>>, vector<16xi32>,
      %mul3A_112 = arith.constant 16 : i32
      %mul3A_113 = arith.muli %scan3A_107, %mul3A_112 : i32
      %add3A_114 = arith.addi %mul3A_8, %mul3A_113 : i32
      %iota3A = tpu.iota {dimensions = array<i32: 0>} : vector<16xi32>
      %add3A_115 = vector.broadcast %add3A_114 : i32 to vector<16xi32>
      %add3A_116 = arith.addi %add3A_115, %iota3A : vector<16xi32>
      %broadcast_in_dim3A = arith.constant 1 : i32
      %broadcast_in_dim3A_117 = vector.broadcast %broadcast_in_dim3A : i32 to vector<16xi32>
      %while3A = scf.while (%while3A_119 = %broadcast_in_dim3A_117) : (vector<16xi32>) -> vector<16xi32> {
        %reduce_max3A = arith.constant true
        %reduce_max3A_120 = vector.broadcast %reduce_max3A : i1 to vector<16xi1>
        %reduce_max3A_121 = arith.constant -2147483648 : i32
        %reduce_max3A_122 = vector.broadcast %reduce_max3A_121 : i32 to vector<16xi32>
        %reduce_max3A_123 = arith.xori %while3A_119, %reduce_max3A_122 : vector<16xi32>
        %reduce_max3A_124 = tpu.scan <max>, %reduce_max3A_123 masked %reduce_max3A_120 : vector<16xi32>, vector<16xi1> -> vector<16xi32>
        %reduce_max3A_125 = arith.xori %reduce_max3A_124, %reduce_max3A_122 : vector<16xi32>
        %reduce_max3A_126 = vector.extract %reduce_max3A_125[15] : i32 from vector<16xi32>
        %gt3A = arith.constant 0 : i32
        %gt3A_127 = arith.cmpi sgt, %reduce_max3A_126, %gt3A : i32
        scf.condition(%gt3A_127) %while3A_119 : vector<16xi32>
      } do {
      ^bb0(%while3A_119: vector<16xi32>):
        %gt3A = arith.constant 0 : i32
        %gt3A_120 = vector.broadcast %gt3A : i32 to vector<16xi32>
        %gt3A_121 = arith.cmpi sgt, %while3A_119, %gt3A_120 : vector<16xi32>
        tpu.vector_store_idx %arg7[%get3A_111], %add3A_116 masked %gt3A_121 : memref<30720xi32, #tpu.memory_space<vmem>>[vector<16xi32>], vector<16xi32>, vector<16xi1>
        %gather3A = tpu.vector_load_idx %arg7[%get3A_111] : memref<30720xi32, #tpu.memory_space<vmem>>[vector<16xi32>], vector<16xi32>,
        %lt3A = arith.cmpi slt, %gather3A, %add3A_116 : vector<16xi32>
        %and3A = arith.andi %gt3A_121, %lt3A : vector<16xi1>
        %jit3A = arith.constant 1 : i32
        %jit3A_122 = arith.constant 0 : i32
        %broadcast_in_dim3A_123 = vector.broadcast %jit3A : i32 to vector<16xi32>
        %broadcast_in_dim3A_124 = vector.broadcast %jit3A_122 : i32 to vector<16xi32>
        %select_n3A = arith.select %and3A, %broadcast_in_dim3A_123, %broadcast_in_dim3A_124 : vector<16xi1>, vector<16xi32>
        scf.yield %select_n3A : vector<16xi32>
      }
      %scan3A_118 = arith.constant 0 : i32
      scf.yield %scan3A_118 : i32
    }
    %scan3A_15 = arith.constant 12 : i32
    "tpu.region"() ({
      %run_scoped3A_107 = tpu.sem_alloc : memref<!tpu.dma_semaphore, #tpu.memory_space<semaphore_mem>>
      %dma_start3A = arith.constant 0 : i32
      %dma_start3A_108 = tpu.memref_slice %arg14[%arg1, %dma_start3A] : memref<16x30720xi32, #tpu.memory_space<vmem_shared>> -> memref<1x30720xi32, #tpu.memory_space<vmem_shared>>
      %dma_start3A_109 = tpu.memref_squeeze %dma_start3A_108 : memref<1x30720xi32, #tpu.memory_space<vmem_shared>> -> memref<30720xi32, #tpu.memory_space<vmem_shared>>
      %dma_start3A_110 = arith.constant 0 : i32
      %dma_start3A_111 = tpu.memref_slice %arg14[%arg1, %dma_start3A_110] : memref<16x30720xi32, #tpu.memory_space<vmem_shared>> -> memref<1x30720xi32, #tpu.memory_space<vmem_shared>>
      %dma_start3A_112 = tpu.memref_squeeze %dma_start3A_111 : memref<1x30720xi32, #tpu.memory_space<vmem_shared>> -> memref<30720xi32, #tpu.memory_space<vmem_shared>>
      tpu.enqueue_dma source(%arg7 : memref<30720xi32, #tpu.memory_space<vmem>>) target(%dma_start3A_112 : memref<30720xi32, #tpu.memory_space<vmem_shared>>) target_semaphore(%run_scoped3A_107 : memref<!tpu.dma_semaphore, #tpu.memory_space<semaphore_mem>>)
      %dma_wait3A = arith.constant 0 : i32
      %dma_wait3A_113 = tpu.memref_slice %arg14[%arg1, %dma_wait3A] : memref<16x30720xi32, #tpu.memory_space<vmem_shared>> -> memref<1x30720xi32, #tpu.memory_space<vmem_shared>>
      %dma_wait3A_114 = tpu.memref_squeeze %dma_wait3A_113 : memref<1x30720xi32, #tpu.memory_space<vmem_shared>> -> memref<30720xi32, #tpu.memory_space<vmem_shared>>
      %dma_wait3A_115 = arith.constant 0 : i32
      %dma_wait3A_116 = tpu.memref_slice %arg14[%arg1, %dma_wait3A_115] : memref<16x30720xi32, #tpu.memory_space<vmem_shared>> -> memref<1x30720xi32, #tpu.memory_space<vmem_shared>>
      %dma_wait3A_117 = tpu.memref_squeeze %dma_wait3A_116 : memref<1x30720xi32, #tpu.memory_space<vmem_shared>> -> memref<30720xi32, #tpu.memory_space<vmem_shared>>
      tpu.wait_dma2 semaphore(%run_scoped3A_107 : memref<!tpu.dma_semaphore, #tpu.memory_space<semaphore_mem>>) src(%arg7 : memref<30720xi32, #tpu.memory_space<vmem>>) dst(%dma_wait3A_117 : memref<30720xi32, #tpu.memory_space<vmem_shared>>)
      tpu.yield
    }) : () -> ()
    %barrier3A = arith.constant 0 : index
    tpu.barrier barrier_id(%barrier3A)
    %mul3A_16 = arith.constant 1920 : i32
    %mul3A_17 = arith.muli %arg1, %mul3A_16 : i32
    %scan3A_18 = arith.constant 0 : i32
    %scan3A_19 = arith.constant 0 : i32
    %scan3A_20 = arith.constant 120 : i32
    %scan3A_21 = arith.addi %scan3A_19, %scan3A_20 : i32
    %scan3A_22 = arith.constant 1 : i32
    %scan3A_23 = scf.for %scan3A_107 = %scan3A_19 to %scan3A_21 step %scan3A_22 iter_args(%scan3A_108 = %scan3A_18) -> (i32)  : i32 {
      %broadcast_in_dim3A = arith.constant -1 : i32
      %broadcast_in_dim3A_109 = vector.broadcast %broadcast_in_dim3A : i32 to vector<16xi32>
      %mul3A_110 = arith.constant 16 : i32
      %mul3A_111 = arith.muli %scan3A_107, %mul3A_110 : i32
      %swap3A = arith.index_cast %mul3A_111 : i32 to index
      %swap3A_112 = tpu.vector_load %arg10[%swap3A] {strides = array<i32>} : memref<1920xi32, #tpu.memory_space<vmem>>, vector<16xi32>,
      tpu.vector_store %arg10[%swap3A], %broadcast_in_dim3A_109 {strides = array<i32>} : memref<1920xi32, #tpu.memory_space<vmem>>, vector<16xi32>,
      %scan3A_113 = arith.constant 0 : i32
      scf.yield %scan3A_113 : i32
    }
    %scan3A_24 = arith.constant 120 : i32
    %scan3A_25 = arith.constant 0 : i32
    %scan3A_26 = arith.constant 0 : i32
    %scan3A_27 = arith.constant 16 : i32
    %scan3A_28 = arith.addi %scan3A_26, %scan3A_27 : i32
    %scan3A_29 = arith.constant 1 : i32
    %scan3A_30 = scf.for %scan3A_107 = %scan3A_26 to %scan3A_28 step %scan3A_29 iter_args(%scan3A_108 = %scan3A_25) -> (i32)  : i32 {
      "tpu.region"() ({
        %run_scoped3A_117 = tpu.sem_alloc : memref<!tpu.dma_semaphore, #tpu.memory_space<semaphore_mem>>
        %dma_start3A = tpu.memref_slice %arg14[%scan3A_107, %mul3A_17] : memref<16x30720xi32, #tpu.memory_space<vmem_shared>> -> memref<1x1920xi32, #tpu.memory_space<vmem_shared>>
        %dma_start3A_118 = tpu.memref_squeeze %dma_start3A : memref<1x1920xi32, #tpu.memory_space<vmem_shared>> -> memref<1920xi32, #tpu.memory_space<vmem_shared>>
        %dma_start3A_119 = tpu.memref_slice %arg14[%scan3A_107, %mul3A_17] : memref<16x30720xi32, #tpu.memory_space<vmem_shared>> -> memref<1x1920xi32, #tpu.memory_space<vmem_shared>>
        %dma_start3A_120 = tpu.memref_squeeze %dma_start3A_119 : memref<1x1920xi32, #tpu.memory_space<vmem_shared>> -> memref<1920xi32, #tpu.memory_space<vmem_shared>>
        tpu.enqueue_dma source(%dma_start3A_120 : memref<1920xi32, #tpu.memory_space<vmem_shared>>) target(%arg11 : memref<1920xi32, #tpu.memory_space<vmem>>) target_semaphore(%run_scoped3A_117 : memref<!tpu.dma_semaphore, #tpu.memory_space<semaphore_mem>>)
        %dma_wait3A = tpu.memref_slice %arg14[%scan3A_107, %mul3A_17] : memref<16x30720xi32, #tpu.memory_space<vmem_shared>> -> memref<1x1920xi32, #tpu.memory_space<vmem_shared>>
        %dma_wait3A_121 = tpu.memref_squeeze %dma_wait3A : memref<1x1920xi32, #tpu.memory_space<vmem_shared>> -> memref<1920xi32, #tpu.memory_space<vmem_shared>>
        %dma_wait3A_122 = tpu.memref_slice %arg14[%scan3A_107, %mul3A_17] : memref<16x30720xi32, #tpu.memory_space<vmem_shared>> -> memref<1x1920xi32, #tpu.memory_space<vmem_shared>>
        %dma_wait3A_123 = tpu.memref_squeeze %dma_wait3A_122 : memref<1x1920xi32, #tpu.memory_space<vmem_shared>> -> memref<1920xi32, #tpu.memory_space<vmem_shared>>
        tpu.wait_dma2 semaphore(%run_scoped3A_117 : memref<!tpu.dma_semaphore, #tpu.memory_space<semaphore_mem>>) src(%dma_wait3A_123 : memref<1920xi32, #tpu.memory_space<vmem_shared>>) dst(%arg11 : memref<1920xi32, #tpu.memory_space<vmem>>)
        tpu.yield
      }) : () -> ()
      %scan3A_109 = arith.constant 0 : i32
      %scan3A_110 = arith.constant 0 : i32
      %scan3A_111 = arith.constant 120 : i32
      %scan3A_112 = arith.addi %scan3A_110, %scan3A_111 : i32
      %scan3A_113 = arith.constant 1 : i32
      %scan3A_114 = scf.for %scan3A_117 = %scan3A_110 to %scan3A_112 step %scan3A_113 iter_args(%scan3A_118 = %scan3A_109) -> (i32)  : i32 {
        %mul3A_119 = arith.constant 16 : i32
        %mul3A_120 = arith.muli %scan3A_117, %mul3A_119 : i32
        %get3A = arith.index_cast %mul3A_120 : i32 to index
        %get3A_121 = tpu.vector_load %arg10[%get3A] {strides = array<i32>} : memref<1920xi32, #tpu.memory_space<vmem>>, vector<16xi32>,
        %mul3A_122 = arith.constant 16 : i32
        %mul3A_123 = arith.muli %scan3A_117, %mul3A_122 : i32
        %get3A_124 = arith.index_cast %mul3A_123 : i32 to index
        %get3A_125 = tpu.vector_load %arg11[%get3A_124] {strides = array<i32>} : memref<1920xi32, #tpu.memory_space<vmem>>, vector<16xi32>,
        %max3A = arith.maxsi %get3A_121, %get3A_125 : vector<16xi32>
        %mul3A_126 = arith.constant 16 : i32
        %mul3A_127 = arith.muli %scan3A_117, %mul3A_126 : i32
        %swap3A = arith.index_cast %mul3A_127 : i32 to index
        %swap3A_128 = tpu.vector_load %arg10[%swap3A] {strides = array<i32>} : memref<1920xi32, #tpu.memory_space<vmem>>, vector<16xi32>,
        tpu.vector_store %arg10[%swap3A], %max3A {strides = array<i32>} : memref<1920xi32, #tpu.memory_space<vmem>>, vector<16xi32>,
        %scan3A_129 = arith.constant 0 : i32
        scf.yield %scan3A_129 : i32
      }
      %scan3A_115 = arith.constant 120 : i32
      %scan3A_116 = arith.constant 0 : i32
      scf.yield %scan3A_116 : i32
    }
    %scan3A_31 = arith.constant 16 : i32
    %run_scoped3A = arith.constant 0 : i32
    "tpu.region"() ({
      %run_scoped3A_107 = tpu.sem_alloc : memref<!tpu.dma_semaphore, #tpu.memory_space<semaphore_mem>>
      %dma_start3A = tpu.memref_slice %arg14[%run_scoped3A, %mul3A_17] : memref<16x30720xi32, #tpu.memory_space<vmem_shared>> -> memref<1x1920xi32, #tpu.memory_space<vmem_shared>>
      %dma_start3A_108 = tpu.memref_squeeze %dma_start3A : memref<1x1920xi32, #tpu.memory_space<vmem_shared>> -> memref<1920xi32, #tpu.memory_space<vmem_shared>>
      %dma_start3A_109 = tpu.memref_slice %arg14[%run_scoped3A, %mul3A_17] : memref<16x30720xi32, #tpu.memory_space<vmem_shared>> -> memref<1x1920xi32, #tpu.memory_space<vmem_shared>>
      %dma_start3A_110 = tpu.memref_squeeze %dma_start3A_109 : memref<1x1920xi32, #tpu.memory_space<vmem_shared>> -> memref<1920xi32, #tpu.memory_space<vmem_shared>>
      tpu.enqueue_dma source(%arg10 : memref<1920xi32, #tpu.memory_space<vmem>>) target(%dma_start3A_110 : memref<1920xi32, #tpu.memory_space<vmem_shared>>) target_semaphore(%run_scoped3A_107 : memref<!tpu.dma_semaphore, #tpu.memory_space<semaphore_mem>>)
      %dma_wait3A = tpu.memref_slice %arg14[%run_scoped3A, %mul3A_17] : memref<16x30720xi32, #tpu.memory_space<vmem_shared>> -> memref<1x1920xi32, #tpu.memory_space<vmem_shared>>
      %dma_wait3A_111 = tpu.memref_squeeze %dma_wait3A : memref<1x1920xi32, #tpu.memory_space<vmem_shared>> -> memref<1920xi32, #tpu.memory_space<vmem_shared>>
      %dma_wait3A_112 = tpu.memref_slice %arg14[%run_scoped3A, %mul3A_17] : memref<16x30720xi32, #tpu.memory_space<vmem_shared>> -> memref<1x1920xi32, #tpu.memory_space<vmem_shared>>
      %dma_wait3A_113 = tpu.memref_squeeze %dma_wait3A_112 : memref<1x1920xi32, #tpu.memory_space<vmem_shared>> -> memref<1920xi32, #tpu.memory_space<vmem_shared>>
      tpu.wait_dma2 semaphore(%run_scoped3A_107 : memref<!tpu.dma_semaphore, #tpu.memory_space<semaphore_mem>>) src(%arg10 : memref<1920xi32, #tpu.memory_space<vmem>>) dst(%dma_wait3A_113 : memref<1920xi32, #tpu.memory_space<vmem_shared>>)
      tpu.yield
    }) : () -> ()
    %barrier3A_32 = arith.constant 0 : index
    tpu.barrier barrier_id(%barrier3A_32)
    %run_scoped3A_33 = arith.constant 0 : i32
    "tpu.region"() ({
      %run_scoped3A_107 = tpu.sem_alloc : memref<!tpu.dma_semaphore, #tpu.memory_space<semaphore_mem>>
      %dma_start3A = arith.constant 0 : i32
      %dma_start3A_108 = tpu.memref_slice %arg14[%run_scoped3A_33, %dma_start3A] : memref<16x30720xi32, #tpu.memory_space<vmem_shared>> -> memref<1x30720xi32, #tpu.memory_space<vmem_shared>>
      %dma_start3A_109 = tpu.memref_squeeze %dma_start3A_108 : memref<1x30720xi32, #tpu.memory_space<vmem_shared>> -> memref<30720xi32, #tpu.memory_space<vmem_shared>>
      %dma_start3A_110 = arith.constant 0 : i32
      %dma_start3A_111 = tpu.memref_slice %arg14[%run_scoped3A_33, %dma_start3A_110] : memref<16x30720xi32, #tpu.memory_space<vmem_shared>> -> memref<1x30720xi32, #tpu.memory_space<vmem_shared>>
      %dma_start3A_112 = tpu.memref_squeeze %dma_start3A_111 : memref<1x30720xi32, #tpu.memory_space<vmem_shared>> -> memref<30720xi32, #tpu.memory_space<vmem_shared>>
      tpu.enqueue_dma source(%dma_start3A_112 : memref<30720xi32, #tpu.memory_space<vmem_shared>>) target(%arg8 : memref<30720xi32, #tpu.memory_space<vmem>>) target_semaphore(%run_scoped3A_107 : memref<!tpu.dma_semaphore, #tpu.memory_space<semaphore_mem>>)
      %dma_wait3A = arith.constant 0 : i32
      %dma_wait3A_113 = tpu.memref_slice %arg14[%run_scoped3A_33, %dma_wait3A] : memref<16x30720xi32, #tpu.memory_space<vmem_shared>> -> memref<1x30720xi32, #tpu.memory_space<vmem_shared>>
      %dma_wait3A_114 = tpu.memref_squeeze %dma_wait3A_113 : memref<1x30720xi32, #tpu.memory_space<vmem_shared>> -> memref<30720xi32, #tpu.memory_space<vmem_shared>>
      %dma_wait3A_115 = arith.constant 0 : i32
      %dma_wait3A_116 = tpu.memref_slice %arg14[%run_scoped3A_33, %dma_wait3A_115] : memref<16x30720xi32, #tpu.memory_space<vmem_shared>> -> memref<1x30720xi32, #tpu.memory_space<vmem_shared>>
      %dma_wait3A_117 = tpu.memref_squeeze %dma_wait3A_116 : memref<1x30720xi32, #tpu.memory_space<vmem_shared>> -> memref<30720xi32, #tpu.memory_space<vmem_shared>>
      tpu.wait_dma2 semaphore(%run_scoped3A_107 : memref<!tpu.dma_semaphore, #tpu.memory_space<semaphore_mem>>) src(%dma_wait3A_117 : memref<30720xi32, #tpu.memory_space<vmem_shared>>) dst(%arg8 : memref<30720xi32, #tpu.memory_space<vmem>>)
      tpu.yield
    }) : () -> ()
    %barrier3A_34 = arith.constant 0 : index
    tpu.barrier barrier_id(%barrier3A_34)
    %mul3A_35 = arith.constant 1920 : i32
    %mul3A_36 = arith.muli %arg1, %mul3A_35 : i32
    %mul3A_37 = arith.constant 960 : i32
    %mul3A_38 = arith.muli %arg0, %mul3A_37 : i32
    %add3A_39 = arith.addi %mul3A_36, %mul3A_38 : i32
    %scan3A_40 = arith.constant 0 : i32
    %scan3A_41 = arith.constant 0 : i32
    %scan3A_42 = arith.constant 60 : i32
    %scan3A_43 = arith.addi %scan3A_41, %scan3A_42 : i32
    %scan3A_44 = arith.constant 1 : i32
    %scan3A_45 = scf.for %scan3A_107 = %scan3A_41 to %scan3A_43 step %scan3A_44 iter_args(%scan3A_108 = %scan3A_40) -> (i32)  : i32 {
      %mul3A_109 = arith.constant 16 : i32
      %mul3A_110 = arith.muli %scan3A_107, %mul3A_109 : i32
      %add3A_111 = arith.addi %add3A_39, %mul3A_110 : i32
      %get3A = arith.index_cast %add3A_111 : i32 to index
      %get3A_112 = tpu.vector_load %arg8[%get3A] {strides = array<i32>} : memref<30720xi32, #tpu.memory_space<vmem>>, vector<16xi32>,
      %mul3A_113 = arith.constant 16 : i32
      %mul3A_114 = arith.muli %scan3A_107, %mul3A_113 : i32
      %add3A_115 = arith.addi %add3A_39, %mul3A_114 : i32
      %iota3A = tpu.iota {dimensions = array<i32: 0>} : vector<16xi32>
      %add3A_116 = vector.broadcast %add3A_115 : i32 to vector<16xi32>
      %add3A_117 = arith.addi %add3A_116, %iota3A : vector<16xi32>
      %ge3A = arith.constant 0 : i32
      %ge3A_118 = vector.broadcast %ge3A : i32 to vector<16xi32>
      %ge3A_119 = arith.cmpi sge, %get3A_112, %ge3A_118 : vector<16xi32>
      %add3A_120 = arith.constant 30000 : i32
      %add3A_121 = vector.broadcast %add3A_120 : i32 to vector<16xi32>
      %add3A_122 = arith.addi %add3A_121, %get3A_112 : vector<16xi32>
      %select_n3A = arith.select %ge3A_119, %add3A_122, %add3A_117 : vector<16xi1>, vector<16xi32>
      %mul3A_123 = arith.constant 16 : i32
      %mul3A_124 = arith.muli %scan3A_107, %mul3A_123 : i32
      %swap3A = arith.index_cast %mul3A_124 : i32 to index
      %swap3A_125 = tpu.vector_load %arg9[%swap3A] {strides = array<i32>} : memref<960xi32, #tpu.memory_space<vmem>>, vector<16xi32>,
      tpu.vector_store %arg9[%swap3A], %select_n3A {strides = array<i32>} : memref<960xi32, #tpu.memory_space<vmem>>, vector<16xi32>,
      %scan3A_126 = arith.constant 0 : i32
      scf.yield %scan3A_126 : i32
    }
    %scan3A_46 = arith.constant 60 : i32
    %mul3A_47 = arith.constant 96 : i32
    %mul3A_48 = arith.muli %add3A, %mul3A_47 : i32
    "tpu.region"() ({
      %run_scoped3A_107 = tpu.sem_alloc : memref<!tpu.dma_semaphore, #tpu.memory_space<semaphore_mem>>
      %dma_start3A = arith.constant 0 : i32
      %dma_start3A_108 = tpu.memref_slice %arg12[%dma_start3A] : memref<3840xi32, #tpu.memory_space<vmem>> -> memref<96xi32, #tpu.memory_space<vmem>>
      %dma_start3A_109 = tpu.memref_slice %arg2[%mul3A_48] : memref<3072xi32, #tpu.memory_space<hbm>> -> memref<96xi32, #tpu.memory_space<hbm>>
      %dma_start3A_110 = arith.constant 0 : i32
      %dma_start3A_111 = tpu.memref_slice %arg12[%dma_start3A_110] : memref<3840xi32, #tpu.memory_space<vmem>> -> memref<96xi32, #tpu.memory_space<vmem>>
      %dma_start3A_112 = tpu.memref_slice %arg2[%mul3A_48] : memref<3072xi32, #tpu.memory_space<hbm>> -> memref<96xi32, #tpu.memory_space<hbm>>
      tpu.enqueue_dma source(%dma_start3A_112 : memref<96xi32, #tpu.memory_space<hbm>>) target(%dma_start3A_111 : memref<96xi32, #tpu.memory_space<vmem>>) target_semaphore(%run_scoped3A_107 : memref<!tpu.dma_semaphore, #tpu.memory_space<semaphore_mem>>)
      %dma_wait3A = arith.constant 0 : i32
      %dma_wait3A_113 = tpu.memref_slice %arg12[%dma_wait3A] : memref<3840xi32, #tpu.memory_space<vmem>> -> memref<96xi32, #tpu.memory_space<vmem>>
      %dma_wait3A_114 = tpu.memref_slice %arg2[%mul3A_48] : memref<3072xi32, #tpu.memory_space<hbm>> -> memref<96xi32, #tpu.memory_space<hbm>>
      %dma_wait3A_115 = arith.constant 0 : i32
      %dma_wait3A_116 = tpu.memref_slice %arg12[%dma_wait3A_115] : memref<3840xi32, #tpu.memory_space<vmem>> -> memref<96xi32, #tpu.memory_space<vmem>>
      %dma_wait3A_117 = tpu.memref_slice %arg2[%mul3A_48] : memref<3072xi32, #tpu.memory_space<hbm>> -> memref<96xi32, #tpu.memory_space<hbm>>
      tpu.wait_dma2 semaphore(%run_scoped3A_107 : memref<!tpu.dma_semaphore, #tpu.memory_space<semaphore_mem>>) src(%dma_wait3A_117 : memref<96xi32, #tpu.memory_space<hbm>>) dst(%dma_wait3A_116 : memref<96xi32, #tpu.memory_space<vmem>>)
      tpu.yield
    }) : () -> ()
    %scan3A_49 = arith.constant 0 : i32
    %scan3A_50 = arith.constant 0 : i32
    %scan3A_51 = arith.constant 6 : i32
    %scan3A_52 = arith.addi %scan3A_50, %scan3A_51 : i32
    %scan3A_53 = arith.constant 1 : i32
    %scan3A_54 = scf.for %scan3A_107 = %scan3A_50 to %scan3A_52 step %scan3A_53 iter_args(%scan3A_108 = %scan3A_49) -> (i32)  : i32 {
      %mul3A_109 = arith.constant 16 : i32
      %mul3A_110 = arith.muli %scan3A_107, %mul3A_109 : i32
      %get3A = arith.index_cast %mul3A_110 : i32 to index
      %get3A_111 = tpu.vector_load %arg12[%get3A] {strides = array<i32>} : memref<3840xi32, #tpu.memory_space<vmem>>, vector<16xi32>,
      %gather3A = tpu.vector_load_idx %arg8[%get3A_111] : memref<30720xi32, #tpu.memory_space<vmem>>[vector<16xi32>], vector<16xi32>,
      %ge3A = arith.constant 0 : i32
      %ge3A_112 = vector.broadcast %ge3A : i32 to vector<16xi32>
      %ge3A_113 = arith.cmpi sge, %gather3A, %ge3A_112 : vector<16xi32>
      %add3A_114 = arith.constant 30000 : i32
      %add3A_115 = vector.broadcast %add3A_114 : i32 to vector<16xi32>
      %add3A_116 = arith.addi %add3A_115, %gather3A : vector<16xi32>
      %select_n3A = arith.select %ge3A_113, %add3A_116, %get3A_111 : vector<16xi1>, vector<16xi32>
      %mul3A_117 = arith.constant 16 : i32
      %mul3A_118 = arith.muli %scan3A_107, %mul3A_117 : i32
      %swap3A = arith.index_cast %mul3A_118 : i32 to index
      %swap3A_119 = tpu.vector_load %arg13[%swap3A] {strides = array<i32>} : memref<1920xi32, #tpu.memory_space<vmem>>, vector<16xi32>,
      tpu.vector_store %arg13[%swap3A], %select_n3A {strides = array<i32>} : memref<1920xi32, #tpu.memory_space<vmem>>, vector<16xi32>,
      %scan3A_120 = arith.constant 0 : i32
      scf.yield %scan3A_120 : i32
    }
    %scan3A_55 = arith.constant 6 : i32
    "tpu.region"() ({
      %run_scoped3A_107 = tpu.sem_alloc : memref<!tpu.dma_semaphore, #tpu.memory_space<semaphore_mem>>
      %dma_start3A = arith.constant 0 : i32
      %dma_start3A_108 = tpu.memref_slice %arg13[%dma_start3A] : memref<1920xi32, #tpu.memory_space<vmem>> -> memref<96xi32, #tpu.memory_space<vmem>>
      %dma_start3A_109 = tpu.memref_slice %arg4[%mul3A_48] : memref<3072xi32, #tpu.memory_space<hbm>> -> memref<96xi32, #tpu.memory_space<hbm>>
      %dma_start3A_110 = tpu.memref_slice %arg4[%mul3A_48] : memref<3072xi32, #tpu.memory_space<hbm>> -> memref<96xi32, #tpu.memory_space<hbm>>
      %dma_start3A_111 = arith.constant 0 : i32
      %dma_start3A_112 = tpu.memref_slice %arg13[%dma_start3A_111] : memref<1920xi32, #tpu.memory_space<vmem>> -> memref<96xi32, #tpu.memory_space<vmem>>
      tpu.enqueue_dma source(%dma_start3A_112 : memref<96xi32, #tpu.memory_space<vmem>>) target(%dma_start3A_110 : memref<96xi32, #tpu.memory_space<hbm>>) target_semaphore(%run_scoped3A_107 : memref<!tpu.dma_semaphore, #tpu.memory_space<semaphore_mem>>)
      %dma_wait3A = arith.constant 0 : i32
      %dma_wait3A_113 = tpu.memref_slice %arg13[%dma_wait3A] : memref<1920xi32, #tpu.memory_space<vmem>> -> memref<96xi32, #tpu.memory_space<vmem>>
      %dma_wait3A_114 = tpu.memref_slice %arg4[%mul3A_48] : memref<3072xi32, #tpu.memory_space<hbm>> -> memref<96xi32, #tpu.memory_space<hbm>>
      %dma_wait3A_115 = tpu.memref_slice %arg4[%mul3A_48] : memref<3072xi32, #tpu.memory_space<hbm>> -> memref<96xi32, #tpu.memory_space<hbm>>
      %dma_wait3A_116 = arith.constant 0 : i32
      %dma_wait3A_117 = tpu.memref_slice %arg13[%dma_wait3A_116] : memref<1920xi32, #tpu.memory_space<vmem>> -> memref<96xi32, #tpu.memory_space<vmem>>
      tpu.wait_dma2 semaphore(%run_scoped3A_107 : memref<!tpu.dma_semaphore, #tpu.memory_space<semaphore_mem>>) src(%dma_wait3A_117 : memref<96xi32, #tpu.memory_space<vmem>>) dst(%dma_wait3A_115 : memref<96xi32, #tpu.memory_space<hbm>>)
      tpu.yield
    }) : () -> ()
    %mul3A_56 = arith.constant 1920 : i32
    %mul3A_57 = arith.muli %add3A, %mul3A_56 : i32
    "tpu.region"() ({
      %run_scoped3A_107 = tpu.sem_alloc : memref<!tpu.dma_semaphore, #tpu.memory_space<semaphore_mem>>
      %dma_start3A = arith.constant 0 : i32
      %dma_start3A_108 = tpu.memref_slice %arg12[%dma_start3A] : memref<3840xi32, #tpu.memory_space<vmem>> -> memref<1920xi32, #tpu.memory_space<vmem>>
      %dma_start3A_109 = tpu.memref_slice %arg3[%mul3A_57] : memref<61440xi32, #tpu.memory_space<hbm>> -> memref<1920xi32, #tpu.memory_space<hbm>>
      %dma_start3A_110 = arith.constant 0 : i32
      %dma_start3A_111 = tpu.memref_slice %arg12[%dma_start3A_110] : memref<3840xi32, #tpu.memory_space<vmem>> -> memref<1920xi32, #tpu.memory_space<vmem>>
      %dma_start3A_112 = tpu.memref_slice %arg3[%mul3A_57] : memref<61440xi32, #tpu.memory_space<hbm>> -> memref<1920xi32, #tpu.memory_space<hbm>>
      tpu.enqueue_dma source(%dma_start3A_112 : memref<1920xi32, #tpu.memory_space<hbm>>) target(%dma_start3A_111 : memref<1920xi32, #tpu.memory_space<vmem>>) target_semaphore(%run_scoped3A_107 : memref<!tpu.dma_semaphore, #tpu.memory_space<semaphore_mem>>)
      %dma_wait3A = arith.constant 0 : i32
      %dma_wait3A_113 = tpu.memref_slice %arg12[%dma_wait3A] : memref<3840xi32, #tpu.memory_space<vmem>> -> memref<1920xi32, #tpu.memory_space<vmem>>
      %dma_wait3A_114 = tpu.memref_slice %arg3[%mul3A_57] : memref<61440xi32, #tpu.memory_space<hbm>> -> memref<1920xi32, #tpu.memory_space<hbm>>
      %dma_wait3A_115 = arith.constant 0 : i32
      %dma_wait3A_116 = tpu.memref_slice %arg12[%dma_wait3A_115] : memref<3840xi32, #tpu.memory_space<vmem>> -> memref<1920xi32, #tpu.memory_space<vmem>>
      %dma_wait3A_117 = tpu.memref_slice %arg3[%mul3A_57] : memref<61440xi32, #tpu.memory_space<hbm>> -> memref<1920xi32, #tpu.memory_space<hbm>>
      tpu.wait_dma2 semaphore(%run_scoped3A_107 : memref<!tpu.dma_semaphore, #tpu.memory_space<semaphore_mem>>) src(%dma_wait3A_117 : memref<1920xi32, #tpu.memory_space<hbm>>) dst(%dma_wait3A_116 : memref<1920xi32, #tpu.memory_space<vmem>>)
      tpu.yield
    }) : () -> ()
    %scan3A_58 = arith.constant 0 : i32
    %scan3A_59 = arith.constant 0 : i32
    %scan3A_60 = arith.constant 120 : i32
    %scan3A_61 = arith.addi %scan3A_59, %scan3A_60 : i32
    %scan3A_62 = arith.constant 1 : i32
    %scan3A_63 = scf.for %scan3A_107 = %scan3A_59 to %scan3A_61 step %scan3A_62 iter_args(%scan3A_108 = %scan3A_58) -> (i32)  : i32 {
      %mul3A_109 = arith.constant 16 : i32
      %mul3A_110 = arith.muli %scan3A_107, %mul3A_109 : i32
      %get3A = arith.index_cast %mul3A_110 : i32 to index
      %get3A_111 = tpu.vector_load %arg12[%get3A] {strides = array<i32>} : memref<3840xi32, #tpu.memory_space<vmem>>, vector<16xi32>,
      %gather3A = tpu.vector_load_idx %arg8[%get3A_111] : memref<30720xi32, #tpu.memory_space<vmem>>[vector<16xi32>], vector<16xi32>,
      %ge3A = arith.constant 0 : i32
      %ge3A_112 = vector.broadcast %ge3A : i32 to vector<16xi32>
      %ge3A_113 = arith.cmpi sge, %gather3A, %ge3A_112 : vector<16xi32>
      %add3A_114 = arith.constant 30000 : i32
      %add3A_115 = vector.broadcast %add3A_114 : i32 to vector<16xi32>
      %add3A_116 = arith.addi %add3A_115, %gather3A : vector<16xi32>
      %select_n3A = arith.select %ge3A_113, %add3A_116, %get3A_111 : vector<16xi1>, vector<16xi32>
      %mul3A_117 = arith.constant 16 : i32
      %mul3A_118 = arith.muli %scan3A_107, %mul3A_117 : i32
      %swap3A = arith.index_cast %mul3A_118 : i32 to index
      %swap3A_119 = tpu.vector_load %arg13[%swap3A] {strides = array<i32>} : memref<1920xi32, #tpu.memory_space<vmem>>, vector<16xi32>,
      tpu.vector_store %arg13[%swap3A], %select_n3A {strides = array<i32>} : memref<1920xi32, #tpu.memory_space<vmem>>, vector<16xi32>,
      %scan3A_120 = arith.constant 0 : i32
      scf.yield %scan3A_120 : i32
    }
    %scan3A_64 = arith.constant 120 : i32
    "tpu.region"() ({
      %run_scoped3A_107 = tpu.sem_alloc : memref<!tpu.dma_semaphore, #tpu.memory_space<semaphore_mem>>
      %dma_start3A = arith.constant 0 : i32
      %dma_start3A_108 = tpu.memref_slice %arg13[%dma_start3A] : memref<1920xi32, #tpu.memory_space<vmem>> -> memref<1920xi32, #tpu.memory_space<vmem>>
      %dma_start3A_109 = tpu.memref_slice %arg5[%mul3A_57] : memref<61440xi32, #tpu.memory_space<hbm>> -> memref<1920xi32, #tpu.memory_space<hbm>>
      %dma_start3A_110 = tpu.memref_slice %arg5[%mul3A_57] : memref<61440xi32, #tpu.memory_space<hbm>> -> memref<1920xi32, #tpu.memory_space<hbm>>
      %dma_start3A_111 = arith.constant 0 : i32
      %dma_start3A_112 = tpu.memref_slice %arg13[%dma_start3A_111] : memref<1920xi32, #tpu.memory_space<vmem>> -> memref<1920xi32, #tpu.memory_space<vmem>>
      tpu.enqueue_dma source(%dma_start3A_112 : memref<1920xi32, #tpu.memory_space<vmem>>) target(%dma_start3A_110 : memref<1920xi32, #tpu.memory_space<hbm>>) target_semaphore(%run_scoped3A_107 : memref<!tpu.dma_semaphore, #tpu.memory_space<semaphore_mem>>)
      %dma_wait3A = arith.constant 0 : i32
      %dma_wait3A_113 = tpu.memref_slice %arg13[%dma_wait3A] : memref<1920xi32, #tpu.memory_space<vmem>> -> memref<1920xi32, #tpu.memory_space<vmem>>
      %dma_wait3A_114 = tpu.memref_slice %arg5[%mul3A_57] : memref<61440xi32, #tpu.memory_space<hbm>> -> memref<1920xi32, #tpu.memory_space<hbm>>
      %dma_wait3A_115 = tpu.memref_slice %arg5[%mul3A_57] : memref<61440xi32, #tpu.memory_space<hbm>> -> memref<1920xi32, #tpu.memory_space<hbm>>
      %dma_wait3A_116 = arith.constant 0 : i32
      %dma_wait3A_117 = tpu.memref_slice %arg13[%dma_wait3A_116] : memref<1920xi32, #tpu.memory_space<vmem>> -> memref<1920xi32, #tpu.memory_space<vmem>>
      tpu.wait_dma2 semaphore(%run_scoped3A_107 : memref<!tpu.dma_semaphore, #tpu.memory_space<semaphore_mem>>) src(%dma_wait3A_117 : memref<1920xi32, #tpu.memory_space<vmem>>) dst(%dma_wait3A_115 : memref<1920xi32, #tpu.memory_space<hbm>>)
      tpu.yield
    }) : () -> ()
    %scan3A_65 = arith.constant 0 : i32
    %scan3A_66 = arith.constant 0 : i32
    %scan3A_67 = arith.constant 1920 : i32
    %scan3A_68 = arith.addi %scan3A_66, %scan3A_67 : i32
    %scan3A_69 = arith.constant 1 : i32
    %scan3A_70 = scf.for %scan3A_107 = %scan3A_66 to %scan3A_68 step %scan3A_69 iter_args(%scan3A_108 = %scan3A_65) -> (i32)  : i32 {
      %broadcast_in_dim3A = arith.constant -1 : i32
      %broadcast_in_dim3A_109 = vector.broadcast %broadcast_in_dim3A : i32 to vector<16xi32>
      %mul3A_110 = arith.constant 16 : i32
      %mul3A_111 = arith.muli %scan3A_107, %mul3A_110 : i32
      %swap3A = arith.index_cast %mul3A_111 : i32 to index
      %swap3A_112 = tpu.vector_load %arg7[%swap3A] {strides = array<i32>} : memref<30720xi32, #tpu.memory_space<vmem>>, vector<16xi32>,
      tpu.vector_store %arg7[%swap3A], %broadcast_in_dim3A_109 {strides = array<i32>} : memref<30720xi32, #tpu.memory_space<vmem>>, vector<16xi32>,
      %scan3A_113 = arith.constant 0 : i32
      scf.yield %scan3A_113 : i32
    }
    %scan3A_71 = arith.constant 1920 : i32
    %mul3A_72 = arith.constant 3840 : i32
    %mul3A_73 = arith.muli %arg1, %mul3A_72 : i32
    "tpu.region"() ({
      %run_scoped3A_107 = tpu.sem_alloc : memref<!tpu.dma_semaphore, #tpu.memory_space<semaphore_mem>>
      %dma_start3A = arith.constant 0 : i32
      %dma_start3A_108 = tpu.memref_slice %arg12[%dma_start3A] : memref<3840xi32, #tpu.memory_space<vmem>> -> memref<3840xi32, #tpu.memory_space<vmem>>
      %dma_start3A_109 = tpu.memref_slice %arg3[%mul3A_73] : memref<61440xi32, #tpu.memory_space<hbm>> -> memref<3840xi32, #tpu.memory_space<hbm>>
      %dma_start3A_110 = arith.constant 0 : i32
      %dma_start3A_111 = tpu.memref_slice %arg12[%dma_start3A_110] : memref<3840xi32, #tpu.memory_space<vmem>> -> memref<3840xi32, #tpu.memory_space<vmem>>
      %dma_start3A_112 = tpu.memref_slice %arg3[%mul3A_73] : memref<61440xi32, #tpu.memory_space<hbm>> -> memref<3840xi32, #tpu.memory_space<hbm>>
      tpu.enqueue_dma source(%dma_start3A_112 : memref<3840xi32, #tpu.memory_space<hbm>>) target(%dma_start3A_111 : memref<3840xi32, #tpu.memory_space<vmem>>) target_semaphore(%run_scoped3A_107 : memref<!tpu.dma_semaphore, #tpu.memory_space<semaphore_mem>>)
      %dma_wait3A = arith.constant 0 : i32
      %dma_wait3A_113 = tpu.memref_slice %arg12[%dma_wait3A] : memref<3840xi32, #tpu.memory_space<vmem>> -> memref<3840xi32, #tpu.memory_space<vmem>>
      %dma_wait3A_114 = tpu.memref_slice %arg3[%mul3A_73] : memref<61440xi32, #tpu.memory_space<hbm>> -> memref<3840xi32, #tpu.memory_space<hbm>>
      %dma_wait3A_115 = arith.constant 0 : i32
      %dma_wait3A_116 = tpu.memref_slice %arg12[%dma_wait3A_115] : memref<3840xi32, #tpu.memory_space<vmem>> -> memref<3840xi32, #tpu.memory_space<vmem>>
      %dma_wait3A_117 = tpu.memref_slice %arg3[%mul3A_73] : memref<61440xi32, #tpu.memory_space<hbm>> -> memref<3840xi32, #tpu.memory_space<hbm>>
      tpu.wait_dma2 semaphore(%run_scoped3A_107 : memref<!tpu.dma_semaphore, #tpu.memory_space<semaphore_mem>>) src(%dma_wait3A_117 : memref<3840xi32, #tpu.memory_space<hbm>>) dst(%dma_wait3A_116 : memref<3840xi32, #tpu.memory_space<vmem>>)
      tpu.yield
    }) : () -> ()
    %scan3A_74 = arith.constant 0 : i32
    %scan3A_75 = arith.constant 0 : i32
    %scan3A_76 = arith.constant 240 : i32
    %scan3A_77 = arith.addi %scan3A_75, %scan3A_76 : i32
    %scan3A_78 = arith.constant 1 : i32
    %scan3A_79 = scf.for %scan3A_107 = %scan3A_75 to %scan3A_77 step %scan3A_78 iter_args(%scan3A_108 = %scan3A_74) -> (i32)  : i32 {
      %mul3A_109 = arith.constant 16 : i32
      %mul3A_110 = arith.muli %scan3A_107, %mul3A_109 : i32
      %get3A = arith.index_cast %mul3A_110 : i32 to index
      %get3A_111 = tpu.vector_load %arg12[%get3A] {strides = array<i32>} : memref<3840xi32, #tpu.memory_space<vmem>>, vector<16xi32>,
      %mul3A_112 = arith.constant 16 : i32
      %mul3A_113 = arith.muli %scan3A_107, %mul3A_112 : i32
      %add3A_114 = arith.addi %mul3A_73, %mul3A_113 : i32
      %iota3A = tpu.iota {dimensions = array<i32: 0>} : vector<16xi32>
      %add3A_115 = vector.broadcast %add3A_114 : i32 to vector<16xi32>
      %add3A_116 = arith.addi %add3A_115, %iota3A : vector<16xi32>
      %broadcast_in_dim3A = arith.constant 1 : i32
      %broadcast_in_dim3A_117 = vector.broadcast %broadcast_in_dim3A : i32 to vector<16xi32>
      %while3A = scf.while (%while3A_119 = %broadcast_in_dim3A_117) : (vector<16xi32>) -> vector<16xi32> {
        %reduce_max3A = arith.constant true
        %reduce_max3A_120 = vector.broadcast %reduce_max3A : i1 to vector<16xi1>
        %reduce_max3A_121 = arith.constant -2147483648 : i32
        %reduce_max3A_122 = vector.broadcast %reduce_max3A_121 : i32 to vector<16xi32>
        %reduce_max3A_123 = arith.xori %while3A_119, %reduce_max3A_122 : vector<16xi32>
        %reduce_max3A_124 = tpu.scan <max>, %reduce_max3A_123 masked %reduce_max3A_120 : vector<16xi32>, vector<16xi1> -> vector<16xi32>
        %reduce_max3A_125 = arith.xori %reduce_max3A_124, %reduce_max3A_122 : vector<16xi32>
        %reduce_max3A_126 = vector.extract %reduce_max3A_125[15] : i32 from vector<16xi32>
        %gt3A = arith.constant 0 : i32
        %gt3A_127 = arith.cmpi sgt, %reduce_max3A_126, %gt3A : i32
        scf.condition(%gt3A_127) %while3A_119 : vector<16xi32>
      } do {
      ^bb0(%while3A_119: vector<16xi32>):
        %gt3A = arith.constant 0 : i32
        %gt3A_120 = vector.broadcast %gt3A : i32 to vector<16xi32>
        %gt3A_121 = arith.cmpi sgt, %while3A_119, %gt3A_120 : vector<16xi32>
        tpu.vector_store_idx %arg7[%get3A_111], %add3A_116 masked %gt3A_121 : memref<30720xi32, #tpu.memory_space<vmem>>[vector<16xi32>], vector<16xi32>, vector<16xi1>
        %gather3A = tpu.vector_load_idx %arg7[%get3A_111] : memref<30720xi32, #tpu.memory_space<vmem>>[vector<16xi32>], vector<16xi32>,
        %lt3A = arith.cmpi slt, %gather3A, %add3A_116 : vector<16xi32>
        %and3A = arith.andi %gt3A_121, %lt3A : vector<16xi1>
        %jit3A = arith.constant 1 : i32
        %jit3A_122 = arith.constant 0 : i32
        %broadcast_in_dim3A_123 = vector.broadcast %jit3A : i32 to vector<16xi32>
        %broadcast_in_dim3A_124 = vector.broadcast %jit3A_122 : i32 to vector<16xi32>
        %select_n3A = arith.select %and3A, %broadcast_in_dim3A_123, %broadcast_in_dim3A_124 : vector<16xi1>, vector<16xi32>
        scf.yield %select_n3A : vector<16xi32>
      }
      %scan3A_118 = arith.constant 0 : i32
      scf.yield %scan3A_118 : i32
    }
    %scan3A_80 = arith.constant 240 : i32
    "tpu.region"() ({
      %run_scoped3A_107 = tpu.sem_alloc : memref<!tpu.dma_semaphore, #tpu.memory_space<semaphore_mem>>
      %dma_start3A = arith.constant 0 : i32
      %dma_start3A_108 = tpu.memref_slice %arg14[%arg1, %dma_start3A] : memref<16x30720xi32, #tpu.memory_space<vmem_shared>> -> memref<1x30720xi32, #tpu.memory_space<vmem_shared>>
      %dma_start3A_109 = tpu.memref_squeeze %dma_start3A_108 : memref<1x30720xi32, #tpu.memory_space<vmem_shared>> -> memref<30720xi32, #tpu.memory_space<vmem_shared>>
      %dma_start3A_110 = arith.constant 0 : i32
      %dma_start3A_111 = tpu.memref_slice %arg14[%arg1, %dma_start3A_110] : memref<16x30720xi32, #tpu.memory_space<vmem_shared>> -> memref<1x30720xi32, #tpu.memory_space<vmem_shared>>
      %dma_start3A_112 = tpu.memref_squeeze %dma_start3A_111 : memref<1x30720xi32, #tpu.memory_space<vmem_shared>> -> memref<30720xi32, #tpu.memory_space<vmem_shared>>
      tpu.enqueue_dma source(%arg7 : memref<30720xi32, #tpu.memory_space<vmem>>) target(%dma_start3A_112 : memref<30720xi32, #tpu.memory_space<vmem_shared>>) target_semaphore(%run_scoped3A_107 : memref<!tpu.dma_semaphore, #tpu.memory_space<semaphore_mem>>)
      %dma_wait3A = arith.constant 0 : i32
      %dma_wait3A_113 = tpu.memref_slice %arg14[%arg1, %dma_wait3A] : memref<16x30720xi32, #tpu.memory_space<vmem_shared>> -> memref<1x30720xi32, #tpu.memory_space<vmem_shared>>
      %dma_wait3A_114 = tpu.memref_squeeze %dma_wait3A_113 : memref<1x30720xi32, #tpu.memory_space<vmem_shared>> -> memref<30720xi32, #tpu.memory_space<vmem_shared>>
      %dma_wait3A_115 = arith.constant 0 : i32
      %dma_wait3A_116 = tpu.memref_slice %arg14[%arg1, %dma_wait3A_115] : memref<16x30720xi32, #tpu.memory_space<vmem_shared>> -> memref<1x30720xi32, #tpu.memory_space<vmem_shared>>
      %dma_wait3A_117 = tpu.memref_squeeze %dma_wait3A_116 : memref<1x30720xi32, #tpu.memory_space<vmem_shared>> -> memref<30720xi32, #tpu.memory_space<vmem_shared>>
      tpu.wait_dma2 semaphore(%run_scoped3A_107 : memref<!tpu.dma_semaphore, #tpu.memory_space<semaphore_mem>>) src(%arg7 : memref<30720xi32, #tpu.memory_space<vmem>>) dst(%dma_wait3A_117 : memref<30720xi32, #tpu.memory_space<vmem_shared>>)
      tpu.yield
    }) : () -> ()
    %barrier3A_81 = arith.constant 0 : index
    tpu.barrier barrier_id(%barrier3A_81)
    %mul3A_82 = arith.constant 1920 : i32
    %mul3A_83 = arith.muli %arg1, %mul3A_82 : i32
    %scan3A_84 = arith.constant 0 : i32
    %scan3A_85 = arith.constant 0 : i32
    %scan3A_86 = arith.constant 120 : i32
    %scan3A_87 = arith.addi %scan3A_85, %scan3A_86 : i32
    %scan3A_88 = arith.constant 1 : i32
    %scan3A_89 = scf.for %scan3A_107 = %scan3A_85 to %scan3A_87 step %scan3A_88 iter_args(%scan3A_108 = %scan3A_84) -> (i32)  : i32 {
      %broadcast_in_dim3A = arith.constant -1 : i32
      %broadcast_in_dim3A_109 = vector.broadcast %broadcast_in_dim3A : i32 to vector<16xi32>
      %mul3A_110 = arith.constant 16 : i32
      %mul3A_111 = arith.muli %scan3A_107, %mul3A_110 : i32
      %swap3A = arith.index_cast %mul3A_111 : i32 to index
      %swap3A_112 = tpu.vector_load %arg10[%swap3A] {strides = array<i32>} : memref<1920xi32, #tpu.memory_space<vmem>>, vector<16xi32>,
      tpu.vector_store %arg10[%swap3A], %broadcast_in_dim3A_109 {strides = array<i32>} : memref<1920xi32, #tpu.memory_space<vmem>>, vector<16xi32>,
      %scan3A_113 = arith.constant 0 : i32
      scf.yield %scan3A_113 : i32
    }
    %scan3A_90 = arith.constant 120 : i32
    %scan3A_91 = arith.constant 0 : i32
    %scan3A_92 = arith.constant 0 : i32
    %scan3A_93 = arith.constant 16 : i32
    %scan3A_94 = arith.addi %scan3A_92, %scan3A_93 : i32
    %scan3A_95 = arith.constant 1 : i32
    %scan3A_96 = scf.for %scan3A_107 = %scan3A_92 to %scan3A_94 step %scan3A_95 iter_args(%scan3A_108 = %scan3A_91) -> (i32)  : i32 {
      "tpu.region"() ({
        %run_scoped3A_117 = tpu.sem_alloc : memref<!tpu.dma_semaphore, #tpu.memory_space<semaphore_mem>>
        %dma_start3A = tpu.memref_slice %arg14[%scan3A_107, %mul3A_83] : memref<16x30720xi32, #tpu.memory_space<vmem_shared>> -> memref<1x1920xi32, #tpu.memory_space<vmem_shared>>
        %dma_start3A_118 = tpu.memref_squeeze %dma_start3A : memref<1x1920xi32, #tpu.memory_space<vmem_shared>> -> memref<1920xi32, #tpu.memory_space<vmem_shared>>
        %dma_start3A_119 = tpu.memref_slice %arg14[%scan3A_107, %mul3A_83] : memref<16x30720xi32, #tpu.memory_space<vmem_shared>> -> memref<1x1920xi32, #tpu.memory_space<vmem_shared>>
        %dma_start3A_120 = tpu.memref_squeeze %dma_start3A_119 : memref<1x1920xi32, #tpu.memory_space<vmem_shared>> -> memref<1920xi32, #tpu.memory_space<vmem_shared>>
        tpu.enqueue_dma source(%dma_start3A_120 : memref<1920xi32, #tpu.memory_space<vmem_shared>>) target(%arg11 : memref<1920xi32, #tpu.memory_space<vmem>>) target_semaphore(%run_scoped3A_117 : memref<!tpu.dma_semaphore, #tpu.memory_space<semaphore_mem>>)
        %dma_wait3A = tpu.memref_slice %arg14[%scan3A_107, %mul3A_83] : memref<16x30720xi32, #tpu.memory_space<vmem_shared>> -> memref<1x1920xi32, #tpu.memory_space<vmem_shared>>
        %dma_wait3A_121 = tpu.memref_squeeze %dma_wait3A : memref<1x1920xi32, #tpu.memory_space<vmem_shared>> -> memref<1920xi32, #tpu.memory_space<vmem_shared>>
        %dma_wait3A_122 = tpu.memref_slice %arg14[%scan3A_107, %mul3A_83] : memref<16x30720xi32, #tpu.memory_space<vmem_shared>> -> memref<1x1920xi32, #tpu.memory_space<vmem_shared>>
        %dma_wait3A_123 = tpu.memref_squeeze %dma_wait3A_122 : memref<1x1920xi32, #tpu.memory_space<vmem_shared>> -> memref<1920xi32, #tpu.memory_space<vmem_shared>>
        tpu.wait_dma2 semaphore(%run_scoped3A_117 : memref<!tpu.dma_semaphore, #tpu.memory_space<semaphore_mem>>) src(%dma_wait3A_123 : memref<1920xi32, #tpu.memory_space<vmem_shared>>) dst(%arg11 : memref<1920xi32, #tpu.memory_space<vmem>>)
        tpu.yield
      }) : () -> ()
      %scan3A_109 = arith.constant 0 : i32
      %scan3A_110 = arith.constant 0 : i32
      %scan3A_111 = arith.constant 120 : i32
      %scan3A_112 = arith.addi %scan3A_110, %scan3A_111 : i32
      %scan3A_113 = arith.constant 1 : i32
      %scan3A_114 = scf.for %scan3A_117 = %scan3A_110 to %scan3A_112 step %scan3A_113 iter_args(%scan3A_118 = %scan3A_109) -> (i32)  : i32 {
        %mul3A_119 = arith.constant 16 : i32
        %mul3A_120 = arith.muli %scan3A_117, %mul3A_119 : i32
        %get3A = arith.index_cast %mul3A_120 : i32 to index
        %get3A_121 = tpu.vector_load %arg10[%get3A] {strides = array<i32>} : memref<1920xi32, #tpu.memory_space<vmem>>, vector<16xi32>,
        %mul3A_122 = arith.constant 16 : i32
        %mul3A_123 = arith.muli %scan3A_117, %mul3A_122 : i32
        %get3A_124 = arith.index_cast %mul3A_123 : i32 to index
        %get3A_125 = tpu.vector_load %arg11[%get3A_124] {strides = array<i32>} : memref<1920xi32, #tpu.memory_space<vmem>>, vector<16xi32>,
        %max3A = arith.maxsi %get3A_121, %get3A_125 : vector<16xi32>
        %mul3A_126 = arith.constant 16 : i32
        %mul3A_127 = arith.muli %scan3A_117, %mul3A_126 : i32
        %swap3A = arith.index_cast %mul3A_127 : i32 to index
        %swap3A_128 = tpu.vector_load %arg10[%swap3A] {strides = array<i32>} : memref<1920xi32, #tpu.memory_space<vmem>>, vector<16xi32>,
        tpu.vector_store %arg10[%swap3A], %max3A {strides = array<i32>} : memref<1920xi32, #tpu.memory_space<vmem>>, vector<16xi32>,
        %scan3A_129 = arith.constant 0 : i32
        scf.yield %scan3A_129 : i32
      }
      %scan3A_115 = arith.constant 120 : i32
      %scan3A_116 = arith.constant 0 : i32
      scf.yield %scan3A_116 : i32
    }
    %scan3A_97 = arith.constant 16 : i32
    %mul3A_98 = arith.constant 960 : i32
    %mul3A_99 = arith.muli %arg0, %mul3A_98 : i32
    %scan3A_100 = arith.constant 0 : i32
    %scan3A_101 = arith.constant 0 : i32
    %scan3A_102 = arith.constant 60 : i32
    %scan3A_103 = arith.addi %scan3A_101, %scan3A_102 : i32
    %scan3A_104 = arith.constant 1 : i32
    %scan3A_105 = scf.for %scan3A_107 = %scan3A_101 to %scan3A_103 step %scan3A_104 iter_args(%scan3A_108 = %scan3A_100) -> (i32)  : i32 {
      %mul3A_109 = arith.constant 16 : i32
      %mul3A_110 = arith.muli %scan3A_107, %mul3A_109 : i32
      %add3A_111 = arith.addi %mul3A_99, %mul3A_110 : i32
      %get3A = arith.index_cast %add3A_111 : i32 to index
      %get3A_112 = tpu.vector_load %arg10[%get3A] {strides = array<i32>} : memref<1920xi32, #tpu.memory_space<vmem>>, vector<16xi32>,
      %mul3A_113 = arith.constant 16 : i32
      %mul3A_114 = arith.muli %scan3A_107, %mul3A_113 : i32
      %get3A_115 = arith.index_cast %mul3A_114 : i32 to index
      %get3A_116 = tpu.vector_load %arg9[%get3A_115] {strides = array<i32>} : memref<960xi32, #tpu.memory_space<vmem>>, vector<16xi32>,
      %ge3A = arith.constant 0 : i32
      %ge3A_117 = vector.broadcast %ge3A : i32 to vector<16xi32>
      %ge3A_118 = arith.cmpi sge, %get3A_112, %ge3A_117 : vector<16xi32>
      %add3A_119 = arith.constant 33072 : i32
      %add3A_120 = vector.broadcast %add3A_119 : i32 to vector<16xi32>
      %add3A_121 = arith.addi %add3A_120, %get3A_112 : vector<16xi32>
      %select_n3A = arith.select %ge3A_118, %add3A_121, %get3A_116 : vector<16xi1>, vector<16xi32>
      %mul3A_122 = arith.constant 16 : i32
      %mul3A_123 = arith.muli %scan3A_107, %mul3A_122 : i32
      %swap3A = arith.index_cast %mul3A_123 : i32 to index
      %swap3A_124 = tpu.vector_load %arg13[%swap3A] {strides = array<i32>} : memref<1920xi32, #tpu.memory_space<vmem>>, vector<16xi32>,
      tpu.vector_store %arg13[%swap3A], %select_n3A {strides = array<i32>} : memref<1920xi32, #tpu.memory_space<vmem>>, vector<16xi32>,
      %scan3A_125 = arith.constant 0 : i32
      scf.yield %scan3A_125 : i32
    }
    %scan3A_106 = arith.constant 60 : i32
    "tpu.region"() ({
      %run_scoped3A_107 = tpu.sem_alloc : memref<!tpu.dma_semaphore, #tpu.memory_space<semaphore_mem>>
      %dma_start3A = arith.constant 0 : i32
      %dma_start3A_108 = tpu.memref_slice %arg13[%dma_start3A] : memref<1920xi32, #tpu.memory_space<vmem>> -> memref<960xi32, #tpu.memory_space<vmem>>
      %dma_start3A_109 = tpu.memref_slice %arg6[%add3A_39] : memref<30720xi32, #tpu.memory_space<hbm>> -> memref<960xi32, #tpu.memory_space<hbm>>
      %dma_start3A_110 = tpu.memref_slice %arg6[%add3A_39] : memref<30720xi32, #tpu.memory_space<hbm>> -> memref<960xi32, #tpu.memory_space<hbm>>
      %dma_start3A_111 = arith.constant 0 : i32
      %dma_start3A_112 = tpu.memref_slice %arg13[%dma_start3A_111] : memref<1920xi32, #tpu.memory_space<vmem>> -> memref<960xi32, #tpu.memory_space<vmem>>
      tpu.enqueue_dma source(%dma_start3A_112 : memref<960xi32, #tpu.memory_space<vmem>>) target(%dma_start3A_110 : memref<960xi32, #tpu.memory_space<hbm>>) target_semaphore(%run_scoped3A_107 : memref<!tpu.dma_semaphore, #tpu.memory_space<semaphore_mem>>)
      %dma_wait3A = arith.constant 0 : i32
      %dma_wait3A_113 = tpu.memref_slice %arg13[%dma_wait3A] : memref<1920xi32, #tpu.memory_space<vmem>> -> memref<960xi32, #tpu.memory_space<vmem>>
      %dma_wait3A_114 = tpu.memref_slice %arg6[%add3A_39] : memref<30720xi32, #tpu.memory_space<hbm>> -> memref<960xi32, #tpu.memory_space<hbm>>
      %dma_wait3A_115 = tpu.memref_slice %arg6[%add3A_39] : memref<30720xi32, #tpu.memory_space<hbm>> -> memref<960xi32, #tpu.memory_space<hbm>>
      %dma_wait3A_116 = arith.constant 0 : i32
      %dma_wait3A_117 = tpu.memref_slice %arg13[%dma_wait3A_116] : memref<1920xi32, #tpu.memory_space<vmem>> -> memref<960xi32, #tpu.memory_space<vmem>>
      tpu.wait_dma2 semaphore(%run_scoped3A_107 : memref<!tpu.dma_semaphore, #tpu.memory_space<semaphore_mem>>) src(%dma_wait3A_117 : memref<960xi32, #tpu.memory_space<vmem>>) dst(%dma_wait3A_115 : memref<960xi32, #tpu.memory_space<hbm>>)
      tpu.yield
    }) : () -> ()
    return
  }
}

#map = affine_map<(d0, d1) -> (0, 0)>
#map1 = affine_map<(d0, d1) -> (0)>
module attributes {stable_mosaic.version = 14 : i64} {
  func.func @_final_body(%arg0: i32, %arg1: i32, %arg2: memref<94512x128xf32, #tpu.memory_space<hbm>>, %arg3: memref<30720xi32, #tpu.memory_space<hbm>>, %arg4: memref<30720x128xf32, #tpu.memory_space<hbm>>, %arg5: memref<320xi32, #tpu.memory_space<vmem>>, %arg6: memref<320x128xf32, #tpu.memory_space<vmem>>) attributes {dimension_semantics = [#tpu.dimension_semantics<core_parallel>, #tpu.dimension_semantics<subcore_parallel>], iteration_bounds = array<i64: 2, 16>, scalar_prefetch = 0 : i64, scratch_operands = 2 : i64, tpu.core_type = #tpu.core_type<sc_vector_subcore>, window_params = [{transform_indices = #map}, {transform_indices = #map1}, {transform_indices = #map}]} {
    %mul3A = arith.constant 16 : i32
    %mul3A_0 = arith.muli %arg0, %mul3A : i32
    %add3A = arith.addi %mul3A_0, %arg1 : i32
    %mul3A_1 = arith.constant 960 : i32
    %mul3A_2 = arith.muli %add3A, %mul3A_1 : i32
    %add3A_3 = arith.constant 0 : i32
    %add3A_4 = arith.addi %mul3A_2, %add3A_3 : i32
    "tpu.region"() ({
      %run_scoped3A = tpu.sem_alloc : memref<!tpu.dma_semaphore, #tpu.memory_space<semaphore_mem>>
      %dma_start3A = tpu.memref_slice %arg3[%add3A_4] : memref<30720xi32, #tpu.memory_space<hbm>> -> memref<320xi32, #tpu.memory_space<hbm>>
      %dma_start3A_9 = tpu.memref_slice %arg3[%add3A_4] : memref<30720xi32, #tpu.memory_space<hbm>> -> memref<320xi32, #tpu.memory_space<hbm>>
      tpu.enqueue_dma source(%dma_start3A_9 : memref<320xi32, #tpu.memory_space<hbm>>) target(%arg5 : memref<320xi32, #tpu.memory_space<vmem>>) target_semaphore(%run_scoped3A : memref<!tpu.dma_semaphore, #tpu.memory_space<semaphore_mem>>)
      %dma_wait3A = tpu.memref_slice %arg3[%add3A_4] : memref<30720xi32, #tpu.memory_space<hbm>> -> memref<320xi32, #tpu.memory_space<hbm>>
      %dma_wait3A_10 = tpu.memref_slice %arg3[%add3A_4] : memref<30720xi32, #tpu.memory_space<hbm>> -> memref<320xi32, #tpu.memory_space<hbm>>
      tpu.wait_dma2 semaphore(%run_scoped3A : memref<!tpu.dma_semaphore, #tpu.memory_space<semaphore_mem>>) src(%dma_wait3A_10 : memref<320xi32, #tpu.memory_space<hbm>>) dst(%arg5 : memref<320xi32, #tpu.memory_space<vmem>>)
      tpu.yield
    }) : () -> ()
    "tpu.region"() ({
      %run_scoped3A = tpu.sem_alloc : memref<!tpu.dma_semaphore, #tpu.memory_space<semaphore_mem>>
      %dma_start3A = arith.constant 0 : i32
      %dma_start3A_9 = arith.constant 0 : i32
      %dma_start3A_10 = tpu.memref_slice %arg2[%dma_start3A, %dma_start3A_9] : memref<94512x128xf32, #tpu.memory_space<hbm>> -> memref<94512x128xf32, #tpu.memory_space<hbm>>
      tpu.enqueue_indirect_dma source(%dma_start3A_10 : memref<94512x128xf32, #tpu.memory_space<hbm>>) target(%arg6 : memref<320x128xf32, #tpu.memory_space<vmem>>) offsets(%arg5 : memref<320xi32, #tpu.memory_space<vmem>>) semaphore(%run_scoped3A : memref<!tpu.dma_semaphore, #tpu.memory_space<semaphore_mem>>)
      %dma_wait3A = arith.constant 0 : i32
      %dma_wait3A_11 = arith.constant 0 : i32
      %dma_wait3A_12 = tpu.memref_slice %arg2[%dma_wait3A, %dma_wait3A_11] : memref<94512x128xf32, #tpu.memory_space<hbm>> -> memref<94512x128xf32, #tpu.memory_space<hbm>>
      tpu.wait_indirect_dma semaphore(%run_scoped3A : memref<!tpu.dma_semaphore, #tpu.memory_space<semaphore_mem>>) src(%dma_wait3A_12 : memref<94512x128xf32, #tpu.memory_space<hbm>>) dst(%arg6 : memref<320x128xf32, #tpu.memory_space<vmem>>)
      tpu.yield
    }) : () -> ()
    "tpu.region"() ({
      %run_scoped3A = tpu.sem_alloc : memref<!tpu.dma_semaphore, #tpu.memory_space<semaphore_mem>>
      %dma_start3A = arith.constant 0 : i32
      %dma_start3A_9 = tpu.memref_slice %arg4[%add3A_4, %dma_start3A] : memref<30720x128xf32, #tpu.memory_space<hbm>> -> memref<320x128xf32, #tpu.memory_space<hbm>>
      %dma_start3A_10 = arith.constant 0 : i32
      %dma_start3A_11 = tpu.memref_slice %arg4[%add3A_4, %dma_start3A_10] : memref<30720x128xf32, #tpu.memory_space<hbm>> -> memref<320x128xf32, #tpu.memory_space<hbm>>
      tpu.enqueue_dma source(%arg6 : memref<320x128xf32, #tpu.memory_space<vmem>>) target(%dma_start3A_11 : memref<320x128xf32, #tpu.memory_space<hbm>>) target_semaphore(%run_scoped3A : memref<!tpu.dma_semaphore, #tpu.memory_space<semaphore_mem>>)
      %dma_wait3A = arith.constant 0 : i32
      %dma_wait3A_12 = tpu.memref_slice %arg4[%add3A_4, %dma_wait3A] : memref<30720x128xf32, #tpu.memory_space<hbm>> -> memref<320x128xf32, #tpu.memory_space<hbm>>
      %dma_wait3A_13 = arith.constant 0 : i32
      %dma_wait3A_14 = tpu.memref_slice %arg4[%add3A_4, %dma_wait3A_13] : memref<30720x128xf32, #tpu.memory_space<hbm>> -> memref<320x128xf32, #tpu.memory_space<hbm>>
      tpu.wait_dma2 semaphore(%run_scoped3A : memref<!tpu.dma_semaphore, #tpu.memory_space<semaphore_mem>>) src(%arg6 : memref<320x128xf32, #tpu.memory_space<vmem>>) dst(%dma_wait3A_14 : memref<320x128xf32, #tpu.memory_space<hbm>>)
      tpu.yield
    }) : () -> ()
    %add3A_5 = arith.constant 320 : i32
    %add3A_6 = arith.addi %mul3A_2, %add3A_5 : i32
    "tpu.region"() ({
      %run_scoped3A = tpu.sem_alloc : memref<!tpu.dma_semaphore, #tpu.memory_space<semaphore_mem>>
      %dma_start3A = tpu.memref_slice %arg3[%add3A_6] : memref<30720xi32, #tpu.memory_space<hbm>> -> memref<320xi32, #tpu.memory_space<hbm>>
      %dma_start3A_9 = tpu.memref_slice %arg3[%add3A_6] : memref<30720xi32, #tpu.memory_space<hbm>> -> memref<320xi32, #tpu.memory_space<hbm>>
      tpu.enqueue_dma source(%dma_start3A_9 : memref<320xi32, #tpu.memory_space<hbm>>) target(%arg5 : memref<320xi32, #tpu.memory_space<vmem>>) target_semaphore(%run_scoped3A : memref<!tpu.dma_semaphore, #tpu.memory_space<semaphore_mem>>)
      %dma_wait3A = tpu.memref_slice %arg3[%add3A_6] : memref<30720xi32, #tpu.memory_space<hbm>> -> memref<320xi32, #tpu.memory_space<hbm>>
      %dma_wait3A_10 = tpu.memref_slice %arg3[%add3A_6] : memref<30720xi32, #tpu.memory_space<hbm>> -> memref<320xi32, #tpu.memory_space<hbm>>
      tpu.wait_dma2 semaphore(%run_scoped3A : memref<!tpu.dma_semaphore, #tpu.memory_space<semaphore_mem>>) src(%dma_wait3A_10 : memref<320xi32, #tpu.memory_space<hbm>>) dst(%arg5 : memref<320xi32, #tpu.memory_space<vmem>>)
      tpu.yield
    }) : () -> ()
    "tpu.region"() ({
      %run_scoped3A = tpu.sem_alloc : memref<!tpu.dma_semaphore, #tpu.memory_space<semaphore_mem>>
      %dma_start3A = arith.constant 0 : i32
      %dma_start3A_9 = arith.constant 0 : i32
      %dma_start3A_10 = tpu.memref_slice %arg2[%dma_start3A, %dma_start3A_9] : memref<94512x128xf32, #tpu.memory_space<hbm>> -> memref<94512x128xf32, #tpu.memory_space<hbm>>
      tpu.enqueue_indirect_dma source(%dma_start3A_10 : memref<94512x128xf32, #tpu.memory_space<hbm>>) target(%arg6 : memref<320x128xf32, #tpu.memory_space<vmem>>) offsets(%arg5 : memref<320xi32, #tpu.memory_space<vmem>>) semaphore(%run_scoped3A : memref<!tpu.dma_semaphore, #tpu.memory_space<semaphore_mem>>)
      %dma_wait3A = arith.constant 0 : i32
      %dma_wait3A_11 = arith.constant 0 : i32
      %dma_wait3A_12 = tpu.memref_slice %arg2[%dma_wait3A, %dma_wait3A_11] : memref<94512x128xf32, #tpu.memory_space<hbm>> -> memref<94512x128xf32, #tpu.memory_space<hbm>>
      tpu.wait_indirect_dma semaphore(%run_scoped3A : memref<!tpu.dma_semaphore, #tpu.memory_space<semaphore_mem>>) src(%dma_wait3A_12 : memref<94512x128xf32, #tpu.memory_space<hbm>>) dst(%arg6 : memref<320x128xf32, #tpu.memory_space<vmem>>)
      tpu.yield
    }) : () -> ()
    "tpu.region"() ({
      %run_scoped3A = tpu.sem_alloc : memref<!tpu.dma_semaphore, #tpu.memory_space<semaphore_mem>>
      %dma_start3A = arith.constant 0 : i32
      %dma_start3A_9 = tpu.memref_slice %arg4[%add3A_6, %dma_start3A] : memref<30720x128xf32, #tpu.memory_space<hbm>> -> memref<320x128xf32, #tpu.memory_space<hbm>>
      %dma_start3A_10 = arith.constant 0 : i32
      %dma_start3A_11 = tpu.memref_slice %arg4[%add3A_6, %dma_start3A_10] : memref<30720x128xf32, #tpu.memory_space<hbm>> -> memref<320x128xf32, #tpu.memory_space<hbm>>
      tpu.enqueue_dma source(%arg6 : memref<320x128xf32, #tpu.memory_space<vmem>>) target(%dma_start3A_11 : memref<320x128xf32, #tpu.memory_space<hbm>>) target_semaphore(%run_scoped3A : memref<!tpu.dma_semaphore, #tpu.memory_space<semaphore_mem>>)
      %dma_wait3A = arith.constant 0 : i32
      %dma_wait3A_12 = tpu.memref_slice %arg4[%add3A_6, %dma_wait3A] : memref<30720x128xf32, #tpu.memory_space<hbm>> -> memref<320x128xf32, #tpu.memory_space<hbm>>
      %dma_wait3A_13 = arith.constant 0 : i32
      %dma_wait3A_14 = tpu.memref_slice %arg4[%add3A_6, %dma_wait3A_13] : memref<30720x128xf32, #tpu.memory_space<hbm>> -> memref<320x128xf32, #tpu.memory_space<hbm>>
      tpu.wait_dma2 semaphore(%run_scoped3A : memref<!tpu.dma_semaphore, #tpu.memory_space<semaphore_mem>>) src(%arg6 : memref<320x128xf32, #tpu.memory_space<vmem>>) dst(%dma_wait3A_14 : memref<320x128xf32, #tpu.memory_space<hbm>>)
      tpu.yield
    }) : () -> ()
    %add3A_7 = arith.constant 640 : i32
    %add3A_8 = arith.addi %mul3A_2, %add3A_7 : i32
    "tpu.region"() ({
      %run_scoped3A = tpu.sem_alloc : memref<!tpu.dma_semaphore, #tpu.memory_space<semaphore_mem>>
      %dma_start3A = tpu.memref_slice %arg3[%add3A_8] : memref<30720xi32, #tpu.memory_space<hbm>> -> memref<320xi32, #tpu.memory_space<hbm>>
      %dma_start3A_9 = tpu.memref_slice %arg3[%add3A_8] : memref<30720xi32, #tpu.memory_space<hbm>> -> memref<320xi32, #tpu.memory_space<hbm>>
      tpu.enqueue_dma source(%dma_start3A_9 : memref<320xi32, #tpu.memory_space<hbm>>) target(%arg5 : memref<320xi32, #tpu.memory_space<vmem>>) target_semaphore(%run_scoped3A : memref<!tpu.dma_semaphore, #tpu.memory_space<semaphore_mem>>)
      %dma_wait3A = tpu.memref_slice %arg3[%add3A_8] : memref<30720xi32, #tpu.memory_space<hbm>> -> memref<320xi32, #tpu.memory_space<hbm>>
      %dma_wait3A_10 = tpu.memref_slice %arg3[%add3A_8] : memref<30720xi32, #tpu.memory_space<hbm>> -> memref<320xi32, #tpu.memory_space<hbm>>
      tpu.wait_dma2 semaphore(%run_scoped3A : memref<!tpu.dma_semaphore, #tpu.memory_space<semaphore_mem>>) src(%dma_wait3A_10 : memref<320xi32, #tpu.memory_space<hbm>>) dst(%arg5 : memref<320xi32, #tpu.memory_space<vmem>>)
      tpu.yield
    }) : () -> ()
    "tpu.region"() ({
      %run_scoped3A = tpu.sem_alloc : memref<!tpu.dma_semaphore, #tpu.memory_space<semaphore_mem>>
      %dma_start3A = arith.constant 0 : i32
      %dma_start3A_9 = arith.constant 0 : i32
      %dma_start3A_10 = tpu.memref_slice %arg2[%dma_start3A, %dma_start3A_9] : memref<94512x128xf32, #tpu.memory_space<hbm>> -> memref<94512x128xf32, #tpu.memory_space<hbm>>
      tpu.enqueue_indirect_dma source(%dma_start3A_10 : memref<94512x128xf32, #tpu.memory_space<hbm>>) target(%arg6 : memref<320x128xf32, #tpu.memory_space<vmem>>) offsets(%arg5 : memref<320xi32, #tpu.memory_space<vmem>>) semaphore(%run_scoped3A : memref<!tpu.dma_semaphore, #tpu.memory_space<semaphore_mem>>)
      %dma_wait3A = arith.constant 0 : i32
      %dma_wait3A_11 = arith.constant 0 : i32
      %dma_wait3A_12 = tpu.memref_slice %arg2[%dma_wait3A, %dma_wait3A_11] : memref<94512x128xf32, #tpu.memory_space<hbm>> -> memref<94512x128xf32, #tpu.memory_space<hbm>>
      tpu.wait_indirect_dma semaphore(%run_scoped3A : memref<!tpu.dma_semaphore, #tpu.memory_space<semaphore_mem>>) src(%dma_wait3A_12 : memref<94512x128xf32, #tpu.memory_space<hbm>>) dst(%arg6 : memref<320x128xf32, #tpu.memory_space<vmem>>)
      tpu.yield
    }) : () -> ()
    "tpu.region"() ({
      %run_scoped3A = tpu.sem_alloc : memref<!tpu.dma_semaphore, #tpu.memory_space<semaphore_mem>>
      %dma_start3A = arith.constant 0 : i32
      %dma_start3A_9 = tpu.memref_slice %arg4[%add3A_8, %dma_start3A] : memref<30720x128xf32, #tpu.memory_space<hbm>> -> memref<320x128xf32, #tpu.memory_space<hbm>>
      %dma_start3A_10 = arith.constant 0 : i32
      %dma_start3A_11 = tpu.memref_slice %arg4[%add3A_8, %dma_start3A_10] : memref<30720x128xf32, #tpu.memory_space<hbm>> -> memref<320x128xf32, #tpu.memory_space<hbm>>
      tpu.enqueue_dma source(%arg6 : memref<320x128xf32, #tpu.memory_space<vmem>>) target(%dma_start3A_11 : memref<320x128xf32, #tpu.memory_space<hbm>>) target_semaphore(%run_scoped3A : memref<!tpu.dma_semaphore, #tpu.memory_space<semaphore_mem>>)
      %dma_wait3A = arith.constant 0 : i32
      %dma_wait3A_12 = tpu.memref_slice %arg4[%add3A_8, %dma_wait3A] : memref<30720x128xf32, #tpu.memory_space<hbm>> -> memref<320x128xf32, #tpu.memory_space<hbm>>
      %dma_wait3A_13 = arith.constant 0 : i32
      %dma_wait3A_14 = tpu.memref_slice %arg4[%add3A_8, %dma_wait3A_13] : memref<30720x128xf32, #tpu.memory_space<hbm>> -> memref<320x128xf32, #tpu.memory_space<hbm>>
      tpu.wait_dma2 semaphore(%run_scoped3A : memref<!tpu.dma_semaphore, #tpu.memory_space<semaphore_mem>>) src(%arg6 : memref<320x128xf32, #tpu.memory_space<vmem>>) dst(%dma_wait3A_14 : memref<320x128xf32, #tpu.memory_space<hbm>>)
      tpu.yield
    }) : () -> ()
    return
  }
}

#map = affine_map<(d0, d1) -> (0, 0)>
#map1 = affine_map<(d0, d1) -> (0)>
module attributes {stable_mosaic.version = 14 : i64} {
  func.func @_gather2_body(%arg0: i32, %arg1: i32, %arg2: memref<33072x128xf32, #tpu.memory_space<hbm>>, %arg3: memref<200000x128xf32, #tpu.memory_space<hbm>>, %arg4: memref<3072xi32, #tpu.memory_space<hbm>>, %arg5: memref<61440xi32, #tpu.memory_space<hbm>>, %arg6: memref<61440xi32, #tpu.memory_space<hbm>>, %arg7: memref<3072x128xf32, #tpu.memory_space<hbm>>, %arg8: memref<61440x128xf32, #tpu.memory_space<hbm>>, %arg9: memref<61440x128xf32, #tpu.memory_space<hbm>>, %arg10: memref<96xi32, #tpu.memory_space<vmem>>, %arg11: memref<96x128xf32, #tpu.memory_space<vmem>>, %arg12: memref<3840xi32, #tpu.memory_space<vmem>>, %arg13: memref<320x128xf32, #tpu.memory_space<vmem>>, %arg14: memref<320x128xf32, #tpu.memory_space<vmem>>, %arg15: memref<!tpu.dma_semaphore, #tpu.memory_space<semaphore_mem>>, %arg16: memref<!tpu.dma_semaphore, #tpu.memory_space<semaphore_mem>>, %arg17: memref<!tpu.dma_semaphore, #tpu.memory_space<semaphore_mem>>, %arg18: memref<!tpu.dma_semaphore, #tpu.memory_space<semaphore_mem>>) attributes {dimension_semantics = [#tpu.dimension_semantics<core_parallel>, #tpu.dimension_semantics<subcore_parallel>], iteration_bounds = array<i64: 2, 16>, scalar_prefetch = 0 : i64, scratch_operands = 9 : i64, tpu.core_type = #tpu.core_type<sc_vector_subcore>, window_params = [{transform_indices = #map}, {transform_indices = #map}, {transform_indices = #map1}, {transform_indices = #map1}, {transform_indices = #map1}, {transform_indices = #map}, {transform_indices = #map}, {transform_indices = #map}]} {
    %mul3A = arith.constant 16 : i32
    %mul3A_0 = arith.muli %arg0, %mul3A : i32
    %add3A = arith.addi %mul3A_0, %arg1 : i32
    %mul3A_1 = arith.constant 96 : i32
    %mul3A_2 = arith.muli %add3A, %mul3A_1 : i32
    "tpu.region"() ({
      %run_scoped3A = tpu.sem_alloc : memref<!tpu.dma_semaphore, #tpu.memory_space<semaphore_mem>>
      %dma_start3A_235 = tpu.memref_slice %arg4[%mul3A_2] : memref<3072xi32, #tpu.memory_space<hbm>> -> memref<96xi32, #tpu.memory_space<hbm>>
      %dma_start3A_236 = tpu.memref_slice %arg4[%mul3A_2] : memref<3072xi32, #tpu.memory_space<hbm>> -> memref<96xi32, #tpu.memory_space<hbm>>
      tpu.enqueue_dma source(%dma_start3A_236 : memref<96xi32, #tpu.memory_space<hbm>>) target(%arg10 : memref<96xi32, #tpu.memory_space<vmem>>) target_semaphore(%run_scoped3A : memref<!tpu.dma_semaphore, #tpu.memory_space<semaphore_mem>>)
      %dma_wait3A_237 = tpu.memref_slice %arg4[%mul3A_2] : memref<3072xi32, #tpu.memory_space<hbm>> -> memref<96xi32, #tpu.memory_space<hbm>>
      %dma_wait3A_238 = tpu.memref_slice %arg4[%mul3A_2] : memref<3072xi32, #tpu.memory_space<hbm>> -> memref<96xi32, #tpu.memory_space<hbm>>
      tpu.wait_dma2 semaphore(%run_scoped3A : memref<!tpu.dma_semaphore, #tpu.memory_space<semaphore_mem>>) src(%dma_wait3A_238 : memref<96xi32, #tpu.memory_space<hbm>>) dst(%arg10 : memref<96xi32, #tpu.memory_space<vmem>>)
      tpu.yield
    }) : () -> ()
    "tpu.region"() ({
      %run_scoped3A = tpu.sem_alloc : memref<!tpu.dma_semaphore, #tpu.memory_space<semaphore_mem>>
      %dma_start3A_235 = arith.constant 0 : i32
      %dma_start3A_236 = arith.constant 0 : i32
      %dma_start3A_237 = tpu.memref_slice %arg2[%dma_start3A_235, %dma_start3A_236] : memref<33072x128xf32, #tpu.memory_space<hbm>> -> memref<33072x128xf32, #tpu.memory_space<hbm>>
      tpu.enqueue_indirect_dma source(%dma_start3A_237 : memref<33072x128xf32, #tpu.memory_space<hbm>>) target(%arg11 : memref<96x128xf32, #tpu.memory_space<vmem>>) offsets(%arg10 : memref<96xi32, #tpu.memory_space<vmem>>) semaphore(%run_scoped3A : memref<!tpu.dma_semaphore, #tpu.memory_space<semaphore_mem>>)
      %dma_wait3A_238 = arith.constant 0 : i32
      %dma_wait3A_239 = arith.constant 0 : i32
      %dma_wait3A_240 = tpu.memref_slice %arg2[%dma_wait3A_238, %dma_wait3A_239] : memref<33072x128xf32, #tpu.memory_space<hbm>> -> memref<33072x128xf32, #tpu.memory_space<hbm>>
      tpu.wait_indirect_dma semaphore(%run_scoped3A : memref<!tpu.dma_semaphore, #tpu.memory_space<semaphore_mem>>) src(%dma_wait3A_240 : memref<33072x128xf32, #tpu.memory_space<hbm>>) dst(%arg11 : memref<96x128xf32, #tpu.memory_space<vmem>>)
      tpu.yield
    }) : () -> ()
    "tpu.region"() ({
      %run_scoped3A = tpu.sem_alloc : memref<!tpu.dma_semaphore, #tpu.memory_space<semaphore_mem>>
      %dma_start3A_235 = arith.constant 0 : i32
      %dma_start3A_236 = tpu.memref_slice %arg7[%mul3A_2, %dma_start3A_235] : memref<3072x128xf32, #tpu.memory_space<hbm>> -> memref<96x128xf32, #tpu.memory_space<hbm>>
      %dma_start3A_237 = arith.constant 0 : i32
      %dma_start3A_238 = tpu.memref_slice %arg7[%mul3A_2, %dma_start3A_237] : memref<3072x128xf32, #tpu.memory_space<hbm>> -> memref<96x128xf32, #tpu.memory_space<hbm>>
      tpu.enqueue_dma source(%arg11 : memref<96x128xf32, #tpu.memory_space<vmem>>) target(%dma_start3A_238 : memref<96x128xf32, #tpu.memory_space<hbm>>) target_semaphore(%run_scoped3A : memref<!tpu.dma_semaphore, #tpu.memory_space<semaphore_mem>>)
      %dma_wait3A_239 = arith.constant 0 : i32
      %dma_wait3A_240 = tpu.memref_slice %arg7[%mul3A_2, %dma_wait3A_239] : memref<3072x128xf32, #tpu.memory_space<hbm>> -> memref<96x128xf32, #tpu.memory_space<hbm>>
      %dma_wait3A_241 = arith.constant 0 : i32
      %dma_wait3A_242 = tpu.memref_slice %arg7[%mul3A_2, %dma_wait3A_241] : memref<3072x128xf32, #tpu.memory_space<hbm>> -> memref<96x128xf32, #tpu.memory_space<hbm>>
      tpu.wait_dma2 semaphore(%run_scoped3A : memref<!tpu.dma_semaphore, #tpu.memory_space<semaphore_mem>>) src(%arg11 : memref<96x128xf32, #tpu.memory_space<vmem>>) dst(%dma_wait3A_242 : memref<96x128xf32, #tpu.memory_space<hbm>>)
      tpu.yield
    }) : () -> ()
    %mul3A_3 = arith.constant 1920 : i32
    %mul3A_4 = arith.muli %add3A, %mul3A_3 : i32
    "tpu.region"() ({
      %run_scoped3A = tpu.sem_alloc : memref<!tpu.dma_semaphore, #tpu.memory_space<semaphore_mem>>
      %dma_start3A_235 = arith.constant 0 : i32
      %dma_start3A_236 = tpu.memref_slice %arg12[%dma_start3A_235] : memref<3840xi32, #tpu.memory_space<vmem>> -> memref<1920xi32, #tpu.memory_space<vmem>>
      %dma_start3A_237 = tpu.memref_slice %arg5[%mul3A_4] : memref<61440xi32, #tpu.memory_space<hbm>> -> memref<1920xi32, #tpu.memory_space<hbm>>
      %dma_start3A_238 = arith.constant 0 : i32
      %dma_start3A_239 = tpu.memref_slice %arg12[%dma_start3A_238] : memref<3840xi32, #tpu.memory_space<vmem>> -> memref<1920xi32, #tpu.memory_space<vmem>>
      %dma_start3A_240 = tpu.memref_slice %arg5[%mul3A_4] : memref<61440xi32, #tpu.memory_space<hbm>> -> memref<1920xi32, #tpu.memory_space<hbm>>
      tpu.enqueue_dma source(%dma_start3A_240 : memref<1920xi32, #tpu.memory_space<hbm>>) target(%dma_start3A_239 : memref<1920xi32, #tpu.memory_space<vmem>>) target_semaphore(%run_scoped3A : memref<!tpu.dma_semaphore, #tpu.memory_space<semaphore_mem>>)
      %dma_wait3A_241 = arith.constant 0 : i32
      %dma_wait3A_242 = tpu.memref_slice %arg12[%dma_wait3A_241] : memref<3840xi32, #tpu.memory_space<vmem>> -> memref<1920xi32, #tpu.memory_space<vmem>>
      %dma_wait3A_243 = tpu.memref_slice %arg5[%mul3A_4] : memref<61440xi32, #tpu.memory_space<hbm>> -> memref<1920xi32, #tpu.memory_space<hbm>>
      %dma_wait3A_244 = arith.constant 0 : i32
      %dma_wait3A_245 = tpu.memref_slice %arg12[%dma_wait3A_244] : memref<3840xi32, #tpu.memory_space<vmem>> -> memref<1920xi32, #tpu.memory_space<vmem>>
      %dma_wait3A_246 = tpu.memref_slice %arg5[%mul3A_4] : memref<61440xi32, #tpu.memory_space<hbm>> -> memref<1920xi32, #tpu.memory_space<hbm>>
      tpu.wait_dma2 semaphore(%run_scoped3A : memref<!tpu.dma_semaphore, #tpu.memory_space<semaphore_mem>>) src(%dma_wait3A_246 : memref<1920xi32, #tpu.memory_space<hbm>>) dst(%dma_wait3A_245 : memref<1920xi32, #tpu.memory_space<vmem>>)
      tpu.yield
    }) : () -> ()
    "tpu.region"() ({
      %run_scoped3A = tpu.sem_alloc : memref<!tpu.dma_semaphore, #tpu.memory_space<semaphore_mem>>
      %dma_start3A_235 = arith.constant 1920 : i32
      %dma_start3A_236 = tpu.memref_slice %arg12[%dma_start3A_235] : memref<3840xi32, #tpu.memory_space<vmem>> -> memref<1920xi32, #tpu.memory_space<vmem>>
      %dma_start3A_237 = tpu.memref_slice %arg6[%mul3A_4] : memref<61440xi32, #tpu.memory_space<hbm>> -> memref<1920xi32, #tpu.memory_space<hbm>>
      %dma_start3A_238 = arith.constant 1920 : i32
      %dma_start3A_239 = tpu.memref_slice %arg12[%dma_start3A_238] : memref<3840xi32, #tpu.memory_space<vmem>> -> memref<1920xi32, #tpu.memory_space<vmem>>
      %dma_start3A_240 = tpu.memref_slice %arg6[%mul3A_4] : memref<61440xi32, #tpu.memory_space<hbm>> -> memref<1920xi32, #tpu.memory_space<hbm>>
      tpu.enqueue_dma source(%dma_start3A_240 : memref<1920xi32, #tpu.memory_space<hbm>>) target(%dma_start3A_239 : memref<1920xi32, #tpu.memory_space<vmem>>) target_semaphore(%run_scoped3A : memref<!tpu.dma_semaphore, #tpu.memory_space<semaphore_mem>>)
      %dma_wait3A_241 = arith.constant 1920 : i32
      %dma_wait3A_242 = tpu.memref_slice %arg12[%dma_wait3A_241] : memref<3840xi32, #tpu.memory_space<vmem>> -> memref<1920xi32, #tpu.memory_space<vmem>>
      %dma_wait3A_243 = tpu.memref_slice %arg6[%mul3A_4] : memref<61440xi32, #tpu.memory_space<hbm>> -> memref<1920xi32, #tpu.memory_space<hbm>>
      %dma_wait3A_244 = arith.constant 1920 : i32
      %dma_wait3A_245 = tpu.memref_slice %arg12[%dma_wait3A_244] : memref<3840xi32, #tpu.memory_space<vmem>> -> memref<1920xi32, #tpu.memory_space<vmem>>
      %dma_wait3A_246 = tpu.memref_slice %arg6[%mul3A_4] : memref<61440xi32, #tpu.memory_space<hbm>> -> memref<1920xi32, #tpu.memory_space<hbm>>
      tpu.wait_dma2 semaphore(%run_scoped3A : memref<!tpu.dma_semaphore, #tpu.memory_space<semaphore_mem>>) src(%dma_wait3A_246 : memref<1920xi32, #tpu.memory_space<hbm>>) dst(%dma_wait3A_245 : memref<1920xi32, #tpu.memory_space<vmem>>)
      tpu.yield
    }) : () -> ()
    %add3A_5 = arith.constant 0 : i32
    %add3A_6 = arith.addi %mul3A_4, %add3A_5 : i32
    %add3A_7 = arith.constant 320 : i32
    %add3A_8 = arith.addi %mul3A_4, %add3A_7 : i32
    %add3A_9 = arith.constant 640 : i32
    %add3A_10 = arith.addi %mul3A_4, %add3A_9 : i32
    %add3A_11 = arith.constant 960 : i32
    %add3A_12 = arith.addi %mul3A_4, %add3A_11 : i32
    %add3A_13 = arith.constant 1280 : i32
    %add3A_14 = arith.addi %mul3A_4, %add3A_13 : i32
    %add3A_15 = arith.constant 1600 : i32
    %add3A_16 = arith.addi %mul3A_4, %add3A_15 : i32
    %add3A_17 = arith.constant 0 : i32
    %add3A_18 = arith.addi %mul3A_4, %add3A_17 : i32
    %add3A_19 = arith.constant 320 : i32
    %add3A_20 = arith.addi %mul3A_4, %add3A_19 : i32
    %add3A_21 = arith.constant 640 : i32
    %add3A_22 = arith.addi %mul3A_4, %add3A_21 : i32
    %add3A_23 = arith.constant 960 : i32
    %add3A_24 = arith.addi %mul3A_4, %add3A_23 : i32
    %add3A_25 = arith.constant 1280 : i32
    %add3A_26 = arith.addi %mul3A_4, %add3A_25 : i32
    %add3A_27 = arith.constant 1600 : i32
    %add3A_28 = arith.addi %mul3A_4, %add3A_27 : i32
    %dma_start3A = arith.constant 0 : i32
    %dma_start3A_29 = tpu.memref_slice %arg12[%dma_start3A] : memref<3840xi32, #tpu.memory_space<vmem>> -> memref<320xi32, #tpu.memory_space<vmem>>
    %dma_start3A_30 = arith.constant 0 : i32
    %dma_start3A_31 = arith.constant 0 : i32
    %dma_start3A_32 = tpu.memref_slice %arg2[%dma_start3A_30, %dma_start3A_31] : memref<33072x128xf32, #tpu.memory_space<hbm>> -> memref<33072x128xf32, #tpu.memory_space<hbm>>
    tpu.enqueue_indirect_dma source(%dma_start3A_32 : memref<33072x128xf32, #tpu.memory_space<hbm>>) target(%arg13 : memref<320x128xf32, #tpu.memory_space<vmem>>) offsets(%dma_start3A_29 : memref<320xi32, #tpu.memory_space<vmem>>) semaphore(%arg15 : memref<!tpu.dma_semaphore, #tpu.memory_space<semaphore_mem>>)
    %dma_start3A_33 = arith.constant 320 : i32
    %dma_start3A_34 = tpu.memref_slice %arg12[%dma_start3A_33] : memref<3840xi32, #tpu.memory_space<vmem>> -> memref<320xi32, #tpu.memory_space<vmem>>
    %dma_start3A_35 = arith.constant 0 : i32
    %dma_start3A_36 = arith.constant 0 : i32
    %dma_start3A_37 = tpu.memref_slice %arg2[%dma_start3A_35, %dma_start3A_36] : memref<33072x128xf32, #tpu.memory_space<hbm>> -> memref<33072x128xf32, #tpu.memory_space<hbm>>
    tpu.enqueue_indirect_dma source(%dma_start3A_37 : memref<33072x128xf32, #tpu.memory_space<hbm>>) target(%arg14 : memref<320x128xf32, #tpu.memory_space<vmem>>) offsets(%dma_start3A_34 : memref<320xi32, #tpu.memory_space<vmem>>) semaphore(%arg16 : memref<!tpu.dma_semaphore, #tpu.memory_space<semaphore_mem>>)
    %dma_wait3A = arith.constant 0 : i32
    %dma_wait3A_38 = tpu.memref_slice %arg12[%dma_wait3A] : memref<3840xi32, #tpu.memory_space<vmem>> -> memref<320xi32, #tpu.memory_space<vmem>>
    %dma_wait3A_39 = arith.constant 0 : i32
    %dma_wait3A_40 = arith.constant 0 : i32
    %dma_wait3A_41 = tpu.memref_slice %arg2[%dma_wait3A_39, %dma_wait3A_40] : memref<33072x128xf32, #tpu.memory_space<hbm>> -> memref<33072x128xf32, #tpu.memory_space<hbm>>
    tpu.wait_indirect_dma semaphore(%arg15 : memref<!tpu.dma_semaphore, #tpu.memory_space<semaphore_mem>>) src(%dma_wait3A_41 : memref<33072x128xf32, #tpu.memory_space<hbm>>) dst(%arg13 : memref<320x128xf32, #tpu.memory_space<vmem>>)
    %dma_start3A_42 = arith.constant 0 : i32
    %dma_start3A_43 = tpu.memref_slice %arg8[%add3A_6, %dma_start3A_42] : memref<61440x128xf32, #tpu.memory_space<hbm>> -> memref<320x128xf32, #tpu.memory_space<hbm>>
    %dma_start3A_44 = arith.constant 0 : i32
    %dma_start3A_45 = tpu.memref_slice %arg8[%add3A_6, %dma_start3A_44] : memref<61440x128xf32, #tpu.memory_space<hbm>> -> memref<320x128xf32, #tpu.memory_space<hbm>>
    tpu.enqueue_dma source(%arg13 : memref<320x128xf32, #tpu.memory_space<vmem>>) target(%dma_start3A_45 : memref<320x128xf32, #tpu.memory_space<hbm>>) target_semaphore(%arg17 : memref<!tpu.dma_semaphore, #tpu.memory_space<semaphore_mem>>)
    %dma_wait3A_46 = arith.constant 0 : i32
    %dma_wait3A_47 = tpu.memref_slice %arg8[%add3A_6, %dma_wait3A_46] : memref<61440x128xf32, #tpu.memory_space<hbm>> -> memref<320x128xf32, #tpu.memory_space<hbm>>
    %dma_wait3A_48 = arith.constant 0 : i32
    %dma_wait3A_49 = tpu.memref_slice %arg8[%add3A_6, %dma_wait3A_48] : memref<61440x128xf32, #tpu.memory_space<hbm>> -> memref<320x128xf32, #tpu.memory_space<hbm>>
    tpu.wait_dma2 semaphore(%arg17 : memref<!tpu.dma_semaphore, #tpu.memory_space<semaphore_mem>>) src(%arg13 : memref<320x128xf32, #tpu.memory_space<vmem>>) dst(%dma_wait3A_49 : memref<320x128xf32, #tpu.memory_space<hbm>>)
    %dma_start3A_50 = arith.constant 640 : i32
    %dma_start3A_51 = tpu.memref_slice %arg12[%dma_start3A_50] : memref<3840xi32, #tpu.memory_space<vmem>> -> memref<320xi32, #tpu.memory_space<vmem>>
    %dma_start3A_52 = arith.constant 0 : i32
    %dma_start3A_53 = arith.constant 0 : i32
    %dma_start3A_54 = tpu.memref_slice %arg2[%dma_start3A_52, %dma_start3A_53] : memref<33072x128xf32, #tpu.memory_space<hbm>> -> memref<33072x128xf32, #tpu.memory_space<hbm>>
    tpu.enqueue_indirect_dma source(%dma_start3A_54 : memref<33072x128xf32, #tpu.memory_space<hbm>>) target(%arg13 : memref<320x128xf32, #tpu.memory_space<vmem>>) offsets(%dma_start3A_51 : memref<320xi32, #tpu.memory_space<vmem>>) semaphore(%arg15 : memref<!tpu.dma_semaphore, #tpu.memory_space<semaphore_mem>>)
    %dma_wait3A_55 = arith.constant 320 : i32
    %dma_wait3A_56 = tpu.memref_slice %arg12[%dma_wait3A_55] : memref<3840xi32, #tpu.memory_space<vmem>> -> memref<320xi32, #tpu.memory_space<vmem>>
    %dma_wait3A_57 = arith.constant 0 : i32
    %dma_wait3A_58 = arith.constant 0 : i32
    %dma_wait3A_59 = tpu.memref_slice %arg2[%dma_wait3A_57, %dma_wait3A_58] : memref<33072x128xf32, #tpu.memory_space<hbm>> -> memref<33072x128xf32, #tpu.memory_space<hbm>>
    tpu.wait_indirect_dma semaphore(%arg16 : memref<!tpu.dma_semaphore, #tpu.memory_space<semaphore_mem>>) src(%dma_wait3A_59 : memref<33072x128xf32, #tpu.memory_space<hbm>>) dst(%arg14 : memref<320x128xf32, #tpu.memory_space<vmem>>)
    %dma_start3A_60 = arith.constant 0 : i32
    %dma_start3A_61 = tpu.memref_slice %arg8[%add3A_8, %dma_start3A_60] : memref<61440x128xf32, #tpu.memory_space<hbm>> -> memref<320x128xf32, #tpu.memory_space<hbm>>
    %dma_start3A_62 = arith.constant 0 : i32
    %dma_start3A_63 = tpu.memref_slice %arg8[%add3A_8, %dma_start3A_62] : memref<61440x128xf32, #tpu.memory_space<hbm>> -> memref<320x128xf32, #tpu.memory_space<hbm>>
    tpu.enqueue_dma source(%arg14 : memref<320x128xf32, #tpu.memory_space<vmem>>) target(%dma_start3A_63 : memref<320x128xf32, #tpu.memory_space<hbm>>) target_semaphore(%arg18 : memref<!tpu.dma_semaphore, #tpu.memory_space<semaphore_mem>>)
    %dma_wait3A_64 = arith.constant 0 : i32
    %dma_wait3A_65 = tpu.memref_slice %arg8[%add3A_8, %dma_wait3A_64] : memref<61440x128xf32, #tpu.memory_space<hbm>> -> memref<320x128xf32, #tpu.memory_space<hbm>>
    %dma_wait3A_66 = arith.constant 0 : i32
    %dma_wait3A_67 = tpu.memref_slice %arg8[%add3A_8, %dma_wait3A_66] : memref<61440x128xf32, #tpu.memory_space<hbm>> -> memref<320x128xf32, #tpu.memory_space<hbm>>
    tpu.wait_dma2 semaphore(%arg18 : memref<!tpu.dma_semaphore, #tpu.memory_space<semaphore_mem>>) src(%arg14 : memref<320x128xf32, #tpu.memory_space<vmem>>) dst(%dma_wait3A_67 : memref<320x128xf32, #tpu.memory_space<hbm>>)
    %dma_start3A_68 = arith.constant 960 : i32
    %dma_start3A_69 = tpu.memref_slice %arg12[%dma_start3A_68] : memref<3840xi32, #tpu.memory_space<vmem>> -> memref<320xi32, #tpu.memory_space<vmem>>
    %dma_start3A_70 = arith.constant 0 : i32
    %dma_start3A_71 = arith.constant 0 : i32
    %dma_start3A_72 = tpu.memref_slice %arg2[%dma_start3A_70, %dma_start3A_71] : memref<33072x128xf32, #tpu.memory_space<hbm>> -> memref<33072x128xf32, #tpu.memory_space<hbm>>
    tpu.enqueue_indirect_dma source(%dma_start3A_72 : memref<33072x128xf32, #tpu.memory_space<hbm>>) target(%arg14 : memref<320x128xf32, #tpu.memory_space<vmem>>) offsets(%dma_start3A_69 : memref<320xi32, #tpu.memory_space<vmem>>) semaphore(%arg16 : memref<!tpu.dma_semaphore, #tpu.memory_space<semaphore_mem>>)
    %dma_wait3A_73 = arith.constant 640 : i32
    %dma_wait3A_74 = tpu.memref_slice %arg12[%dma_wait3A_73] : memref<3840xi32, #tpu.memory_space<vmem>> -> memref<320xi32, #tpu.memory_space<vmem>>
    %dma_wait3A_75 = arith.constant 0 : i32
    %dma_wait3A_76 = arith.constant 0 : i32
    %dma_wait3A_77 = tpu.memref_slice %arg2[%dma_wait3A_75, %dma_wait3A_76] : memref<33072x128xf32, #tpu.memory_space<hbm>> -> memref<33072x128xf32, #tpu.memory_space<hbm>>
    tpu.wait_indirect_dma semaphore(%arg15 : memref<!tpu.dma_semaphore, #tpu.memory_space<semaphore_mem>>) src(%dma_wait3A_77 : memref<33072x128xf32, #tpu.memory_space<hbm>>) dst(%arg13 : memref<320x128xf32, #tpu.memory_space<vmem>>)
    %dma_start3A_78 = arith.constant 0 : i32
    %dma_start3A_79 = tpu.memref_slice %arg8[%add3A_10, %dma_start3A_78] : memref<61440x128xf32, #tpu.memory_space<hbm>> -> memref<320x128xf32, #tpu.memory_space<hbm>>
    %dma_start3A_80 = arith.constant 0 : i32
    %dma_start3A_81 = tpu.memref_slice %arg8[%add3A_10, %dma_start3A_80] : memref<61440x128xf32, #tpu.memory_space<hbm>> -> memref<320x128xf32, #tpu.memory_space<hbm>>
    tpu.enqueue_dma source(%arg13 : memref<320x128xf32, #tpu.memory_space<vmem>>) target(%dma_start3A_81 : memref<320x128xf32, #tpu.memory_space<hbm>>) target_semaphore(%arg17 : memref<!tpu.dma_semaphore, #tpu.memory_space<semaphore_mem>>)
    %dma_wait3A_82 = arith.constant 0 : i32
    %dma_wait3A_83 = tpu.memref_slice %arg8[%add3A_10, %dma_wait3A_82] : memref<61440x128xf32, #tpu.memory_space<hbm>> -> memref<320x128xf32, #tpu.memory_space<hbm>>
    %dma_wait3A_84 = arith.constant 0 : i32
    %dma_wait3A_85 = tpu.memref_slice %arg8[%add3A_10, %dma_wait3A_84] : memref<61440x128xf32, #tpu.memory_space<hbm>> -> memref<320x128xf32, #tpu.memory_space<hbm>>
    tpu.wait_dma2 semaphore(%arg17 : memref<!tpu.dma_semaphore, #tpu.memory_space<semaphore_mem>>) src(%arg13 : memref<320x128xf32, #tpu.memory_space<vmem>>) dst(%dma_wait3A_85 : memref<320x128xf32, #tpu.memory_space<hbm>>)
    %dma_start3A_86 = arith.constant 1280 : i32
    %dma_start3A_87 = tpu.memref_slice %arg12[%dma_start3A_86] : memref<3840xi32, #tpu.memory_space<vmem>> -> memref<320xi32, #tpu.memory_space<vmem>>
    %dma_start3A_88 = arith.constant 0 : i32
    %dma_start3A_89 = arith.constant 0 : i32
    %dma_start3A_90 = tpu.memref_slice %arg2[%dma_start3A_88, %dma_start3A_89] : memref<33072x128xf32, #tpu.memory_space<hbm>> -> memref<33072x128xf32, #tpu.memory_space<hbm>>
    tpu.enqueue_indirect_dma source(%dma_start3A_90 : memref<33072x128xf32, #tpu.memory_space<hbm>>) target(%arg13 : memref<320x128xf32, #tpu.memory_space<vmem>>) offsets(%dma_start3A_87 : memref<320xi32, #tpu.memory_space<vmem>>) semaphore(%arg15 : memref<!tpu.dma_semaphore, #tpu.memory_space<semaphore_mem>>)
    %dma_wait3A_91 = arith.constant 960 : i32
    %dma_wait3A_92 = tpu.memref_slice %arg12[%dma_wait3A_91] : memref<3840xi32, #tpu.memory_space<vmem>> -> memref<320xi32, #tpu.memory_space<vmem>>
    %dma_wait3A_93 = arith.constant 0 : i32
    %dma_wait3A_94 = arith.constant 0 : i32
    %dma_wait3A_95 = tpu.memref_slice %arg2[%dma_wait3A_93, %dma_wait3A_94] : memref<33072x128xf32, #tpu.memory_space<hbm>> -> memref<33072x128xf32, #tpu.memory_space<hbm>>
    tpu.wait_indirect_dma semaphore(%arg16 : memref<!tpu.dma_semaphore, #tpu.memory_space<semaphore_mem>>) src(%dma_wait3A_95 : memref<33072x128xf32, #tpu.memory_space<hbm>>) dst(%arg14 : memref<320x128xf32, #tpu.memory_space<vmem>>)
    %dma_start3A_96 = arith.constant 0 : i32
    %dma_start3A_97 = tpu.memref_slice %arg8[%add3A_12, %dma_start3A_96] : memref<61440x128xf32, #tpu.memory_space<hbm>> -> memref<320x128xf32, #tpu.memory_space<hbm>>
    %dma_start3A_98 = arith.constant 0 : i32
    %dma_start3A_99 = tpu.memref_slice %arg8[%add3A_12, %dma_start3A_98] : memref<61440x128xf32, #tpu.memory_space<hbm>> -> memref<320x128xf32, #tpu.memory_space<hbm>>
    tpu.enqueue_dma source(%arg14 : memref<320x128xf32, #tpu.memory_space<vmem>>) target(%dma_start3A_99 : memref<320x128xf32, #tpu.memory_space<hbm>>) target_semaphore(%arg18 : memref<!tpu.dma_semaphore, #tpu.memory_space<semaphore_mem>>)
    %dma_wait3A_100 = arith.constant 0 : i32
    %dma_wait3A_101 = tpu.memref_slice %arg8[%add3A_12, %dma_wait3A_100] : memref<61440x128xf32, #tpu.memory_space<hbm>> -> memref<320x128xf32, #tpu.memory_space<hbm>>
    %dma_wait3A_102 = arith.constant 0 : i32
    %dma_wait3A_103 = tpu.memref_slice %arg8[%add3A_12, %dma_wait3A_102] : memref<61440x128xf32, #tpu.memory_space<hbm>> -> memref<320x128xf32, #tpu.memory_space<hbm>>
    tpu.wait_dma2 semaphore(%arg18 : memref<!tpu.dma_semaphore, #tpu.memory_space<semaphore_mem>>) src(%arg14 : memref<320x128xf32, #tpu.memory_space<vmem>>) dst(%dma_wait3A_103 : memref<320x128xf32, #tpu.memory_space<hbm>>)
    %dma_start3A_104 = arith.constant 1600 : i32
    %dma_start3A_105 = tpu.memref_slice %arg12[%dma_start3A_104] : memref<3840xi32, #tpu.memory_space<vmem>> -> memref<320xi32, #tpu.memory_space<vmem>>
    %dma_start3A_106 = arith.constant 0 : i32
    %dma_start3A_107 = arith.constant 0 : i32
    %dma_start3A_108 = tpu.memref_slice %arg2[%dma_start3A_106, %dma_start3A_107] : memref<33072x128xf32, #tpu.memory_space<hbm>> -> memref<33072x128xf32, #tpu.memory_space<hbm>>
    tpu.enqueue_indirect_dma source(%dma_start3A_108 : memref<33072x128xf32, #tpu.memory_space<hbm>>) target(%arg14 : memref<320x128xf32, #tpu.memory_space<vmem>>) offsets(%dma_start3A_105 : memref<320xi32, #tpu.memory_space<vmem>>) semaphore(%arg16 : memref<!tpu.dma_semaphore, #tpu.memory_space<semaphore_mem>>)
    %dma_wait3A_109 = arith.constant 1280 : i32
    %dma_wait3A_110 = tpu.memref_slice %arg12[%dma_wait3A_109] : memref<3840xi32, #tpu.memory_space<vmem>> -> memref<320xi32, #tpu.memory_space<vmem>>
    %dma_wait3A_111 = arith.constant 0 : i32
    %dma_wait3A_112 = arith.constant 0 : i32
    %dma_wait3A_113 = tpu.memref_slice %arg2[%dma_wait3A_111, %dma_wait3A_112] : memref<33072x128xf32, #tpu.memory_space<hbm>> -> memref<33072x128xf32, #tpu.memory_space<hbm>>
    tpu.wait_indirect_dma semaphore(%arg15 : memref<!tpu.dma_semaphore, #tpu.memory_space<semaphore_mem>>) src(%dma_wait3A_113 : memref<33072x128xf32, #tpu.memory_space<hbm>>) dst(%arg13 : memref<320x128xf32, #tpu.memory_space<vmem>>)
    %dma_start3A_114 = arith.constant 0 : i32
    %dma_start3A_115 = tpu.memref_slice %arg8[%add3A_14, %dma_start3A_114] : memref<61440x128xf32, #tpu.memory_space<hbm>> -> memref<320x128xf32, #tpu.memory_space<hbm>>
    %dma_start3A_116 = arith.constant 0 : i32
    %dma_start3A_117 = tpu.memref_slice %arg8[%add3A_14, %dma_start3A_116] : memref<61440x128xf32, #tpu.memory_space<hbm>> -> memref<320x128xf32, #tpu.memory_space<hbm>>
    tpu.enqueue_dma source(%arg13 : memref<320x128xf32, #tpu.memory_space<vmem>>) target(%dma_start3A_117 : memref<320x128xf32, #tpu.memory_space<hbm>>) target_semaphore(%arg17 : memref<!tpu.dma_semaphore, #tpu.memory_space<semaphore_mem>>)
    %dma_wait3A_118 = arith.constant 0 : i32
    %dma_wait3A_119 = tpu.memref_slice %arg8[%add3A_14, %dma_wait3A_118] : memref<61440x128xf32, #tpu.memory_space<hbm>> -> memref<320x128xf32, #tpu.memory_space<hbm>>
    %dma_wait3A_120 = arith.constant 0 : i32
    %dma_wait3A_121 = tpu.memref_slice %arg8[%add3A_14, %dma_wait3A_120] : memref<61440x128xf32, #tpu.memory_space<hbm>> -> memref<320x128xf32, #tpu.memory_space<hbm>>
    tpu.wait_dma2 semaphore(%arg17 : memref<!tpu.dma_semaphore, #tpu.memory_space<semaphore_mem>>) src(%arg13 : memref<320x128xf32, #tpu.memory_space<vmem>>) dst(%dma_wait3A_121 : memref<320x128xf32, #tpu.memory_space<hbm>>)
    %dma_start3A_122 = arith.constant 1920 : i32
    %dma_start3A_123 = tpu.memref_slice %arg12[%dma_start3A_122] : memref<3840xi32, #tpu.memory_space<vmem>> -> memref<320xi32, #tpu.memory_space<vmem>>
    %dma_start3A_124 = arith.constant 0 : i32
    %dma_start3A_125 = arith.constant 0 : i32
    %dma_start3A_126 = tpu.memref_slice %arg3[%dma_start3A_124, %dma_start3A_125] : memref<200000x128xf32, #tpu.memory_space<hbm>> -> memref<200000x128xf32, #tpu.memory_space<hbm>>
    tpu.enqueue_indirect_dma source(%dma_start3A_126 : memref<200000x128xf32, #tpu.memory_space<hbm>>) target(%arg13 : memref<320x128xf32, #tpu.memory_space<vmem>>) offsets(%dma_start3A_123 : memref<320xi32, #tpu.memory_space<vmem>>) semaphore(%arg15 : memref<!tpu.dma_semaphore, #tpu.memory_space<semaphore_mem>>)
    %dma_wait3A_127 = arith.constant 1600 : i32
    %dma_wait3A_128 = tpu.memref_slice %arg12[%dma_wait3A_127] : memref<3840xi32, #tpu.memory_space<vmem>> -> memref<320xi32, #tpu.memory_space<vmem>>
    %dma_wait3A_129 = arith.constant 0 : i32
    %dma_wait3A_130 = arith.constant 0 : i32
    %dma_wait3A_131 = tpu.memref_slice %arg2[%dma_wait3A_129, %dma_wait3A_130] : memref<33072x128xf32, #tpu.memory_space<hbm>> -> memref<33072x128xf32, #tpu.memory_space<hbm>>
    tpu.wait_indirect_dma semaphore(%arg16 : memref<!tpu.dma_semaphore, #tpu.memory_space<semaphore_mem>>) src(%dma_wait3A_131 : memref<33072x128xf32, #tpu.memory_space<hbm>>) dst(%arg14 : memref<320x128xf32, #tpu.memory_space<vmem>>)
    %dma_start3A_132 = arith.constant 0 : i32
    %dma_start3A_133 = tpu.memref_slice %arg8[%add3A_16, %dma_start3A_132] : memref<61440x128xf32, #tpu.memory_space<hbm>> -> memref<320x128xf32, #tpu.memory_space<hbm>>
    %dma_start3A_134 = arith.constant 0 : i32
    %dma_start3A_135 = tpu.memref_slice %arg8[%add3A_16, %dma_start3A_134] : memref<61440x128xf32, #tpu.memory_space<hbm>> -> memref<320x128xf32, #tpu.memory_space<hbm>>
    tpu.enqueue_dma source(%arg14 : memref<320x128xf32, #tpu.memory_space<vmem>>) target(%dma_start3A_135 : memref<320x128xf32, #tpu.memory_space<hbm>>) target_semaphore(%arg18 : memref<!tpu.dma_semaphore, #tpu.memory_space<semaphore_mem>>)
    %dma_wait3A_136 = arith.constant 0 : i32
    %dma_wait3A_137 = tpu.memref_slice %arg8[%add3A_16, %dma_wait3A_136] : memref<61440x128xf32, #tpu.memory_space<hbm>> -> memref<320x128xf32, #tpu.memory_space<hbm>>
    %dma_wait3A_138 = arith.constant 0 : i32
    %dma_wait3A_139 = tpu.memref_slice %arg8[%add3A_16, %dma_wait3A_138] : memref<61440x128xf32, #tpu.memory_space<hbm>> -> memref<320x128xf32, #tpu.memory_space<hbm>>
    tpu.wait_dma2 semaphore(%arg18 : memref<!tpu.dma_semaphore, #tpu.memory_space<semaphore_mem>>) src(%arg14 : memref<320x128xf32, #tpu.memory_space<vmem>>) dst(%dma_wait3A_139 : memref<320x128xf32, #tpu.memory_space<hbm>>)
    %dma_start3A_140 = arith.constant 2240 : i32
    %dma_start3A_141 = tpu.memref_slice %arg12[%dma_start3A_140] : memref<3840xi32, #tpu.memory_space<vmem>> -> memref<320xi32, #tpu.memory_space<vmem>>
    %dma_start3A_142 = arith.constant 0 : i32
    %dma_start3A_143 = arith.constant 0 : i32
    %dma_start3A_144 = tpu.memref_slice %arg3[%dma_start3A_142, %dma_start3A_143] : memref<200000x128xf32, #tpu.memory_space<hbm>> -> memref<200000x128xf32, #tpu.memory_space<hbm>>
    tpu.enqueue_indirect_dma source(%dma_start3A_144 : memref<200000x128xf32, #tpu.memory_space<hbm>>) target(%arg14 : memref<320x128xf32, #tpu.memory_space<vmem>>) offsets(%dma_start3A_141 : memref<320xi32, #tpu.memory_space<vmem>>) semaphore(%arg16 : memref<!tpu.dma_semaphore, #tpu.memory_space<semaphore_mem>>)
    %dma_wait3A_145 = arith.constant 1920 : i32
    %dma_wait3A_146 = tpu.memref_slice %arg12[%dma_wait3A_145] : memref<3840xi32, #tpu.memory_space<vmem>> -> memref<320xi32, #tpu.memory_space<vmem>>
    %dma_wait3A_147 = arith.constant 0 : i32
    %dma_wait3A_148 = arith.constant 0 : i32
    %dma_wait3A_149 = tpu.memref_slice %arg3[%dma_wait3A_147, %dma_wait3A_148] : memref<200000x128xf32, #tpu.memory_space<hbm>> -> memref<200000x128xf32, #tpu.memory_space<hbm>>
    tpu.wait_indirect_dma semaphore(%arg15 : memref<!tpu.dma_semaphore, #tpu.memory_space<semaphore_mem>>) src(%dma_wait3A_149 : memref<200000x128xf32, #tpu.memory_space<hbm>>) dst(%arg13 : memref<320x128xf32, #tpu.memory_space<vmem>>)
    %dma_start3A_150 = arith.constant 0 : i32
    %dma_start3A_151 = tpu.memref_slice %arg9[%add3A_18, %dma_start3A_150] : memref<61440x128xf32, #tpu.memory_space<hbm>> -> memref<320x128xf32, #tpu.memory_space<hbm>>
    %dma_start3A_152 = arith.constant 0 : i32
    %dma_start3A_153 = tpu.memref_slice %arg9[%add3A_18, %dma_start3A_152] : memref<61440x128xf32, #tpu.memory_space<hbm>> -> memref<320x128xf32, #tpu.memory_space<hbm>>
    tpu.enqueue_dma source(%arg13 : memref<320x128xf32, #tpu.memory_space<vmem>>) target(%dma_start3A_153 : memref<320x128xf32, #tpu.memory_space<hbm>>) target_semaphore(%arg17 : memref<!tpu.dma_semaphore, #tpu.memory_space<semaphore_mem>>)
    %dma_wait3A_154 = arith.constant 0 : i32
    %dma_wait3A_155 = tpu.memref_slice %arg9[%add3A_18, %dma_wait3A_154] : memref<61440x128xf32, #tpu.memory_space<hbm>> -> memref<320x128xf32, #tpu.memory_space<hbm>>
    %dma_wait3A_156 = arith.constant 0 : i32
    %dma_wait3A_157 = tpu.memref_slice %arg9[%add3A_18, %dma_wait3A_156] : memref<61440x128xf32, #tpu.memory_space<hbm>> -> memref<320x128xf32, #tpu.memory_space<hbm>>
    tpu.wait_dma2 semaphore(%arg17 : memref<!tpu.dma_semaphore, #tpu.memory_space<semaphore_mem>>) src(%arg13 : memref<320x128xf32, #tpu.memory_space<vmem>>) dst(%dma_wait3A_157 : memref<320x128xf32, #tpu.memory_space<hbm>>)
    %dma_start3A_158 = arith.constant 2560 : i32
    %dma_start3A_159 = tpu.memref_slice %arg12[%dma_start3A_158] : memref<3840xi32, #tpu.memory_space<vmem>> -> memref<320xi32, #tpu.memory_space<vmem>>
    %dma_start3A_160 = arith.constant 0 : i32
    %dma_start3A_161 = arith.constant 0 : i32
    %dma_start3A_162 = tpu.memref_slice %arg3[%dma_start3A_160, %dma_start3A_161] : memref<200000x128xf32, #tpu.memory_space<hbm>> -> memref<200000x128xf32, #tpu.memory_space<hbm>>
    tpu.enqueue_indirect_dma source(%dma_start3A_162 : memref<200000x128xf32, #tpu.memory_space<hbm>>) target(%arg13 : memref<320x128xf32, #tpu.memory_space<vmem>>) offsets(%dma_start3A_159 : memref<320xi32, #tpu.memory_space<vmem>>) semaphore(%arg15 : memref<!tpu.dma_semaphore, #tpu.memory_space<semaphore_mem>>)
    %dma_wait3A_163 = arith.constant 2240 : i32
    %dma_wait3A_164 = tpu.memref_slice %arg12[%dma_wait3A_163] : memref<3840xi32, #tpu.memory_space<vmem>> -> memref<320xi32, #tpu.memory_space<vmem>>
    %dma_wait3A_165 = arith.constant 0 : i32
    %dma_wait3A_166 = arith.constant 0 : i32
    %dma_wait3A_167 = tpu.memref_slice %arg3[%dma_wait3A_165, %dma_wait3A_166] : memref<200000x128xf32, #tpu.memory_space<hbm>> -> memref<200000x128xf32, #tpu.memory_space<hbm>>
    tpu.wait_indirect_dma semaphore(%arg16 : memref<!tpu.dma_semaphore, #tpu.memory_space<semaphore_mem>>) src(%dma_wait3A_167 : memref<200000x128xf32, #tpu.memory_space<hbm>>) dst(%arg14 : memref<320x128xf32, #tpu.memory_space<vmem>>)
    %dma_start3A_168 = arith.constant 0 : i32
    %dma_start3A_169 = tpu.memref_slice %arg9[%add3A_20, %dma_start3A_168] : memref<61440x128xf32, #tpu.memory_space<hbm>> -> memref<320x128xf32, #tpu.memory_space<hbm>>
    %dma_start3A_170 = arith.constant 0 : i32
    %dma_start3A_171 = tpu.memref_slice %arg9[%add3A_20, %dma_start3A_170] : memref<61440x128xf32, #tpu.memory_space<hbm>> -> memref<320x128xf32, #tpu.memory_space<hbm>>
    tpu.enqueue_dma source(%arg14 : memref<320x128xf32, #tpu.memory_space<vmem>>) target(%dma_start3A_171 : memref<320x128xf32, #tpu.memory_space<hbm>>) target_semaphore(%arg18 : memref<!tpu.dma_semaphore, #tpu.memory_space<semaphore_mem>>)
    %dma_wait3A_172 = arith.constant 0 : i32
    %dma_wait3A_173 = tpu.memref_slice %arg9[%add3A_20, %dma_wait3A_172] : memref<61440x128xf32, #tpu.memory_space<hbm>> -> memref<320x128xf32, #tpu.memory_space<hbm>>
    %dma_wait3A_174 = arith.constant 0 : i32
    %dma_wait3A_175 = tpu.memref_slice %arg9[%add3A_20, %dma_wait3A_174] : memref<61440x128xf32, #tpu.memory_space<hbm>> -> memref<320x128xf32, #tpu.memory_space<hbm>>
    tpu.wait_dma2 semaphore(%arg18 : memref<!tpu.dma_semaphore, #tpu.memory_space<semaphore_mem>>) src(%arg14 : memref<320x128xf32, #tpu.memory_space<vmem>>) dst(%dma_wait3A_175 : memref<320x128xf32, #tpu.memory_space<hbm>>)
    %dma_start3A_176 = arith.constant 2880 : i32
    %dma_start3A_177 = tpu.memref_slice %arg12[%dma_start3A_176] : memref<3840xi32, #tpu.memory_space<vmem>> -> memref<320xi32, #tpu.memory_space<vmem>>
    %dma_start3A_178 = arith.constant 0 : i32
    %dma_start3A_179 = arith.constant 0 : i32
    %dma_start3A_180 = tpu.memref_slice %arg3[%dma_start3A_178, %dma_start3A_179] : memref<200000x128xf32, #tpu.memory_space<hbm>> -> memref<200000x128xf32, #tpu.memory_space<hbm>>
    tpu.enqueue_indirect_dma source(%dma_start3A_180 : memref<200000x128xf32, #tpu.memory_space<hbm>>) target(%arg14 : memref<320x128xf32, #tpu.memory_space<vmem>>) offsets(%dma_start3A_177 : memref<320xi32, #tpu.memory_space<vmem>>) semaphore(%arg16 : memref<!tpu.dma_semaphore, #tpu.memory_space<semaphore_mem>>)
    %dma_wait3A_181 = arith.constant 2560 : i32
    %dma_wait3A_182 = tpu.memref_slice %arg12[%dma_wait3A_181] : memref<3840xi32, #tpu.memory_space<vmem>> -> memref<320xi32, #tpu.memory_space<vmem>>
    %dma_wait3A_183 = arith.constant 0 : i32
    %dma_wait3A_184 = arith.constant 0 : i32
    %dma_wait3A_185 = tpu.memref_slice %arg3[%dma_wait3A_183, %dma_wait3A_184] : memref<200000x128xf32, #tpu.memory_space<hbm>> -> memref<200000x128xf32, #tpu.memory_space<hbm>>
    tpu.wait_indirect_dma semaphore(%arg15 : memref<!tpu.dma_semaphore, #tpu.memory_space<semaphore_mem>>) src(%dma_wait3A_185 : memref<200000x128xf32, #tpu.memory_space<hbm>>) dst(%arg13 : memref<320x128xf32, #tpu.memory_space<vmem>>)
    %dma_start3A_186 = arith.constant 0 : i32
    %dma_start3A_187 = tpu.memref_slice %arg9[%add3A_22, %dma_start3A_186] : memref<61440x128xf32, #tpu.memory_space<hbm>> -> memref<320x128xf32, #tpu.memory_space<hbm>>
    %dma_start3A_188 = arith.constant 0 : i32
    %dma_start3A_189 = tpu.memref_slice %arg9[%add3A_22, %dma_start3A_188] : memref<61440x128xf32, #tpu.memory_space<hbm>> -> memref<320x128xf32, #tpu.memory_space<hbm>>
    tpu.enqueue_dma source(%arg13 : memref<320x128xf32, #tpu.memory_space<vmem>>) target(%dma_start3A_189 : memref<320x128xf32, #tpu.memory_space<hbm>>) target_semaphore(%arg17 : memref<!tpu.dma_semaphore, #tpu.memory_space<semaphore_mem>>)
    %dma_wait3A_190 = arith.constant 0 : i32
    %dma_wait3A_191 = tpu.memref_slice %arg9[%add3A_22, %dma_wait3A_190] : memref<61440x128xf32, #tpu.memory_space<hbm>> -> memref<320x128xf32, #tpu.memory_space<hbm>>
    %dma_wait3A_192 = arith.constant 0 : i32
    %dma_wait3A_193 = tpu.memref_slice %arg9[%add3A_22, %dma_wait3A_192] : memref<61440x128xf32, #tpu.memory_space<hbm>> -> memref<320x128xf32, #tpu.memory_space<hbm>>
    tpu.wait_dma2 semaphore(%arg17 : memref<!tpu.dma_semaphore, #tpu.memory_space<semaphore_mem>>) src(%arg13 : memref<320x128xf32, #tpu.memory_space<vmem>>) dst(%dma_wait3A_193 : memref<320x128xf32, #tpu.memory_space<hbm>>)
    %dma_start3A_194 = arith.constant 3200 : i32
    %dma_start3A_195 = tpu.memref_slice %arg12[%dma_start3A_194] : memref<3840xi32, #tpu.memory_space<vmem>> -> memref<320xi32, #tpu.memory_space<vmem>>
    %dma_start3A_196 = arith.constant 0 : i32
    %dma_start3A_197 = arith.constant 0 : i32
    %dma_start3A_198 = tpu.memref_slice %arg3[%dma_start3A_196, %dma_start3A_197] : memref<200000x128xf32, #tpu.memory_space<hbm>> -> memref<200000x128xf32, #tpu.memory_space<hbm>>
    tpu.enqueue_indirect_dma source(%dma_start3A_198 : memref<200000x128xf32, #tpu.memory_space<hbm>>) target(%arg13 : memref<320x128xf32, #tpu.memory_space<vmem>>) offsets(%dma_start3A_195 : memref<320xi32, #tpu.memory_space<vmem>>) semaphore(%arg15 : memref<!tpu.dma_semaphore, #tpu.memory_space<semaphore_mem>>)
    %dma_wait3A_199 = arith.constant 2880 : i32
    %dma_wait3A_200 = tpu.memref_slice %arg12[%dma_wait3A_199] : memref<3840xi32, #tpu.memory_space<vmem>> -> memref<320xi32, #tpu.memory_space<vmem>>
    %dma_wait3A_201 = arith.constant 0 : i32
    %dma_wait3A_202 = arith.constant 0 : i32
    %dma_wait3A_203 = tpu.memref_slice %arg3[%dma_wait3A_201, %dma_wait3A_202] : memref<200000x128xf32, #tpu.memory_space<hbm>> -> memref<200000x128xf32, #tpu.memory_space<hbm>>
    tpu.wait_indirect_dma semaphore(%arg16 : memref<!tpu.dma_semaphore, #tpu.memory_space<semaphore_mem>>) src(%dma_wait3A_203 : memref<200000x128xf32, #tpu.memory_space<hbm>>) dst(%arg14 : memref<320x128xf32, #tpu.memory_space<vmem>>)
    %dma_start3A_204 = arith.constant 0 : i32
    %dma_start3A_205 = tpu.memref_slice %arg9[%add3A_24, %dma_start3A_204] : memref<61440x128xf32, #tpu.memory_space<hbm>> -> memref<320x128xf32, #tpu.memory_space<hbm>>
    %dma_start3A_206 = arith.constant 0 : i32
    %dma_start3A_207 = tpu.memref_slice %arg9[%add3A_24, %dma_start3A_206] : memref<61440x128xf32, #tpu.memory_space<hbm>> -> memref<320x128xf32, #tpu.memory_space<hbm>>
    tpu.enqueue_dma source(%arg14 : memref<320x128xf32, #tpu.memory_space<vmem>>) target(%dma_start3A_207 : memref<320x128xf32, #tpu.memory_space<hbm>>) target_semaphore(%arg18 : memref<!tpu.dma_semaphore, #tpu.memory_space<semaphore_mem>>)
    %dma_wait3A_208 = arith.constant 0 : i32
    %dma_wait3A_209 = tpu.memref_slice %arg9[%add3A_24, %dma_wait3A_208] : memref<61440x128xf32, #tpu.memory_space<hbm>> -> memref<320x128xf32, #tpu.memory_space<hbm>>
    %dma_wait3A_210 = arith.constant 0 : i32
    %dma_wait3A_211 = tpu.memref_slice %arg9[%add3A_24, %dma_wait3A_210] : memref<61440x128xf32, #tpu.memory_space<hbm>> -> memref<320x128xf32, #tpu.memory_space<hbm>>
    tpu.wait_dma2 semaphore(%arg18 : memref<!tpu.dma_semaphore, #tpu.memory_space<semaphore_mem>>) src(%arg14 : memref<320x128xf32, #tpu.memory_space<vmem>>) dst(%dma_wait3A_211 : memref<320x128xf32, #tpu.memory_space<hbm>>)
    %dma_start3A_212 = arith.constant 3520 : i32
    %dma_start3A_213 = tpu.memref_slice %arg12[%dma_start3A_212] : memref<3840xi32, #tpu.memory_space<vmem>> -> memref<320xi32, #tpu.memory_space<vmem>>
    %dma_start3A_214 = arith.constant 0 : i32
    %dma_start3A_215 = arith.constant 0 : i32
    %dma_start3A_216 = tpu.memref_slice %arg3[%dma_start3A_214, %dma_start3A_215] : memref<200000x128xf32, #tpu.memory_space<hbm>> -> memref<200000x128xf32, #tpu.memory_space<hbm>>
    tpu.enqueue_indirect_dma source(%dma_start3A_216 : memref<200000x128xf32, #tpu.memory_space<hbm>>) target(%arg14 : memref<320x128xf32, #tpu.memory_space<vmem>>) offsets(%dma_start3A_213 : memref<320xi32, #tpu.memory_space<vmem>>) semaphore(%arg16 : memref<!tpu.dma_semaphore, #tpu.memory_space<semaphore_mem>>)
    %dma_wait3A_217 = arith.constant 3200 : i32
    %dma_wait3A_218 = tpu.memref_slice %arg12[%dma_wait3A_217] : memref<3840xi32, #tpu.memory_space<vmem>> -> memref<320xi32, #tpu.memory_space<vmem>>
    %dma_wait3A_219 = arith.constant 0 : i32
    %dma_wait3A_220 = arith.constant 0 : i32
    %dma_wait3A_221 = tpu.memref_slice %arg3[%dma_wait3A_219, %dma_wait3A_220] : memref<200000x128xf32, #tpu.memory_space<hbm>> -> memref<200000x128xf32, #tpu.memory_space<hbm>>
    tpu.wait_indirect_dma semaphore(%arg15 : memref<!tpu.dma_semaphore, #tpu.memory_space<semaphore_mem>>) src(%dma_wait3A_221 : memref<200000x128xf32, #tpu.memory_space<hbm>>) dst(%arg13 : memref<320x128xf32, #tpu.memory_space<vmem>>)
    %dma_start3A_222 = arith.constant 0 : i32
    %dma_start3A_223 = tpu.memref_slice %arg9[%add3A_26, %dma_start3A_222] : memref<61440x128xf32, #tpu.memory_space<hbm>> -> memref<320x128xf32, #tpu.memory_space<hbm>>
    %dma_start3A_224 = arith.constant 0 : i32
    %dma_start3A_225 = tpu.memref_slice %arg9[%add3A_26, %dma_start3A_224] : memref<61440x128xf32, #tpu.memory_space<hbm>> -> memref<320x128xf32, #tpu.memory_space<hbm>>
    tpu.enqueue_dma source(%arg13 : memref<320x128xf32, #tpu.memory_space<vmem>>) target(%dma_start3A_225 : memref<320x128xf32, #tpu.memory_space<hbm>>) target_semaphore(%arg17 : memref<!tpu.dma_semaphore, #tpu.memory_space<semaphore_mem>>)
    %dma_wait3A_226 = arith.constant 3520 : i32
    %dma_wait3A_227 = tpu.memref_slice %arg12[%dma_wait3A_226] : memref<3840xi32, #tpu.memory_space<vmem>> -> memref<320xi32, #tpu.memory_space<vmem>>
    %dma_wait3A_228 = arith.constant 0 : i32
    %dma_wait3A_229 = arith.constant 0 : i32
    %dma_wait3A_230 = tpu.memref_slice %arg3[%dma_wait3A_228, %dma_wait3A_229] : memref<200000x128xf32, #tpu.memory_space<hbm>> -> memref<200000x128xf32, #tpu.memory_space<hbm>>
    tpu.wait_indirect_dma semaphore(%arg16 : memref<!tpu.dma_semaphore, #tpu.memory_space<semaphore_mem>>) src(%dma_wait3A_230 : memref<200000x128xf32, #tpu.memory_space<hbm>>) dst(%arg14 : memref<320x128xf32, #tpu.memory_space<vmem>>)
    "tpu.region"() ({
      %run_scoped3A = tpu.sem_alloc : memref<!tpu.dma_semaphore, #tpu.memory_space<semaphore_mem>>
      %dma_start3A_235 = arith.constant 0 : i32
      %dma_start3A_236 = tpu.memref_slice %arg9[%add3A_28, %dma_start3A_235] : memref<61440x128xf32, #tpu.memory_space<hbm>> -> memref<320x128xf32, #tpu.memory_space<hbm>>
      %dma_start3A_237 = arith.constant 0 : i32
      %dma_start3A_238 = tpu.memref_slice %arg9[%add3A_28, %dma_start3A_237] : memref<61440x128xf32, #tpu.memory_space<hbm>> -> memref<320x128xf32, #tpu.memory_space<hbm>>
      tpu.enqueue_dma source(%arg14 : memref<320x128xf32, #tpu.memory_space<vmem>>) target(%dma_start3A_238 : memref<320x128xf32, #tpu.memory_space<hbm>>) target_semaphore(%run_scoped3A : memref<!tpu.dma_semaphore, #tpu.memory_space<semaphore_mem>>)
      %dma_wait3A_239 = arith.constant 0 : i32
      %dma_wait3A_240 = tpu.memref_slice %arg9[%add3A_28, %dma_wait3A_239] : memref<61440x128xf32, #tpu.memory_space<hbm>> -> memref<320x128xf32, #tpu.memory_space<hbm>>
      %dma_wait3A_241 = arith.constant 0 : i32
      %dma_wait3A_242 = tpu.memref_slice %arg9[%add3A_28, %dma_wait3A_241] : memref<61440x128xf32, #tpu.memory_space<hbm>> -> memref<320x128xf32, #tpu.memory_space<hbm>>
      tpu.wait_dma2 semaphore(%run_scoped3A : memref<!tpu.dma_semaphore, #tpu.memory_space<semaphore_mem>>) src(%arg14 : memref<320x128xf32, #tpu.memory_space<vmem>>) dst(%dma_wait3A_242 : memref<320x128xf32, #tpu.memory_space<hbm>>)
      tpu.yield
    }) : () -> ()
    %dma_wait3A_231 = arith.constant 0 : i32
    %dma_wait3A_232 = tpu.memref_slice %arg9[%add3A_26, %dma_wait3A_231] : memref<61440x128xf32, #tpu.memory_space<hbm>> -> memref<320x128xf32, #tpu.memory_space<hbm>>
    %dma_wait3A_233 = arith.constant 0 : i32
    %dma_wait3A_234 = tpu.memref_slice %arg9[%add3A_26, %dma_wait3A_233] : memref<61440x128xf32, #tpu.memory_space<hbm>> -> memref<320x128xf32, #tpu.memory_space<hbm>>
    tpu.wait_dma2 semaphore(%arg17 : memref<!tpu.dma_semaphore, #tpu.memory_space<semaphore_mem>>) src(%arg13 : memref<320x128xf32, #tpu.memory_space<vmem>>) dst(%dma_wait3A_234 : memref<320x128xf32, #tpu.memory_space<hbm>>)
    return
  }
}

#map = affine_map<(d0, d1) -> (0, 0)>
#map1 = affine_map<(d0, d1) -> (0)>
module attributes {stable_mosaic.version = 14 : i64} {
  func.func @_gather1_body(%arg0: i32, %arg1: i32, %arg2: memref<30000x128xf32, #tpu.memory_space<hbm>>, %arg3: memref<200000x128xf32, #tpu.memory_space<hbm>>, %arg4: memref<30000xf32, #tpu.memory_space<hbm>>, %arg5: memref<3072xi32, #tpu.memory_space<hbm>>, %arg6: memref<1024xi32, #tpu.memory_space<hbm>>, %arg7: memref<3072x128xf32, #tpu.memory_space<hbm>>, %arg8: memref<1024x128xf32, #tpu.memory_space<hbm>>, %arg9: memref<3072xf32, #tpu.memory_space<hbm>>, %arg10: memref<96xi32, #tpu.memory_space<vmem>>, %arg11: memref<96x128xf32, #tpu.memory_space<vmem>>, %arg12: memref<32xi32, #tpu.memory_space<vmem>>, %arg13: memref<32x128xf32, #tpu.memory_space<vmem>>, %arg14: memref<30720xf32, #tpu.memory_space<vmem>>, %arg15: memref<96xf32, #tpu.memory_space<vmem>>) attributes {dimension_semantics = [#tpu.dimension_semantics<core_parallel>, #tpu.dimension_semantics<subcore_parallel>], iteration_bounds = array<i64: 2, 16>, scalar_prefetch = 0 : i64, scratch_operands = 6 : i64, tpu.core_type = #tpu.core_type<sc_vector_subcore>, window_params = [{transform_indices = #map}, {transform_indices = #map}, {transform_indices = #map1}, {transform_indices = #map1}, {transform_indices = #map1}, {transform_indices = #map}, {transform_indices = #map}, {transform_indices = #map1}]} {
    %mul3A = arith.constant 16 : i32
    %mul3A_0 = arith.muli %arg0, %mul3A : i32
    %add3A = arith.addi %mul3A_0, %arg1 : i32
    %mul3A_1 = arith.constant 96 : i32
    %mul3A_2 = arith.muli %add3A, %mul3A_1 : i32
    "tpu.region"() ({
      %run_scoped3A = tpu.sem_alloc : memref<!tpu.dma_semaphore, #tpu.memory_space<semaphore_mem>>
      %dma_start3A = tpu.memref_slice %arg5[%mul3A_2] : memref<3072xi32, #tpu.memory_space<hbm>> -> memref<96xi32, #tpu.memory_space<hbm>>
      %dma_start3A_11 = tpu.memref_slice %arg5[%mul3A_2] : memref<3072xi32, #tpu.memory_space<hbm>> -> memref<96xi32, #tpu.memory_space<hbm>>
      tpu.enqueue_dma source(%dma_start3A_11 : memref<96xi32, #tpu.memory_space<hbm>>) target(%arg10 : memref<96xi32, #tpu.memory_space<vmem>>) target_semaphore(%run_scoped3A : memref<!tpu.dma_semaphore, #tpu.memory_space<semaphore_mem>>)
      %dma_wait3A = tpu.memref_slice %arg5[%mul3A_2] : memref<3072xi32, #tpu.memory_space<hbm>> -> memref<96xi32, #tpu.memory_space<hbm>>
      %dma_wait3A_12 = tpu.memref_slice %arg5[%mul3A_2] : memref<3072xi32, #tpu.memory_space<hbm>> -> memref<96xi32, #tpu.memory_space<hbm>>
      tpu.wait_dma2 semaphore(%run_scoped3A : memref<!tpu.dma_semaphore, #tpu.memory_space<semaphore_mem>>) src(%dma_wait3A_12 : memref<96xi32, #tpu.memory_space<hbm>>) dst(%arg10 : memref<96xi32, #tpu.memory_space<vmem>>)
      tpu.yield
    }) : () -> ()
    "tpu.region"() ({
      %run_scoped3A = tpu.sem_alloc : memref<!tpu.dma_semaphore, #tpu.memory_space<semaphore_mem>>
      %dma_start3A = arith.constant 0 : i32
      %dma_start3A_11 = arith.constant 0 : i32
      %dma_start3A_12 = tpu.memref_slice %arg2[%dma_start3A, %dma_start3A_11] : memref<30000x128xf32, #tpu.memory_space<hbm>> -> memref<30000x128xf32, #tpu.memory_space<hbm>>
      tpu.enqueue_indirect_dma source(%dma_start3A_12 : memref<30000x128xf32, #tpu.memory_space<hbm>>) target(%arg11 : memref<96x128xf32, #tpu.memory_space<vmem>>) offsets(%arg10 : memref<96xi32, #tpu.memory_space<vmem>>) semaphore(%run_scoped3A : memref<!tpu.dma_semaphore, #tpu.memory_space<semaphore_mem>>)
      %dma_wait3A = arith.constant 0 : i32
      %dma_wait3A_13 = arith.constant 0 : i32
      %dma_wait3A_14 = tpu.memref_slice %arg2[%dma_wait3A, %dma_wait3A_13] : memref<30000x128xf32, #tpu.memory_space<hbm>> -> memref<30000x128xf32, #tpu.memory_space<hbm>>
      tpu.wait_indirect_dma semaphore(%run_scoped3A : memref<!tpu.dma_semaphore, #tpu.memory_space<semaphore_mem>>) src(%dma_wait3A_14 : memref<30000x128xf32, #tpu.memory_space<hbm>>) dst(%arg11 : memref<96x128xf32, #tpu.memory_space<vmem>>)
      tpu.yield
    }) : () -> ()
    "tpu.region"() ({
      %run_scoped3A = tpu.sem_alloc : memref<!tpu.dma_semaphore, #tpu.memory_space<semaphore_mem>>
      %dma_start3A = arith.constant 0 : i32
      %dma_start3A_11 = tpu.memref_slice %arg7[%mul3A_2, %dma_start3A] : memref<3072x128xf32, #tpu.memory_space<hbm>> -> memref<96x128xf32, #tpu.memory_space<hbm>>
      %dma_start3A_12 = arith.constant 0 : i32
      %dma_start3A_13 = tpu.memref_slice %arg7[%mul3A_2, %dma_start3A_12] : memref<3072x128xf32, #tpu.memory_space<hbm>> -> memref<96x128xf32, #tpu.memory_space<hbm>>
      tpu.enqueue_dma source(%arg11 : memref<96x128xf32, #tpu.memory_space<vmem>>) target(%dma_start3A_13 : memref<96x128xf32, #tpu.memory_space<hbm>>) target_semaphore(%run_scoped3A : memref<!tpu.dma_semaphore, #tpu.memory_space<semaphore_mem>>)
      %dma_wait3A = arith.constant 0 : i32
      %dma_wait3A_14 = tpu.memref_slice %arg7[%mul3A_2, %dma_wait3A] : memref<3072x128xf32, #tpu.memory_space<hbm>> -> memref<96x128xf32, #tpu.memory_space<hbm>>
      %dma_wait3A_15 = arith.constant 0 : i32
      %dma_wait3A_16 = tpu.memref_slice %arg7[%mul3A_2, %dma_wait3A_15] : memref<3072x128xf32, #tpu.memory_space<hbm>> -> memref<96x128xf32, #tpu.memory_space<hbm>>
      tpu.wait_dma2 semaphore(%run_scoped3A : memref<!tpu.dma_semaphore, #tpu.memory_space<semaphore_mem>>) src(%arg11 : memref<96x128xf32, #tpu.memory_space<vmem>>) dst(%dma_wait3A_16 : memref<96x128xf32, #tpu.memory_space<hbm>>)
      tpu.yield
    }) : () -> ()
    %mul3A_3 = arith.constant 32 : i32
    %mul3A_4 = arith.muli %add3A, %mul3A_3 : i32
    "tpu.region"() ({
      %run_scoped3A = tpu.sem_alloc : memref<!tpu.dma_semaphore, #tpu.memory_space<semaphore_mem>>
      %dma_start3A = tpu.memref_slice %arg6[%mul3A_4] : memref<1024xi32, #tpu.memory_space<hbm>> -> memref<32xi32, #tpu.memory_space<hbm>>
      %dma_start3A_11 = tpu.memref_slice %arg6[%mul3A_4] : memref<1024xi32, #tpu.memory_space<hbm>> -> memref<32xi32, #tpu.memory_space<hbm>>
      tpu.enqueue_dma source(%dma_start3A_11 : memref<32xi32, #tpu.memory_space<hbm>>) target(%arg12 : memref<32xi32, #tpu.memory_space<vmem>>) target_semaphore(%run_scoped3A : memref<!tpu.dma_semaphore, #tpu.memory_space<semaphore_mem>>)
      %dma_wait3A = tpu.memref_slice %arg6[%mul3A_4] : memref<1024xi32, #tpu.memory_space<hbm>> -> memref<32xi32, #tpu.memory_space<hbm>>
      %dma_wait3A_12 = tpu.memref_slice %arg6[%mul3A_4] : memref<1024xi32, #tpu.memory_space<hbm>> -> memref<32xi32, #tpu.memory_space<hbm>>
      tpu.wait_dma2 semaphore(%run_scoped3A : memref<!tpu.dma_semaphore, #tpu.memory_space<semaphore_mem>>) src(%dma_wait3A_12 : memref<32xi32, #tpu.memory_space<hbm>>) dst(%arg12 : memref<32xi32, #tpu.memory_space<vmem>>)
      tpu.yield
    }) : () -> ()
    "tpu.region"() ({
      %run_scoped3A = tpu.sem_alloc : memref<!tpu.dma_semaphore, #tpu.memory_space<semaphore_mem>>
      %dma_start3A = arith.constant 0 : i32
      %dma_start3A_11 = arith.constant 0 : i32
      %dma_start3A_12 = tpu.memref_slice %arg3[%dma_start3A, %dma_start3A_11] : memref<200000x128xf32, #tpu.memory_space<hbm>> -> memref<200000x128xf32, #tpu.memory_space<hbm>>
      tpu.enqueue_indirect_dma source(%dma_start3A_12 : memref<200000x128xf32, #tpu.memory_space<hbm>>) target(%arg13 : memref<32x128xf32, #tpu.memory_space<vmem>>) offsets(%arg12 : memref<32xi32, #tpu.memory_space<vmem>>) semaphore(%run_scoped3A : memref<!tpu.dma_semaphore, #tpu.memory_space<semaphore_mem>>)
      %dma_wait3A = arith.constant 0 : i32
      %dma_wait3A_13 = arith.constant 0 : i32
      %dma_wait3A_14 = tpu.memref_slice %arg3[%dma_wait3A, %dma_wait3A_13] : memref<200000x128xf32, #tpu.memory_space<hbm>> -> memref<200000x128xf32, #tpu.memory_space<hbm>>
      tpu.wait_indirect_dma semaphore(%run_scoped3A : memref<!tpu.dma_semaphore, #tpu.memory_space<semaphore_mem>>) src(%dma_wait3A_14 : memref<200000x128xf32, #tpu.memory_space<hbm>>) dst(%arg13 : memref<32x128xf32, #tpu.memory_space<vmem>>)
      tpu.yield
    }) : () -> ()
    "tpu.region"() ({
      %run_scoped3A = tpu.sem_alloc : memref<!tpu.dma_semaphore, #tpu.memory_space<semaphore_mem>>
      %dma_start3A = arith.constant 0 : i32
      %dma_start3A_11 = tpu.memref_slice %arg8[%mul3A_4, %dma_start3A] : memref<1024x128xf32, #tpu.memory_space<hbm>> -> memref<32x128xf32, #tpu.memory_space<hbm>>
      %dma_start3A_12 = arith.constant 0 : i32
      %dma_start3A_13 = tpu.memref_slice %arg8[%mul3A_4, %dma_start3A_12] : memref<1024x128xf32, #tpu.memory_space<hbm>> -> memref<32x128xf32, #tpu.memory_space<hbm>>
      tpu.enqueue_dma source(%arg13 : memref<32x128xf32, #tpu.memory_space<vmem>>) target(%dma_start3A_13 : memref<32x128xf32, #tpu.memory_space<hbm>>) target_semaphore(%run_scoped3A : memref<!tpu.dma_semaphore, #tpu.memory_space<semaphore_mem>>)
      %dma_wait3A = arith.constant 0 : i32
      %dma_wait3A_14 = tpu.memref_slice %arg8[%mul3A_4, %dma_wait3A] : memref<1024x128xf32, #tpu.memory_space<hbm>> -> memref<32x128xf32, #tpu.memory_space<hbm>>
      %dma_wait3A_15 = arith.constant 0 : i32
      %dma_wait3A_16 = tpu.memref_slice %arg8[%mul3A_4, %dma_wait3A_15] : memref<1024x128xf32, #tpu.memory_space<hbm>> -> memref<32x128xf32, #tpu.memory_space<hbm>>
      tpu.wait_dma2 semaphore(%run_scoped3A : memref<!tpu.dma_semaphore, #tpu.memory_space<semaphore_mem>>) src(%arg13 : memref<32x128xf32, #tpu.memory_space<vmem>>) dst(%dma_wait3A_16 : memref<32x128xf32, #tpu.memory_space<hbm>>)
      tpu.yield
    }) : () -> ()
    "tpu.region"() ({
      %run_scoped3A = tpu.sem_alloc : memref<!tpu.dma_semaphore, #tpu.memory_space<semaphore_mem>>
      %dma_start3A = arith.constant 0 : i32
      %dma_start3A_11 = tpu.memref_slice %arg14[%dma_start3A] : memref<30720xf32, #tpu.memory_space<vmem>> -> memref<30000xf32, #tpu.memory_space<vmem>>
      %dma_start3A_12 = arith.constant 0 : i32
      %dma_start3A_13 = tpu.memref_slice %arg14[%dma_start3A_12] : memref<30720xf32, #tpu.memory_space<vmem>> -> memref<30000xf32, #tpu.memory_space<vmem>>
      tpu.enqueue_dma source(%arg4 : memref<30000xf32, #tpu.memory_space<hbm>>) target(%dma_start3A_13 : memref<30000xf32, #tpu.memory_space<vmem>>) target_semaphore(%run_scoped3A : memref<!tpu.dma_semaphore, #tpu.memory_space<semaphore_mem>>)
      %dma_wait3A = arith.constant 0 : i32
      %dma_wait3A_14 = tpu.memref_slice %arg14[%dma_wait3A] : memref<30720xf32, #tpu.memory_space<vmem>> -> memref<30000xf32, #tpu.memory_space<vmem>>
      %dma_wait3A_15 = arith.constant 0 : i32
      %dma_wait3A_16 = tpu.memref_slice %arg14[%dma_wait3A_15] : memref<30720xf32, #tpu.memory_space<vmem>> -> memref<30000xf32, #tpu.memory_space<vmem>>
      tpu.wait_dma2 semaphore(%run_scoped3A : memref<!tpu.dma_semaphore, #tpu.memory_space<semaphore_mem>>) src(%arg4 : memref<30000xf32, #tpu.memory_space<hbm>>) dst(%dma_wait3A_16 : memref<30000xf32, #tpu.memory_space<vmem>>)
      tpu.yield
    }) : () -> ()
    %scan3A = arith.constant 0 : i32
    %scan3A_5 = arith.constant 0 : i32
    %scan3A_6 = arith.constant 6 : i32
    %scan3A_7 = arith.addi %scan3A_5, %scan3A_6 : i32
    %scan3A_8 = arith.constant 1 : i32
    %scan3A_9 = scf.for %scan3A_11 = %scan3A_5 to %scan3A_7 step %scan3A_8 iter_args(%scan3A_12 = %scan3A) -> (i32)  : i32 {
      %mul3A_13 = arith.constant 16 : i32
      %mul3A_14 = arith.muli %scan3A_11, %mul3A_13 : i32
      %get3A = arith.index_cast %mul3A_14 : i32 to index
      %get3A_15 = tpu.vector_load %arg10[%get3A] {strides = array<i32>} : memref<96xi32, #tpu.memory_space<vmem>>, vector<16xi32>,
      %gather3A = tpu.vector_load_idx %arg14[%get3A_15] : memref<30720xf32, #tpu.memory_space<vmem>>[vector<16xi32>], vector<16xf32>,
      %mul3A_16 = arith.constant 16 : i32
      %mul3A_17 = arith.muli %scan3A_11, %mul3A_16 : i32
      %swap3A = arith.index_cast %mul3A_17 : i32 to index
      %swap3A_18 = tpu.vector_load %arg15[%swap3A] {strides = array<i32>} : memref<96xf32, #tpu.memory_space<vmem>>, vector<16xf32>,
      tpu.vector_store %arg15[%swap3A], %gather3A {strides = array<i32>} : memref<96xf32, #tpu.memory_space<vmem>>, vector<16xf32>,
      %scan3A_19 = arith.constant 0 : i32
      scf.yield %scan3A_19 : i32
    }
    %scan3A_10 = arith.constant 6 : i32
    "tpu.region"() ({
      %run_scoped3A = tpu.sem_alloc : memref<!tpu.dma_semaphore, #tpu.memory_space<semaphore_mem>>
      %dma_start3A = tpu.memref_slice %arg9[%mul3A_2] : memref<3072xf32, #tpu.memory_space<hbm>> -> memref<96xf32, #tpu.memory_space<hbm>>
      %dma_start3A_11 = tpu.memref_slice %arg9[%mul3A_2] : memref<3072xf32, #tpu.memory_space<hbm>> -> memref<96xf32, #tpu.memory_space<hbm>>
      tpu.enqueue_dma source(%arg15 : memref<96xf32, #tpu.memory_space<vmem>>) target(%dma_start3A_11 : memref<96xf32, #tpu.memory_space<hbm>>) target_semaphore(%run_scoped3A : memref<!tpu.dma_semaphore, #tpu.memory_space<semaphore_mem>>)
      %dma_wait3A = tpu.memref_slice %arg9[%mul3A_2] : memref<3072xf32, #tpu.memory_space<hbm>> -> memref<96xf32, #tpu.memory_space<hbm>>
      %dma_wait3A_12 = tpu.memref_slice %arg9[%mul3A_2] : memref<3072xf32, #tpu.memory_space<hbm>> -> memref<96xf32, #tpu.memory_space<hbm>>
      tpu.wait_dma2 semaphore(%run_scoped3A : memref<!tpu.dma_semaphore, #tpu.memory_space<semaphore_mem>>) src(%arg15 : memref<96xf32, #tpu.memory_space<vmem>>) dst(%dma_wait3A_12 : memref<96xf32, #tpu.memory_space<hbm>>)
      tpu.yield
    }) : () -> ()
    return
  }
}

module attributes {stable_mosaic.version = 14 : i64} {
  func.func @_update_body(%arg0: memref<3072x128xf32, #tpu.memory_space<vmem>>, %arg1: memref<1024x128xf32, #tpu.memory_space<vmem>>, %arg2: memref<3072x1xf32, #tpu.memory_space<vmem>>, %arg3: memref<1024x1xf32, #tpu.memory_space<vmem>>, %arg4: memref<512x384xf32, #tpu.memory_space<vmem>>, %arg5: memref<128x384xf32, #tpu.memory_space<vmem>>, %arg6: memref<1x384xf32, #tpu.memory_space<vmem>>, %arg7: memref<1x128xf32, #tpu.memory_space<vmem>>, %arg8: memref<1x128xf32, #tpu.memory_space<vmem>>, %arg9: memref<3072x128xf32, #tpu.memory_space<vmem>>) attributes {dimension_semantics = [], scalar_prefetch = 0 : i64, scratch_operands = 0 : i64, tpu.core_type = #tpu.core_type<tc>} {
    %get3A = arith.constant 0 : index
    %get3A_0 = arith.constant 0 : index
    %get3A_1 = vector.load %arg0[%get3A, %get3A_0] : memref<3072x128xf32, #tpu.memory_space<vmem>>, vector<1024x128xf32>
    %get3A_2 = arith.constant 1024 : index
    %get3A_3 = arith.constant 0 : index
    %get3A_4 = vector.load %arg0[%get3A_2, %get3A_3] : memref<3072x128xf32, #tpu.memory_space<vmem>>, vector<1024x128xf32>
    %get3A_5 = arith.constant 2048 : index
    %get3A_6 = arith.constant 0 : index
    %get3A_7 = vector.load %arg0[%get3A_5, %get3A_6] : memref<3072x128xf32, #tpu.memory_space<vmem>>, vector<1024x128xf32>
    %get3A_8 = arith.constant 0 : index
    %get3A_9 = arith.constant 0 : index
    %get3A_10 = vector.load %arg1[%get3A_8, %get3A_9] : memref<1024x128xf32, #tpu.memory_space<vmem>>, vector<1024x128xf32>
    %get3A_11 = arith.constant 0 : index
    %get3A_12 = arith.constant 0 : index
    %get3A_13 = vector.load %arg3[%get3A_11, %get3A_12] : memref<1024x1xf32, #tpu.memory_space<vmem>>, vector<1024x1xf32>
    %get3A_14 = arith.constant 0 : index
    %get3A_15 = arith.constant 0 : index
    %get3A_16 = vector.load %arg7[%get3A_14, %get3A_15] : memref<1x128xf32, #tpu.memory_space<vmem>>, vector<1x128xf32>
    %get3A_17 = arith.constant 0 : index
    %get3A_18 = arith.constant 0 : index
    %get3A_19 = vector.load %arg8[%get3A_17, %get3A_18] : memref<1x128xf32, #tpu.memory_space<vmem>>, vector<1x128xf32>
    %get3A_20 = arith.constant 0 : index
    %get3A_21 = arith.constant 0 : index
    %get3A_22 = vector.load %arg2[%get3A_20, %get3A_21] : memref<3072x1xf32, #tpu.memory_space<vmem>>, vector<1024x1xf32>
    %sub3A = arith.subf %get3A_13, %get3A_22 : vector<1024x1xf32>
    %mul3A = vector.broadcast %sub3A : vector<1024x1xf32> to vector<1024x128xf32>
    %mul3A_23 = vector.broadcast %get3A_16 : vector<1x128xf32> to vector<1024x128xf32>
    %mul3A_24 = arith.mulf %mul3A, %mul3A_23 : vector<1024x128xf32>
    %add3A = vector.broadcast %get3A_19 : vector<1x128xf32> to vector<1024x128xf32>
    %add3A_25 = arith.addf %mul3A_24, %add3A : vector<1024x128xf32>
    %mul3A_26 = arith.constant 0.159154937 : f32
    %mul3A_27 = vector.broadcast %mul3A_26 : f32 to vector<1024x128xf32>
    %mul3A_28 = arith.mulf %add3A_25, %mul3A_27 : vector<1024x128xf32>
    %add3A_29 = arith.constant 5.000000e-01 : f32
    %add3A_30 = vector.broadcast %add3A_29 : f32 to vector<1024x128xf32>
    %add3A_31 = arith.addf %mul3A_28, %add3A_30 : vector<1024x128xf32>
    %floor3A = math.floor %add3A_31 : vector<1024x128xf32>
    %mul3A_32 = arith.constant 6.250000e+00 : f32
    %mul3A_33 = vector.broadcast %mul3A_32 : f32 to vector<1024x128xf32>
    %mul3A_34 = arith.mulf %floor3A, %mul3A_33 : vector<1024x128xf32>
    %sub3A_35 = arith.subf %add3A_25, %mul3A_34 : vector<1024x128xf32>
    %mul3A_36 = arith.constant 0.0327148438 : f32
    %mul3A_37 = vector.broadcast %mul3A_36 : f32 to vector<1024x128xf32>
    %mul3A_38 = arith.mulf %floor3A, %mul3A_37 : vector<1024x128xf32>
    %sub3A_39 = arith.subf %sub3A_35, %mul3A_38 : vector<1024x128xf32>
    %mul3A_40 = arith.constant 4.69207764E-4 : f32
    %mul3A_41 = vector.broadcast %mul3A_40 : f32 to vector<1024x128xf32>
    %mul3A_42 = arith.mulf %floor3A, %mul3A_41 : vector<1024x128xf32>
    %sub3A_43 = arith.subf %sub3A_39, %mul3A_42 : vector<1024x128xf32>
    %mul3A_44 = arith.constant 1.25566589E-6 : f32
    %mul3A_45 = vector.broadcast %mul3A_44 : f32 to vector<1024x128xf32>
    %mul3A_46 = arith.mulf %floor3A, %mul3A_45 : vector<1024x128xf32>
    %sub3A_47 = arith.subf %sub3A_43, %mul3A_46 : vector<1024x128xf32>
    %mul3A_48 = arith.mulf %sub3A_47, %sub3A_47 : vector<1024x128xf32>
    %broadcast_in_dim3A = arith.constant -9.72255609E-12 : f32
    %broadcast_in_dim3A_49 = vector.broadcast %broadcast_in_dim3A : f32 to vector<1024x128xf32>
    %mul3A_50 = arith.mulf %broadcast_in_dim3A_49, %mul3A_48 : vector<1024x128xf32>
    %add3A_51 = arith.constant 2.06035922E-9 : f32
    %add3A_52 = vector.broadcast %add3A_51 : f32 to vector<1024x128xf32>
    %add3A_53 = arith.addf %mul3A_50, %add3A_52 : vector<1024x128xf32>
    %mul3A_54 = arith.mulf %add3A_53, %mul3A_48 : vector<1024x128xf32>
    %add3A_55 = arith.constant -2.75348015E-7 : f32
    %add3A_56 = vector.broadcast %add3A_55 : f32 to vector<1024x128xf32>
    %add3A_57 = arith.addf %mul3A_54, %add3A_56 : vector<1024x128xf32>
    %mul3A_58 = arith.mulf %add3A_57, %mul3A_48 : vector<1024x128xf32>
    %add3A_59 = arith.constant 2.48005526E-5 : f32
    %add3A_60 = vector.broadcast %add3A_59 : f32 to vector<1024x128xf32>
    %add3A_61 = arith.addf %mul3A_58, %add3A_60 : vector<1024x128xf32>
    %mul3A_62 = arith.mulf %add3A_61, %mul3A_48 : vector<1024x128xf32>
    %add3A_63 = arith.constant -0.00138888624 : f32
    %add3A_64 = vector.broadcast %add3A_63 : f32 to vector<1024x128xf32>
    %add3A_65 = arith.addf %mul3A_62, %add3A_64 : vector<1024x128xf32>
    %mul3A_66 = arith.mulf %add3A_65, %mul3A_48 : vector<1024x128xf32>
    %add3A_67 = arith.constant 0.0416666642 : f32
    %add3A_68 = vector.broadcast %add3A_67 : f32 to vector<1024x128xf32>
    %add3A_69 = arith.addf %mul3A_66, %add3A_68 : vector<1024x128xf32>
    %mul3A_70 = arith.mulf %add3A_69, %mul3A_48 : vector<1024x128xf32>
    %add3A_71 = arith.constant -5.000000e-01 : f32
    %add3A_72 = vector.broadcast %add3A_71 : f32 to vector<1024x128xf32>
    %add3A_73 = arith.addf %mul3A_70, %add3A_72 : vector<1024x128xf32>
    %mul3A_74 = arith.mulf %add3A_73, %mul3A_48 : vector<1024x128xf32>
    %add3A_75 = arith.constant 1.000000e+00 : f32
    %add3A_76 = vector.broadcast %add3A_75 : f32 to vector<1024x128xf32>
    %add3A_77 = arith.addf %mul3A_74, %add3A_76 : vector<1024x128xf32>
    %get3A_78 = arith.constant 1024 : index
    %get3A_79 = arith.constant 0 : index
    %get3A_80 = vector.load %arg2[%get3A_78, %get3A_79] : memref<3072x1xf32, #tpu.memory_space<vmem>>, vector<1024x1xf32>
    %sub3A_81 = arith.subf %get3A_13, %get3A_80 : vector<1024x1xf32>
    %mul3A_82 = vector.broadcast %sub3A_81 : vector<1024x1xf32> to vector<1024x128xf32>
    %mul3A_83 = vector.broadcast %get3A_16 : vector<1x128xf32> to vector<1024x128xf32>
    %mul3A_84 = arith.mulf %mul3A_82, %mul3A_83 : vector<1024x128xf32>
    %add3A_85 = vector.broadcast %get3A_19 : vector<1x128xf32> to vector<1024x128xf32>
    %add3A_86 = arith.addf %mul3A_84, %add3A_85 : vector<1024x128xf32>
    %mul3A_87 = arith.constant 0.159154937 : f32
    %mul3A_88 = vector.broadcast %mul3A_87 : f32 to vector<1024x128xf32>
    %mul3A_89 = arith.mulf %add3A_86, %mul3A_88 : vector<1024x128xf32>
    %add3A_90 = arith.constant 5.000000e-01 : f32
    %add3A_91 = vector.broadcast %add3A_90 : f32 to vector<1024x128xf32>
    %add3A_92 = arith.addf %mul3A_89, %add3A_91 : vector<1024x128xf32>
    %floor3A_93 = math.floor %add3A_92 : vector<1024x128xf32>
    %mul3A_94 = arith.constant 6.250000e+00 : f32
    %mul3A_95 = vector.broadcast %mul3A_94 : f32 to vector<1024x128xf32>
    %mul3A_96 = arith.mulf %floor3A_93, %mul3A_95 : vector<1024x128xf32>
    %sub3A_97 = arith.subf %add3A_86, %mul3A_96 : vector<1024x128xf32>
    %mul3A_98 = arith.constant 0.0327148438 : f32
    %mul3A_99 = vector.broadcast %mul3A_98 : f32 to vector<1024x128xf32>
    %mul3A_100 = arith.mulf %floor3A_93, %mul3A_99 : vector<1024x128xf32>
    %sub3A_101 = arith.subf %sub3A_97, %mul3A_100 : vector<1024x128xf32>
    %mul3A_102 = arith.constant 4.69207764E-4 : f32
    %mul3A_103 = vector.broadcast %mul3A_102 : f32 to vector<1024x128xf32>
    %mul3A_104 = arith.mulf %floor3A_93, %mul3A_103 : vector<1024x128xf32>
    %sub3A_105 = arith.subf %sub3A_101, %mul3A_104 : vector<1024x128xf32>
    %mul3A_106 = arith.constant 1.25566589E-6 : f32
    %mul3A_107 = vector.broadcast %mul3A_106 : f32 to vector<1024x128xf32>
    %mul3A_108 = arith.mulf %floor3A_93, %mul3A_107 : vector<1024x128xf32>
    %sub3A_109 = arith.subf %sub3A_105, %mul3A_108 : vector<1024x128xf32>
    %mul3A_110 = arith.mulf %sub3A_109, %sub3A_109 : vector<1024x128xf32>
    %broadcast_in_dim3A_111 = arith.constant -9.72255609E-12 : f32
    %broadcast_in_dim3A_112 = vector.broadcast %broadcast_in_dim3A_111 : f32 to vector<1024x128xf32>
    %mul3A_113 = arith.mulf %broadcast_in_dim3A_112, %mul3A_110 : vector<1024x128xf32>
    %add3A_114 = arith.constant 2.06035922E-9 : f32
    %add3A_115 = vector.broadcast %add3A_114 : f32 to vector<1024x128xf32>
    %add3A_116 = arith.addf %mul3A_113, %add3A_115 : vector<1024x128xf32>
    %mul3A_117 = arith.mulf %add3A_116, %mul3A_110 : vector<1024x128xf32>
    %add3A_118 = arith.constant -2.75348015E-7 : f32
    %add3A_119 = vector.broadcast %add3A_118 : f32 to vector<1024x128xf32>
    %add3A_120 = arith.addf %mul3A_117, %add3A_119 : vector<1024x128xf32>
    %mul3A_121 = arith.mulf %add3A_120, %mul3A_110 : vector<1024x128xf32>
    %add3A_122 = arith.constant 2.48005526E-5 : f32
    %add3A_123 = vector.broadcast %add3A_122 : f32 to vector<1024x128xf32>
    %add3A_124 = arith.addf %mul3A_121, %add3A_123 : vector<1024x128xf32>
    %mul3A_125 = arith.mulf %add3A_124, %mul3A_110 : vector<1024x128xf32>
    %add3A_126 = arith.constant -0.00138888624 : f32
    %add3A_127 = vector.broadcast %add3A_126 : f32 to vector<1024x128xf32>
    %add3A_128 = arith.addf %mul3A_125, %add3A_127 : vector<1024x128xf32>
    %mul3A_129 = arith.mulf %add3A_128, %mul3A_110 : vector<1024x128xf32>
    %add3A_130 = arith.constant 0.0416666642 : f32
    %add3A_131 = vector.broadcast %add3A_130 : f32 to vector<1024x128xf32>
    %add3A_132 = arith.addf %mul3A_129, %add3A_131 : vector<1024x128xf32>
    %mul3A_133 = arith.mulf %add3A_132, %mul3A_110 : vector<1024x128xf32>
    %add3A_134 = arith.constant -5.000000e-01 : f32
    %add3A_135 = vector.broadcast %add3A_134 : f32 to vector<1024x128xf32>
    %add3A_136 = arith.addf %mul3A_133, %add3A_135 : vector<1024x128xf32>
    %mul3A_137 = arith.mulf %add3A_136, %mul3A_110 : vector<1024x128xf32>
    %add3A_138 = arith.constant 1.000000e+00 : f32
    %add3A_139 = vector.broadcast %add3A_138 : f32 to vector<1024x128xf32>
    %add3A_140 = arith.addf %mul3A_137, %add3A_139 : vector<1024x128xf32>
    %get3A_141 = arith.constant 2048 : index
    %get3A_142 = arith.constant 0 : index
    %get3A_143 = vector.load %arg2[%get3A_141, %get3A_142] : memref<3072x1xf32, #tpu.memory_space<vmem>>, vector<1024x1xf32>
    %sub3A_144 = arith.subf %get3A_13, %get3A_143 : vector<1024x1xf32>
    %mul3A_145 = vector.broadcast %sub3A_144 : vector<1024x1xf32> to vector<1024x128xf32>
    %mul3A_146 = vector.broadcast %get3A_16 : vector<1x128xf32> to vector<1024x128xf32>
    %mul3A_147 = arith.mulf %mul3A_145, %mul3A_146 : vector<1024x128xf32>
    %add3A_148 = vector.broadcast %get3A_19 : vector<1x128xf32> to vector<1024x128xf32>
    %add3A_149 = arith.addf %mul3A_147, %add3A_148 : vector<1024x128xf32>
    %mul3A_150 = arith.constant 0.159154937 : f32
    %mul3A_151 = vector.broadcast %mul3A_150 : f32 to vector<1024x128xf32>
    %mul3A_152 = arith.mulf %add3A_149, %mul3A_151 : vector<1024x128xf32>
    %add3A_153 = arith.constant 5.000000e-01 : f32
    %add3A_154 = vector.broadcast %add3A_153 : f32 to vector<1024x128xf32>
    %add3A_155 = arith.addf %mul3A_152, %add3A_154 : vector<1024x128xf32>
    %floor3A_156 = math.floor %add3A_155 : vector<1024x128xf32>
    %mul3A_157 = arith.constant 6.250000e+00 : f32
    %mul3A_158 = vector.broadcast %mul3A_157 : f32 to vector<1024x128xf32>
    %mul3A_159 = arith.mulf %floor3A_156, %mul3A_158 : vector<1024x128xf32>
    %sub3A_160 = arith.subf %add3A_149, %mul3A_159 : vector<1024x128xf32>
    %mul3A_161 = arith.constant 0.0327148438 : f32
    %mul3A_162 = vector.broadcast %mul3A_161 : f32 to vector<1024x128xf32>
    %mul3A_163 = arith.mulf %floor3A_156, %mul3A_162 : vector<1024x128xf32>
    %sub3A_164 = arith.subf %sub3A_160, %mul3A_163 : vector<1024x128xf32>
    %mul3A_165 = arith.constant 4.69207764E-4 : f32
    %mul3A_166 = vector.broadcast %mul3A_165 : f32 to vector<1024x128xf32>
    %mul3A_167 = arith.mulf %floor3A_156, %mul3A_166 : vector<1024x128xf32>
    %sub3A_168 = arith.subf %sub3A_164, %mul3A_167 : vector<1024x128xf32>
    %mul3A_169 = arith.constant 1.25566589E-6 : f32
    %mul3A_170 = vector.broadcast %mul3A_169 : f32 to vector<1024x128xf32>
    %mul3A_171 = arith.mulf %floor3A_156, %mul3A_170 : vector<1024x128xf32>
    %sub3A_172 = arith.subf %sub3A_168, %mul3A_171 : vector<1024x128xf32>
    %mul3A_173 = arith.mulf %sub3A_172, %sub3A_172 : vector<1024x128xf32>
    %broadcast_in_dim3A_174 = arith.constant -9.72255609E-12 : f32
    %broadcast_in_dim3A_175 = vector.broadcast %broadcast_in_dim3A_174 : f32 to vector<1024x128xf32>
    %mul3A_176 = arith.mulf %broadcast_in_dim3A_175, %mul3A_173 : vector<1024x128xf32>
    %add3A_177 = arith.constant 2.06035922E-9 : f32
    %add3A_178 = vector.broadcast %add3A_177 : f32 to vector<1024x128xf32>
    %add3A_179 = arith.addf %mul3A_176, %add3A_178 : vector<1024x128xf32>
    %mul3A_180 = arith.mulf %add3A_179, %mul3A_173 : vector<1024x128xf32>
    %add3A_181 = arith.constant -2.75348015E-7 : f32
    %add3A_182 = vector.broadcast %add3A_181 : f32 to vector<1024x128xf32>
    %add3A_183 = arith.addf %mul3A_180, %add3A_182 : vector<1024x128xf32>
    %mul3A_184 = arith.mulf %add3A_183, %mul3A_173 : vector<1024x128xf32>
    %add3A_185 = arith.constant 2.48005526E-5 : f32
    %add3A_186 = vector.broadcast %add3A_185 : f32 to vector<1024x128xf32>
    %add3A_187 = arith.addf %mul3A_184, %add3A_186 : vector<1024x128xf32>
    %mul3A_188 = arith.mulf %add3A_187, %mul3A_173 : vector<1024x128xf32>
    %add3A_189 = arith.constant -0.00138888624 : f32
    %add3A_190 = vector.broadcast %add3A_189 : f32 to vector<1024x128xf32>
    %add3A_191 = arith.addf %mul3A_188, %add3A_190 : vector<1024x128xf32>
    %mul3A_192 = arith.mulf %add3A_191, %mul3A_173 : vector<1024x128xf32>
    %add3A_193 = arith.constant 0.0416666642 : f32
    %add3A_194 = vector.broadcast %add3A_193 : f32 to vector<1024x128xf32>
    %add3A_195 = arith.addf %mul3A_192, %add3A_194 : vector<1024x128xf32>
    %mul3A_196 = arith.mulf %add3A_195, %mul3A_173 : vector<1024x128xf32>
    %add3A_197 = arith.constant -5.000000e-01 : f32
    %add3A_198 = vector.broadcast %add3A_197 : f32 to vector<1024x128xf32>
    %add3A_199 = arith.addf %mul3A_196, %add3A_198 : vector<1024x128xf32>
    %mul3A_200 = arith.mulf %add3A_199, %mul3A_173 : vector<1024x128xf32>
    %add3A_201 = arith.constant 1.000000e+00 : f32
    %add3A_202 = vector.broadcast %add3A_201 : f32 to vector<1024x128xf32>
    %add3A_203 = arith.addf %mul3A_200, %add3A_202 : vector<1024x128xf32>
    %get3A_204 = arith.constant 0 : index
    %get3A_205 = arith.constant 0 : index
    %get3A_206 = vector.load %arg4[%get3A_204, %get3A_205] : memref<512x384xf32, #tpu.memory_space<vmem>>, vector<512x384xf32>
    %get3A_207 = arith.constant 0 : index
    %get3A_208 = arith.constant 0 : index
    %get3A_209 = vector.load %arg5[%get3A_207, %get3A_208] : memref<128x384xf32, #tpu.memory_space<vmem>>, vector<128x384xf32>
    %get3A_210 = arith.constant 0 : index
    %get3A_211 = arith.constant 0 : index
    %get3A_212 = vector.load %arg6[%get3A_210, %get3A_211] : memref<1x384xf32, #tpu.memory_space<vmem>>, vector<1x384xf32>
    %concatenate3A = tpu.concatenate %get3A_1, %get3A_4, %get3A_10, %add3A_77 in 1 : vector<1024x128xf32>, vector<1024x128xf32>, vector<1024x128xf32>, vector<1024x128xf32> -> vector<1024x512xf32>
    %dot_general3A = arith.constant dense<0.000000e+00> : vector<1024x384xf32>
    %dot_general3A_213 = tpu.matmul %concatenate3A, %get3A_206, %dot_general3A {dimension_numbers = #tpu.dot_dimension_numbers<[1], [0], [0], [1], [0, 0, 1, 1], [], []>, transpose_lhs_hint = false} : vector<1024x512xf32>, vector<512x384xf32>, vector<1024x384xf32> -> vector<1024x384xf32>
    %add3A_214 = vector.broadcast %get3A_212 : vector<1x384xf32> to vector<1024x384xf32>
    %add3A_215 = arith.addf %dot_general3A_213, %add3A_214 : vector<1024x384xf32>
    %dot_general3A_216 = arith.constant dense<0.000000e+00> : vector<1024x384xf32>
    %dot_general3A_217 = tpu.matmul %get3A_1, %get3A_209, %dot_general3A_216 {dimension_numbers = #tpu.dot_dimension_numbers<[1], [0], [0], [1], [0, 0, 1, 1], [], []>, transpose_lhs_hint = false} : vector<1024x128xf32>, vector<128x384xf32>, vector<1024x384xf32> -> vector<1024x384xf32>
    %slice3A = vector.extract_strided_slice %add3A_215 {offsets = [0, 0], sizes = [1024, 128], strides = [1, 1]} : vector<1024x384xf32> to vector<1024x128xf32>
    %slice3A_218 = vector.extract_strided_slice %dot_general3A_217 {offsets = [0, 0], sizes = [1024, 128], strides = [1, 1]} : vector<1024x384xf32> to vector<1024x128xf32>
    %add3A_219 = arith.addf %slice3A, %slice3A_218 : vector<1024x128xf32>
    %logistic3A = arith.negf %add3A_219 : vector<1024x128xf32>
    %logistic3A_220 = math.exp %logistic3A : vector<1024x128xf32>
    %logistic3A_221 = arith.constant 1.000000e+00 : f32
    %logistic3A_222 = vector.broadcast %logistic3A_221 : f32 to vector<1024x128xf32>
    %logistic3A_223 = arith.addf %logistic3A_222, %logistic3A_220 : vector<1024x128xf32>
    %logistic3A_224 = arith.divf %logistic3A_222, %logistic3A_223 : vector<1024x128xf32>
    %slice3A_225 = vector.extract_strided_slice %add3A_215 {offsets = [0, 128], sizes = [1024, 128], strides = [1, 1]} : vector<1024x384xf32> to vector<1024x128xf32>
    %slice3A_226 = vector.extract_strided_slice %dot_general3A_217 {offsets = [0, 128], sizes = [1024, 128], strides = [1, 1]} : vector<1024x384xf32> to vector<1024x128xf32>
    %add3A_227 = arith.addf %slice3A_225, %slice3A_226 : vector<1024x128xf32>
    %logistic3A_228 = arith.negf %add3A_227 : vector<1024x128xf32>
    %logistic3A_229 = math.exp %logistic3A_228 : vector<1024x128xf32>
    %logistic3A_230 = arith.constant 1.000000e+00 : f32
    %logistic3A_231 = vector.broadcast %logistic3A_230 : f32 to vector<1024x128xf32>
    %logistic3A_232 = arith.addf %logistic3A_231, %logistic3A_229 : vector<1024x128xf32>
    %logistic3A_233 = arith.divf %logistic3A_231, %logistic3A_232 : vector<1024x128xf32>
    %slice3A_234 = vector.extract_strided_slice %add3A_215 {offsets = [0, 256], sizes = [1024, 128], strides = [1, 1]} : vector<1024x384xf32> to vector<1024x128xf32>
    %slice3A_235 = vector.extract_strided_slice %dot_general3A_217 {offsets = [0, 256], sizes = [1024, 128], strides = [1, 1]} : vector<1024x384xf32> to vector<1024x128xf32>
    %mul3A_236 = arith.mulf %logistic3A_224, %slice3A_235 : vector<1024x128xf32>
    %add3A_237 = arith.addf %slice3A_234, %mul3A_236 : vector<1024x128xf32>
    %tanh3A = math.tanh %add3A_237 : vector<1024x128xf32>
    %sub3A_238 = arith.constant 1.000000e+00 : f32
    %sub3A_239 = vector.broadcast %sub3A_238 : f32 to vector<1024x128xf32>
    %sub3A_240 = arith.subf %sub3A_239, %logistic3A_233 : vector<1024x128xf32>
    %mul3A_241 = arith.mulf %sub3A_240, %tanh3A : vector<1024x128xf32>
    %mul3A_242 = arith.mulf %logistic3A_233, %get3A_1 : vector<1024x128xf32>
    %add3A_243 = arith.addf %mul3A_241, %mul3A_242 : vector<1024x128xf32>
    %concatenate3A_244 = tpu.concatenate %get3A_4, %get3A_1, %get3A_10, %add3A_140 in 1 : vector<1024x128xf32>, vector<1024x128xf32>, vector<1024x128xf32>, vector<1024x128xf32> -> vector<1024x512xf32>
    %dot_general3A_245 = arith.constant dense<0.000000e+00> : vector<1024x384xf32>
    %dot_general3A_246 = tpu.matmul %concatenate3A_244, %get3A_206, %dot_general3A_245 {dimension_numbers = #tpu.dot_dimension_numbers<[1], [0], [0], [1], [0, 0, 1, 1], [], []>, transpose_lhs_hint = false} : vector<1024x512xf32>, vector<512x384xf32>, vector<1024x384xf32> -> vector<1024x384xf32>
    %add3A_247 = vector.broadcast %get3A_212 : vector<1x384xf32> to vector<1024x384xf32>
    %add3A_248 = arith.addf %dot_general3A_246, %add3A_247 : vector<1024x384xf32>
    %dot_general3A_249 = arith.constant dense<0.000000e+00> : vector<1024x384xf32>
    %dot_general3A_250 = tpu.matmul %get3A_4, %get3A_209, %dot_general3A_249 {dimension_numbers = #tpu.dot_dimension_numbers<[1], [0], [0], [1], [0, 0, 1, 1], [], []>, transpose_lhs_hint = false} : vector<1024x128xf32>, vector<128x384xf32>, vector<1024x384xf32> -> vector<1024x384xf32>
    %slice3A_251 = vector.extract_strided_slice %add3A_248 {offsets = [0, 0], sizes = [1024, 128], strides = [1, 1]} : vector<1024x384xf32> to vector<1024x128xf32>
    %slice3A_252 = vector.extract_strided_slice %dot_general3A_250 {offsets = [0, 0], sizes = [1024, 128], strides = [1, 1]} : vector<1024x384xf32> to vector<1024x128xf32>
    %add3A_253 = arith.addf %slice3A_251, %slice3A_252 : vector<1024x128xf32>
    %logistic3A_254 = arith.negf %add3A_253 : vector<1024x128xf32>
    %logistic3A_255 = math.exp %logistic3A_254 : vector<1024x128xf32>
    %logistic3A_256 = arith.constant 1.000000e+00 : f32
    %logistic3A_257 = vector.broadcast %logistic3A_256 : f32 to vector<1024x128xf32>
    %logistic3A_258 = arith.addf %logistic3A_257, %logistic3A_255 : vector<1024x128xf32>
    %logistic3A_259 = arith.divf %logistic3A_257, %logistic3A_258 : vector<1024x128xf32>
    %slice3A_260 = vector.extract_strided_slice %add3A_248 {offsets = [0, 128], sizes = [1024, 128], strides = [1, 1]} : vector<1024x384xf32> to vector<1024x128xf32>
    %slice3A_261 = vector.extract_strided_slice %dot_general3A_250 {offsets = [0, 128], sizes = [1024, 128], strides = [1, 1]} : vector<1024x384xf32> to vector<1024x128xf32>
    %add3A_262 = arith.addf %slice3A_260, %slice3A_261 : vector<1024x128xf32>
    %logistic3A_263 = arith.negf %add3A_262 : vector<1024x128xf32>
    %logistic3A_264 = math.exp %logistic3A_263 : vector<1024x128xf32>
    %logistic3A_265 = arith.constant 1.000000e+00 : f32
    %logistic3A_266 = vector.broadcast %logistic3A_265 : f32 to vector<1024x128xf32>
    %logistic3A_267 = arith.addf %logistic3A_266, %logistic3A_264 : vector<1024x128xf32>
    %logistic3A_268 = arith.divf %logistic3A_266, %logistic3A_267 : vector<1024x128xf32>
    %slice3A_269 = vector.extract_strided_slice %add3A_248 {offsets = [0, 256], sizes = [1024, 128], strides = [1, 1]} : vector<1024x384xf32> to vector<1024x128xf32>
    %slice3A_270 = vector.extract_strided_slice %dot_general3A_250 {offsets = [0, 256], sizes = [1024, 128], strides = [1, 1]} : vector<1024x384xf32> to vector<1024x128xf32>
    %mul3A_271 = arith.mulf %logistic3A_259, %slice3A_270 : vector<1024x128xf32>
    %add3A_272 = arith.addf %slice3A_269, %mul3A_271 : vector<1024x128xf32>
    %tanh3A_273 = math.tanh %add3A_272 : vector<1024x128xf32>
    %sub3A_274 = arith.constant 1.000000e+00 : f32
    %sub3A_275 = vector.broadcast %sub3A_274 : f32 to vector<1024x128xf32>
    %sub3A_276 = arith.subf %sub3A_275, %logistic3A_268 : vector<1024x128xf32>
    %mul3A_277 = arith.mulf %sub3A_276, %tanh3A_273 : vector<1024x128xf32>
    %mul3A_278 = arith.mulf %logistic3A_268, %get3A_4 : vector<1024x128xf32>
    %add3A_279 = arith.addf %mul3A_277, %mul3A_278 : vector<1024x128xf32>
    %concatenate3A_280 = tpu.concatenate %get3A_1, %get3A_7, %get3A_10, %add3A_77 in 1 : vector<1024x128xf32>, vector<1024x128xf32>, vector<1024x128xf32>, vector<1024x128xf32> -> vector<1024x512xf32>
    %dot_general3A_281 = arith.constant dense<0.000000e+00> : vector<1024x384xf32>
    %dot_general3A_282 = tpu.matmul %concatenate3A_280, %get3A_206, %dot_general3A_281 {dimension_numbers = #tpu.dot_dimension_numbers<[1], [0], [0], [1], [0, 0, 1, 1], [], []>, transpose_lhs_hint = false} : vector<1024x512xf32>, vector<512x384xf32>, vector<1024x384xf32> -> vector<1024x384xf32>
    %add3A_283 = vector.broadcast %get3A_212 : vector<1x384xf32> to vector<1024x384xf32>
    %add3A_284 = arith.addf %dot_general3A_282, %add3A_283 : vector<1024x384xf32>
    %dot_general3A_285 = arith.constant dense<0.000000e+00> : vector<1024x384xf32>
    %dot_general3A_286 = tpu.matmul %add3A_243, %get3A_209, %dot_general3A_285 {dimension_numbers = #tpu.dot_dimension_numbers<[1], [0], [0], [1], [0, 0, 1, 1], [], []>, transpose_lhs_hint = false} : vector<1024x128xf32>, vector<128x384xf32>, vector<1024x384xf32> -> vector<1024x384xf32>
    %slice3A_287 = vector.extract_strided_slice %add3A_284 {offsets = [0, 0], sizes = [1024, 128], strides = [1, 1]} : vector<1024x384xf32> to vector<1024x128xf32>
    %slice3A_288 = vector.extract_strided_slice %dot_general3A_286 {offsets = [0, 0], sizes = [1024, 128], strides = [1, 1]} : vector<1024x384xf32> to vector<1024x128xf32>
    %add3A_289 = arith.addf %slice3A_287, %slice3A_288 : vector<1024x128xf32>
    %logistic3A_290 = arith.negf %add3A_289 : vector<1024x128xf32>
    %logistic3A_291 = math.exp %logistic3A_290 : vector<1024x128xf32>
    %logistic3A_292 = arith.constant 1.000000e+00 : f32
    %logistic3A_293 = vector.broadcast %logistic3A_292 : f32 to vector<1024x128xf32>
    %logistic3A_294 = arith.addf %logistic3A_293, %logistic3A_291 : vector<1024x128xf32>
    %logistic3A_295 = arith.divf %logistic3A_293, %logistic3A_294 : vector<1024x128xf32>
    %slice3A_296 = vector.extract_strided_slice %add3A_284 {offsets = [0, 128], sizes = [1024, 128], strides = [1, 1]} : vector<1024x384xf32> to vector<1024x128xf32>
    %slice3A_297 = vector.extract_strided_slice %dot_general3A_286 {offsets = [0, 128], sizes = [1024, 128], strides = [1, 1]} : vector<1024x384xf32> to vector<1024x128xf32>
    %add3A_298 = arith.addf %slice3A_296, %slice3A_297 : vector<1024x128xf32>
    %logistic3A_299 = arith.negf %add3A_298 : vector<1024x128xf32>
    %logistic3A_300 = math.exp %logistic3A_299 : vector<1024x128xf32>
    %logistic3A_301 = arith.constant 1.000000e+00 : f32
    %logistic3A_302 = vector.broadcast %logistic3A_301 : f32 to vector<1024x128xf32>
    %logistic3A_303 = arith.addf %logistic3A_302, %logistic3A_300 : vector<1024x128xf32>
    %logistic3A_304 = arith.divf %logistic3A_302, %logistic3A_303 : vector<1024x128xf32>
    %slice3A_305 = vector.extract_strided_slice %add3A_284 {offsets = [0, 256], sizes = [1024, 128], strides = [1, 1]} : vector<1024x384xf32> to vector<1024x128xf32>
    %slice3A_306 = vector.extract_strided_slice %dot_general3A_286 {offsets = [0, 256], sizes = [1024, 128], strides = [1, 1]} : vector<1024x384xf32> to vector<1024x128xf32>
    %mul3A_307 = arith.mulf %logistic3A_295, %slice3A_306 : vector<1024x128xf32>
    %add3A_308 = arith.addf %slice3A_305, %mul3A_307 : vector<1024x128xf32>
    %tanh3A_309 = math.tanh %add3A_308 : vector<1024x128xf32>
    %sub3A_310 = arith.constant 1.000000e+00 : f32
    %sub3A_311 = vector.broadcast %sub3A_310 : f32 to vector<1024x128xf32>
    %sub3A_312 = arith.subf %sub3A_311, %logistic3A_304 : vector<1024x128xf32>
    %mul3A_313 = arith.mulf %sub3A_312, %tanh3A_309 : vector<1024x128xf32>
    %mul3A_314 = arith.mulf %logistic3A_304, %add3A_243 : vector<1024x128xf32>
    %add3A_315 = arith.addf %mul3A_313, %mul3A_314 : vector<1024x128xf32>
    %concatenate3A_316 = tpu.concatenate %get3A_7, %get3A_1, %get3A_10, %add3A_203 in 1 : vector<1024x128xf32>, vector<1024x128xf32>, vector<1024x128xf32>, vector<1024x128xf32> -> vector<1024x512xf32>
    %dot_general3A_317 = arith.constant dense<0.000000e+00> : vector<1024x384xf32>
    %dot_general3A_318 = tpu.matmul %concatenate3A_316, %get3A_206, %dot_general3A_317 {dimension_numbers = #tpu.dot_dimension_numbers<[1], [0], [0], [1], [0, 0, 1, 1], [], []>, transpose_lhs_hint = false} : vector<1024x512xf32>, vector<512x384xf32>, vector<1024x384xf32> -> vector<1024x384xf32>
    %add3A_319 = vector.broadcast %get3A_212 : vector<1x384xf32> to vector<1024x384xf32>
    %add3A_320 = arith.addf %dot_general3A_318, %add3A_319 : vector<1024x384xf32>
    %dot_general3A_321 = arith.constant dense<0.000000e+00> : vector<1024x384xf32>
    %dot_general3A_322 = tpu.matmul %get3A_7, %get3A_209, %dot_general3A_321 {dimension_numbers = #tpu.dot_dimension_numbers<[1], [0], [0], [1], [0, 0, 1, 1], [], []>, transpose_lhs_hint = false} : vector<1024x128xf32>, vector<128x384xf32>, vector<1024x384xf32> -> vector<1024x384xf32>
    %slice3A_323 = vector.extract_strided_slice %add3A_320 {offsets = [0, 0], sizes = [1024, 128], strides = [1, 1]} : vector<1024x384xf32> to vector<1024x128xf32>
    %slice3A_324 = vector.extract_strided_slice %dot_general3A_322 {offsets = [0, 0], sizes = [1024, 128], strides = [1, 1]} : vector<1024x384xf32> to vector<1024x128xf32>
    %add3A_325 = arith.addf %slice3A_323, %slice3A_324 : vector<1024x128xf32>
    %logistic3A_326 = arith.negf %add3A_325 : vector<1024x128xf32>
    %logistic3A_327 = math.exp %logistic3A_326 : vector<1024x128xf32>
    %logistic3A_328 = arith.constant 1.000000e+00 : f32
    %logistic3A_329 = vector.broadcast %logistic3A_328 : f32 to vector<1024x128xf32>
    %logistic3A_330 = arith.addf %logistic3A_329, %logistic3A_327 : vector<1024x128xf32>
    %logistic3A_331 = arith.divf %logistic3A_329, %logistic3A_330 : vector<1024x128xf32>
    %slice3A_332 = vector.extract_strided_slice %add3A_320 {offsets = [0, 128], sizes = [1024, 128], strides = [1, 1]} : vector<1024x384xf32> to vector<1024x128xf32>
    %slice3A_333 = vector.extract_strided_slice %dot_general3A_322 {offsets = [0, 128], sizes = [1024, 128], strides = [1, 1]} : vector<1024x384xf32> to vector<1024x128xf32>
    %add3A_334 = arith.addf %slice3A_332, %slice3A_333 : vector<1024x128xf32>
    %logistic3A_335 = arith.negf %add3A_334 : vector<1024x128xf32>
    %logistic3A_336 = math.exp %logistic3A_335 : vector<1024x128xf32>
    %logistic3A_337 = arith.constant 1.000000e+00 : f32
    %logistic3A_338 = vector.broadcast %logistic3A_337 : f32 to vector<1024x128xf32>
    %logistic3A_339 = arith.addf %logistic3A_338, %logistic3A_336 : vector<1024x128xf32>
    %logistic3A_340 = arith.divf %logistic3A_338, %logistic3A_339 : vector<1024x128xf32>
    %slice3A_341 = vector.extract_strided_slice %add3A_320 {offsets = [0, 256], sizes = [1024, 128], strides = [1, 1]} : vector<1024x384xf32> to vector<1024x128xf32>
    %slice3A_342 = vector.extract_strided_slice %dot_general3A_322 {offsets = [0, 256], sizes = [1024, 128], strides = [1, 1]} : vector<1024x384xf32> to vector<1024x128xf32>
    %mul3A_343 = arith.mulf %logistic3A_331, %slice3A_342 : vector<1024x128xf32>
    %add3A_344 = arith.addf %slice3A_341, %mul3A_343 : vector<1024x128xf32>
    %tanh3A_345 = math.tanh %add3A_344 : vector<1024x128xf32>
    %sub3A_346 = arith.constant 1.000000e+00 : f32
    %sub3A_347 = vector.broadcast %sub3A_346 : f32 to vector<1024x128xf32>
    %sub3A_348 = arith.subf %sub3A_347, %logistic3A_340 : vector<1024x128xf32>
    %mul3A_349 = arith.mulf %sub3A_348, %tanh3A_345 : vector<1024x128xf32>
    %mul3A_350 = arith.mulf %logistic3A_340, %get3A_7 : vector<1024x128xf32>
    %add3A_351 = arith.addf %mul3A_349, %mul3A_350 : vector<1024x128xf32>
    %swap3A = arith.constant 0 : index
    %swap3A_352 = arith.constant 0 : index
    %swap3A_353 = vector.load %arg9[%swap3A, %swap3A_352] : memref<3072x128xf32, #tpu.memory_space<vmem>>, vector<1024x128xf32>
    tpu.vector_store %arg9[%swap3A, %swap3A_352], %add3A_315 {strides = array<i32>} : memref<3072x128xf32, #tpu.memory_space<vmem>>, vector<1024x128xf32>,
    %swap3A_354 = arith.constant 1024 : index
    %swap3A_355 = arith.constant 0 : index
    %swap3A_356 = vector.load %arg9[%swap3A_354, %swap3A_355] : memref<3072x128xf32, #tpu.memory_space<vmem>>, vector<1024x128xf32>
    tpu.vector_store %arg9[%swap3A_354, %swap3A_355], %add3A_279 {strides = array<i32>} : memref<3072x128xf32, #tpu.memory_space<vmem>>, vector<1024x128xf32>,
    %swap3A_357 = arith.constant 2048 : index
    %swap3A_358 = arith.constant 0 : index
    %swap3A_359 = vector.load %arg9[%swap3A_357, %swap3A_358] : memref<3072x128xf32, #tpu.memory_space<vmem>>, vector<1024x128xf32>
    tpu.vector_store %arg9[%swap3A_357, %swap3A_358], %add3A_351 {strides = array<i32>} : memref<3072x128xf32, #tpu.memory_space<vmem>>, vector<1024x128xf32>,
    return
  }
}

module attributes {stable_mosaic.version = 14 : i64} {
  func.func @_timeenc_body(%arg0: i32, %arg1: memref<64x1xf32, #tpu.memory_space<vmem>>, %arg2: memref<1280x1xf32, #tpu.memory_space<vmem>>, %arg3: memref<1x128xf32, #tpu.memory_space<vmem>>, %arg4: memref<1x128xf32, #tpu.memory_space<vmem>>, %arg5: memref<1280x128xf32, #tpu.memory_space<vmem>>) attributes {dimension_semantics = [#tpu.dimension_semantics<arbitrary>], iteration_bounds = array<i64: 48>, scalar_prefetch = 0 : i64, scratch_operands = 0 : i64, tpu.core_type = #tpu.core_type<tc>, window_params = [{transform_indices = @transform_0, window_bounds = array<i64: 64, 1>}, {transform_indices = @transform_1, window_bounds = array<i64: 1280, 1>}, {pipeline_mode = #tpu.pipeline_mode<synchronous>, transform_indices = @transform_2, window_bounds = array<i64: 1, 128>}, {pipeline_mode = #tpu.pipeline_mode<synchronous>, transform_indices = @transform_3, window_bounds = array<i64: 1, 128>}, {transform_indices = @transform_4, window_bounds = array<i64: 1280, 128>}]} {
    %get3A = arith.constant 0 : index
    %get3A_0 = arith.constant 0 : index
    %get3A_1 = vector.load %arg1[%get3A, %get3A_0] : memref<64x1xf32, #tpu.memory_space<vmem>>, vector<64x1xf32>
    %broadcast_in_dim3A = vector.shape_cast %get3A_1 : vector<64x1xf32> to vector<64x1x1xf32>
    %broadcast_in_dim3A_2 = vector.broadcast %broadcast_in_dim3A : vector<64x1x1xf32> to vector<64x20x1xf32>
    %reshape3A = vector.shape_cast %broadcast_in_dim3A_2 : vector<64x20x1xf32> to vector<1280x1xf32>
    %get3A_3 = arith.constant 0 : index
    %get3A_4 = arith.constant 0 : index
    %get3A_5 = vector.load %arg2[%get3A_3, %get3A_4] : memref<1280x1xf32, #tpu.memory_space<vmem>>, vector<1280x1xf32>
    %sub3A = arith.subf %reshape3A, %get3A_5 : vector<1280x1xf32>
    %get3A_6 = arith.constant 0 : index
    %get3A_7 = arith.constant 0 : index
    %get3A_8 = vector.load %arg3[%get3A_6, %get3A_7] : memref<1x128xf32, #tpu.memory_space<vmem>>, vector<1x128xf32>
    %mul3A = vector.broadcast %sub3A : vector<1280x1xf32> to vector<1280x128xf32>
    %mul3A_9 = vector.broadcast %get3A_8 : vector<1x128xf32> to vector<1280x128xf32>
    %mul3A_10 = arith.mulf %mul3A, %mul3A_9 : vector<1280x128xf32>
    %get3A_11 = arith.constant 0 : index
    %get3A_12 = arith.constant 0 : index
    %get3A_13 = vector.load %arg4[%get3A_11, %get3A_12] : memref<1x128xf32, #tpu.memory_space<vmem>>, vector<1x128xf32>
    %add3A = vector.broadcast %get3A_13 : vector<1x128xf32> to vector<1280x128xf32>
    %add3A_14 = arith.addf %mul3A_10, %add3A : vector<1280x128xf32>
    %mul3A_15 = arith.constant 0.159154937 : f32
    %mul3A_16 = vector.broadcast %mul3A_15 : f32 to vector<1280x128xf32>
    %mul3A_17 = arith.mulf %add3A_14, %mul3A_16 : vector<1280x128xf32>
    %add3A_18 = arith.constant 5.000000e-01 : f32
    %add3A_19 = vector.broadcast %add3A_18 : f32 to vector<1280x128xf32>
    %add3A_20 = arith.addf %mul3A_17, %add3A_19 : vector<1280x128xf32>
    %floor3A = math.floor %add3A_20 : vector<1280x128xf32>
    %mul3A_21 = arith.constant 6.250000e+00 : f32
    %mul3A_22 = vector.broadcast %mul3A_21 : f32 to vector<1280x128xf32>
    %mul3A_23 = arith.mulf %floor3A, %mul3A_22 : vector<1280x128xf32>
    %sub3A_24 = arith.subf %add3A_14, %mul3A_23 : vector<1280x128xf32>
    %mul3A_25 = arith.constant 0.0327148438 : f32
    %mul3A_26 = vector.broadcast %mul3A_25 : f32 to vector<1280x128xf32>
    %mul3A_27 = arith.mulf %floor3A, %mul3A_26 : vector<1280x128xf32>
    %sub3A_28 = arith.subf %sub3A_24, %mul3A_27 : vector<1280x128xf32>
    %mul3A_29 = arith.constant 4.69207764E-4 : f32
    %mul3A_30 = vector.broadcast %mul3A_29 : f32 to vector<1280x128xf32>
    %mul3A_31 = arith.mulf %floor3A, %mul3A_30 : vector<1280x128xf32>
    %sub3A_32 = arith.subf %sub3A_28, %mul3A_31 : vector<1280x128xf32>
    %mul3A_33 = arith.constant 1.25566589E-6 : f32
    %mul3A_34 = vector.broadcast %mul3A_33 : f32 to vector<1280x128xf32>
    %mul3A_35 = arith.mulf %floor3A, %mul3A_34 : vector<1280x128xf32>
    %sub3A_36 = arith.subf %sub3A_32, %mul3A_35 : vector<1280x128xf32>
    %mul3A_37 = arith.mulf %sub3A_36, %sub3A_36 : vector<1280x128xf32>
    %broadcast_in_dim3A_38 = arith.constant -9.72255609E-12 : f32
    %broadcast_in_dim3A_39 = vector.broadcast %broadcast_in_dim3A_38 : f32 to vector<1280x128xf32>
    %mul3A_40 = arith.mulf %broadcast_in_dim3A_39, %mul3A_37 : vector<1280x128xf32>
    %add3A_41 = arith.constant 2.06035922E-9 : f32
    %add3A_42 = vector.broadcast %add3A_41 : f32 to vector<1280x128xf32>
    %add3A_43 = arith.addf %mul3A_40, %add3A_42 : vector<1280x128xf32>
    %mul3A_44 = arith.mulf %add3A_43, %mul3A_37 : vector<1280x128xf32>
    %add3A_45 = arith.constant -2.75348015E-7 : f32
    %add3A_46 = vector.broadcast %add3A_45 : f32 to vector<1280x128xf32>
    %add3A_47 = arith.addf %mul3A_44, %add3A_46 : vector<1280x128xf32>
    %mul3A_48 = arith.mulf %add3A_47, %mul3A_37 : vector<1280x128xf32>
    %add3A_49 = arith.constant 2.48005526E-5 : f32
    %add3A_50 = vector.broadcast %add3A_49 : f32 to vector<1280x128xf32>
    %add3A_51 = arith.addf %mul3A_48, %add3A_50 : vector<1280x128xf32>
    %mul3A_52 = arith.mulf %add3A_51, %mul3A_37 : vector<1280x128xf32>
    %add3A_53 = arith.constant -0.00138888624 : f32
    %add3A_54 = vector.broadcast %add3A_53 : f32 to vector<1280x128xf32>
    %add3A_55 = arith.addf %mul3A_52, %add3A_54 : vector<1280x128xf32>
    %mul3A_56 = arith.mulf %add3A_55, %mul3A_37 : vector<1280x128xf32>
    %add3A_57 = arith.constant 0.0416666642 : f32
    %add3A_58 = vector.broadcast %add3A_57 : f32 to vector<1280x128xf32>
    %add3A_59 = arith.addf %mul3A_56, %add3A_58 : vector<1280x128xf32>
    %mul3A_60 = arith.mulf %add3A_59, %mul3A_37 : vector<1280x128xf32>
    %add3A_61 = arith.constant -5.000000e-01 : f32
    %add3A_62 = vector.broadcast %add3A_61 : f32 to vector<1280x128xf32>
    %add3A_63 = arith.addf %mul3A_60, %add3A_62 : vector<1280x128xf32>
    %mul3A_64 = arith.mulf %add3A_63, %mul3A_37 : vector<1280x128xf32>
    %add3A_65 = arith.constant 1.000000e+00 : f32
    %add3A_66 = vector.broadcast %add3A_65 : f32 to vector<1280x128xf32>
    %add3A_67 = arith.addf %mul3A_64, %add3A_66 : vector<1280x128xf32>
    %swap3A = arith.constant 0 : index
    %swap3A_68 = arith.constant 0 : index
    %swap3A_69 = vector.load %arg5[%swap3A, %swap3A_68] : memref<1280x128xf32, #tpu.memory_space<vmem>>, vector<1280x128xf32>
    tpu.vector_store %arg5[%swap3A, %swap3A_68], %add3A_67 {strides = array<i32>} : memref<1280x128xf32, #tpu.memory_space<vmem>>, vector<1280x128xf32>,
    return
  }
  func.func @transform_0(%arg0: i32) -> (i32, i32) {
    %c0_i32 = arith.constant 0 : i32
    %c0_i32_0 = arith.constant 0 : i32
    return %arg0, %c0_i32 : i32, i32
  }
  func.func @transform_1(%arg0: i32) -> (i32, i32) {
    %c0_i32 = arith.constant 0 : i32
    %c0_i32_0 = arith.constant 0 : i32
    return %arg0, %c0_i32 : i32, i32
  }
  func.func @transform_2(%arg0: i32) -> (i32, i32) {
    %c0_i32 = arith.constant 0 : i32
    %c0_i32_0 = arith.constant 0 : i32
    %c0_i32_1 = arith.constant 0 : i32
    return %c0_i32, %c0_i32_0 : i32, i32
  }
  func.func @transform_3(%arg0: i32) -> (i32, i32) {
    %c0_i32 = arith.constant 0 : i32
    %c0_i32_0 = arith.constant 0 : i32
    %c0_i32_1 = arith.constant 0 : i32
    return %c0_i32, %c0_i32_0 : i32, i32
  }
  func.func @transform_4(%arg0: i32) -> (i32, i32) {
    %c0_i32 = arith.constant 0 : i32
    %c0_i32_0 = arith.constant 0 : i32
    return %arg0, %c0_i32 : i32, i32
  }
}

module attributes {stable_mosaic.version = 14 : i64} {
  func.func @_embed_body(%arg0: i32, %arg1: memref<64x128xf32, #tpu.memory_space<vmem>>, %arg2: memref<1280x128xf32, #tpu.memory_space<vmem>>, %arg3: memref<1280x128xf32, #tpu.memory_space<vmem>>, %arg4: memref<1280x128xf32, #tpu.memory_space<vmem>>, %arg5: memref<1280x1xi32, #tpu.memory_space<vmem>>, %arg6: memref<256x128xf32, #tpu.memory_space<vmem>>, %arg7: memref<384x128xf32, #tpu.memory_space<vmem>>, %arg8: memref<384x128xf32, #tpu.memory_space<vmem>>, %arg9: memref<128x128xf32, #tpu.memory_space<vmem>>, %arg10: memref<256x128xf32, #tpu.memory_space<vmem>>, %arg11: memref<128x256xf32, #tpu.memory_space<vmem>>, %arg12: memref<1x256xf32, #tpu.memory_space<vmem>>, %arg13: memref<256x128xf32, #tpu.memory_space<vmem>>, %arg14: memref<1x128xf32, #tpu.memory_space<vmem>>, %arg15: memref<1x128xf32, #tpu.memory_space<vmem>>, %arg16: memref<1x128xf32, #tpu.memory_space<vmem>>, %arg17: memref<1x128xf32, #tpu.memory_space<vmem>>, %arg18: memref<1x128xf32, #tpu.memory_space<vmem>>, %arg19: memref<1x512x384xf32, #tpu.memory_space<vmem>>, %arg20: memref<1x128x384xf32, #tpu.memory_space<vmem>>, %arg21: memref<1x1x384xf32, #tpu.memory_space<vmem>>, %arg22: memref<64x128xf32, #tpu.memory_space<vmem>>, %arg23: memref<1280x128xf32, #tpu.memory_space<vmem>>) attributes {dimension_semantics = [#tpu.dimension_semantics<arbitrary>], iteration_bounds = array<i64: 48>, scalar_prefetch = 0 : i64, scratch_operands = 0 : i64, tpu.core_type = #tpu.core_type<tc>, window_params = [{transform_indices = @transform_0, window_bounds = array<i64: 64, 128>}, {transform_indices = @transform_1, window_bounds = array<i64: 1280, 128>}, {transform_indices = @transform_2, window_bounds = array<i64: 1280, 128>}, {transform_indices = @transform_3, window_bounds = array<i64: 1280, 128>}, {transform_indices = @transform_4, window_bounds = array<i64: 1280, 1>}, {pipeline_mode = #tpu.pipeline_mode<synchronous>, transform_indices = @transform_5, window_bounds = array<i64: 256, 128>}, {pipeline_mode = #tpu.pipeline_mode<synchronous>, transform_indices = @transform_6, window_bounds = array<i64: 384, 128>}, {pipeline_mode = #tpu.pipeline_mode<synchronous>, transform_indices = @transform_7, window_bounds = array<i64: 384, 128>}, {pipeline_mode = #tpu.pipeline_mode<synchronous>, transform_indices = @transform_8, window_bounds = array<i64: 128, 128>}, {pipeline_mode = #tpu.pipeline_mode<synchronous>, transform_indices = @transform_9, window_bounds = array<i64: 256, 128>}, {pipeline_mode = #tpu.pipeline_mode<synchronous>, transform_indices = @transform_10, window_bounds = array<i64: 128, 256>}, {pipeline_mode = #tpu.pipeline_mode<synchronous>, transform_indices = @transform_11, window_bounds = array<i64: 1, 256>}, {pipeline_mode = #tpu.pipeline_mode<synchronous>, transform_indices = @transform_12, window_bounds = array<i64: 256, 128>}, {pipeline_mode = #tpu.pipeline_mode<synchronous>, transform_indices = @transform_13, window_bounds = array<i64: 1, 128>}, {pipeline_mode = #tpu.pipeline_mode<synchronous>, transform_indices = @transform_14, window_bounds = array<i64: 1, 128>}, {pipeline_mode = #tpu.pipeline_mode<synchronous>, transform_indices = @transform_15, window_bounds = array<i64: 1, 128>}, {pipeline_mode = #tpu.pipeline_mode<synchronous>, transform_indices = @transform_16, window_bounds = array<i64: 1, 128>}, {pipeline_mode = #tpu.pipeline_mode<synchronous>, transform_indices = @transform_17, window_bounds = array<i64: 1, 128>}, {transform_indices = @transform_18, window_bounds = array<i64: 1, 512, 384>}, {transform_indices = @transform_19, window_bounds = array<i64: 1, 128, 384>}, {transform_indices = @transform_20, window_bounds = array<i64: 1, 1, 384>}, {transform_indices = @transform_21, window_bounds = array<i64: 64, 128>}, {transform_indices = @transform_22, window_bounds = array<i64: 1280, 128>}]} {
    %get3A = arith.constant 0 : index
    %get3A_0 = arith.constant 0 : index
    %get3A_1 = vector.load %arg1[%get3A, %get3A_0] : memref<64x128xf32, #tpu.memory_space<vmem>>, vector<64x128xf32>
    %get3A_2 = arith.constant 0 : index
    %get3A_3 = arith.constant 0 : index
    %get3A_4 = vector.load %arg2[%get3A_2, %get3A_3] : memref<1280x128xf32, #tpu.memory_space<vmem>>, vector<1280x128xf32>
    %get3A_5 = arith.constant 0 : index
    %get3A_6 = arith.constant 0 : index
    %get3A_7 = vector.load %arg3[%get3A_5, %get3A_6] : memref<1280x128xf32, #tpu.memory_space<vmem>>, vector<1280x128xf32>
    %get3A_8 = arith.constant 0 : index
    %get3A_9 = arith.constant 0 : index
    %get3A_10 = vector.load %arg4[%get3A_8, %get3A_9] : memref<1280x128xf32, #tpu.memory_space<vmem>>, vector<1280x128xf32>
    %get3A_11 = arith.constant 0 : index
    %get3A_12 = arith.constant 0 : index
    %get3A_13 = vector.load %arg5[%get3A_11, %get3A_12] : memref<1280x1xi32, #tpu.memory_space<vmem>>, vector<1280x1xi32>
    %get3A_14 = arith.constant 0 : index
    %get3A_15 = arith.constant 0 : index
    %get3A_16 = vector.load %arg18[%get3A_14, %get3A_15] : memref<1x128xf32, #tpu.memory_space<vmem>>, vector<1x128xf32>
    %iota3A = tpu.iota {dimensions = array<i32: 1>} : vector<64x1280xi32>
    %jit3A = arith.constant 20 : i32
    %div3A = vector.broadcast %jit3A : i32 to vector<64x1280xi32>
    %div3A_17 = arith.divsi %iota3A, %div3A : vector<64x1280xi32>
    %sign3A = arith.constant 0 : i32
    %sign3A_18 = vector.broadcast %sign3A : i32 to vector<64x1280xi32>
    %sign3A_19 = arith.cmpi sgt, %iota3A, %sign3A_18 : vector<64x1280xi32>
    %sign3A_20 = arith.extui %sign3A_19 : vector<64x1280xi1> to vector<64x1280xi32>
    %sign3A_21 = arith.constant 0 : i32
    %sign3A_22 = vector.broadcast %sign3A_21 : i32 to vector<64x1280xi32>
    %sign3A_23 = arith.cmpi slt, %iota3A, %sign3A_22 : vector<64x1280xi32>
    %sign3A_24 = arith.extui %sign3A_23 : vector<64x1280xi1> to vector<64x1280xi32>
    %sign3A_25 = arith.subi %sign3A_20, %sign3A_24 : vector<64x1280xi32>
    %sign3A_26 = arith.constant 0 : i32
    %sign3A_27 = arith.cmpi sgt, %jit3A, %sign3A_26 : i32
    %sign3A_28 = arith.extui %sign3A_27 : i1 to i32
    %sign3A_29 = arith.constant 0 : i32
    %sign3A_30 = arith.cmpi slt, %jit3A, %sign3A_29 : i32
    %sign3A_31 = arith.extui %sign3A_30 : i1 to i32
    %sign3A_32 = arith.subi %sign3A_28, %sign3A_31 : i32
    %ne3A = vector.broadcast %sign3A_32 : i32 to vector<64x1280xi32>
    %ne3A_33 = arith.cmpi ne, %sign3A_25, %ne3A : vector<64x1280xi32>
    %rem3A = vector.broadcast %jit3A : i32 to vector<64x1280xi32>
    %rem3A_34 = arith.remsi %iota3A, %rem3A : vector<64x1280xi32>
    %ne3A_35 = arith.constant 0 : i32
    %ne3A_36 = vector.broadcast %ne3A_35 : i32 to vector<64x1280xi32>
    %ne3A_37 = arith.cmpi ne, %rem3A_34, %ne3A_36 : vector<64x1280xi32>
    %and3A = arith.andi %ne3A_33, %ne3A_37 : vector<64x1280xi1>
    %sub3A = arith.constant 1 : i32
    %sub3A_38 = vector.broadcast %sub3A : i32 to vector<64x1280xi32>
    %sub3A_39 = arith.subi %div3A_17, %sub3A_38 : vector<64x1280xi32>
    %select_n3A = arith.select %and3A, %sub3A_39, %div3A_17 : vector<64x1280xi1>, vector<64x1280xi32>
    %iota3A_40 = tpu.iota {dimensions = array<i32: 0>} : vector<64x1280xi32>
    %eq3A = arith.cmpi eq, %select_n3A, %iota3A_40 : vector<64x1280xi32>
    %convert_element_type3A = arith.extui %eq3A : vector<64x1280xi1> to vector<64x1280xi32>
    %convert_element_type3A_41 = arith.sitofp %convert_element_type3A : vector<64x1280xi32> to vector<64x1280xf32>
    %iota3A_42 = tpu.iota {dimensions = array<i32: 0>} : vector<1280x64xi32>
    %jit3A_43 = arith.constant 20 : i32
    %div3A_44 = vector.broadcast %jit3A_43 : i32 to vector<1280x64xi32>
    %div3A_45 = arith.divsi %iota3A_42, %div3A_44 : vector<1280x64xi32>
    %sign3A_46 = arith.constant 0 : i32
    %sign3A_47 = vector.broadcast %sign3A_46 : i32 to vector<1280x64xi32>
    %sign3A_48 = arith.cmpi sgt, %iota3A_42, %sign3A_47 : vector<1280x64xi32>
    %sign3A_49 = arith.extui %sign3A_48 : vector<1280x64xi1> to vector<1280x64xi32>
    %sign3A_50 = arith.constant 0 : i32
    %sign3A_51 = vector.broadcast %sign3A_50 : i32 to vector<1280x64xi32>
    %sign3A_52 = arith.cmpi slt, %iota3A_42, %sign3A_51 : vector<1280x64xi32>
    %sign3A_53 = arith.extui %sign3A_52 : vector<1280x64xi1> to vector<1280x64xi32>
    %sign3A_54 = arith.subi %sign3A_49, %sign3A_53 : vector<1280x64xi32>
    %sign3A_55 = arith.constant 0 : i32
    %sign3A_56 = arith.cmpi sgt, %jit3A_43, %sign3A_55 : i32
    %sign3A_57 = arith.extui %sign3A_56 : i1 to i32
    %sign3A_58 = arith.constant 0 : i32
    %sign3A_59 = arith.cmpi slt, %jit3A_43, %sign3A_58 : i32
    %sign3A_60 = arith.extui %sign3A_59 : i1 to i32
    %sign3A_61 = arith.subi %sign3A_57, %sign3A_60 : i32
    %ne3A_62 = vector.broadcast %sign3A_61 : i32 to vector<1280x64xi32>
    %ne3A_63 = arith.cmpi ne, %sign3A_54, %ne3A_62 : vector<1280x64xi32>
    %rem3A_64 = vector.broadcast %jit3A_43 : i32 to vector<1280x64xi32>
    %rem3A_65 = arith.remsi %iota3A_42, %rem3A_64 : vector<1280x64xi32>
    %ne3A_66 = arith.constant 0 : i32
    %ne3A_67 = vector.broadcast %ne3A_66 : i32 to vector<1280x64xi32>
    %ne3A_68 = arith.cmpi ne, %rem3A_65, %ne3A_67 : vector<1280x64xi32>
    %and3A_69 = arith.andi %ne3A_63, %ne3A_68 : vector<1280x64xi1>
    %sub3A_70 = arith.constant 1 : i32
    %sub3A_71 = vector.broadcast %sub3A_70 : i32 to vector<1280x64xi32>
    %sub3A_72 = arith.subi %div3A_45, %sub3A_71 : vector<1280x64xi32>
    %select_n3A_73 = arith.select %and3A_69, %sub3A_72, %div3A_45 : vector<1280x64xi1>, vector<1280x64xi32>
    %iota3A_74 = tpu.iota {dimensions = array<i32: 1>} : vector<1280x64xi32>
    %eq3A_75 = arith.cmpi eq, %select_n3A_73, %iota3A_74 : vector<1280x64xi32>
    %convert_element_type3A_76 = arith.extui %eq3A_75 : vector<1280x64xi1> to vector<1280x64xi32>
    %convert_element_type3A_77 = arith.sitofp %convert_element_type3A_76 : vector<1280x64xi32> to vector<1280x64xf32>
    %iota3A_78 = tpu.iota {dimensions = array<i32: 0>} : vector<128x128xi32>
    %jit3A_79 = arith.constant 64 : i32
    %div3A_80 = vector.broadcast %jit3A_79 : i32 to vector<128x128xi32>
    %div3A_81 = arith.divsi %iota3A_78, %div3A_80 : vector<128x128xi32>
    %sign3A_82 = arith.constant 0 : i32
    %sign3A_83 = vector.broadcast %sign3A_82 : i32 to vector<128x128xi32>
    %sign3A_84 = arith.cmpi sgt, %iota3A_78, %sign3A_83 : vector<128x128xi32>
    %sign3A_85 = arith.extui %sign3A_84 : vector<128x128xi1> to vector<128x128xi32>
    %sign3A_86 = arith.constant 0 : i32
    %sign3A_87 = vector.broadcast %sign3A_86 : i32 to vector<128x128xi32>
    %sign3A_88 = arith.cmpi slt, %iota3A_78, %sign3A_87 : vector<128x128xi32>
    %sign3A_89 = arith.extui %sign3A_88 : vector<128x128xi1> to vector<128x128xi32>
    %sign3A_90 = arith.subi %sign3A_85, %sign3A_89 : vector<128x128xi32>
    %sign3A_91 = arith.constant 0 : i32
    %sign3A_92 = arith.cmpi sgt, %jit3A_79, %sign3A_91 : i32
    %sign3A_93 = arith.extui %sign3A_92 : i1 to i32
    %sign3A_94 = arith.constant 0 : i32
    %sign3A_95 = arith.cmpi slt, %jit3A_79, %sign3A_94 : i32
    %sign3A_96 = arith.extui %sign3A_95 : i1 to i32
    %sign3A_97 = arith.subi %sign3A_93, %sign3A_96 : i32
    %ne3A_98 = vector.broadcast %sign3A_97 : i32 to vector<128x128xi32>
    %ne3A_99 = arith.cmpi ne, %sign3A_90, %ne3A_98 : vector<128x128xi32>
    %rem3A_100 = vector.broadcast %jit3A_79 : i32 to vector<128x128xi32>
    %rem3A_101 = arith.remsi %iota3A_78, %rem3A_100 : vector<128x128xi32>
    %ne3A_102 = arith.constant 0 : i32
    %ne3A_103 = vector.broadcast %ne3A_102 : i32 to vector<128x128xi32>
    %ne3A_104 = arith.cmpi ne, %rem3A_101, %ne3A_103 : vector<128x128xi32>
    %and3A_105 = arith.andi %ne3A_99, %ne3A_104 : vector<128x128xi1>
    %sub3A_106 = arith.constant 1 : i32
    %sub3A_107 = vector.broadcast %sub3A_106 : i32 to vector<128x128xi32>
    %sub3A_108 = arith.subi %div3A_81, %sub3A_107 : vector<128x128xi32>
    %select_n3A_109 = arith.select %and3A_105, %sub3A_108, %div3A_81 : vector<128x128xi1>, vector<128x128xi32>
    %iota3A_110 = tpu.iota {dimensions = array<i32: 1>} : vector<128x128xi32>
    %jit3A_111 = arith.constant 64 : i32
    %div3A_112 = vector.broadcast %jit3A_111 : i32 to vector<128x128xi32>
    %div3A_113 = arith.divsi %iota3A_110, %div3A_112 : vector<128x128xi32>
    %sign3A_114 = arith.constant 0 : i32
    %sign3A_115 = vector.broadcast %sign3A_114 : i32 to vector<128x128xi32>
    %sign3A_116 = arith.cmpi sgt, %iota3A_110, %sign3A_115 : vector<128x128xi32>
    %sign3A_117 = arith.extui %sign3A_116 : vector<128x128xi1> to vector<128x128xi32>
    %sign3A_118 = arith.constant 0 : i32
    %sign3A_119 = vector.broadcast %sign3A_118 : i32 to vector<128x128xi32>
    %sign3A_120 = arith.cmpi slt, %iota3A_110, %sign3A_119 : vector<128x128xi32>
    %sign3A_121 = arith.extui %sign3A_120 : vector<128x128xi1> to vector<128x128xi32>
    %sign3A_122 = arith.subi %sign3A_117, %sign3A_121 : vector<128x128xi32>
    %sign3A_123 = arith.constant 0 : i32
    %sign3A_124 = arith.cmpi sgt, %jit3A_111, %sign3A_123 : i32
    %sign3A_125 = arith.extui %sign3A_124 : i1 to i32
    %sign3A_126 = arith.constant 0 : i32
    %sign3A_127 = arith.cmpi slt, %jit3A_111, %sign3A_126 : i32
    %sign3A_128 = arith.extui %sign3A_127 : i1 to i32
    %sign3A_129 = arith.subi %sign3A_125, %sign3A_128 : i32
    %ne3A_130 = vector.broadcast %sign3A_129 : i32 to vector<128x128xi32>
    %ne3A_131 = arith.cmpi ne, %sign3A_122, %ne3A_130 : vector<128x128xi32>
    %rem3A_132 = vector.broadcast %jit3A_111 : i32 to vector<128x128xi32>
    %rem3A_133 = arith.remsi %iota3A_110, %rem3A_132 : vector<128x128xi32>
    %ne3A_134 = arith.constant 0 : i32
    %ne3A_135 = vector.broadcast %ne3A_134 : i32 to vector<128x128xi32>
    %ne3A_136 = arith.cmpi ne, %rem3A_133, %ne3A_135 : vector<128x128xi32>
    %and3A_137 = arith.andi %ne3A_131, %ne3A_136 : vector<128x128xi1>
    %sub3A_138 = arith.constant 1 : i32
    %sub3A_139 = vector.broadcast %sub3A_138 : i32 to vector<128x128xi32>
    %sub3A_140 = arith.subi %div3A_113, %sub3A_139 : vector<128x128xi32>
    %select_n3A_141 = arith.select %and3A_137, %sub3A_140, %div3A_113 : vector<128x128xi1>, vector<128x128xi32>
    %eq3A_142 = arith.cmpi eq, %select_n3A_109, %select_n3A_141 : vector<128x128xi32>
    %jit3A_143 = arith.constant 1.250000e-01 : f32
    %jit3A_144 = arith.constant 0.000000e+00 : f32
    %broadcast_in_dim3A = vector.broadcast %jit3A_143 : f32 to vector<128x128xf32>
    %broadcast_in_dim3A_145 = vector.broadcast %jit3A_144 : f32 to vector<128x128xf32>
    %select_n3A_146 = arith.select %eq3A_142, %broadcast_in_dim3A, %broadcast_in_dim3A_145 : vector<128x128xi1>, vector<128x128xf32>
    %cos3A = math.cos %get3A_16 : vector<1x128xf32>
    %broadcast_in_dim3A_147 = vector.shape_cast %cos3A : vector<1x128xf32> to vector<1x128xf32>
    %broadcast_in_dim3A_148 = vector.broadcast %broadcast_in_dim3A_147 : vector<1x128xf32> to vector<64x128xf32>
    %concatenate3A = tpu.concatenate %get3A_1, %broadcast_in_dim3A_148 in 1 : vector<64x128xf32>, vector<64x128xf32> -> vector<64x256xf32>
    %concatenate3A_149 = tpu.concatenate %get3A_7, %get3A_10, %get3A_4 in 1 : vector<1280x128xf32>, vector<1280x128xf32>, vector<1280x128xf32> -> vector<1280x384xf32>
    %get3A_150 = arith.constant 0 : index
    %get3A_151 = arith.constant 0 : index
    %get3A_152 = vector.load %arg6[%get3A_150, %get3A_151] : memref<256x128xf32, #tpu.memory_space<vmem>>, vector<256x128xf32>
    %dot_general3A = arith.constant dense<0.000000e+00> : vector<64x128xf32>
    %dot_general3A_153 = tpu.matmul %concatenate3A, %get3A_152, %dot_general3A {dimension_numbers = #tpu.dot_dimension_numbers<[1], [0], [0], [1], [0, 0, 1, 1], [], []>, transpose_lhs_hint = false} : vector<64x256xf32>, vector<256x128xf32>, vector<64x128xf32> -> vector<64x128xf32>
    %get3A_154 = arith.constant 0 : index
    %get3A_155 = arith.constant 0 : index
    %get3A_156 = vector.load %arg7[%get3A_154, %get3A_155] : memref<384x128xf32, #tpu.memory_space<vmem>>, vector<384x128xf32>
    %dot_general3A_157 = arith.constant dense<0.000000e+00> : vector<1280x128xf32>
    %dot_general3A_158 = tpu.matmul %concatenate3A_149, %get3A_156, %dot_general3A_157 {dimension_numbers = #tpu.dot_dimension_numbers<[1], [0], [0], [1], [0, 0, 1, 1], [], []>, transpose_lhs_hint = false} : vector<1280x384xf32>, vector<384x128xf32>, vector<1280x128xf32> -> vector<1280x128xf32>
    %get3A_159 = arith.constant 0 : index
    %get3A_160 = arith.constant 0 : index
    %get3A_161 = vector.load %arg8[%get3A_159, %get3A_160] : memref<384x128xf32, #tpu.memory_space<vmem>>, vector<384x128xf32>
    %dot_general3A_162 = arith.constant dense<0.000000e+00> : vector<1280x128xf32>
    %dot_general3A_163 = tpu.matmul %concatenate3A_149, %get3A_161, %dot_general3A_162 {dimension_numbers = #tpu.dot_dimension_numbers<[1], [0], [0], [1], [0, 0, 1, 1], [], []>, transpose_lhs_hint = false} : vector<1280x384xf32>, vector<384x128xf32>, vector<1280x128xf32> -> vector<1280x128xf32>
    %dot_general3A_164 = arith.constant dense<0.000000e+00> : vector<1280x128xf32>
    %dot_general3A_165 = tpu.matmul %convert_element_type3A_77, %dot_general3A_153, %dot_general3A_164 {dimension_numbers = #tpu.dot_dimension_numbers<[1], [0], [0], [1], [0, 0, 1, 1], [], []>, transpose_lhs_hint = false} : vector<1280x64xf32>, vector<64x128xf32>, vector<1280x128xf32> -> vector<1280x128xf32>
    %mul3A = arith.mulf %dot_general3A_165, %dot_general3A_158 : vector<1280x128xf32>
    %dot_general3A_166 = arith.constant dense<0.000000e+00> : vector<1280x128xf32>
    %dot_general3A_167 = tpu.matmul %mul3A, %select_n3A_146, %dot_general3A_166 {dimension_numbers = #tpu.dot_dimension_numbers<[1], [0], [0], [1], [0, 0, 1, 1], [], []>, transpose_lhs_hint = false} : vector<1280x128xf32>, vector<128x128xf32>, vector<1280x128xf32> -> vector<1280x128xf32>
    %eq3A_168 = arith.constant 0 : i32
    %eq3A_169 = vector.broadcast %eq3A_168 : i32 to vector<1280x1xi32>
    %eq3A_170 = arith.cmpi eq, %get3A_13, %eq3A_169 : vector<1280x1xi32>
    %jit3A_171 = arith.constant -1.000000e+09 : f32
    %broadcast_in_dim3A_172 = vector.shape_cast %eq3A_170 : vector<1280x1xi1> to vector<1280x1xi1>
    %broadcast_in_dim3A_173 = vector.broadcast %broadcast_in_dim3A_172 : vector<1280x1xi1> to vector<1280x128xi1>
    %broadcast_in_dim3A_174 = vector.broadcast %jit3A_171 : f32 to vector<1280x128xf32>
    %select_n3A_175 = arith.select %broadcast_in_dim3A_173, %broadcast_in_dim3A_174, %dot_general3A_167 : vector<1280x128xi1>, vector<1280x128xf32>
    %exp3A = math.exp %select_n3A_175 : vector<1280x128xf32>
    %dot_general3A_176 = arith.constant dense<0.000000e+00> : vector<64x128xf32>
    %dot_general3A_177 = tpu.matmul %convert_element_type3A_41, %exp3A, %dot_general3A_176 {dimension_numbers = #tpu.dot_dimension_numbers<[1], [0], [0], [1], [0, 0, 1, 1], [], []>, transpose_lhs_hint = false} : vector<64x1280xf32>, vector<1280x128xf32>, vector<64x128xf32> -> vector<64x128xf32>
    %dot_general3A_178 = arith.constant dense<0.000000e+00> : vector<1280x128xf32>
    %dot_general3A_179 = tpu.matmul %convert_element_type3A_77, %dot_general3A_177, %dot_general3A_178 {dimension_numbers = #tpu.dot_dimension_numbers<[1], [0], [0], [1], [0, 0, 1, 1], [], []>, transpose_lhs_hint = false} : vector<1280x64xf32>, vector<64x128xf32>, vector<1280x128xf32> -> vector<1280x128xf32>
    %add3A = arith.constant 1.000000e-30 : f32
    %add3A_180 = vector.broadcast %add3A : f32 to vector<1280x128xf32>
    %add3A_181 = arith.addf %dot_general3A_179, %add3A_180 : vector<1280x128xf32>
    %div3A_182 = arith.divf %exp3A, %add3A_181 : vector<1280x128xf32>
    %mul3A_183 = arith.mulf %div3A_182, %dot_general3A_163 : vector<1280x128xf32>
    %dot_general3A_184 = arith.constant dense<0.000000e+00> : vector<64x128xf32>
    %dot_general3A_185 = tpu.matmul %convert_element_type3A_41, %mul3A_183, %dot_general3A_184 {dimension_numbers = #tpu.dot_dimension_numbers<[1], [0], [0], [1], [0, 0, 1, 1], [], []>, transpose_lhs_hint = false} : vector<64x1280xf32>, vector<1280x128xf32>, vector<64x128xf32> -> vector<64x128xf32>
    %get3A_186 = arith.constant 0 : index
    %get3A_187 = arith.constant 0 : index
    %get3A_188 = vector.load %arg9[%get3A_186, %get3A_187] : memref<128x128xf32, #tpu.memory_space<vmem>>, vector<128x128xf32>
    %dot_general3A_189 = arith.constant dense<0.000000e+00> : vector<64x128xf32>
    %dot_general3A_190 = tpu.matmul %dot_general3A_185, %get3A_188, %dot_general3A_189 {dimension_numbers = #tpu.dot_dimension_numbers<[1], [0], [0], [1], [0, 0, 1, 1], [], []>, transpose_lhs_hint = false} : vector<64x128xf32>, vector<128x128xf32>, vector<64x128xf32> -> vector<64x128xf32>
    %get3A_191 = arith.constant 0 : index
    %get3A_192 = arith.constant 0 : index
    %get3A_193 = vector.load %arg10[%get3A_191, %get3A_192] : memref<256x128xf32, #tpu.memory_space<vmem>>, vector<256x128xf32>
    %dot_general3A_194 = arith.constant dense<0.000000e+00> : vector<64x128xf32>
    %dot_general3A_195 = tpu.matmul %concatenate3A, %get3A_193, %dot_general3A_194 {dimension_numbers = #tpu.dot_dimension_numbers<[1], [0], [0], [1], [0, 0, 1, 1], [], []>, transpose_lhs_hint = false} : vector<64x256xf32>, vector<256x128xf32>, vector<64x128xf32> -> vector<64x128xf32>
    %add3A_196 = arith.addf %dot_general3A_190, %dot_general3A_195 : vector<64x128xf32>
    %get3A_197 = arith.constant 0 : index
    %get3A_198 = arith.constant 0 : index
    %get3A_199 = vector.load %arg11[%get3A_197, %get3A_198] : memref<128x256xf32, #tpu.memory_space<vmem>>, vector<128x256xf32>
    %dot_general3A_200 = arith.constant dense<0.000000e+00> : vector<64x256xf32>
    %dot_general3A_201 = tpu.matmul %add3A_196, %get3A_199, %dot_general3A_200 {dimension_numbers = #tpu.dot_dimension_numbers<[1], [0], [0], [1], [0, 0, 1, 1], [], []>, transpose_lhs_hint = false} : vector<64x128xf32>, vector<128x256xf32>, vector<64x256xf32> -> vector<64x256xf32>
    %get3A_202 = arith.constant 0 : index
    %get3A_203 = arith.constant 0 : index
    %get3A_204 = vector.load %arg12[%get3A_202, %get3A_203] : memref<1x256xf32, #tpu.memory_space<vmem>>, vector<1x256xf32>
    %add3A_205 = vector.broadcast %get3A_204 : vector<1x256xf32> to vector<64x256xf32>
    %add3A_206 = arith.addf %dot_general3A_201, %add3A_205 : vector<64x256xf32>
    %max3A = arith.constant 0.000000e+00 : f32
    %max3A_207 = vector.broadcast %max3A : f32 to vector<64x256xf32>
    %max3A_208 = arith.maximumf %add3A_206, %max3A_207 : vector<64x256xf32>
    %get3A_209 = arith.constant 0 : index
    %get3A_210 = arith.constant 0 : index
    %get3A_211 = vector.load %arg13[%get3A_209, %get3A_210] : memref<256x128xf32, #tpu.memory_space<vmem>>, vector<256x128xf32>
    %dot_general3A_212 = arith.constant dense<0.000000e+00> : vector<64x128xf32>
    %dot_general3A_213 = tpu.matmul %max3A_208, %get3A_211, %dot_general3A_212 {dimension_numbers = #tpu.dot_dimension_numbers<[1], [0], [0], [1], [0, 0, 1, 1], [], []>, transpose_lhs_hint = false} : vector<64x256xf32>, vector<256x128xf32>, vector<64x128xf32> -> vector<64x128xf32>
    %get3A_214 = arith.constant 0 : index
    %get3A_215 = arith.constant 0 : index
    %get3A_216 = vector.load %arg14[%get3A_214, %get3A_215] : memref<1x128xf32, #tpu.memory_space<vmem>>, vector<1x128xf32>
    %add3A_217 = vector.broadcast %get3A_216 : vector<1x128xf32> to vector<64x128xf32>
    %add3A_218 = arith.addf %dot_general3A_213, %add3A_217 : vector<64x128xf32>
    %add3A_219 = arith.addf %add3A_218, %add3A_196 : vector<64x128xf32>
    %reduce_sum3A = arith.constant dense<0.000000e+00> : vector<64xf32>
    %reduce_sum3A_220 = vector.multi_reduction <add>, %add3A_219, %reduce_sum3A [1] : vector<64x128xf32> to vector<64xf32>
    %broadcast_in_dim3A_221 = vector.shape_cast %reduce_sum3A_220 : vector<64xf32> to vector<64x1xf32>
    %div3A_222 = arith.constant 1.280000e+02 : f32
    %div3A_223 = vector.broadcast %div3A_222 : f32 to vector<64x1xf32>
    %div3A_224 = arith.divf %broadcast_in_dim3A_221, %div3A_223 : vector<64x1xf32>
    %sub3A_225 = vector.broadcast %div3A_224 : vector<64x1xf32> to vector<64x128xf32>
    %sub3A_226 = arith.subf %add3A_219, %sub3A_225 : vector<64x128xf32>
    %integer_pow3A = arith.mulf %sub3A_226, %sub3A_226 : vector<64x128xf32>
    %reduce_sum3A_227 = arith.constant dense<0.000000e+00> : vector<64xf32>
    %reduce_sum3A_228 = vector.multi_reduction <add>, %integer_pow3A, %reduce_sum3A_227 [1] : vector<64x128xf32> to vector<64xf32>
    %broadcast_in_dim3A_229 = vector.shape_cast %reduce_sum3A_228 : vector<64xf32> to vector<64x1xf32>
    %div3A_230 = arith.constant 1.280000e+02 : f32
    %div3A_231 = vector.broadcast %div3A_230 : f32 to vector<64x1xf32>
    %div3A_232 = arith.divf %broadcast_in_dim3A_229, %div3A_231 : vector<64x1xf32>
    %sub3A_233 = vector.broadcast %div3A_224 : vector<64x1xf32> to vector<64x128xf32>
    %sub3A_234 = arith.subf %add3A_219, %sub3A_233 : vector<64x128xf32>
    %add3A_235 = arith.constant 9.99999974E-6 : f32
    %add3A_236 = vector.broadcast %add3A_235 : f32 to vector<64x1xf32>
    %add3A_237 = arith.addf %div3A_232, %add3A_236 : vector<64x1xf32>
    %sqrt3A = math.sqrt %add3A_237 : vector<64x1xf32>
    %div3A_238 = vector.broadcast %sqrt3A : vector<64x1xf32> to vector<64x128xf32>
    %div3A_239 = arith.divf %sub3A_234, %div3A_238 : vector<64x128xf32>
    %get3A_240 = arith.constant 0 : index
    %get3A_241 = arith.constant 0 : index
    %get3A_242 = vector.load %arg15[%get3A_240, %get3A_241] : memref<1x128xf32, #tpu.memory_space<vmem>>, vector<1x128xf32>
    %mul3A_243 = vector.broadcast %get3A_242 : vector<1x128xf32> to vector<64x128xf32>
    %mul3A_244 = arith.mulf %div3A_239, %mul3A_243 : vector<64x128xf32>
    %get3A_245 = arith.constant 0 : index
    %get3A_246 = arith.constant 0 : index
    %get3A_247 = vector.load %arg16[%get3A_245, %get3A_246] : memref<1x128xf32, #tpu.memory_space<vmem>>, vector<1x128xf32>
    %add3A_248 = vector.broadcast %get3A_247 : vector<1x128xf32> to vector<64x128xf32>
    %add3A_249 = arith.addf %mul3A_244, %add3A_248 : vector<64x128xf32>
    %swap3A = arith.constant 0 : index
    %swap3A_250 = arith.constant 0 : index
    %swap3A_251 = vector.load %arg22[%swap3A, %swap3A_250] : memref<64x128xf32, #tpu.memory_space<vmem>>, vector<64x128xf32>
    tpu.vector_store %arg22[%swap3A, %swap3A_250], %add3A_249 {strides = array<i32>} : memref<64x128xf32, #tpu.memory_space<vmem>>, vector<64x128xf32>,
    %dot_general3A_252 = arith.constant dense<0.000000e+00> : vector<1280x128xf32>
    %dot_general3A_253 = tpu.matmul %convert_element_type3A_77, %add3A_249, %dot_general3A_252 {dimension_numbers = #tpu.dot_dimension_numbers<[1], [0], [0], [1], [0, 0, 1, 1], [], []>, transpose_lhs_hint = false} : vector<1280x64xf32>, vector<64x128xf32>, vector<1280x128xf32> -> vector<1280x128xf32>
    %concatenate3A_254 = tpu.concatenate %dot_general3A_253, %get3A_7, %get3A_10, %get3A_4 in 1 : vector<1280x128xf32>, vector<1280x128xf32>, vector<1280x128xf32>, vector<1280x128xf32> -> vector<1280x512xf32>
    %get3A_255 = arith.constant 0 : index
    %get3A_256 = arith.constant 0 : index
    %get3A_257 = arith.constant 0 : index
    %get3A_258 = vector.load %arg19[%get3A_255, %get3A_256, %get3A_257] : memref<1x512x384xf32, #tpu.memory_space<vmem>>, vector<1x512x384xf32>
    %get3A_259 = vector.shape_cast %get3A_258 : vector<1x512x384xf32> to vector<512x384xf32>
    %dot_general3A_260 = arith.constant dense<0.000000e+00> : vector<1280x384xf32>
    %dot_general3A_261 = tpu.matmul %concatenate3A_254, %get3A_259, %dot_general3A_260 {dimension_numbers = #tpu.dot_dimension_numbers<[1], [0], [0], [1], [0, 0, 1, 1], [], []>, transpose_lhs_hint = false} : vector<1280x512xf32>, vector<512x384xf32>, vector<1280x384xf32> -> vector<1280x384xf32>
    %get3A_262 = arith.constant 0 : index
    %get3A_263 = arith.constant 0 : index
    %get3A_264 = arith.constant 0 : index
    %get3A_265 = vector.load %arg21[%get3A_262, %get3A_263, %get3A_264] : memref<1x1x384xf32, #tpu.memory_space<vmem>>, vector<1x1x384xf32>
    %get3A_266 = vector.shape_cast %get3A_265 : vector<1x1x384xf32> to vector<1x384xf32>
    %add3A_267 = vector.broadcast %get3A_266 : vector<1x384xf32> to vector<1280x384xf32>
    %add3A_268 = arith.addf %dot_general3A_261, %add3A_267 : vector<1280x384xf32>
    %get3A_269 = arith.constant 0 : index
    %get3A_270 = arith.constant 0 : index
    %get3A_271 = arith.constant 0 : index
    %get3A_272 = vector.load %arg20[%get3A_269, %get3A_270, %get3A_271] : memref<1x128x384xf32, #tpu.memory_space<vmem>>, vector<1x128x384xf32>
    %get3A_273 = vector.shape_cast %get3A_272 : vector<1x128x384xf32> to vector<128x384xf32>
    %dot_general3A_274 = arith.constant dense<0.000000e+00> : vector<1280x384xf32>
    %dot_general3A_275 = tpu.matmul %get3A_7, %get3A_273, %dot_general3A_274 {dimension_numbers = #tpu.dot_dimension_numbers<[1], [0], [0], [1], [0, 0, 1, 1], [], []>, transpose_lhs_hint = false} : vector<1280x128xf32>, vector<128x384xf32>, vector<1280x384xf32> -> vector<1280x384xf32>
    %slice3A = vector.extract_strided_slice %add3A_268 {offsets = [0, 0], sizes = [1280, 128], strides = [1, 1]} : vector<1280x384xf32> to vector<1280x128xf32>
    %slice3A_276 = vector.extract_strided_slice %dot_general3A_275 {offsets = [0, 0], sizes = [1280, 128], strides = [1, 1]} : vector<1280x384xf32> to vector<1280x128xf32>
    %add3A_277 = arith.addf %slice3A, %slice3A_276 : vector<1280x128xf32>
    %logistic3A = arith.negf %add3A_277 : vector<1280x128xf32>
    %logistic3A_278 = math.exp %logistic3A : vector<1280x128xf32>
    %logistic3A_279 = arith.constant 1.000000e+00 : f32
    %logistic3A_280 = vector.broadcast %logistic3A_279 : f32 to vector<1280x128xf32>
    %logistic3A_281 = arith.addf %logistic3A_280, %logistic3A_278 : vector<1280x128xf32>
    %logistic3A_282 = arith.divf %logistic3A_280, %logistic3A_281 : vector<1280x128xf32>
    %slice3A_283 = vector.extract_strided_slice %add3A_268 {offsets = [0, 128], sizes = [1280, 128], strides = [1, 1]} : vector<1280x384xf32> to vector<1280x128xf32>
    %slice3A_284 = vector.extract_strided_slice %dot_general3A_275 {offsets = [0, 128], sizes = [1280, 128], strides = [1, 1]} : vector<1280x384xf32> to vector<1280x128xf32>
    %add3A_285 = arith.addf %slice3A_283, %slice3A_284 : vector<1280x128xf32>
    %logistic3A_286 = arith.negf %add3A_285 : vector<1280x128xf32>
    %logistic3A_287 = math.exp %logistic3A_286 : vector<1280x128xf32>
    %logistic3A_288 = arith.constant 1.000000e+00 : f32
    %logistic3A_289 = vector.broadcast %logistic3A_288 : f32 to vector<1280x128xf32>
    %logistic3A_290 = arith.addf %logistic3A_289, %logistic3A_287 : vector<1280x128xf32>
    %logistic3A_291 = arith.divf %logistic3A_289, %logistic3A_290 : vector<1280x128xf32>
    %slice3A_292 = vector.extract_strided_slice %add3A_268 {offsets = [0, 256], sizes = [1280, 128], strides = [1, 1]} : vector<1280x384xf32> to vector<1280x128xf32>
    %slice3A_293 = vector.extract_strided_slice %dot_general3A_275 {offsets = [0, 256], sizes = [1280, 128], strides = [1, 1]} : vector<1280x384xf32> to vector<1280x128xf32>
    %mul3A_294 = arith.mulf %logistic3A_282, %slice3A_293 : vector<1280x128xf32>
    %add3A_295 = arith.addf %slice3A_292, %mul3A_294 : vector<1280x128xf32>
    %tanh3A = math.tanh %add3A_295 : vector<1280x128xf32>
    %sub3A_296 = arith.constant 1.000000e+00 : f32
    %sub3A_297 = vector.broadcast %sub3A_296 : f32 to vector<1280x128xf32>
    %sub3A_298 = arith.subf %sub3A_297, %logistic3A_291 : vector<1280x128xf32>
    %mul3A_299 = arith.mulf %sub3A_298, %tanh3A : vector<1280x128xf32>
    %mul3A_300 = arith.mulf %logistic3A_291, %get3A_7 : vector<1280x128xf32>
    %add3A_301 = arith.addf %mul3A_299, %mul3A_300 : vector<1280x128xf32>
    %swap3A_302 = arith.constant 0 : index
    %swap3A_303 = arith.constant 0 : index
    %swap3A_304 = vector.load %arg23[%swap3A_302, %swap3A_303] : memref<1280x128xf32, #tpu.memory_space<vmem>>, vector<1280x128xf32>
    tpu.vector_store %arg23[%swap3A_302, %swap3A_303], %add3A_301 {strides = array<i32>} : memref<1280x128xf32, #tpu.memory_space<vmem>>, vector<1280x128xf32>,
    return
  }
  func.func @transform_0(%arg0: i32) -> (i32, i32) {
    %c0_i32 = arith.constant 0 : i32
    %c0_i32_0 = arith.constant 0 : i32
    return %arg0, %c0_i32 : i32, i32
  }
  func.func @transform_1(%arg0: i32) -> (i32, i32) {
    %c0_i32 = arith.constant 0 : i32
    %c0_i32_0 = arith.constant 0 : i32
    return %arg0, %c0_i32 : i32, i32
  }
  func.func @transform_2(%arg0: i32) -> (i32, i32) {
    %c0_i32 = arith.constant 0 : i32
    %c0_i32_0 = arith.constant 0 : i32
    return %arg0, %c0_i32 : i32, i32
  }
  func.func @transform_3(%arg0: i32) -> (i32, i32) {
    %c0_i32 = arith.constant 0 : i32
    %c0_i32_0 = arith.constant 0 : i32
    return %arg0, %c0_i32 : i32, i32
  }
  func.func @transform_4(%arg0: i32) -> (i32, i32) {
    %c0_i32 = arith.constant 0 : i32
    %c0_i32_0 = arith.constant 0 : i32
    return %arg0, %c0_i32 : i32, i32
  }
  func.func @transform_5(%arg0: i32) -> (i32, i32) {
    %c0_i32 = arith.constant 0 : i32
    %c0_i32_0 = arith.constant 0 : i32
    %c0_i32_1 = arith.constant 0 : i32
    return %c0_i32, %c0_i32_0 : i32, i32
  }
  func.func @transform_6(%arg0: i32) -> (i32, i32) {
    %c0_i32 = arith.constant 0 : i32
    %c0_i32_0 = arith.constant 0 : i32
    %c0_i32_1 = arith.constant 0 : i32
    return %c0_i32, %c0_i32_0 : i32, i32
  }
  func.func @transform_7(%arg0: i32) -> (i32, i32) {
    %c0_i32 = arith.constant 0 : i32
    %c0_i32_0 = arith.constant 0 : i32
    %c0_i32_1 = arith.constant 0 : i32
    return %c0_i32, %c0_i32_0 : i32, i32
  }
  func.func @transform_8(%arg0: i32) -> (i32, i32) {
    %c0_i32 = arith.constant 0 : i32
    %c0_i32_0 = arith.constant 0 : i32
    %c0_i32_1 = arith.constant 0 : i32
    return %c0_i32, %c0_i32_0 : i32, i32
  }
  func.func @transform_9(%arg0: i32) -> (i32, i32) {
    %c0_i32 = arith.constant 0 : i32
    %c0_i32_0 = arith.constant 0 : i32
    %c0_i32_1 = arith.constant 0 : i32
    return %c0_i32, %c0_i32_0 : i32, i32
  }
  func.func @transform_10(%arg0: i32) -> (i32, i32) {
    %c0_i32 = arith.constant 0 : i32
    %c0_i32_0 = arith.constant 0 : i32
    %c0_i32_1 = arith.constant 0 : i32
    return %c0_i32, %c0_i32_0 : i32, i32
  }
  func.func @transform_11(%arg0: i32) -> (i32, i32) {
    %c0_i32 = arith.constant 0 : i32
    %c0_i32_0 = arith.constant 0 : i32
    %c0_i32_1 = arith.constant 0 : i32
    return %c0_i32, %c0_i32_0 : i32, i32
  }
  func.func @transform_12(%arg0: i32) -> (i32, i32) {
    %c0_i32 = arith.constant 0 : i32
    %c0_i32_0 = arith.constant 0 : i32
    %c0_i32_1 = arith.constant 0 : i32
    return %c0_i32, %c0_i32_0 : i32, i32
  }
  func.func @transform_13(%arg0: i32) -> (i32, i32) {
    %c0_i32 = arith.constant 0 : i32
    %c0_i32_0 = arith.constant 0 : i32
    %c0_i32_1 = arith.constant 0 : i32
    return %c0_i32, %c0_i32_0 : i32, i32
  }
  func.func @transform_14(%arg0: i32) -> (i32, i32) {
    %c0_i32 = arith.constant 0 : i32
    %c0_i32_0 = arith.constant 0 : i32
    %c0_i32_1 = arith.constant 0 : i32
    return %c0_i32, %c0_i32_0 : i32, i32
  }
  func.func @transform_15(%arg0: i32) -> (i32, i32) {
    %c0_i32 = arith.constant 0 : i32
    %c0_i32_0 = arith.constant 0 : i32
    %c0_i32_1 = arith.constant 0 : i32
    return %c0_i32, %c0_i32_0 : i32, i32
  }
  func.func @transform_16(%arg0: i32) -> (i32, i32) {
    %c0_i32 = arith.constant 0 : i32
    %c0_i32_0 = arith.constant 0 : i32
    %c0_i32_1 = arith.constant 0 : i32
    return %c0_i32, %c0_i32_0 : i32, i32
  }
  func.func @transform_17(%arg0: i32) -> (i32, i32) {
    %c0_i32 = arith.constant 0 : i32
    %c0_i32_0 = arith.constant 0 : i32
    %c0_i32_1 = arith.constant 0 : i32
    return %c0_i32, %c0_i32_0 : i32, i32
  }
  func.func @transform_18(%arg0: i32) -> (i32, i32, i32) {
    %jit3A = arith.constant 16 : i32
    %div3A = arith.divsi %arg0, %jit3A : i32
    %sign3A = arith.constant 0 : i32
    %sign3A_0 = arith.cmpi sgt, %arg0, %sign3A : i32
    %sign3A_1 = arith.extui %sign3A_0 : i1 to i32
    %sign3A_2 = arith.constant 0 : i32
    %sign3A_3 = arith.cmpi slt, %arg0, %sign3A_2 : i32
    %sign3A_4 = arith.extui %sign3A_3 : i1 to i32
    %sign3A_5 = arith.subi %sign3A_1, %sign3A_4 : i32
    %sign3A_6 = arith.constant 0 : i32
    %sign3A_7 = arith.cmpi sgt, %jit3A, %sign3A_6 : i32
    %sign3A_8 = arith.extui %sign3A_7 : i1 to i32
    %sign3A_9 = arith.constant 0 : i32
    %sign3A_10 = arith.cmpi slt, %jit3A, %sign3A_9 : i32
    %sign3A_11 = arith.extui %sign3A_10 : i1 to i32
    %sign3A_12 = arith.subi %sign3A_8, %sign3A_11 : i32
    %ne3A = arith.cmpi ne, %sign3A_5, %sign3A_12 : i32
    %rem3A = arith.remsi %arg0, %jit3A : i32
    %ne3A_13 = arith.constant 0 : i32
    %ne3A_14 = arith.cmpi ne, %rem3A, %ne3A_13 : i32
    %and3A = arith.andi %ne3A, %ne3A_14 : i1
    %sub3A = arith.constant 1 : i32
    %sub3A_15 = arith.subi %div3A, %sub3A : i32
    %select_n3A = arith.select %and3A, %sub3A_15, %div3A : i32
    %min3A = arith.constant 1 : i32
    %min3A_16 = arith.minsi %select_n3A, %min3A : i32
    %c0_i32 = arith.constant 0 : i32
    %c0_i32_17 = arith.constant 0 : i32
    %c0_i32_18 = arith.constant 0 : i32
    return %min3A_16, %c0_i32, %c0_i32_17 : i32, i32, i32
  }
  func.func @transform_19(%arg0: i32) -> (i32, i32, i32) {
    %jit3A = arith.constant 16 : i32
    %div3A = arith.divsi %arg0, %jit3A : i32
    %sign3A = arith.constant 0 : i32
    %sign3A_0 = arith.cmpi sgt, %arg0, %sign3A : i32
    %sign3A_1 = arith.extui %sign3A_0 : i1 to i32
    %sign3A_2 = arith.constant 0 : i32
    %sign3A_3 = arith.cmpi slt, %arg0, %sign3A_2 : i32
    %sign3A_4 = arith.extui %sign3A_3 : i1 to i32
    %sign3A_5 = arith.subi %sign3A_1, %sign3A_4 : i32
    %sign3A_6 = arith.constant 0 : i32
    %sign3A_7 = arith.cmpi sgt, %jit3A, %sign3A_6 : i32
    %sign3A_8 = arith.extui %sign3A_7 : i1 to i32
    %sign3A_9 = arith.constant 0 : i32
    %sign3A_10 = arith.cmpi slt, %jit3A, %sign3A_9 : i32
    %sign3A_11 = arith.extui %sign3A_10 : i1 to i32
    %sign3A_12 = arith.subi %sign3A_8, %sign3A_11 : i32
    %ne3A = arith.cmpi ne, %sign3A_5, %sign3A_12 : i32
    %rem3A = arith.remsi %arg0, %jit3A : i32
    %ne3A_13 = arith.constant 0 : i32
    %ne3A_14 = arith.cmpi ne, %rem3A, %ne3A_13 : i32
    %and3A = arith.andi %ne3A, %ne3A_14 : i1
    %sub3A = arith.constant 1 : i32
    %sub3A_15 = arith.subi %div3A, %sub3A : i32
    %select_n3A = arith.select %and3A, %sub3A_15, %div3A : i32
    %min3A = arith.constant 1 : i32
    %min3A_16 = arith.minsi %select_n3A, %min3A : i32
    %c0_i32 = arith.constant 0 : i32
    %c0_i32_17 = arith.constant 0 : i32
    %c0_i32_18 = arith.constant 0 : i32
    return %min3A_16, %c0_i32, %c0_i32_17 : i32, i32, i32
  }
  func.func @transform_20(%arg0: i32) -> (i32, i32, i32) {
    %jit3A = arith.constant 16 : i32
    %div3A = arith.divsi %arg0, %jit3A : i32
    %sign3A = arith.constant 0 : i32
    %sign3A_0 = arith.cmpi sgt, %arg0, %sign3A : i32
    %sign3A_1 = arith.extui %sign3A_0 : i1 to i32
    %sign3A_2 = arith.constant 0 : i32
    %sign3A_3 = arith.cmpi slt, %arg0, %sign3A_2 : i32
    %sign3A_4 = arith.extui %sign3A_3 : i1 to i32
    %sign3A_5 = arith.subi %sign3A_1, %sign3A_4 : i32
    %sign3A_6 = arith.constant 0 : i32
    %sign3A_7 = arith.cmpi sgt, %jit3A, %sign3A_6 : i32
    %sign3A_8 = arith.extui %sign3A_7 : i1 to i32
    %sign3A_9 = arith.constant 0 : i32
    %sign3A_10 = arith.cmpi slt, %jit3A, %sign3A_9 : i32
    %sign3A_11 = arith.extui %sign3A_10 : i1 to i32
    %sign3A_12 = arith.subi %sign3A_8, %sign3A_11 : i32
    %ne3A = arith.cmpi ne, %sign3A_5, %sign3A_12 : i32
    %rem3A = arith.remsi %arg0, %jit3A : i32
    %ne3A_13 = arith.constant 0 : i32
    %ne3A_14 = arith.cmpi ne, %rem3A, %ne3A_13 : i32
    %and3A = arith.andi %ne3A, %ne3A_14 : i1
    %sub3A = arith.constant 1 : i32
    %sub3A_15 = arith.subi %div3A, %sub3A : i32
    %select_n3A = arith.select %and3A, %sub3A_15, %div3A : i32
    %min3A = arith.constant 1 : i32
    %min3A_16 = arith.minsi %select_n3A, %min3A : i32
    %c0_i32 = arith.constant 0 : i32
    %c0_i32_17 = arith.constant 0 : i32
    %c0_i32_18 = arith.constant 0 : i32
    return %min3A_16, %c0_i32, %c0_i32_17 : i32, i32, i32
  }
  func.func @transform_21(%arg0: i32) -> (i32, i32) {
    %c0_i32 = arith.constant 0 : i32
    %c0_i32_0 = arith.constant 0 : i32
    return %arg0, %c0_i32 : i32, i32
  }
  func.func @transform_22(%arg0: i32) -> (i32, i32) {
    %c0_i32 = arith.constant 0 : i32
    %c0_i32_0 = arith.constant 0 : i32
    return %arg0, %c0_i32 : i32, i32
  }
}

module attributes {stable_mosaic.version = 14 : i64} {
  func.func @_prob_body(%arg0: memref<3072x128xf32, #tpu.memory_space<vmem>>, %arg1: memref<256x1xf32, #tpu.memory_space<vmem>>, %arg2: memref<1x1xf32, #tpu.memory_space<vmem>>, %arg3: memref<1024x1xf32, #tpu.memory_space<vmem>>, %arg4: memref<1024x1xf32, #tpu.memory_space<vmem>>) attributes {dimension_semantics = [], scalar_prefetch = 0 : i64, scratch_operands = 0 : i64, tpu.core_type = #tpu.core_type<tc>} {
    %get3A = arith.constant 0 : index
    %get3A_0 = arith.constant 0 : index
    %get3A_1 = vector.load %arg0[%get3A, %get3A_0] : memref<3072x128xf32, #tpu.memory_space<vmem>>, vector<1024x128xf32>
    %get3A_2 = arith.constant 1024 : index
    %get3A_3 = arith.constant 0 : index
    %get3A_4 = vector.load %arg0[%get3A_2, %get3A_3] : memref<3072x128xf32, #tpu.memory_space<vmem>>, vector<1024x128xf32>
    %get3A_5 = arith.constant 2048 : index
    %get3A_6 = arith.constant 0 : index
    %get3A_7 = vector.load %arg0[%get3A_5, %get3A_6] : memref<3072x128xf32, #tpu.memory_space<vmem>>, vector<1024x128xf32>
    %get3A_8 = arith.constant 0 : index
    %get3A_9 = arith.constant 0 : index
    %get3A_10 = vector.load %arg1[%get3A_8, %get3A_9] : memref<256x1xf32, #tpu.memory_space<vmem>>, vector<128x1xf32>
    %get3A_11 = arith.constant 128 : index
    %get3A_12 = arith.constant 0 : index
    %get3A_13 = vector.load %arg1[%get3A_11, %get3A_12] : memref<256x1xf32, #tpu.memory_space<vmem>>, vector<128x1xf32>
    %get3A_14 = arith.constant 0 : index
    %get3A_15 = arith.constant 0 : index
    %get3A_16 = vector.load %arg2[%get3A_14, %get3A_15] : memref<1x1xf32, #tpu.memory_space<vmem>>, vector<1x1xf32>
    %dot_general3A = arith.constant dense<0.000000e+00> : vector<1024x1xf32>
    %dot_general3A_17 = tpu.matmul %get3A_1, %get3A_10, %dot_general3A {dimension_numbers = #tpu.dot_dimension_numbers<[1], [0], [0], [1], [0, 0, 1, 1], [], []>, transpose_lhs_hint = false} : vector<1024x128xf32>, vector<128x1xf32>, vector<1024x1xf32> -> vector<1024x1xf32>
    %dot_general3A_18 = arith.constant dense<0.000000e+00> : vector<1024x1xf32>
    %dot_general3A_19 = tpu.matmul %get3A_4, %get3A_13, %dot_general3A_18 {dimension_numbers = #tpu.dot_dimension_numbers<[1], [0], [0], [1], [0, 0, 1, 1], [], []>, transpose_lhs_hint = false} : vector<1024x128xf32>, vector<128x1xf32>, vector<1024x1xf32> -> vector<1024x1xf32>
    %add3A = arith.addf %dot_general3A_17, %dot_general3A_19 : vector<1024x1xf32>
    %add3A_20 = vector.broadcast %get3A_16 : vector<1x1xf32> to vector<1024x1xf32>
    %add3A_21 = arith.addf %add3A, %add3A_20 : vector<1024x1xf32>
    %logistic3A = arith.negf %add3A_21 : vector<1024x1xf32>
    %logistic3A_22 = math.exp %logistic3A : vector<1024x1xf32>
    %logistic3A_23 = arith.constant 1.000000e+00 : f32
    %logistic3A_24 = vector.broadcast %logistic3A_23 : f32 to vector<1024x1xf32>
    %logistic3A_25 = arith.addf %logistic3A_24, %logistic3A_22 : vector<1024x1xf32>
    %logistic3A_26 = arith.divf %logistic3A_24, %logistic3A_25 : vector<1024x1xf32>
    %swap3A = arith.constant 0 : index
    %swap3A_27 = arith.constant 0 : index
    %swap3A_28 = vector.load %arg3[%swap3A, %swap3A_27] : memref<1024x1xf32, #tpu.memory_space<vmem>>, vector<1024x1xf32>
    tpu.vector_store %arg3[%swap3A, %swap3A_27], %logistic3A_26 {strides = array<i32>} : memref<1024x1xf32, #tpu.memory_space<vmem>>, vector<1024x1xf32>,
    %dot_general3A_29 = arith.constant dense<0.000000e+00> : vector<1024x1xf32>
    %dot_general3A_30 = tpu.matmul %get3A_1, %get3A_10, %dot_general3A_29 {dimension_numbers = #tpu.dot_dimension_numbers<[1], [0], [0], [1], [0, 0, 1, 1], [], []>, transpose_lhs_hint = false} : vector<1024x128xf32>, vector<128x1xf32>, vector<1024x1xf32> -> vector<1024x1xf32>
    %dot_general3A_31 = arith.constant dense<0.000000e+00> : vector<1024x1xf32>
    %dot_general3A_32 = tpu.matmul %get3A_7, %get3A_13, %dot_general3A_31 {dimension_numbers = #tpu.dot_dimension_numbers<[1], [0], [0], [1], [0, 0, 1, 1], [], []>, transpose_lhs_hint = false} : vector<1024x128xf32>, vector<128x1xf32>, vector<1024x1xf32> -> vector<1024x1xf32>
    %add3A_33 = arith.addf %dot_general3A_30, %dot_general3A_32 : vector<1024x1xf32>
    %add3A_34 = vector.broadcast %get3A_16 : vector<1x1xf32> to vector<1024x1xf32>
    %add3A_35 = arith.addf %add3A_33, %add3A_34 : vector<1024x1xf32>
    %logistic3A_36 = arith.negf %add3A_35 : vector<1024x1xf32>
    %logistic3A_37 = math.exp %logistic3A_36 : vector<1024x1xf32>
    %logistic3A_38 = arith.constant 1.000000e+00 : f32
    %logistic3A_39 = vector.broadcast %logistic3A_38 : f32 to vector<1024x1xf32>
    %logistic3A_40 = arith.addf %logistic3A_39, %logistic3A_37 : vector<1024x1xf32>
    %logistic3A_41 = arith.divf %logistic3A_39, %logistic3A_40 : vector<1024x1xf32>
    %swap3A_42 = arith.constant 0 : index
    %swap3A_43 = arith.constant 0 : index
    %swap3A_44 = vector.load %arg4[%swap3A_42, %swap3A_43] : memref<1024x1xf32, #tpu.memory_space<vmem>>, vector<1024x1xf32>
    tpu.vector_store %arg4[%swap3A_42, %swap3A_43], %logistic3A_41 {strides = array<i32>} : memref<1024x1xf32, #tpu.memory_space<vmem>>, vector<1024x1xf32>,
    return
  }
}

</mosaic_0001>

<sc_bundles>
// kernel: kernel.10.cloned.1.call-start
scs
__scs_entry_jumppad:
0x0: {  	(pc) =	sbr.rel $0x88, $3  }
0x1: {  	(tag) =	ssettag $0x0;
	lr =	simm.s32 $0x1  }
0x2: {  	[smem:$0x3F7E] =	sst lr;
	_ =	strace $0xD0000000  }
0x3: {  	_ = 	snop  }
0x4: {  	_ = 	snop  }
0x5: {  	_ = 	snop  }
0x6: {  	_ = 	snop  }
0x7: {  	_ = 	snop  }
__scs_overlays_trampoline_lowered:
0x8: {  	[smem:$0x3F8D] =	sst s0  }
0x9: {  	[smem:$0x3F8E] =	sst s1  }
0xa: {  	[smem:$0x3F8F] =	sst s2  }
0xb: {  	[smem:$0x3F90] =	sst s3  }
0xc: {  	[smem:$0x3F91] =	sst s4  }
0xd: {  	[smem:$0x3F92] =	sst s5  }
0xe: {  	[smem:$0x3F93] =	sst s6  }
0xf: {  	[smem:$0x3F94] =	sst s7  }
0x10: {  	[smem:$0x3F95] =	sst s8  }
0x11: {  	[smem:$0x3F96] =	sst s9;
	s0 =	simm.s32 @!p0 $0x0  }
0x12: {  	s1 =	sld [smem:$0x3F7C];
	s0 =	simm.s32 @p0 $0x1  }
0x13: {  	[smem:$0x3F97] =	sst s0;
	s0 =	simm.s32 @!p1 $0x0  }
0x14: {  	s2 =	sld [smem:$0x3F7B];
	s0 =	simm.s32 @p1 $0x1  }
0x15: {  	[smem:$0x3F98] =	sst s0;
	s0 =	simm.s32 @!p2 $0x0  }
0x16: {  	s3 =	sld [smem:$0x3FDB];
	s0 =	simm.s32 @p2 $0x1  }
0x17: {  	s4 =	simm.s32 $0x1BF5;
	[smem:$0x3F9A] =	sst s0  }
0x18: {  	s0 =	sld [smem:$0x3F7D];
	_ =	swait.ge [sflag:s4], $0x0  }
0x19: {  	s7 =	sld [smem:$0x3F7E]  }
0x1a: {  	s8 =	sadd.s32 $0xFFFFE003, lr  }
0x1b: {  	s9 =	sadd.s32 $0xFFFFFEF7, lr;
	s5 =	simm.s32 $0xFFFFFFFF;
	p2 =	slt.u32 s8, $0xFFFFF086  }
0x1c: {  	p1 =	slt.u32 s9, $0xF7A;
	s5 =	simm.s32 @!p2 $0x0  }
0x1d: {  	s5 =	simm.s32 @p1 $0x1;
	p0 =	seq.s32 s7, s2  }
0x1e: {  	s7 =	smul.u32 @!p0 $0xF7A, s2;
	p2 =	seq.s32 @!p0 s5, $0x0  }
0x1f: {  	s9 =	smul.u32 $0xF7A, s1;
	s8 =	simm.s32 @!p0 $0x1BF5;
	p2 =	por !p2, p0  }
0x20: {  	[sflag:s8] =	ssyncset.s32 @!p0 $0xFFFFF086;
	s6 =	sadd.s32 @!p0 s3, s7;
	s7 =	simm.s32 @!p0 $0x108  }
0x21: {  	s3 =	sadd.s32 s3, s9;
	s6 =	sadd.s32 @!p0 $0x88, s6;
	s7 =	simm.s32 @p2 $0x1082  }
0x22: {  	[simem:s7], [sflag:s8] =	dma.local @!p0 [hbm:s6], $0xF7A  }
0x23: {  	s9 =	sor.u32 $0xD0000000, s2;
	s6 =	simm.s32 $0x108;
	_ =	swait.ge @!p0 [sflag:s8], $0x0  }
0x24: {  	s3 =	sadd.s32 $0x88, s3;
	s6 =	simm.s32 @!p1 $0x1082;
	[sflag:s4] =	ssyncset.s32 $0xFFFFF086  }
0x25: {  	[simem:s6], [sflag:s4] =	dma.local [hbm:s3], $0xF7A  }
0x26: {  	[smem:$0x3F7E] =	sst s1;
	(tag) =	ssettag s2;
	_ =	strace s9  }
0x27: {  	s1 =	sld [smem:$0x3F8E]  }
0x28: {  	s2 =	sld [smem:$0x3F8F]  }
0x29: {  	s4 =	sld [smem:$0x3F91]  }
0x2a: {  	p0 =	seq.s32 s5, $0x0;
	s5 =	sld [smem:$0x3F92]  }
0x2b: {  	s6 =	sld [smem:$0x3F93]  }
0x2c: {  	s7 =	sld [smem:$0x3F94]  }
0x2d: {  	s3 =	simm.s32 $0x108;
	s8 =	sld [smem:$0x3F95]  }
0x2e: {  	s3 =	simm.s32 @!p0 $0x1082;
	s9 =	sld [smem:$0x3F96]  }
0x2f: {  	lr =	sadd.s32 s0, s3;
	s0 =	sld [smem:$0x3F8D]  }
0x30: {  	s3 =	sld [smem:$0x3F90]  }
0x31: {  	[smem:$0x3F99] =	sst s10  }
0x32: {  	s10 =	sld [smem:$0x3F97];
	_ =	sdelay $0x3  }
0x33: {  	p0 =	seq.s32 s10, $0x1;
	s10 =	sld [smem:$0x3F99];
	_ =	sdelay $0x3  }
0x34: {  	[smem:$0x3F99] =	sst s10  }
0x35: {  	s10 =	sld [smem:$0x3F98];
	_ =	sdelay $0x3  }
0x36: {  	p1 =	seq.s32 s10, $0x1;
	s10 =	sld [smem:$0x3F99];
	_ =	sdelay $0x3  }
0x37: {  	[smem:$0x3F99] =	sst s10  }
0x38: {  	s10 =	sld [smem:$0x3F9A]  }
0x39: {  	_ = 	snop;
	(pc) =	sbr.ind lr, $3  }
0x3a: {  	_ = 	snop  }
0x3b: {  	_ = 	snop  }
0x3c: {  	p2 =	seq.s32 s10, $0x1;
	s10 =	sld [smem:$0x3F99]  }
0x3d: {  	_ =	shalt  }
0x3e: {  	_ =	shalt  }
0x3f: {  	_ =	shalt  }
0x40: {  	_ =	shalt  }
0x41: {  	_ =	shalt  }
0x42: {  	_ =	shalt  }
0x43: {  	_ =	shalt  }
0x44: {  	_ =	shalt  }
0x45: {  	_ =	shalt  }
0x46: {  	_ =	shalt  }
0x47: {  	_ =	shalt  }
0x48: {  	_ =	shalt  }
0x49: {  	_ =	shalt  }
0x4a: {  	_ =	shalt  }
0x4b: {  	_ =	shalt  }
0x4c: {  	_ =	shalt  }
0x4d: {  	_ =	shalt  }
0x4e: {  	_ =	shalt  }
0x4f: {  	_ =	shalt  }
0x50: {  	_ =	shalt  }
0x51: {  	_ =	shalt  }
0x52: {  	_ =	shalt  }
0x53: {  	_ =	shalt  }
0x54: {  	_ =	shalt  }
0x55: {  	_ =	shalt  }
0x56: {  	_ =	shalt  }
0x57: {  	_ =	shalt  }
0x58: {  	_ =	shalt  }
0x59: {  	_ =	shalt  }
0x5a: {  	_ =	shalt  }
0x5b: {  	_ =	shalt  }
0x5c: {  	_ =	shalt  }
0x5d: {  	_ =	shalt  }
0x5e: {  	_ =	shalt  }
0x5f: {  	_ =	shalt  }
0x60: {  	_ =	shalt  }
0x61: {  	_ =	shalt  }
0x62: {  	_ =	shalt  }
0x63: {  	_ =	shalt  }
0x64: {  	_ =	shalt  }
0x65: {  	_ =	shalt  }
0x66: {  	_ =	shalt  }
0x67: {  	_ =	shalt  }
0x68: {  	_ =	shalt  }
0x69: {  	_ =	shalt  }
0x6a: {  	_ =	shalt  }
0x6b: {  	_ =	shalt  }
0x6c: {  	_ =	shalt  }
0x6d: {  	_ =	shalt  }
0x6e: {  	_ =	shalt  }
0x6f: {  	_ =	shalt  }
0x70: {  	_ =	shalt  }
0x71: {  	_ =	shalt  }
0x72: {  	_ =	shalt  }
0x73: {  	_ =	shalt  }
0x74: {  	_ =	shalt  }
0x75: {  	_ =	shalt  }
0x76: {  	_ =	shalt  }
0x77: {  	_ =	shalt  }
0x78: {  	_ =	shalt  }
0x79: {  	_ =	shalt  }
0x7a: {  	_ =	shalt  }
0x7b: {  	_ =	shalt  }
0x7c: {  	_ =	shalt  }
0x7d: {  	_ =	shalt  }
0x7e: {  	_ =	shalt  }
0x7f: {  	_ =	shalt  }
0x80: {  	_ =	shalt  }
0x81: {  	_ =	shalt  }
0x82: {  	_ =	shalt  }
0x83: {  	_ =	shalt  }
0x84: {  	_ =	shalt  }
0x85: {  	_ =	shalt  }
0x86: {  	_ =	shalt  }
0x87: {  	_ =	shalt  }
.Lfunc_end0:
.L_simem_size_0:
called_computation_lowered:
.L_overlay_start_0:
0x88: {  	s2 =	sld [smem:$0x3FD9]  }
0x89: {  	s3 =	sld [smem:$0x3FFE];
	_ =	sdelay $0x1  }
0x8a: {  	s1 =	srdreg.scid  }
0x8b: {  	s0 =	sand.u32 $0x1, s1  }
0x8c: {  	s14 =	sshll.u32 s0, $0xA;
	s2 =	sadd.s32 s3, s2  }
0x8d: {  	s2 =	sadd.s32 s2, s14  }
0x8e: {  	[smem:$0x3FA5] =	sst s2  }
0x8f: {  	_ = 	snop  }
0x90: {  	s2 =	sld [smem:$0x3FC5]  }
0x91: {  	s15 =	sld [smem:$0x3FD0]  }
0x92: {  	s4 =	sld [smem:$0x3FC1]  }
0x93: {  	s5 =	sld [smem:$0x3FC0]  }
0x94: {  	s7 =	simm.s32 $0xB;
	s8 =	simm.s32 $0x10;
	s6 =	sld [smem:$0x3FBF]  }
0x95: {  	[smem:s8], [sflag:s7] =	dma.local [hbm:s15], $0x1  }
0x96: {  	_ =	swait.eq [sflag:s7], $0x1  }
0x97: {  	[sflag:s7] =	ssyncset.done $0x0  }
0x98: {  	[sflag:s7] =	ssyncadd.s32 $0xFFFFFFFF  }
0x99: {  	s16 =	sld [smem:$0x12];
	(tm) =	ssettm $0x1  }
0x9a: {  	s17 =	sld [smem:$0x3FFB];
	_ =	sdelay $0x3  }
0x9b: {  	_ =	strace s17  }
0x9c: {  	s7 =	sld [smem:$0x3FFC];
	_ =	sdelay $0x3  }
0x9d: {  	_ =	strace s7  }
0x9e: {  	s7 =	sld [smem:$0x3FFD];
	_ =	sdelay $0x3  }
0x9f: {  	_ =	strace s7  }
0xa0: {  	_ =	strace $0x8FFFFFFF  }
0xa1: {  	s18 =	sld [smem:$0x3FDB];
	_ =	sdelay $0x1  }
0xa2: {  	s19 =	simm.s32 $_scs_section_size  }
0xa3: {  	s9 =	simm.s32 $_size__tile_overlayer_lowered;
	s10 =	simm.s32 $_tile_overlayer_lowered  }
0xa4: {  	s22 =	simm.s32 $0x1BFF;
	s21 =	sshll.u32 s10, $0x1;
	s7 =	sadd.s32 s19, s18  }
0xa5: {  	s11 =	simm.s32 $0x0;
	s20 =	sshll.u32 s9, $0x1;
	s9 =	sadd.s32 s21, s7  }
0xa6: {  	[timem:s11], [sflag:s22] =	dma.local [hbm:s9], s20  }
0xa7: {  	_ =	swait.ge [sflag:s22], s20  }
0xa8: {  	s8 =	ssub.s32 $0x0, s20;
	[sflag:s22] =	ssyncset.done $0x0  }
0xa9: {  	[sflag:s22] =	ssyncadd.s32 s8;
	_ =	sdelay $0x1  }
0xaa: {  	s23 =	simm.s32 $0x1B8B  }
0xab: {  	_ =	swait.ge [sflag:s23], $0x1  }
0xac: {  	[sflag:s23] =	ssyncset.done $0x0  }
0xad: {  	s25 =	simm.s32 $0x1B8E;
	s24 =	sld [smem:$0x3FFE];
	[sflag:s23] =	ssyncadd.s32 $0xFFFFFFFF  }
0xae: {  	s26 =	simm.s32 $execute0_lowered;
	[smem:$0x3FD2] =	sst s25  }
0xaf: {  	s9 =	sshll.u32 s26, $0x1;
	_ =	strace $0x80000046;
	[dreg:$0x1] =	wrdreg $0xFFFFFFFF  }
0xb0: {  	s28 =	simm.s32 $_size_execute0_lowered;
	s7 =	sadd.s32 s7, s9;
	[dreg:$0x0] =	wrdreg $0x0  }
0xb1: {  	s9 =	sshll.u32 s28, $0x1;
	[dreg:$0x2] =	wrdreg s7  }
0xb2: {  	[dreg:$0x3] =	wrdreg s9  }
0xb3: {  	[dreg:$0x4] =	wrdreg $0xC0  }
0xb4: {  	_ =	task [dreg:s11], $0x5FFFF  }
0xb5: {  	[dreg:$0x1] =	wrdreg $0xFFFFFFFF  }
0xb6: {  	[dreg:$0x0] =	wrdreg $0x60  }
0xb7: {  	[dreg:$0x2] =	wrdreg s4  }
0xb8: {  	[dreg:$0x3] =	wrdreg s6  }
0xb9: {  	[dreg:$0x4] =	wrdreg s5  }
0xba: {  	[dreg:$0x5] =	wrdreg s24  }
0xbb: {  	[dreg:$0x6] =	wrdreg s2  }
0xbc: {  	[dreg:$0x7] =	wrdreg s16  }
0xbd: {  	[dreg:$0x8] =	wrdreg $0x9  }
0xbe: {  	_ =	task.clear_ibuf [dreg:s11], $0x9FFFF;
	_ =	strace $0x90000046  }
0xbf: {  	s29 =	simm.s32 $0x9;
	_ =	strace $0x80000048  }
0xc0: {  	_ =	swait.ge [sflag:s29], $0x1  }
0xc1: {  	[sflag:s29] =	ssyncadd.s32 $0xFFFFFFFF  }
0xc2: {  	_ =	strace $0x90000048  }
0xc3: {  	_ =	sfence  }
0xc4: {  	s30 =	sld [smem:$0x0];
	_ =	sdelay $0x2  }
0xc5: {  	s31 =	sshll.u32 s1, $0xD;
	s1 =	sshrl.u32 s1, $0x2  }
0xc6: {  	s3 =	sand.u32 $0x4000, s31;
	s1 =	sadd.s32 s1, s30  }
0xc7: {  	s0 =	sor.u32 s3, s0;
	s1 =	sshll.u32 s1, $0x11  }
0xc8: {  	s0 =	sor.u32 s1, s0  }
0xc9: {  	s0 =	sadd.s32 $0x8F2B, s0  }
0xca: {  	[sflag:s0] =	ssyncadd.remote.s32 $0x1  }
0xcb: {  	_ =	sfence.sel $0xFFFF  }
0xcc: {  	[dreg:$0x0] =	wrdreg $0xFFFFFFFF;
	(pc) =	sbr.abs _section_cstart, $3  }
0xcd: {  	[dreg:$0x1] =	wrdreg $0xFFFFFFFF  }
0xce: {  	_ =	task.clear_ibuf [dreg:s11], $0x2FFFF;
	_ =	strace $0x9FFFFFFF  }
0xcf: {  	(tm) =	ssettm $0x7FFFFFFF  }
tec
execute0_lowered:
.L_overlay_start_1:
0x0: {  	(tag) =	ssettag $0x1  }
0x1: {  	s0 =	rddreg [dreg:$0x0]  }
0x2: {  	s2 =	rddreg [dreg:$0x1];
	s1 =	srdreg.scid  }
0x3: {  	s3 =	rddreg [dreg:$0x2];
	s17 =	sand.u32 $0x1, s1  }
0x4: {  	s15 =	rddreg [dreg:$0x3];
	s1 =	stileid.u32;
	s4 =	sshll.u32 s17, $0x4  }
0x5: {  	s11 =	rddreg [dreg:$0x4];
	s16 =	sor.u32 s1, s4  }
0x6: {  	s10 =	rddreg [dreg:$0x5];
	s5 =	simm.s32 $0x0;
	s6 =	smul.u32 $0xC, s16  }
0x7: {  	[smem:$0x7FF] =	sst s5  }
0x8: {  	s4 =	rddreg [dreg:$0x6];
	s18 =	sadd.s32 s6, s15  }
0x9: {  	_ =	strace $0x80000047;
	s6 =	simm.s32 $0x1;
	s7 =	sadd.s32 $0x8200, s18  }
0xa: {  	[tilespmem:s5], [sflag:$0x1] =	stream.linear.gather [hbm4b:s7+s5], $0x60, $0x38;
	[tilespmem:$0xB980] =	vst v63  }
0xb: {  	_ =	swait.ge [sflag:s6], $0x60  }
0xc: {  	[sflag:s6] =	ssyncset.done $0x0  }
0xd: {  	s8 =	simm.s32 $0x60;
	s9 =	simm.s32 $0x80;
	[sflag:s6] =	ssyncadd.s32 $0xFFFFFFA0  }
0xe: {  	[tilespmem:s9], [sflag:$0x1] =	stream.indirect.gather [hbm4b:s0+s8], $0x80, s5, s8, $0xb8;
	[tilespmem:$0xB980] =	vst v63  }
0xf: {  	s12 =	smul.u32 $0x600, s16;
	_ =	swait.ge [sflag:s6], $0x3000  }
0x10: {  	[sflag:s6] =	ssyncset.done $0x0  }
0x11: {  	s10 =	sadd.s32 s10, s12;
	[sflag:s6] =	ssyncadd.s32 $0xFFFFD000  }
0x12: {  	[hbm4b:s10+s5] =	stream.linear.scatter [tilespmem:s9], [sflag:$0x1], $0x3000, $0x38;
	[tilespmem:$0xB980] =	vst v63  }
0x13: {  	_ =	swait.ge [sflag:s6], $0x3000  }
0x14: {  	s31 =	sshll.u32 s16, $0x2;
	[sflag:s6] =	ssyncset.done $0x0  }
0x15: {  	s11 =	sadd.s32 s11, s31;
	s12 =	simm.s32 $0x3080;
	[sflag:s6] =	ssyncadd.s32 $0xFFFFD000  }
0x16: {  	[tilespmem:s12], [sflag:$0x1] =	stream.linear.gather [hbm4b:s11+s5], $0x20, $0x38;
	[tilespmem:$0xB980] =	vst v63  }
0x17: {  	_ =	swait.ge [sflag:s6], $0x20  }
0x18: {  	[sflag:s6] =	ssyncset.done $0x0  }
0x19: {  	s13 =	simm.s32 $0x20;
	s14 =	simm.s32 $0x3100;
	[sflag:s6] =	ssyncadd.s32 $0xFFFFFFE0  }
0x1a: {  	[tilespmem:s14], [sflag:$0x1] =	stream.indirect.gather [hbm4b:s2+s13], $0x80, s12, s13, $0xb8;
	[tilespmem:$0xB980] =	vst v63  }
0x1b: {  	s16 =	sshll.u32 s16, $0x9;
	_ =	swait.ge [sflag:s6], $0x1000  }
0x1c: {  	s15 =	sadd.s32 s16, s15;
	[sflag:s6] =	ssyncset.done $0x0  }
0x1d: {  	s15 =	sadd.s32 $0x8600, s15;
	[sflag:s6] =	ssyncadd.s32 $0xFFFFF000  }
0x1e: {  	[hbm4b:s15+s5] =	stream.linear.scatter [tilespmem:s14], [sflag:$0x1], $0x1000, $0x38;
	[tilespmem:$0xB980] =	vst v63  }
0x1f: {  	_ =	swait.ge [sflag:s6], $0x1000  }
0x20: {  	[sflag:s6] =	ssyncset.done $0x0  }
0x21: {  	s16 =	simm.s32 $0x4100;
	[sflag:s6] =	ssyncadd.s32 $0xFFFFF000  }
0x22: {  	[tilespmem:s16], [sflag:$0x1] =	stream.linear.gather [hbm4b:s3+s5], $0x7530, $0x38;
	[tilespmem:$0xB980] =	vst v63  }
0x23: {  	_ =	swait.ge [sflag:s6], $0x7530  }
0x24: {  	[sflag:s6] =	ssyncset.done $0x0  }
0x25: {  	[sflag:s6] =	ssyncadd.s32 $0xFFFF8AD0  }
0x26: {  	v0 =	vld [tilespmem:$0x0];
	_ =	sdelay $0x5  }
0x27: {  	v1 =	vld [tilespmem:$0x10];
	_ =	sdelay $0x1  }
0x28: {  	v0 =	vld.idx.msk [tilespmem:v0+s16+$0x0], $0xffff;
	_ =	sdelay $0x3  }
0x29: {  	v2 =	vld [tilespmem:$0x20]  }
0x2a: {  	[tilespmem:$0xB900] =	vst v0  }
0x2b: {  	v0 =	vld.idx.msk [tilespmem:v1+s16+$0x0], $0xffff;
	_ =	sdelay $0x3  }
0x2c: {  	v61 =	vld [tilespmem:$0x30]  }
0x2d: {  	[tilespmem:$0xB910] =	vst v0  }
0x2e: {  	v0 =	vld.idx.msk [tilespmem:v2+s16+$0x0], $0xffff;
	_ =	sdelay $0x3  }
0x2f: {  	v62 =	vld [tilespmem:$0x40]  }
0x30: {  	[tilespmem:$0xB920] =	vst v0  }
0x31: {  	v0 =	vld.idx.msk [tilespmem:v61+s16+$0x0], $0xffff;
	_ =	sdelay $0x3  }
0x32: {  	v63 =	vld [tilespmem:$0x50]  }
0x33: {  	[tilespmem:$0xB930] =	vst v0  }
0x34: {  	v0 =	vld.idx.msk [tilespmem:v62+s16+$0x0], $0xffff;
	_ =	sdelay $0x4  }
0x35: {  	s17 =	ssub.s32 $0x2, s17;
	[tilespmem:$0xB940] =	vst v0  }
0x36: {  	s19 =	sshrl.u32 s17, $0x1;
	v0 =	vld.idx.msk [tilespmem:v63+s16+$0x0], $0xffff  }
0x37: {  	s19 =	ssub.s32 s17, s19  }
0x38: {  	s19 =	smax.u32 s19, $0x1  }
0x39: {  	p0 =	sne.s32 s19, $0x1  }
.Ltmp0:
0x3a: {  	_ = 	snop;
	(pc) =	sbr.rel @!p0 .LBB2_2-.Ltmp0, $4  }
0x3b: {  	s17 =	sadd.s32 $0x8400, s18;
	s18 =	simm.s32 $0xB900;
	[tilespmem:$0xB950] =	vst v0  }
0x3c: {  	[hbm4b:s17+s5] =	stream.linear.scatter [tilespmem:s18], [sflag:$0x1], $0x60, $0x38;
	[tilespmem:$0xB980] =	vst v63  }
0x3d: {  	_ =	swait.ge [sflag:s6], $0x60  }
0x3e: {  	s19 =	sadd.s32 $0xFFFFFFFF, s19;
	[sflag:s6] =	ssyncset.done $0x0  }
.LBB2_1:
0x3f: {  	p0 =	sne.s32 s19, $0x1;
	s19 =	sadd.s32 $0xFFFFFFFF, s19;
	[sflag:s6] =	ssyncadd.s32 $0xFFFFFFA0  }
0x40: {  	[tilespmem:s5], [sflag:$0x1] =	stream.linear.gather [hbm4b:s7+s5], $0x60, $0x38;
	[tilespmem:$0xB980] =	vst v63  }
0x41: {  	_ =	swait.ge [sflag:s6], $0x60  }
0x42: {  	[sflag:s6] =	ssyncset.done $0x0  }
0x43: {  	[sflag:s6] =	ssyncadd.s32 $0xFFFFFFA0  }
0x44: {  	[tilespmem:s9], [sflag:$0x1] =	stream.indirect.gather [hbm4b:s0+s8], $0x80, s5, s8, $0xb8;
	[tilespmem:$0xB980] =	vst v63  }
0x45: {  	_ =	swait.ge [sflag:s6], $0x3000  }
0x46: {  	[sflag:s6] =	ssyncset.done $0x0  }
0x47: {  	[sflag:s6] =	ssyncadd.s32 $0xFFFFD000  }
0x48: {  	[hbm4b:s10+s5] =	stream.linear.scatter [tilespmem:s9], [sflag:$0x1], $0x3000, $0x38;
	[tilespmem:$0xB980] =	vst v63  }
0x49: {  	_ =	swait.ge [sflag:s6], $0x3000  }
0x4a: {  	[sflag:s6] =	ssyncset.done $0x0  }
0x4b: {  	[sflag:s6] =	ssyncadd.s32 $0xFFFFD000  }
0x4c: {  	[tilespmem:s12], [sflag:$0x1] =	stream.linear.gather [hbm4b:s11+s5], $0x20, $0x38;
	[tilespmem:$0xB980] =	vst v63  }
0x4d: {  	_ =	swait.ge [sflag:s6], $0x20  }
0x4e: {  	[sflag:s6] =	ssyncset.done $0x0  }
0x4f: {  	[sflag:s6] =	ssyncadd.s32 $0xFFFFFFE0  }
0x50: {  	[tilespmem:s14], [sflag:$0x1] =	stream.indirect.gather [hbm4b:s2+s13], $0x80, s12, s13, $0xb8;
	[tilespmem:$0xB980] =	vst v63  }
0x51: {  	_ =	swait.ge [sflag:s6], $0x1000  }
0x52: {  	[sflag:s6] =	ssyncset.done $0x0  }
0x53: {  	[sflag:s6] =	ssyncadd.s32 $0xFFFFF000  }
0x54: {  	[hbm4b:s15+s5] =	stream.linear.scatter [tilespmem:s14], [sflag:$0x1], $0x1000, $0x38;
	[tilespmem:$0xB980] =	vst v63  }
0x55: {  	_ =	swait.ge [sflag:s6], $0x1000  }
0x56: {  	[sflag:s6] =	ssyncset.done $0x0  }
0x57: {  	[sflag:s6] =	ssyncadd.s32 $0xFFFFF000  }
0x58: {  	[tilespmem:s16], [sflag:$0x1] =	stream.linear.gather [hbm4b:s3+s5], $0x7530, $0x38;
	[tilespmem:$0xB980] =	vst v63  }
0x59: {  	_ =	swait.ge [sflag:s6], $0x7530  }
0x5a: {  	[sflag:s6] =	ssyncset.done $0x0  }
0x5b: {  	[sflag:s6] =	ssyncadd.s32 $0xFFFF8AD0  }
0x5c: {  	v0 =	vld [tilespmem:$0x0];
	_ =	sdelay $0x6  }
0x5d: {  	v1 =	vld [tilespmem:$0x10]  }
0x5e: {  	v0 =	vld.idx.msk [tilespmem:v0+s16+$0x0], $0xffff;
	_ =	sdelay $0x5  }
0x5f: {  	[tilespmem:$0xB900] =	vst v0;
	v0 =	vld [tilespmem:$0x20]  }
0x60: {  	v1 =	vld.idx.msk [tilespmem:v1+s16+$0x0], $0xffff;
	_ =	sdelay $0x5  }
0x61: {  	[tilespmem:$0xB910] =	vst v1;
	v1 =	vld [tilespmem:$0x30]  }
0x62: {  	v0 =	vld.idx.msk [tilespmem:v0+s16+$0x0], $0xffff;
	_ =	sdelay $0x5  }
0x63: {  	[tilespmem:$0xB920] =	vst v0;
	v0 =	vld [tilespmem:$0x40]  }
0x64: {  	v1 =	vld.idx.msk [tilespmem:v1+s16+$0x0], $0xffff;
	_ =	sdelay $0x5  }
0x65: {  	[tilespmem:$0xB930] =	vst v1;
	v1 =	vld [tilespmem:$0x50]  }
0x66: {  	v0 =	vld.idx.msk [tilespmem:v0+s16+$0x0], $0xffff;
	_ =	sdelay $0x5  }
0x67: {  	[tilespmem:$0xB940] =	vst v0  }
0x68: {  	v0 =	vld.idx.msk [tilespmem:v1+s16+$0x0], $0xffff;
	_ =	sdelay $0x4  }
.Ltmp1:
0x69: {  	(pc) =	sbr.rel @p0 .LBB2_1-.Ltmp1, $4  }
0x6a: {  	[tilespmem:$0xB950] =	vst v0  }
0x6b: {  	[hbm4b:s17+s5] =	stream.linear.scatter [tilespmem:s18], [sflag:$0x1], $0x60, $0x38;
	[tilespmem:$0xB980] =	vst v63  }
0x6c: {  	_ =	swait.ge [sflag:s6], $0x60  }
0x6d: {  	[sflag:s6] =	ssyncset.done $0x0  }
.LBB2_2:
0x6e: {  	[sflag:s6] =	ssyncadd.s32 $0xFFFFFFA0  }
0x6f: {  	_ =	sfence.sel $0x180000  }
0x70: {  	[bflag:$0x0] =	sbarrier.arrive $0xFFFF  }
0x71: {  	p0 =	sne.s32 s1, $0x0;
	_ =	strace $0x90000047  }
0x72: {  	s0 =	sadd.s32 @!p0 $0x100000, s4;
	[bflag:$0x2] =	sbarrier.arrive $0xFFFF  }
0x73: {  	[sflag:s0] =	ssyncadd.tile.s32 @!p0 $0x1;
	_ =	shalt  }
.Lfunc_end2:
_tile_overlayer_lowered:
.L_overlay_start_2:
0x74: {  	(tag) =	ssettag $0x2  }
0x75: {  	s0 =	rddreg [dreg:$0x0];
	s2 =	stileid.u32  }
0x76: {  	s1 =	rddreg [dreg:$0x1];
	p0 =	sne.s32 s2, $0x0  }
0x77: {  	s3 =	rddreg [dreg:$0x2];
	[bflag:$0x3] =	sbarrier.arrive $0xFFFF;
	s2 =	simm.s32 @!p0 $0x1C01  }
0x78: {  	[timem:s3], [sflag:s2] =	dma.local @!p0 [hbm:s0], s1  }
0x79: {  	s0 =	simm.s32 @!p0 $0x1  }
0x7a: {  	_ =	swait.ge @!p0 [sflag:s0], s1  }
0x7b: {  	s1 =	ssub.s32 @!p0 $0x0, s1;
	[sflag:s0] =	ssyncset.done @!p0 $0x0  }
0x7c: {  	[sflag:s0] =	ssyncadd.s32 @!p0 s1  }
0x7d: {  	[bflag:$0x3] =	sbarrier.arrive $0xFFFF  }
0x7e: {  	_ =	shalt  }

// kernel: kernel.13.cloned.1.call-start
scs
__scs_entry_jumppad:
0x0: {  	(pc) =	sbr.rel $0x88, $3  }
0x1: {  	(tag) =	ssettag $0x0;
	lr =	simm.s32 $0x1  }
0x2: {  	[smem:$0x3F7E] =	sst lr;
	_ =	strace $0xD0000000  }
0x3: {  	_ = 	snop  }
0x4: {  	_ = 	snop  }
0x5: {  	_ = 	snop  }
0x6: {  	_ = 	snop  }
0x7: {  	_ = 	snop  }
__scs_overlays_trampoline_lowered:
0x8: {  	[smem:$0x3F8D] =	sst s0  }
0x9: {  	[smem:$0x3F8E] =	sst s1  }
0xa: {  	[smem:$0x3F8F] =	sst s2  }
0xb: {  	[smem:$0x3F90] =	sst s3  }
0xc: {  	[smem:$0x3F91] =	sst s4  }
0xd: {  	[smem:$0x3F92] =	sst s5  }
0xe: {  	[smem:$0x3F93] =	sst s6  }
0xf: {  	[smem:$0x3F94] =	sst s7  }
0x10: {  	[smem:$0x3F95] =	sst s8  }
0x11: {  	[smem:$0x3F96] =	sst s9;
	s0 =	simm.s32 @!p0 $0x0  }
0x12: {  	s1 =	sld [smem:$0x3F7C];
	s0 =	simm.s32 @p0 $0x1  }
0x13: {  	[smem:$0x3F97] =	sst s0;
	s0 =	simm.s32 @!p1 $0x0  }
0x14: {  	s2 =	sld [smem:$0x3F7B];
	s0 =	simm.s32 @p1 $0x1  }
0x15: {  	[smem:$0x3F98] =	sst s0;
	s0 =	simm.s32 @!p2 $0x0  }
0x16: {  	s3 =	sld [smem:$0x3FDB];
	s0 =	simm.s32 @p2 $0x1  }
0x17: {  	s4 =	simm.s32 $0x1BF5;
	[smem:$0x3F9A] =	sst s0  }
0x18: {  	s0 =	sld [smem:$0x3F7D];
	_ =	swait.ge [sflag:s4], $0x0  }
0x19: {  	s7 =	sld [smem:$0x3F7E]  }
0x1a: {  	s8 =	sadd.s32 $0xFFFFE003, lr  }
0x1b: {  	s9 =	sadd.s32 $0xFFFFFEF7, lr;
	s5 =	simm.s32 $0xFFFFFFFF;
	p2 =	slt.u32 s8, $0xFFFFF086  }
0x1c: {  	p1 =	slt.u32 s9, $0xF7A;
	s5 =	simm.s32 @!p2 $0x0  }
0x1d: {  	s5 =	simm.s32 @p1 $0x1;
	p0 =	seq.s32 s7, s2  }
0x1e: {  	s7 =	smul.u32 @!p0 $0xF7A, s2;
	p2 =	seq.s32 @!p0 s5, $0x0  }
0x1f: {  	s9 =	smul.u32 $0xF7A, s1;
	s8 =	simm.s32 @!p0 $0x1BF5;
	p2 =	por !p2, p0  }
0x20: {  	[sflag:s8] =	ssyncset.s32 @!p0 $0xFFFFF086;
	s6 =	sadd.s32 @!p0 s3, s7;
	s7 =	simm.s32 @!p0 $0x108  }
0x21: {  	s3 =	sadd.s32 s3, s9;
	s6 =	sadd.s32 @!p0 $0x88, s6;
	s7 =	simm.s32 @p2 $0x1082  }
0x22: {  	[simem:s7], [sflag:s8] =	dma.local @!p0 [hbm:s6], $0xF7A  }
0x23: {  	s9 =	sor.u32 $0xD0000000, s2;
	s6 =	simm.s32 $0x108;
	_ =	swait.ge @!p0 [sflag:s8], $0x0  }
0x24: {  	s3 =	sadd.s32 $0x88, s3;
	s6 =	simm.s32 @!p1 $0x1082;
	[sflag:s4] =	ssyncset.s32 $0xFFFFF086  }
0x25: {  	[simem:s6], [sflag:s4] =	dma.local [hbm:s3], $0xF7A  }
0x26: {  	[smem:$0x3F7E] =	sst s1;
	(tag) =	ssettag s2;
	_ =	strace s9  }
0x27: {  	s1 =	sld [smem:$0x3F8E]  }
0x28: {  	s2 =	sld [smem:$0x3F8F]  }
0x29: {  	s4 =	sld [smem:$0x3F91]  }
0x2a: {  	p0 =	seq.s32 s5, $0x0;
	s5 =	sld [smem:$0x3F92]  }
0x2b: {  	s6 =	sld [smem:$0x3F93]  }
0x2c: {  	s7 =	sld [smem:$0x3F94]  }
0x2d: {  	s3 =	simm.s32 $0x108;
	s8 =	sld [smem:$0x3F95]  }
0x2e: {  	s3 =	simm.s32 @!p0 $0x1082;
	s9 =	sld [smem:$0x3F96]  }
0x2f: {  	lr =	sadd.s32 s0, s3;
	s0 =	sld [smem:$0x3F8D]  }
0x30: {  	s3 =	sld [smem:$0x3F90]  }
0x31: {  	[smem:$0x3F99] =	sst s10  }
0x32: {  	s10 =	sld [smem:$0x3F97];
	_ =	sdelay $0x3  }
0x33: {  	p0 =	seq.s32 s10, $0x1;
	s10 =	sld [smem:$0x3F99];
	_ =	sdelay $0x3  }
0x34: {  	[smem:$0x3F99] =	sst s10  }
0x35: {  	s10 =	sld [smem:$0x3F98];
	_ =	sdelay $0x3  }
0x36: {  	p1 =	seq.s32 s10, $0x1;
	s10 =	sld [smem:$0x3F99];
	_ =	sdelay $0x3  }
0x37: {  	[smem:$0x3F99] =	sst s10  }
0x38: {  	s10 =	sld [smem:$0x3F9A]  }
0x39: {  	_ = 	snop;
	(pc) =	sbr.ind lr, $3  }
0x3a: {  	_ = 	snop  }
0x3b: {  	_ = 	snop  }
0x3c: {  	p2 =	seq.s32 s10, $0x1;
	s10 =	sld [smem:$0x3F99]  }
0x3d: {  	_ =	shalt  }
0x3e: {  	_ =	shalt  }
0x3f: {  	_ =	shalt  }
0x40: {  	_ =	shalt  }
0x41: {  	_ =	shalt  }
0x42: {  	_ =	shalt  }
0x43: {  	_ =	shalt  }
0x44: {  	_ =	shalt  }
0x45: {  	_ =	shalt  }
0x46: {  	_ =	shalt  }
0x47: {  	_ =	shalt  }
0x48: {  	_ =	shalt  }
0x49: {  	_ =	shalt  }
0x4a: {  	_ =	shalt  }
0x4b: {  	_ =	shalt  }
0x4c: {  	_ =	shalt  }
0x4d: {  	_ =	shalt  }
0x4e: {  	_ =	shalt  }
0x4f: {  	_ =	shalt  }
0x50: {  	_ =	shalt  }
0x51: {  	_ =	shalt  }
0x52: {  	_ =	shalt  }
0x53: {  	_ =	shalt  }
0x54: {  	_ =	shalt  }
0x55: {  	_ =	shalt  }
0x56: {  	_ =	shalt  }
0x57: {  	_ =	shalt  }
0x58: {  	_ =	shalt  }
0x59: {  	_ =	shalt  }
0x5a: {  	_ =	shalt  }
0x5b: {  	_ =	shalt  }
0x5c: {  	_ =	shalt  }
0x5d: {  	_ =	shalt  }
0x5e: {  	_ =	shalt  }
0x5f: {  	_ =	shalt  }
0x60: {  	_ =	shalt  }
0x61: {  	_ =	shalt  }
0x62: {  	_ =	shalt  }
0x63: {  	_ =	shalt  }
0x64: {  	_ =	shalt  }
0x65: {  	_ =	shalt  }
0x66: {  	_ =	shalt  }
0x67: {  	_ =	shalt  }
0x68: {  	_ =	shalt  }
0x69: {  	_ =	shalt  }
0x6a: {  	_ =	shalt  }
0x6b: {  	_ =	shalt  }
0x6c: {  	_ =	shalt  }
0x6d: {  	_ =	shalt  }
0x6e: {  	_ =	shalt  }
0x6f: {  	_ =	shalt  }
0x70: {  	_ =	shalt  }
0x71: {  	_ =	shalt  }
0x72: {  	_ =	shalt  }
0x73: {  	_ =	shalt  }
0x74: {  	_ =	shalt  }
0x75: {  	_ =	shalt  }
0x76: {  	_ =	shalt  }
0x77: {  	_ =	shalt  }
0x78: {  	_ =	shalt  }
0x79: {  	_ =	shalt  }
0x7a: {  	_ =	shalt  }
0x7b: {  	_ =	shalt  }
0x7c: {  	_ =	shalt  }
0x7d: {  	_ =	shalt  }
0x7e: {  	_ =	shalt  }
0x7f: {  	_ =	shalt  }
0x80: {  	_ =	shalt  }
0x81: {  	_ =	shalt  }
0x82: {  	_ =	shalt  }
0x83: {  	_ =	shalt  }
0x84: {  	_ =	shalt  }
0x85: {  	_ =	shalt  }
0x86: {  	_ =	shalt  }
0x87: {  	_ =	shalt  }
.Lfunc_end0:
.L_simem_size_0:
called_computation.1_lowered:
.L_overlay_start_0:
0x88: {  	s2 =	sld [smem:$0x3FD9]  }
0x89: {  	s3 =	sld [smem:$0x3FFE];
	_ =	sdelay $0x1  }
0x8a: {  	s1 =	srdreg.scid  }
0x8b: {  	s0 =	sand.u32 $0x1, s1  }
0x8c: {  	s17 =	sshll.u32 s0, $0xA;
	s2 =	sadd.s32 s3, s2  }
0x8d: {  	s2 =	sadd.s32 s2, s17  }
0x8e: {  	[smem:$0x3FA5] =	sst s2  }
0x8f: {  	_ = 	snop  }
0x90: {  	(tm) =	ssettm $0x1  }
0x91: {  	s18 =	sld [smem:$0x3FFB];
	_ =	sdelay $0x3  }
0x92: {  	_ =	strace s18  }
0x93: {  	s2 =	sld [smem:$0x3FFC];
	_ =	sdelay $0x3  }
0x94: {  	_ =	strace s2  }
0x95: {  	s2 =	sld [smem:$0x3FFD];
	_ =	sdelay $0x3  }
0x96: {  	_ =	strace s2  }
0x97: {  	_ =	strace $0x8FFFFFFF  }
0x98: {  	s19 =	sld [smem:$0x3FDB];
	_ =	sdelay $0x1  }
0x99: {  	s20 =	simm.s32 $_scs_section_size  }
0x9a: {  	s4 =	simm.s32 $_size__tile_overlayer_lowered;
	s5 =	simm.s32 $_tile_overlayer_lowered  }
0x9b: {  	s6 =	simm.s32 $0x1BFF;
	s21 =	sshll.u32 s5, $0x1;
	s3 =	sadd.s32 s20, s19  }
0x9c: {  	s22 =	simm.s32 $0x0;
	s4 =	sshll.u32 s4, $0x1;
	s5 =	sadd.s32 s21, s3  }
0x9d: {  	[timem:s22], [sflag:s6] =	dma.local [hbm:s5], s4  }
0x9e: {  	_ =	swait.ge [sflag:s6], s4  }
0x9f: {  	s4 =	ssub.s32 $0x0, s4;
	[sflag:s6] =	ssyncset.done $0x0  }
0xa0: {  	[sflag:s6] =	ssyncadd.s32 s4;
	_ =	sdelay $0x1  }
0xa1: {  	s23 =	simm.s32 $0x1B8B  }
0xa2: {  	_ =	swait.ge [sflag:s23], $0x1  }
0xa3: {  	[sflag:s23] =	ssyncset.done $0x0  }
0xa4: {  	[sflag:s23] =	ssyncadd.s32 $0xFFFFFFFF  }
0xa5: {  	s4 =	sld [smem:$0x0]  }
0xa6: {  	s5 =	sand.u32 $0xFFFFFFFE, s1  }
0xa7: {  	p0 =	sne.s32 s1, s5  }
0xa8: {  	s5 =	sshll.u32 @p0 s5, $0xE  }
0xa9: {  	s5 =	sadd.s32 @p0 $0x11B8D, s5;
	s6 =	sshll.u32 @p0 s4, $0x11  }
0xaa: {  	s5 =	sor.u32 @p0 s6, s5  }
0xab: {  	[sflag:s5] =	ssyncadd.remote.s32 @p0 $0x1;
	_ =	sdelay $0x1  }
0xac: {  	s5 =	simm.s32 @p0 $0x1B8D  }
0xad: {  	_ =	swait.eq @p0 [sflag:s5], $0x1  }
0xae: {  	[sflag:s5] =	ssyncadd.s32 @p0 $0xFFFFFFFF  }
0xaf: {  	s6 =	sshll.u32 @!p0 s1, $0xE  }
0xb0: {  	s6 =	sor.u32 @!p0 $0x4000, s6;
	s5 =	simm.s32 @!p0 $0x1B8D  }
0xb1: {  	s4 =	sshll.u32 @!p0 s4, $0x11;
	s6 =	sadd.s32 @!p0 $0x11B8D, s6;
	_ =	swait.eq @!p0 [sflag:s5], $0x1  }
0xb2: {  	s4 =	sor.u32 @!p0 s4, s6;
	[sflag:s5] =	ssyncadd.s32 @!p0 $0xFFFFFFFF  }
0xb3: {  	s25 =	simm.s32 $0x1B8E;
	s24 =	sld [smem:$0x3FFE];
	[sflag:s4] =	ssyncadd.remote.s32 @!p0 $0x1  }
0xb4: {  	s26 =	simm.s32 $execute0_lowered;
	[smem:$0x3FD2] =	sst s25  }
0xb5: {  	s5 =	sshll.u32 s26, $0x1;
	_ =	strace $0x80000049;
	[dreg:$0x1] =	wrdreg $0xFFFFFFFF  }
0xb6: {  	s28 =	simm.s32 $_size_execute0_lowered;
	s3 =	sadd.s32 s3, s5;
	[dreg:$0x0] =	wrdreg $0x0  }
0xb7: {  	s5 =	sshll.u32 s28, $0x1;
	[dreg:$0x2] =	wrdreg s3  }
0xb8: {  	[dreg:$0x3] =	wrdreg s5  }
0xb9: {  	[dreg:$0x4] =	wrdreg $0xC0  }
0xba: {  	_ =	task [dreg:s22], $0x5FFFF  }
0xbb: {  	[dreg:$0x1] =	wrdreg $0xFFFFFFFF  }
0xbc: {  	[dreg:$0x0] =	wrdreg $0x60  }
0xbd: {  	[dreg:$0x2] =	wrdreg s24  }
0xbe: {  	[dreg:$0x3] =	wrdreg $0x119800  }
0xbf: {  	[dreg:$0x4] =	wrdreg $0xA  }
0xc0: {  	_ =	task.clear_ibuf [dreg:s22], $0x5FFFF;
	_ =	strace $0x90000049  }
0xc1: {  	s29 =	simm.s32 $0xA;
	_ =	strace $0x8000004B  }
0xc2: {  	_ =	swait.ge [sflag:s29], $0x1  }
0xc3: {  	[sflag:s29] =	ssyncadd.s32 $0xFFFFFFFF  }
0xc4: {  	_ =	strace $0x9000004B  }
0xc5: {  	_ =	sfence  }
0xc6: {  	s30 =	sld [smem:$0x0];
	_ =	sdelay $0x2  }
0xc7: {  	s31 =	sshll.u32 s1, $0xD;
	s1 =	sshrl.u32 s1, $0x2  }
0xc8: {  	s4 =	sand.u32 $0x4000, s31;
	s1 =	sadd.s32 s1, s30  }
0xc9: {  	s0 =	sor.u32 s4, s0;
	s1 =	sshll.u32 s1, $0x11  }
0xca: {  	s0 =	sor.u32 s1, s0  }
0xcb: {  	s0 =	sadd.s32 $0x8F2B, s0  }
0xcc: {  	[sflag:s0] =	ssyncadd.remote.s32 $0x1  }
0xcd: {  	_ =	sfence.sel $0xFFFF  }
0xce: {  	[dreg:$0x0] =	wrdreg $0xFFFFFFFF;
	(pc) =	sbr.abs _section_cstart, $3  }
0xcf: {  	[dreg:$0x1] =	wrdreg $0xFFFFFFFF  }
0xd0: {  	_ =	task.clear_ibuf [dreg:s22], $0x2FFFF;
	_ =	strace $0x9FFFFFFF  }
0xd1: {  	(tm) =	ssettm $0x7FFFFFFF  }
tec
execute0_lowered:
.L_overlay_start_1:
0x0: {  	(tag) =	ssettag $0x1  }
0x1: {  	s6 =	rddreg [dreg:$0x0]  }
0x2: {  	s1 =	rddreg [dreg:$0x1];
	s2 =	simm.s32 $0x0  }
0x3: {  	[smem:$0x7FF] =	sst s2  }
0x4: {  	s0 =	rddreg [dreg:$0x2];
	v0 =	vimm.s32 $0x80000001;
	_ =	strace $0x8000004A  }
0x5: {  	(xrf0) =	vmax.scan.msk.u32 $0xffff, v0;
	_ =	sdelay $0x1  }
0x6: {  	s3 =	srdreg.scid  }
0x7: {  	s11 =	sand.u32 $0x1, s3;
	s3 =	stileid.u32  }
0x8: {  	s5 =	smul.u32 $0x780, s3  }
0x9: {  	s15 =	smul.u32 $0x3C0, s11  }
0xa: {  	s12 =	sadd.s32 $0x8200, s6;
	s26 =	smul.u32 $0xF000, s3;
	v0, _, _ =	vpop (xrf0)  }
0xb: {  	s14 =	sadd.s32 $0xC600, s6;
	s4 =	sshll.u32 s11, $0x4;
	s28 =	smul.u32 $0x1E00, s3;
	(v2sf) =	vpush v0, $0xF  }
0xc: {  	s23 =	ssub.s32 $0x2, s11;
	s22 =	smul.u32 $0xF00, s11;
	s4 =	sor.u32 s3, s4  }
0xd: {  	s24 =	sshrl.u32 s3, $0x3;
	s25 =	sshll.u32 s3, $0x7;
	s10 =	smul.u32 $0xC, s4  }
0xe: {  	s8 =	sshrl.u32 s23, $0x1;
	s13 =	smul.u32 $0xF0, s4;
	s4 =	sadd.s32 s15, s5  }
0xf: {  	s5 =	smul.u32 $0xC0, s3;
	s19 =	ssub.s32 s23, s8;
	s8 =	sand.u32 $0x380, s25  }
0x10: {  	s30 =	sadd.s32 s22, s28;
	s25 =	sor.u32 $0xF400, s15;
	s22 =	simm.s32 $0xF400  }
0x11: {  	s23 =	simm.s32 $0x7800;
	s7 =	sshrl.u32 s4, $0x3;
	s31 =	sshrl.u32 s30, $0x2  }
0x12: {  	v4 =	vmov s25;
	s25 =	simm.s32 $0x0;
	s16 =	sadd.s32 s10, s6;
	s17 =	sadd.s32 s13, s6  }
0x13: {  	s18 =	sadd.s32 s7, s6;
	s9 =	sshrl.u32 s5, $0x3;
	s7 =	smul.u32 $0xF0000, s24  }
0x14: {  	s10 =	sadd.s32 s12, s10;
	s24 =	sadd.s32 $0x7800, s31;
	s6 =	sadd.s32 s12, s9  }
0x15: {  	s9 =	sshrl.u32 s26, $0x2;
	s11 =	sadd.s32 $0xE400, s16;
	s12 =	sadd.s32 s14, s13  }
0x16: {  	s13 =	sadd.s32 $0xE600, s17;
	s15 =	sadd.s32 $0x10400, s18;
	s16 =	smax.u32 s19, $0x1  }
0x17: {  	s17 =	simm.s32 $0x10300;
	s18 =	simm.s32 $0x1;
	v3 =	vmov s24;
	s7 =	sshrl.u32 s7, $0x2  }
0x18: {  	s19 =	simm.s32 $0x80;
	s21 =	sadd.s32 s7, s1;
	s7 =	smul.u32 $0xF00, s3  }
0x19: {  	s24 =	simm.s32 $0x11200;
	s9 =	sadd.s32 s9, s1;
	s8 =	sadd.s32 s8, s21  }
0x1a: {  	v1 =	vlaneseq.u32;
	s21 =	simm.s32 $0xFB80;
	s29 =	sshrl.u32 s7, $0x3;
	s20 =	spop (v2sf)  }
0x1b: {  	vm0 =	vmmov $0xffff;
	v2 =	vimm.s32 $0x0;
	v0 =	vimm.s32 $0xFFFFFFFF;
	s14 =	sadd.s32 s14, s29;
	p0 =	slt.u32 s20, $0x80000001;
	s20 =	simm.s32 $0x400  }
.LBB2_1:
0x1c: {  	s26 =	simm.s32 $0x40;
	s28 =	simm.s32 $0x0  }
.LBB2_2:
0x1d: {  	p1 =	sne.s32 s26, $0x1DFC0;
	[tilespmem:s28+$0x0] =	vst v0;
	s28 =	smov.u32 s26;
	s26 =	sadd.s32 $0x40, s26  }
.Ltmp0:
0x1e: {  	(pc) =	sbr.rel @p1 .LBB2_2-.Ltmp0, $2  }
0x1f: {  	_ =	sdelay $0x2  }
0x20: {  	s28 =	sshra.s32 s28, $0x2  }
.Ltmp1:
0x21: {  	[tilespmem:s28+$0x0] =	vst v0;
	s26 =	simm.s32 $0x0;
	(pc) =	sbr.rel @p0 .LBB2_7-.Ltmp1, $4  }
0x22: {  	[tilespmem:s17], [sflag:$0x1] =	stream.linear.gather [hbm4b:s6+s26], $0xC0, $0x38;
	[tilespmem:$0x19180] =	vst v63  }
0x23: {  	_ =	swait.ge [sflag:s18], $0xC0  }
0x24: {  	[sflag:s18] =	ssyncset.done $0x0  }
0x25: {  	[sflag:s18] =	ssyncadd.s32 $0xFFFFFF40  }
.LBB2_4:
0x26: {  	s28 =	sshll.u32 s26, $0x4  }
0x27: {  	v5 =	vld [tilespmem:s28+$0x10300];
	_ =	sdelay $0x1  }
0x28: {  	vm1 =	vmmov vm0;
	_ =	sdelay $0x3  }
0x29: {  	s29 =	sadd.s32 s5, s28  }
0x2a: {  	v6 =	vor.u32 s29, v1  }
.LBB2_5:
0x2b: {  	[tilespmem:v5+s2+$0x0] =	vst.idx.msk vm1, v6  }
0x2c: {  	v7 =	vld.idx.msk [tilespmem:v5+s2+$0x0], $0xffff;
	_ =	sdelay $0x4  }
0x2d: {  	vm2 =	vlt.s32 v7, v6  }
0x2e: {  	vm1 =	vmand vm1, vm2  }
0x2f: {  	v7 =	vsel vm1, $0x1, v2  }
0x30: {  	v7 =	vor.u32 $0x80000000, v7  }
0x31: {  	(xrf0) =	vmax.scan.msk.u32 $0xffff, v7;
	_ =	sdelay $0x5  }
0x32: {  	v7, _, _ =	vpop (xrf0)  }
0x33: {  	(v2sf) =	vpush v7, $0xF;
	_ =	sdelay $0xe  }
0x34: {  	s28 =	spop (v2sf)  }
0x35: {  	p1 =	sgt.u32 s28, $0x80000000  }
.Ltmp2:
0x36: {  	_ = 	snop;
	(pc) =	sbr.rel @p1 .LBB2_5-.Ltmp2, $1  }
0x37: {  	_ =	sdelay $0x3  }
0x38: {  	s26 =	sadd.s32 $0x1, s26  }
0x39: {  	p1 =	sne.s32 s26, $0xC  }
.Ltmp3:
0x3a: {  	_ = 	snop;
	(pc) =	sbr.rel @p1 .LBB2_4-.Ltmp3, $1  }
0x3b: {  	_ =	sdelay $0x3  }
.LBB2_7:
0x3c: {  	s26 =	simm.s32 $0x0  }
0x3d: {  	[spmem:s8] =	stream.strided.scatter [tilespmem:s26], [sflag:$0x1], $0x7800, s20, s19, $0x38;
	[tilespmem:$0x19180] =	vst v63  }
0x3e: {  	_ =	swait.ge [sflag:s18], $0x7800  }
0x3f: {  	[sflag:s18] =	ssyncset.done $0x0  }
0x40: {  	[sflag:s18] =	ssyncadd.s32 $0xFFFF8800  }
0x41: {  	s28 =	simm.s32 $0x40;
	s29 =	simm.s32 $0x0;
	[bflag:$0x0] =	sbarrier.arrive $0xFFFF  }
.LBB2_8:
0x42: {  	p1 =	sne.s32 s28, $0x1DC0;
	[tilespmem:s29+$0xF400] =	vst v0;
	s29 =	smov.u32 s28;
	s28 =	sadd.s32 $0x40, s28  }
.Ltmp4:
0x43: {  	(pc) =	sbr.rel @p1 .LBB2_8-.Ltmp4, $2  }
0x44: {  	_ =	sdelay $0x2  }
0x45: {  	s29 =	sshra.s32 s29, $0x2  }
0x46: {  	[tilespmem:s29+$0xF400] =	vst v0  }
.LBB2_10:
0x47: {  	s28 =	sshrl.u32 s26, $0x3  }
0x48: {  	s28 =	smul.u32 $0xF0000, s28;
	_ =	sdelay $0x1  }
0x49: {  	s29 =	sshll.u32 s26, $0x7;
	s28 =	sshra.s32 s28, $0x2  }
0x4a: {  	s29 =	sand.u32 $0x380, s29;
	s28 =	sadd.s32 s28, s9  }
0x4b: {  	s28 =	sadd.s32 s29, s28  }
0x4c: {  	[tilespmem:s21], [sflag:$0x1] =	stream.strided.gather [spmem:s28], $0x780, s20, s19, $0x38;
	[tilespmem:$0x19180] =	vst v63  }
0x4d: {  	_ =	swait.ge [sflag:s18], $0x780  }
0x4e: {  	[sflag:s18] =	ssyncset.done $0x0  }
0x4f: {  	s28 =	simm.s32 $0x0;
	[sflag:s18] =	ssyncadd.s32 $0xFFFFF880  }
0x50: {  	s29 =	simm.s32 $0x40;
	v5 =	vld [tilespmem:s28+$0xFB80]  }
.LBB2_11:
0x51: {  	p1 =	sne.s32 s29, $0x1DC0;
	v6 =	vld [tilespmem:s28+$0xF400];
	_ =	sdelay $0x2  }
.Ltmp5:
0x52: {  	(pc) =	sbr.rel @p1 .LBB2_11-.Ltmp5, $4  }
0x53: {  	_ = 	snop  }
0x54: {  	vm1 =	vgt.s32 v6, v5  }
0x55: {  	s30 =	sshra.s32 s29, $0x2;
	v6 =	vsel vm1, v6, v5  }
0x56: {  	s29 =	sadd.s32 $0x40, s29;
	v5 =	vld [tilespmem:s30+$0xFB80];
	[tilespmem:s28+$0xF400] =	vst v6;
	s28 =	smov.u32 s30  }
0x57: {  	v6 =	vld [tilespmem:s28+$0xF400]  }
0x58: {  	s26 =	sadd.s32 $0x1, s26  }
0x59: {  	p1 =	sne.s32 s26, $0x10  }
.Ltmp6:
0x5a: {  	_ = 	snop;
	(pc) =	sbr.rel @p1 .LBB2_10-.Ltmp6, $4  }
0x5b: {  	_ = 	snop  }
0x5c: {  	vm1 =	vgt.s32 v6, v5  }
0x5d: {  	v5 =	vsel vm1, v6, v5  }
0x5e: {  	[tilespmem:s28+$0xF400] =	vst v5  }
0x5f: {  	[spmem:s9] =	stream.strided.scatter [tilespmem:s22], [sflag:$0x1], $0x780, s20, s19, $0x38;
	[tilespmem:$0x19180] =	vst v63  }
0x60: {  	_ =	swait.ge [sflag:s18], $0x780  }
0x61: {  	[sflag:s18] =	ssyncset.done $0x0  }
0x62: {  	[sflag:s18] =	ssyncadd.s32 $0xFFFFF880  }
0x63: {  	[bflag:$0x0] =	sbarrier.arrive $0xFFFF  }
0x64: {  	[tilespmem:s23], [sflag:$0x1] =	stream.strided.gather [spmem:s1], $0x7800, s20, s19, $0x38;
	[tilespmem:$0x19180] =	vst v63  }
0x65: {  	_ =	swait.ge [sflag:s18], $0x7800  }
0x66: {  	[sflag:s18] =	ssyncset.done $0x0  }
0x67: {  	[sflag:s18] =	ssyncadd.s32 $0xFFFF8800  }
0x68: {  	s28 =	simm.s32 $0x0;
	[bflag:$0x0] =	sbarrier.arrive $0xFFFF  }
0x69: {  	v5 =	vld.idx.msk [tilespmem:v3+s28+$0x0 ss:$0x1], $0xffff;
	_ =	sdelay $0x4  }
0x6a: {  	v6 =	vor.u32 s4, v1;
	v7 =	vadd.s32 $0x7530, v5;
	vm1 =	vlt.s32 v5, $0x0  }
0x6b: {  	v5 =	vsel vm1, v6, v7  }
0x6c: {  	s26 =	simm.s32 $0x10;
	s29 =	simm.s32 $0x80;
	[tilespmem:s28+$0xF000] =	vst v5;
	s28 =	smov.u32 s4  }
.LBB2_14:
0x6d: {  	p1 =	sne.s32 s29, $0xEC0;
	v5 =	vld.idx.msk [tilespmem:v3+s26+$0x0 ss:$0x1], $0xffff;
	_ =	sdelay $0x3  }
.Ltmp7:
0x6e: {  	(pc) =	sbr.rel @p1 .LBB2_14-.Ltmp7, $4  }
0x6f: {  	s28 =	sadd.s32 $0x10, s28  }
0x70: {  	v6 =	vor.u32 s28, v1;
	v7 =	vadd.s32 $0x7530, v5;
	vm1 =	vlt.s32 v5, $0x0  }
0x71: {  	v5 =	vsel vm1, v6, v7  }
0x72: {  	[tilespmem:s26+$0xF000] =	vst v5;
	s26 =	sshra.s32 s29, $0x2;
	s29 =	sadd.s32 $0x40, s29  }
0x73: {  	_ =	sdelay $0x3  }
0x74: {  	v5 =	vld.idx.msk [tilespmem:v3+s26+$0x0 ss:$0x1], $0xffff;
	_ =	sdelay $0x3  }
0x75: {  	s28 =	sadd.s32 $0x10, s28  }
0x76: {  	v6 =	vor.u32 s28, v1;
	v7 =	vadd.s32 $0x7530, v5;
	vm1 =	vlt.s32 v5, $0x0  }
0x77: {  	v5 =	vsel vm1, v6, v7  }
0x78: {  	s31 =	simm.s32 $0x0;
	[tilespmem:s26+$0xF000] =	vst v5  }
0x79: {  	[tilespmem:s17], [sflag:$0x1] =	stream.linear.gather [hbm4b:s10+s31], $0x60, $0x38;
	[tilespmem:$0x19180] =	vst v63  }
0x7a: {  	_ =	swait.ge [sflag:s18], $0x60  }
0x7b: {  	[sflag:s18] =	ssyncset.done $0x0  }
0x7c: {  	[sflag:s18] =	ssyncadd.s32 $0xFFFFFFA0  }
0x7d: {  	v5 =	vld [tilespmem:$0x10300];
	_ =	sdelay $0x6  }
0x7e: {  	v7 =	vld [tilespmem:$0x10310]  }
0x7f: {  	v6 =	vld.idx.msk [tilespmem:v5+s23+$0x0], $0xffff;
	_ =	sdelay $0x4  }
0x80: {  	vm1 =	vlt.s32 v6, $0x0;
	v6 =	vadd.s32 $0x7530, v6  }
0x81: {  	v5 =	vsel vm1, v5, v6  }
0x82: {  	v6 =	vld [tilespmem:$0x10320];
	[tilespmem:$0x11200] =	vst v5  }
0x83: {  	v5 =	vld.idx.msk [tilespmem:v7+s23+$0x0], $0xffff;
	_ =	sdelay $0x4  }
0x84: {  	vm1 =	vlt.s32 v5, $0x0;
	v5 =	vadd.s32 $0x7530, v5  }
0x85: {  	v5 =	vsel vm1, v7, v5  }
0x86: {  	v7 =	vld [tilespmem:$0x10330];
	[tilespmem:$0x11210] =	vst v5  }
0x87: {  	v5 =	vld.idx.msk [tilespmem:v6+s23+$0x0], $0xffff;
	_ =	sdelay $0x4  }
0x88: {  	vm1 =	vlt.s32 v5, $0x0;
	v5 =	vadd.s32 $0x7530, v5  }
0x89: {  	v5 =	vsel vm1, v6, v5  }
0x8a: {  	v6 =	vld [tilespmem:$0x10340];
	[tilespmem:$0x11220] =	vst v5  }
0x8b: {  	v5 =	vld.idx.msk [tilespmem:v7+s23+$0x0], $0xffff;
	_ =	sdelay $0x4  }
0x8c: {  	vm1 =	vlt.s32 v5, $0x0;
	v5 =	vadd.s32 $0x7530, v5  }
0x8d: {  	v5 =	vsel vm1, v7, v5  }
0x8e: {  	v7 =	vld [tilespmem:$0x10350];
	[tilespmem:$0x11230] =	vst v5  }
0x8f: {  	v5 =	vld.idx.msk [tilespmem:v6+s23+$0x0], $0xffff;
	_ =	sdelay $0x4  }
0x90: {  	vm1 =	vlt.s32 v5, $0x0;
	v5 =	vadd.s32 $0x7530, v5  }
0x91: {  	v5 =	vsel vm1, v6, v5  }
0x92: {  	[tilespmem:$0x11240] =	vst v5  }
0x93: {  	v5 =	vld.idx.msk [tilespmem:v7+s23+$0x0], $0xffff;
	_ =	sdelay $0x4  }
0x94: {  	v6 =	vadd.s32 $0x7530, v5;
	vm1 =	vlt.s32 v5, $0x0  }
0x95: {  	v5 =	vsel vm1, v7, v6  }
0x96: {  	[tilespmem:$0x11250] =	vst v5  }
0x97: {  	[hbm4b:s11+s31] =	stream.linear.scatter [tilespmem:s24], [sflag:$0x1], $0x60, $0x38;
	[tilespmem:$0x19180] =	vst v63  }
0x98: {  	_ =	swait.ge [sflag:s18], $0x60  }
0x99: {  	[sflag:s18] =	ssyncset.done $0x0  }
0x9a: {  	[sflag:s18] =	ssyncadd.s32 $0xFFFFFFA0  }
0x9b: {  	[tilespmem:s17], [sflag:$0x1] =	stream.linear.gather [hbm4b:s12+s31], $0x780, $0x38;
	[tilespmem:$0x19180] =	vst v63  }
0x9c: {  	_ =	swait.ge [sflag:s18], $0x780  }
0x9d: {  	[sflag:s18] =	ssyncset.done $0x0  }
0x9e: {  	s28 =	simm.s32 $0x0;
	[sflag:s18] =	ssyncadd.s32 $0xFFFFF880  }
0x9f: {  	v5 =	vld [tilespmem:s28+$0x10300];
	_ =	sdelay $0x7  }
0xa0: {  	s29 =	simm.s32 $0x80;
	s26 =	simm.s32 $0x10;
	v6 =	vld.idx.msk [tilespmem:v5+s23+$0x0], $0xffff  }
.LBB2_16:
0xa1: {  	p1 =	sne.s32 s29, $0x1DC0;
	v7 =	vld [tilespmem:s26+$0x10300];
	_ =	sdelay $0x3  }
.Ltmp8:
0xa2: {  	(pc) =	sbr.rel @p1 .LBB2_16-.Ltmp8, $4  }
0xa3: {  	v8 =	vadd.s32 $0x7530, v6;
	vm1 =	vlt.s32 v6, $0x0  }
0xa4: {  	v6 =	vsel vm1, v5, v8;
	v5 =	vmov v7  }
0xa5: {  	[tilespmem:s28+$0x11200] =	vst v6;
	s28 =	smov.u32 s26  }
0xa6: {  	s26 =	sshra.s32 s29, $0x2;
	s29 =	sadd.s32 $0x40, s29;
	v6 =	vld.idx.msk [tilespmem:v7+s23+$0x0], $0xffff  }
0xa7: {  	v7 =	vld [tilespmem:s26+$0x10300];
	_ =	sdelay $0x4  }
0xa8: {  	v8 =	vadd.s32 $0x7530, v6;
	vm1 =	vlt.s32 v6, $0x0  }
0xa9: {  	v5 =	vsel vm1, v5, v8  }
0xaa: {  	[tilespmem:s28+$0x11200] =	vst v5  }
0xab: {  	v5 =	vld.idx.msk [tilespmem:v7+s23+$0x0], $0xffff;
	_ =	sdelay $0x4  }
0xac: {  	v6 =	vadd.s32 $0x7530, v5;
	vm1 =	vlt.s32 v5, $0x0  }
0xad: {  	v5 =	vsel vm1, v7, v6  }
0xae: {  	s31 =	simm.s32 $0x0;
	[tilespmem:s26+$0x11200] =	vst v5  }
0xaf: {  	[hbm4b:s13+s31] =	stream.linear.scatter [tilespmem:s24], [sflag:$0x1], $0x780, $0x38;
	[tilespmem:$0x19180] =	vst v63  }
0xb0: {  	_ =	swait.ge [sflag:s18], $0x780  }
0xb1: {  	[sflag:s18] =	ssyncset.done $0x0  }
0xb2: {  	s28 =	simm.s32 $0x0;
	s26 =	simm.s32 $0x40;
	[sflag:s18] =	ssyncadd.s32 $0xFFFFF880  }
.LBB2_18:
0xb3: {  	p1 =	sne.s32 s26, $0x1DFC0;
	[tilespmem:s28+$0x0] =	vst v0;
	s28 =	smov.u32 s26;
	s26 =	sadd.s32 $0x40, s26  }
.Ltmp9:
0xb4: {  	(pc) =	sbr.rel @p1 .LBB2_18-.Ltmp9, $2  }
0xb5: {  	_ =	sdelay $0x2  }
0xb6: {  	s28 =	sshra.s32 s28, $0x2  }
.Ltmp10:
0xb7: {  	[tilespmem:s28+$0x0] =	vst v0;
	s26 =	simm.s32 $0x0;
	(pc) =	sbr.rel @p0 .LBB2_23-.Ltmp10, $4  }
0xb8: {  	[tilespmem:s17], [sflag:$0x1] =	stream.linear.gather [hbm4b:s14+s26], $0xF00, $0x38;
	[tilespmem:$0x19180] =	vst v63  }
0xb9: {  	_ =	swait.ge [sflag:s18], $0xF00  }
0xba: {  	[sflag:s18] =	ssyncset.done $0x0  }
0xbb: {  	[sflag:s18] =	ssyncadd.s32 $0xFFFFF100  }
.LBB2_20:
0xbc: {  	s28 =	sshll.u32 s26, $0x4  }
0xbd: {  	v5 =	vld [tilespmem:s28+$0x10300];
	_ =	sdelay $0x1  }
0xbe: {  	vm1 =	vmmov vm0;
	_ =	sdelay $0x3  }
0xbf: {  	s29 =	sadd.s32 s7, s28  }
0xc0: {  	v6 =	vor.u32 s29, v1  }
.LBB2_21:
0xc1: {  	[tilespmem:v5+s2+$0x0] =	vst.idx.msk vm1, v6  }
0xc2: {  	v7 =	vld.idx.msk [tilespmem:v5+s2+$0x0], $0xffff;
	_ =	sdelay $0x4  }
0xc3: {  	vm2 =	vlt.s32 v7, v6  }
0xc4: {  	vm1 =	vmand vm1, vm2  }
0xc5: {  	v7 =	vsel vm1, $0x1, v2  }
0xc6: {  	v7 =	vor.u32 $0x80000000, v7  }
0xc7: {  	(xrf0) =	vmax.scan.msk.u32 $0xffff, v7;
	_ =	sdelay $0x5  }
0xc8: {  	v7, _, _ =	vpop (xrf0)  }
0xc9: {  	(v2sf) =	vpush v7, $0xF;
	_ =	sdelay $0xe  }
0xca: {  	s28 =	spop (v2sf)  }
0xcb: {  	p1 =	sgt.u32 s28, $0x80000000  }
.Ltmp11:
0xcc: {  	_ = 	snop;
	(pc) =	sbr.rel @p1 .LBB2_21-.Ltmp11, $1  }
0xcd: {  	_ =	sdelay $0x3  }
0xce: {  	s26 =	sadd.s32 $0x1, s26  }
0xcf: {  	p1 =	sne.s32 s26, $0xF0  }
.Ltmp12:
0xd0: {  	_ = 	snop;
	(pc) =	sbr.rel @p1 .LBB2_20-.Ltmp12, $1  }
0xd1: {  	_ =	sdelay $0x3  }
.LBB2_23:
0xd2: {  	s26 =	simm.s32 $0x0  }
0xd3: {  	[spmem:s8] =	stream.strided.scatter [tilespmem:s26], [sflag:$0x1], $0x7800, s20, s19, $0x38;
	[tilespmem:$0x19180] =	vst v63  }
0xd4: {  	_ =	swait.ge [sflag:s18], $0x7800  }
0xd5: {  	[sflag:s18] =	ssyncset.done $0x0  }
0xd6: {  	[sflag:s18] =	ssyncadd.s32 $0xFFFF8800  }
0xd7: {  	s28 =	simm.s32 $0x40;
	s29 =	simm.s32 $0x0;
	[bflag:$0x0] =	sbarrier.arrive $0xFFFF  }
.LBB2_24:
0xd8: {  	p1 =	sne.s32 s28, $0x1DC0;
	[tilespmem:s29+$0xF400] =	vst v0;
	s29 =	smov.u32 s28;
	s28 =	sadd.s32 $0x40, s28  }
.Ltmp13:
0xd9: {  	(pc) =	sbr.rel @p1 .LBB2_24-.Ltmp13, $2  }
0xda: {  	_ =	sdelay $0x2  }
0xdb: {  	s29 =	sshra.s32 s29, $0x2  }
0xdc: {  	[tilespmem:s29+$0xF400] =	vst v0  }
.LBB2_26:
0xdd: {  	s28 =	sshrl.u32 s26, $0x3  }
0xde: {  	s28 =	smul.u32 $0xF0000, s28;
	_ =	sdelay $0x1  }
0xdf: {  	s29 =	sshll.u32 s26, $0x7;
	s28 =	sshra.s32 s28, $0x2  }
0xe0: {  	s29 =	sand.u32 $0x380, s29;
	s28 =	sadd.s32 s28, s9  }
0xe1: {  	s28 =	sadd.s32 s29, s28  }
0xe2: {  	[tilespmem:s21], [sflag:$0x1] =	stream.strided.gather [spmem:s28], $0x780, s20, s19, $0x38;
	[tilespmem:$0x19180] =	vst v63  }
0xe3: {  	_ =	swait.ge [sflag:s18], $0x780  }
0xe4: {  	[sflag:s18] =	ssyncset.done $0x0  }
0xe5: {  	s28 =	simm.s32 $0x0;
	[sflag:s18] =	ssyncadd.s32 $0xFFFFF880  }
0xe6: {  	s29 =	simm.s32 $0x40;
	v5 =	vld [tilespmem:s28+$0xFB80]  }
.LBB2_27:
0xe7: {  	p1 =	sne.s32 s29, $0x1DC0;
	v6 =	vld [tilespmem:s28+$0xF400];
	_ =	sdelay $0x2  }
.Ltmp14:
0xe8: {  	(pc) =	sbr.rel @p1 .LBB2_27-.Ltmp14, $4  }
0xe9: {  	_ = 	snop  }
0xea: {  	vm1 =	vgt.s32 v6, v5  }
0xeb: {  	s30 =	sshra.s32 s29, $0x2;
	v6 =	vsel vm1, v6, v5  }
0xec: {  	s29 =	sadd.s32 $0x40, s29;
	v5 =	vld [tilespmem:s30+$0xFB80];
	[tilespmem:s28+$0xF400] =	vst v6;
	s28 =	smov.u32 s30  }
0xed: {  	v6 =	vld [tilespmem:s28+$0xF400]  }
0xee: {  	s26 =	sadd.s32 $0x1, s26  }
0xef: {  	p1 =	sne.s32 s26, $0x10  }
.Ltmp15:
0xf0: {  	_ = 	snop;
	(pc) =	sbr.rel @p1 .LBB2_26-.Ltmp15, $4  }
0xf1: {  	_ = 	snop  }
0xf2: {  	vm1 =	vgt.s32 v6, v5  }
0xf3: {  	v5 =	vsel vm1, v6, v5  }
0xf4: {  	[tilespmem:s28+$0xF400] =	vst v5  }
0xf5: {  	s26 =	simm.s32 $0x0;
	s28 =	simm.s32 $0x40  }
.LBB2_30:
0xf6: {  	p1 =	sne.s32 s28, $0xEC0;
	v5 =	vld.idx.msk [tilespmem:v4+s26+$0x0 ss:$0x1], $0xffff;
	_ =	sdelay $0x1  }
0xf7: {  	v6 =	vld [tilespmem:s26+$0xF000];
	_ =	sdelay $0x1  }
.Ltmp16:
0xf8: {  	(pc) =	sbr.rel @p1 .LBB2_30-.Ltmp16, $4  }
0xf9: {  	_ = 	snop  }
0xfa: {  	v7 =	vadd.s32 $0x8130, v5;
	vm1 =	vlt.s32 v5, $0x0  }
0xfb: {  	v5 =	vsel vm1, v6, v7  }
0xfc: {  	[tilespmem:s26+$0x11200] =	vst v5;
	s26 =	sshra.s32 s28, $0x2;
	s28 =	sadd.s32 $0x40, s28  }
0xfd: {  	_ =	sdelay $0x3  }
0xfe: {  	v5 =	vld.idx.msk [tilespmem:v4+s26+$0x0 ss:$0x1], $0xffff  }
0xff: {  	v6 =	vld [tilespmem:s26+$0xF000];
	_ =	sdelay $0x3  }
0x100: {  	s25 =	sadd.s32 $0x1, s25;
	v7 =	vadd.s32 $0x8130, v5;
	vm1 =	vlt.s32 v5, $0x0  }
0x101: {  	p1 =	sne.s32 s25, s16;
	v5 =	vsel vm1, v6, v7  }
.Ltmp17:
0x102: {  	[tilespmem:s26+$0x11200] =	vst v5;
	(pc) =	sbr.rel @p1 .LBB2_1-.Ltmp17, $4  }
0x103: {  	[hbm4b:s15+s2] =	stream.linear.scatter [tilespmem:s24], [sflag:$0x1], $0x3C0, $0x38;
	[tilespmem:$0x19180] =	vst v63  }
0x104: {  	_ =	swait.ge [sflag:s18], $0x3C0  }
0x105: {  	[sflag:s18] =	ssyncset.done $0x0  }
0x106: {  	[sflag:s18] =	ssyncadd.s32 $0xFFFFFC40  }
0x107: {  	_ =	sfence.sel $0x180000  }
0x108: {  	[bflag:$0x0] =	sbarrier.arrive $0xFFFF  }
0x109: {  	p0 =	sne.s32 s3, $0x0;
	_ =	strace $0x9000004A  }
0x10a: {  	s0 =	sadd.s32 @!p0 $0x100000, s0;
	[bflag:$0x2] =	sbarrier.arrive $0xFFFF  }
0x10b: {  	[sflag:s0] =	ssyncadd.tile.s32 @!p0 $0x1;
	_ =	shalt  }
.Lfunc_end2:
_tile_overlayer_lowered:
.L_overlay_start_2:
0x10c: {  	(tag) =	ssettag $0x2  }
0x10d: {  	s0 =	rddreg [dreg:$0x0];
	s2 =	stileid.u32  }
0x10e: {  	s1 =	rddreg [dreg:$0x1];
	p0 =	sne.s32 s2, $0x0  }
0x10f: {  	s3 =	rddreg [dreg:$0x2];
	[bflag:$0x3] =	sbarrier.arrive $0xFFFF;
	s2 =	simm.s32 @!p0 $0x1C01  }
0x110: {  	[timem:s3], [sflag:s2] =	dma.local @!p0 [hbm:s0], s1  }
0x111: {  	s0 =	simm.s32 @!p0 $0x1  }
0x112: {  	_ =	swait.ge @!p0 [sflag:s0], s1  }
0x113: {  	s1 =	ssub.s32 @!p0 $0x0, s1;
	[sflag:s0] =	ssyncset.done @!p0 $0x0  }
0x114: {  	[sflag:s0] =	ssyncadd.s32 @!p0 s1  }
0x115: {  	[bflag:$0x3] =	sbarrier.arrive $0xFFFF  }
0x116: {  	_ =	shalt  }

// kernel: kernel.16.cloned.1.call-start
scs
__scs_entry_jumppad:
0x0: {  	(pc) =	sbr.rel $0x88, $3  }
0x1: {  	(tag) =	ssettag $0x0;
	lr =	simm.s32 $0x1  }
0x2: {  	[smem:$0x3F7E] =	sst lr;
	_ =	strace $0xD0000000  }
0x3: {  	_ = 	snop  }
0x4: {  	_ = 	snop  }
0x5: {  	_ = 	snop  }
0x6: {  	_ = 	snop  }
0x7: {  	_ = 	snop  }
__scs_overlays_trampoline_lowered:
0x8: {  	[smem:$0x3F8D] =	sst s0  }
0x9: {  	[smem:$0x3F8E] =	sst s1  }
0xa: {  	[smem:$0x3F8F] =	sst s2  }
0xb: {  	[smem:$0x3F90] =	sst s3  }
0xc: {  	[smem:$0x3F91] =	sst s4  }
0xd: {  	[smem:$0x3F92] =	sst s5  }
0xe: {  	[smem:$0x3F93] =	sst s6  }
0xf: {  	[smem:$0x3F94] =	sst s7  }
0x10: {  	[smem:$0x3F95] =	sst s8  }
0x11: {  	[smem:$0x3F96] =	sst s9;
	s0 =	simm.s32 @!p0 $0x0  }
0x12: {  	s1 =	sld [smem:$0x3F7C];
	s0 =	simm.s32 @p0 $0x1  }
0x13: {  	[smem:$0x3F97] =	sst s0;
	s0 =	simm.s32 @!p1 $0x0  }
0x14: {  	s2 =	sld [smem:$0x3F7B];
	s0 =	simm.s32 @p1 $0x1  }
0x15: {  	[smem:$0x3F98] =	sst s0;
	s0 =	simm.s32 @!p2 $0x0  }
0x16: {  	s3 =	sld [smem:$0x3FDB];
	s0 =	simm.s32 @p2 $0x1  }
0x17: {  	s4 =	simm.s32 $0x1BF5;
	[smem:$0x3F9A] =	sst s0  }
0x18: {  	s0 =	sld [smem:$0x3F7D];
	_ =	swait.ge [sflag:s4], $0x0  }
0x19: {  	s7 =	sld [smem:$0x3F7E]  }
0x1a: {  	s8 =	sadd.s32 $0xFFFFE003, lr  }
0x1b: {  	s9 =	sadd.s32 $0xFFFFFEF7, lr;
	s5 =	simm.s32 $0xFFFFFFFF;
	p2 =	slt.u32 s8, $0xFFFFF086  }
0x1c: {  	p1 =	slt.u32 s9, $0xF7A;
	s5 =	simm.s32 @!p2 $0x0  }
0x1d: {  	s5 =	simm.s32 @p1 $0x1;
	p0 =	seq.s32 s7, s2  }
0x1e: {  	s7 =	smul.u32 @!p0 $0xF7A, s2;
	p2 =	seq.s32 @!p0 s5, $0x0  }
0x1f: {  	s9 =	smul.u32 $0xF7A, s1;
	s8 =	simm.s32 @!p0 $0x1BF5;
	p2 =	por !p2, p0  }
0x20: {  	[sflag:s8] =	ssyncset.s32 @!p0 $0xFFFFF086;
	s6 =	sadd.s32 @!p0 s3, s7;
	s7 =	simm.s32 @!p0 $0x108  }
0x21: {  	s3 =	sadd.s32 s3, s9;
	s6 =	sadd.s32 @!p0 $0x88, s6;
	s7 =	simm.s32 @p2 $0x1082  }
0x22: {  	[simem:s7], [sflag:s8] =	dma.local @!p0 [hbm:s6], $0xF7A  }
0x23: {  	s9 =	sor.u32 $0xD0000000, s2;
	s6 =	simm.s32 $0x108;
	_ =	swait.ge @!p0 [sflag:s8], $0x0  }
0x24: {  	s3 =	sadd.s32 $0x88, s3;
	s6 =	simm.s32 @!p1 $0x1082;
	[sflag:s4] =	ssyncset.s32 $0xFFFFF086  }
0x25: {  	[simem:s6], [sflag:s4] =	dma.local [hbm:s3], $0xF7A  }
0x26: {  	[smem:$0x3F7E] =	sst s1;
	(tag) =	ssettag s2;
	_ =	strace s9  }
0x27: {  	s1 =	sld [smem:$0x3F8E]  }
0x28: {  	s2 =	sld [smem:$0x3F8F]  }
0x29: {  	s4 =	sld [smem:$0x3F91]  }
0x2a: {  	p0 =	seq.s32 s5, $0x0;
	s5 =	sld [smem:$0x3F92]  }
0x2b: {  	s6 =	sld [smem:$0x3F93]  }
0x2c: {  	s7 =	sld [smem:$0x3F94]  }
0x2d: {  	s3 =	simm.s32 $0x108;
	s8 =	sld [smem:$0x3F95]  }
0x2e: {  	s3 =	simm.s32 @!p0 $0x1082;
	s9 =	sld [smem:$0x3F96]  }
0x2f: {  	lr =	sadd.s32 s0, s3;
	s0 =	sld [smem:$0x3F8D]  }
0x30: {  	s3 =	sld [smem:$0x3F90]  }
0x31: {  	[smem:$0x3F99] =	sst s10  }
0x32: {  	s10 =	sld [smem:$0x3F97];
	_ =	sdelay $0x3  }
0x33: {  	p0 =	seq.s32 s10, $0x1;
	s10 =	sld [smem:$0x3F99];
	_ =	sdelay $0x3  }
0x34: {  	[smem:$0x3F99] =	sst s10  }
0x35: {  	s10 =	sld [smem:$0x3F98];
	_ =	sdelay $0x3  }
0x36: {  	p1 =	seq.s32 s10, $0x1;
	s10 =	sld [smem:$0x3F99];
	_ =	sdelay $0x3  }
0x37: {  	[smem:$0x3F99] =	sst s10  }
0x38: {  	s10 =	sld [smem:$0x3F9A]  }
0x39: {  	_ = 	snop;
	(pc) =	sbr.ind lr, $3  }
0x3a: {  	_ = 	snop  }
0x3b: {  	_ = 	snop  }
0x3c: {  	p2 =	seq.s32 s10, $0x1;
	s10 =	sld [smem:$0x3F99]  }
0x3d: {  	_ =	shalt  }
0x3e: {  	_ =	shalt  }
0x3f: {  	_ =	shalt  }
0x40: {  	_ =	shalt  }
0x41: {  	_ =	shalt  }
0x42: {  	_ =	shalt  }
0x43: {  	_ =	shalt  }
0x44: {  	_ =	shalt  }
0x45: {  	_ =	shalt  }
0x46: {  	_ =	shalt  }
0x47: {  	_ =	shalt  }
0x48: {  	_ =	shalt  }
0x49: {  	_ =	shalt  }
0x4a: {  	_ =	shalt  }
0x4b: {  	_ =	shalt  }
0x4c: {  	_ =	shalt  }
0x4d: {  	_ =	shalt  }
0x4e: {  	_ =	shalt  }
0x4f: {  	_ =	shalt  }
0x50: {  	_ =	shalt  }
0x51: {  	_ =	shalt  }
0x52: {  	_ =	shalt  }
0x53: {  	_ =	shalt  }
0x54: {  	_ =	shalt  }
0x55: {  	_ =	shalt  }
0x56: {  	_ =	shalt  }
0x57: {  	_ =	shalt  }
0x58: {  	_ =	shalt  }
0x59: {  	_ =	shalt  }
0x5a: {  	_ =	shalt  }
0x5b: {  	_ =	shalt  }
0x5c: {  	_ =	shalt  }
0x5d: {  	_ =	shalt  }
0x5e: {  	_ =	shalt  }
0x5f: {  	_ =	shalt  }
0x60: {  	_ =	shalt  }
0x61: {  	_ =	shalt  }
0x62: {  	_ =	shalt  }
0x63: {  	_ =	shalt  }
0x64: {  	_ =	shalt  }
0x65: {  	_ =	shalt  }
0x66: {  	_ =	shalt  }
0x67: {  	_ =	shalt  }
0x68: {  	_ =	shalt  }
0x69: {  	_ =	shalt  }
0x6a: {  	_ =	shalt  }
0x6b: {  	_ =	shalt  }
0x6c: {  	_ =	shalt  }
0x6d: {  	_ =	shalt  }
0x6e: {  	_ =	shalt  }
0x6f: {  	_ =	shalt  }
0x70: {  	_ =	shalt  }
0x71: {  	_ =	shalt  }
0x72: {  	_ =	shalt  }
0x73: {  	_ =	shalt  }
0x74: {  	_ =	shalt  }
0x75: {  	_ =	shalt  }
0x76: {  	_ =	shalt  }
0x77: {  	_ =	shalt  }
0x78: {  	_ =	shalt  }
0x79: {  	_ =	shalt  }
0x7a: {  	_ =	shalt  }
0x7b: {  	_ =	shalt  }
0x7c: {  	_ =	shalt  }
0x7d: {  	_ =	shalt  }
0x7e: {  	_ =	shalt  }
0x7f: {  	_ =	shalt  }
0x80: {  	_ =	shalt  }
0x81: {  	_ =	shalt  }
0x82: {  	_ =	shalt  }
0x83: {  	_ =	shalt  }
0x84: {  	_ =	shalt  }
0x85: {  	_ =	shalt  }
0x86: {  	_ =	shalt  }
0x87: {  	_ =	shalt  }
.Lfunc_end0:
.L_simem_size_0:
called_computation.2_lowered:
.L_overlay_start_0:
0x88: {  	s2 =	sld [smem:$0x3FD9]  }
0x89: {  	s3 =	sld [smem:$0x3FFE];
	_ =	sdelay $0x1  }
0x8a: {  	s1 =	srdreg.scid  }
0x8b: {  	s0 =	sand.u32 $0x1, s1  }
0x8c: {  	s17 =	sshll.u32 s0, $0xA;
	s2 =	sadd.s32 s3, s2  }
0x8d: {  	s2 =	sadd.s32 s2, s17  }
0x8e: {  	[smem:$0x3FA5] =	sst s2  }
0x8f: {  	_ = 	snop  }
0x90: {  	s2 =	sld [smem:$0x3FBF];
	(tm) =	ssettm $0x1  }
0x91: {  	s18 =	sld [smem:$0x3FFB];
	_ =	sdelay $0x3  }
0x92: {  	_ =	strace s18  }
0x93: {  	s3 =	sld [smem:$0x3FFC];
	_ =	sdelay $0x3  }
0x94: {  	_ =	strace s3  }
0x95: {  	s3 =	sld [smem:$0x3FFD];
	_ =	sdelay $0x3  }
0x96: {  	_ =	strace s3  }
0x97: {  	_ =	strace $0x8FFFFFFF  }
0x98: {  	s19 =	sld [smem:$0x3FDB];
	_ =	sdelay $0x1  }
0x99: {  	s4 =	simm.s32 $_scs_section_size  }
0x9a: {  	s5 =	simm.s32 $_size__tile_overlayer_lowered;
	s6 =	simm.s32 $_tile_overlayer_lowered  }
0x9b: {  	s22 =	simm.s32 $0x1BFF;
	s21 =	sshll.u32 s6, $0x1;
	s3 =	sadd.s32 s4, s19  }
0x9c: {  	s7 =	simm.s32 $0x0;
	s20 =	sshll.u32 s5, $0x1;
	s5 =	sadd.s32 s21, s3  }
0x9d: {  	[timem:s7], [sflag:s22] =	dma.local [hbm:s5], s20  }
0x9e: {  	_ =	swait.ge [sflag:s22], s20  }
0x9f: {  	s4 =	ssub.s32 $0x0, s20;
	[sflag:s22] =	ssyncset.done $0x0  }
0xa0: {  	[sflag:s22] =	ssyncadd.s32 s4;
	_ =	sdelay $0x1  }
0xa1: {  	s23 =	simm.s32 $0x1B8B  }
0xa2: {  	_ =	swait.ge [sflag:s23], $0x1  }
0xa3: {  	[sflag:s23] =	ssyncset.done $0x0  }
0xa4: {  	s25 =	simm.s32 $0x1B8E;
	s24 =	sld [smem:$0x3FFE];
	[sflag:s23] =	ssyncadd.s32 $0xFFFFFFFF  }
0xa5: {  	s26 =	simm.s32 $execute0_lowered;
	[smem:$0x3FD2] =	sst s25  }
0xa6: {  	s5 =	sshll.u32 s26, $0x1;
	_ =	strace $0x8000004C;
	[dreg:$0x1] =	wrdreg $0xFFFFFFFF  }
0xa7: {  	s28 =	simm.s32 $_size_execute0_lowered;
	s3 =	sadd.s32 s3, s5;
	[dreg:$0x0] =	wrdreg $0x0  }
0xa8: {  	s5 =	sshll.u32 s28, $0x1;
	[dreg:$0x2] =	wrdreg s3  }
0xa9: {  	[dreg:$0x3] =	wrdreg s5  }
0xaa: {  	[dreg:$0x4] =	wrdreg $0xC0  }
0xab: {  	_ =	task [dreg:s7], $0x5FFFF  }
0xac: {  	[dreg:$0x1] =	wrdreg $0xFFFFFFFF  }
0xad: {  	[dreg:$0x0] =	wrdreg $0x60  }
0xae: {  	[dreg:$0x2] =	wrdreg s24  }
0xaf: {  	[dreg:$0x3] =	wrdreg s2  }
0xb0: {  	[dreg:$0x4] =	wrdreg $0x9  }
0xb1: {  	_ =	task.clear_ibuf [dreg:s7], $0x5FFFF;
	_ =	strace $0x9000004C  }
0xb2: {  	s29 =	simm.s32 $0x9;
	_ =	strace $0x8000004E  }
0xb3: {  	_ =	swait.ge [sflag:s29], $0x1  }
0xb4: {  	[sflag:s29] =	ssyncadd.s32 $0xFFFFFFFF  }
0xb5: {  	_ =	strace $0x9000004E  }
0xb6: {  	_ =	sfence  }
0xb7: {  	s30 =	sld [smem:$0x0];
	_ =	sdelay $0x2  }
0xb8: {  	s31 =	sshll.u32 s1, $0xD;
	s1 =	sshrl.u32 s1, $0x2  }
0xb9: {  	s3 =	sand.u32 $0x4000, s31;
	s1 =	sadd.s32 s1, s30  }
0xba: {  	s0 =	sor.u32 s3, s0;
	s1 =	sshll.u32 s1, $0x11  }
0xbb: {  	s0 =	sor.u32 s1, s0  }
0xbc: {  	s0 =	sadd.s32 $0x8F2B, s0  }
0xbd: {  	[sflag:s0] =	ssyncadd.remote.s32 $0x1  }
0xbe: {  	_ =	sfence.sel $0xFFFF  }
0xbf: {  	[dreg:$0x0] =	wrdreg $0xFFFFFFFF;
	(pc) =	sbr.abs _section_cstart, $3  }
0xc0: {  	[dreg:$0x1] =	wrdreg $0xFFFFFFFF  }
0xc1: {  	_ =	task.clear_ibuf [dreg:s7], $0x2FFFF;
	_ =	strace $0x9FFFFFFF  }
0xc2: {  	(tm) =	ssettm $0x7FFFFFFF  }
0xc3: {  	_ =	shalt  }
tec
execute0_lowered:
.L_overlay_start_1:
0x0: {  	(tag) =	ssettag $0x1  }
0x1: {  	s0 =	srdreg.scid  }
0x2: {  	s0 =	sand.u32 $0x1, s0  }
0x3: {  	s1 =	rddreg [dreg:$0x0];
	s4 =	stileid.u32;
	s2 =	sshll.u32 s0, $0x4  }
0x4: {  	s3 =	rddreg [dreg:$0x1];
	s31 =	simm.s32 $0x60;
	s4 =	sor.u32 s4, s2  }
0x5: {  	s30 =	simm.s32 $0x80;
	s28 =	simm.s32 $0x3080;
	s5 =	smul.u32 $0xC, s4  }
0x6: {  	s29 =	simm.s32 $0x31C0;
	p0 =	por $0x0, $0x0;
	s6 =	smul.u32 $0xF0, s4  }
0x7: {  	s13 =	sadd.s32 $0x13200, s1;
	s8 =	sadd.s32 $0xA0600, s1;
	s7 =	smul.u32 $0x600, s4  }
0x8: {  	s0 =	ssub.s32 $0x2, s0;
	s2 =	simm.s32 $0x0;
	s15 =	smul.u32 $0x3C000, s4  }
0x9: {  	s25 =	sshrl.u32 s0, $0x1;
	[smem:$0x7FF] =	sst s2;
	s4 =	smul.u32 $0x7800, s4  }
0xa: {  	s0 =	ssub.s32 s0, s25;
	s25 =	simm.s32 $0x3440;
	_ =	strace $0x8000004D  }
0xb: {  	s0 =	smax.u32 s0, $0x1;
	s5 =	sadd.s32 s5, s1;
	s6 =	sadd.s32 s6, s1  }
0xc: {  	s7 =	sadd.s32 s7, s1;
	s18 =	sshrl.u32 s15, $0x3;
	s19 =	sadd.s32 s8, s4  }
0xd: {  	s1 =	sadd.s32 $0x190600, s1;
	p1 =	sne.s32 s0, $0x1;
	s5 =	sadd.s32 $0xE400, s5  }
0xe: {  	s14 =	sadd.s32 $0x94600, s7;
	s16 =	sadd.s32 $0xE600, s6;
	s17 =	sadd.s32 $0x11400, s6  }
0xf: {  	s7 =	sadd.s32 $0x1400, s18;
	[dreg:$0x7] =	wrdreg s19;
	s9 =	sadd.s32 $0x2800, s18  }
0x10: {  	s10 =	sadd.s32 $0x3C00, s18;
	s11 =	sadd.s32 $0x5000, s18;
	[dreg:$0x3] =	wrdreg s5  }
0x11: {  	s12 =	sadd.s32 $0x6400, s18;
	s4 =	sadd.s32 s1, s4;
	[dreg:$0x4] =	wrdreg s14  }
0x12: {  	s19 =	simm.s32 $0x3BC0;
	s18 =	simm.s32 $0x3D00;
	[dreg:$0x5] =	wrdreg s16  }
0x13: {  	[dreg:$0x6] =	wrdreg s17;
	s20 =	sadd.s32 s8, s7;
	s21 =	sadd.s32 s8, s9  }
0x14: {  	s22 =	sadd.s32 s8, s10;
	s23 =	sadd.s32 s8, s11;
	s24 =	sadd.s32 s8, s12  }
0x15: {  	[dreg:$0xd] =	wrdreg s4;
	s26 =	sadd.s32 s1, s7;
	s15 =	sadd.s32 s1, s9  }
0x16: {  	s8 =	sadd.s32 s1, s10;
	s6 =	sadd.s32 s1, s11;
	s5 =	sadd.s32 s1, s12  }
0x17: {  	s4 =	simm.s32 $0x5;
	s11 =	simm.s32 $0x140;
	[dreg:$0x8] =	wrdreg s20  }
0x18: {  	s10 =	simm.s32 $0x3F80;
	s9 =	simm.s32 $0xDF80;
	[dreg:$0x9] =	wrdreg s21  }
0x19: {  	s14 =	simm.s32 $0x1;
	s7 =	simm.s32 $0x3;
	[dreg:$0xa] =	wrdreg s22  }
.Ltmp0:
0x1a: {  	s12 =	simm.s32 $0x2;
	[dreg:$0xb] =	wrdreg s23;
	(pc) =	sbr.rel @!p1 .LBB2_3-.Ltmp0, $4  }
0x1b: {  	s16 =	simm.s32 $0x4;
	s1 =	sadd.s32 $0xFFFFFFFF, s0;
	[dreg:$0xc] =	wrdreg s24  }
0x1c: {  	s17 =	simm.s32 $0x3E40;
	[dreg:$0xe] =	wrdreg s26;
	s21 =	simm.s32 $0x3800  }
0x1d: {  	s26 =	simm.s32 $0x3300;
	s24 =	simm.s32 $0x3580;
	s23 =	simm.s32 $0x36C0  }
0x1e: {  	s22 =	simm.s32 $0x3940;
	s20 =	simm.s32 $0x3A80;
	s0 =	rddreg [dreg:$0x3]  }
0x1f: {  	[tilespmem:s2], [sflag:$0x5] =	stream.linear.gather [hbm4b:s0+s2], $0x60, $0x38;
	[tilespmem:$0x17F80] =	vst v63  }
0x20: {  	_ =	swait.ge [sflag:s4], $0x60  }
0x21: {  	[sflag:s4] =	ssyncset.done $0x0  }
0x22: {  	[sflag:s4] =	ssyncadd.s32 $0xFFFFFFA0  }
0x23: {  	[tilespmem:s30], [sflag:$0x5] =	stream.indirect.gather [hbm4b:s13+s31], $0x80, s2, s31, $0xb8;
	[tilespmem:$0x17F80] =	vst v63  }
0x24: {  	_ =	swait.ge [sflag:s4], $0x3000  }
0x25: {  	[sflag:s4] =	ssyncset.done $0x0  }
0x26: {  	s0 =	rddreg [dreg:$0x4];
	[sflag:s4] =	ssyncadd.s32 $0xFFFFD000  }
0x27: {  	[hbm4b:s0+s2] =	stream.linear.scatter [tilespmem:s30], [sflag:$0x5], $0x3000, $0x38;
	[tilespmem:$0x17F80] =	vst v63  }
0x28: {  	_ =	swait.ge [sflag:s4], $0x3000  }
0x29: {  	[sflag:s4] =	ssyncset.done $0x0  }
0x2a: {  	s0 =	rddreg [dreg:$0x5];
	[sflag:s4] =	ssyncadd.s32 $0xFFFFD000  }
0x2b: {  	[tilespmem:s28], [sflag:$0x5] =	stream.linear.gather [hbm4b:s0+s2], $0x780, $0x38;
	[tilespmem:$0x17F80] =	vst v63  }
0x2c: {  	_ =	swait.ge [sflag:s4], $0x780  }
0x2d: {  	[sflag:s4] =	ssyncset.done $0x0  }
0x2e: {  	s0 =	rddreg [dreg:$0x6];
	[sflag:s4] =	ssyncadd.s32 $0xFFFFF880  }
0x2f: {  	[tilespmem:s21], [sflag:$0x5] =	stream.linear.gather [hbm4b:s0+s2], $0x780, $0x38;
	[tilespmem:$0x17F80] =	vst v63  }
0x30: {  	_ =	swait.ge [sflag:s4], $0x780  }
0x31: {  	[sflag:s4] =	ssyncset.done $0x0  }
0x32: {  	[sflag:s4] =	ssyncadd.s32 $0xFFFFF880  }
0x33: {  	[tilespmem:s10], [sflag:$0x1] =	stream.indirect.gather [hbm4b:s13+s11], $0x80, s28, s11, $0xb8;
	[tilespmem:$0x17F80] =	vst v63  }
0x34: {  	_ = 	snop  }
0x35: {  	[tilespmem:s9], [sflag:$0x2] =	stream.indirect.gather [hbm4b:s13+s11], $0x80, s29, s11, $0xb8;
	[tilespmem:$0x17F80] =	vst v63  }
0x36: {  	_ =	swait.ge [sflag:s14], $0xA000  }
0x37: {  	[sflag:s14] =	ssyncset.done $0x0  }
0x38: {  	s0 =	rddreg [dreg:$0x7];
	[sflag:s14] =	ssyncadd.s32 $0xFFFF6000  }
0x39: {  	[hbm4b:s0+s2] =	stream.linear.scatter [tilespmem:s10], [sflag:$0x3], $0xA000, $0x38;
	[tilespmem:$0x17F80] =	vst v63  }
0x3a: {  	_ =	swait.ge [sflag:s7], $0xA000  }
0x3b: {  	[sflag:s7] =	ssyncset.done $0x0  }
0x3c: {  	[sflag:s7] =	ssyncadd.s32 $0xFFFF6000  }
0x3d: {  	[tilespmem:s10], [sflag:$0x1] =	stream.indirect.gather [hbm4b:s13+s11], $0x80, s26, s11, $0xb8;
	[tilespmem:$0x17F80] =	vst v63  }
0x3e: {  	_ =	swait.ge [sflag:s12], $0xA000  }
0x3f: {  	[sflag:s12] =	ssyncset.done $0x0  }
0x40: {  	s0 =	rddreg [dreg:$0x8];
	[sflag:s12] =	ssyncadd.s32 $0xFFFF6000  }
0x41: {  	[hbm4b:s0+s2] =	stream.linear.scatter [tilespmem:s9], [sflag:$0x4], $0xA000, $0x38;
	[tilespmem:$0x17F80] =	vst v63  }
0x42: {  	_ =	swait.ge [sflag:s16], $0xA000  }
0x43: {  	[sflag:s16] =	ssyncset.done $0x0  }
0x44: {  	[sflag:s16] =	ssyncadd.s32 $0xFFFF6000  }
0x45: {  	[tilespmem:s9], [sflag:$0x2] =	stream.indirect.gather [hbm4b:s13+s11], $0x80, s25, s11, $0xb8;
	[tilespmem:$0x17F80] =	vst v63  }
0x46: {  	_ =	swait.ge [sflag:s14], $0xA000  }
0x47: {  	[sflag:s14] =	ssyncset.done $0x0  }
0x48: {  	s0 =	rddreg [dreg:$0x9];
	[sflag:s14] =	ssyncadd.s32 $0xFFFF6000  }
0x49: {  	[hbm4b:s0+s2] =	stream.linear.scatter [tilespmem:s10], [sflag:$0x3], $0xA000, $0x38;
	[tilespmem:$0x17F80] =	vst v63  }
0x4a: {  	_ =	swait.ge [sflag:s7], $0xA000  }
0x4b: {  	[sflag:s7] =	ssyncset.done $0x0  }
0x4c: {  	[sflag:s7] =	ssyncadd.s32 $0xFFFF6000  }
0x4d: {  	[tilespmem:s10], [sflag:$0x1] =	stream.indirect.gather [hbm4b:s13+s11], $0x80, s24, s11, $0xb8;
	[tilespmem:$0x17F80] =	vst v63  }
0x4e: {  	_ =	swait.ge [sflag:s12], $0xA000  }
0x4f: {  	[sflag:s12] =	ssyncset.done $0x0  }
0x50: {  	s0 =	rddreg [dreg:$0xa];
	[sflag:s12] =	ssyncadd.s32 $0xFFFF6000  }
0x51: {  	[hbm4b:s0+s2] =	stream.linear.scatter [tilespmem:s9], [sflag:$0x4], $0xA000, $0x38;
	[tilespmem:$0x17F80] =	vst v63  }
0x52: {  	_ =	swait.ge [sflag:s16], $0xA000  }
0x53: {  	[sflag:s16] =	ssyncset.done $0x0  }
0x54: {  	[sflag:s16] =	ssyncadd.s32 $0xFFFF6000  }
0x55: {  	[tilespmem:s9], [sflag:$0x2] =	stream.indirect.gather [hbm4b:s13+s11], $0x80, s23, s11, $0xb8;
	[tilespmem:$0x17F80] =	vst v63  }
0x56: {  	_ =	swait.ge [sflag:s14], $0xA000  }
0x57: {  	[sflag:s14] =	ssyncset.done $0x0  }
0x58: {  	s0 =	rddreg [dreg:$0xb];
	[sflag:s14] =	ssyncadd.s32 $0xFFFF6000  }
0x59: {  	[hbm4b:s0+s2] =	stream.linear.scatter [tilespmem:s10], [sflag:$0x3], $0xA000, $0x38;
	[tilespmem:$0x17F80] =	vst v63  }
0x5a: {  	_ =	swait.ge [sflag:s7], $0xA000  }
0x5b: {  	[sflag:s7] =	ssyncset.done $0x0  }
0x5c: {  	[sflag:s7] =	ssyncadd.s32 $0xFFFF6000  }
0x5d: {  	[tilespmem:s10], [sflag:$0x1] =	stream.indirect.gather [hbm4b:s3+s11], $0x80, s21, s11, $0xb8;
	[tilespmem:$0x17F80] =	vst v63  }
0x5e: {  	_ =	swait.ge [sflag:s12], $0xA000  }
0x5f: {  	[sflag:s12] =	ssyncset.done $0x0  }
0x60: {  	s0 =	rddreg [dreg:$0xc];
	[sflag:s12] =	ssyncadd.s32 $0xFFFF6000  }
0x61: {  	[hbm4b:s0+s2] =	stream.linear.scatter [tilespmem:s9], [sflag:$0x4], $0xA000, $0x38;
	[tilespmem:$0x17F80] =	vst v63  }
0x62: {  	_ =	swait.ge [sflag:s16], $0xA000  }
0x63: {  	[sflag:s16] =	ssyncset.done $0x0  }
0x64: {  	[sflag:s16] =	ssyncadd.s32 $0xFFFF6000  }
0x65: {  	[tilespmem:s9], [sflag:$0x2] =	stream.indirect.gather [hbm4b:s3+s11], $0x80, s22, s11, $0xb8;
	[tilespmem:$0x17F80] =	vst v63  }
0x66: {  	_ =	swait.ge [sflag:s14], $0xA000  }
0x67: {  	[sflag:s14] =	ssyncset.done $0x0  }
0x68: {  	s0 =	rddreg [dreg:$0xd];
	[sflag:s14] =	ssyncadd.s32 $0xFFFF6000  }
0x69: {  	[hbm4b:s0+s2] =	stream.linear.scatter [tilespmem:s10], [sflag:$0x3], $0xA000, $0x38;
	[tilespmem:$0x17F80] =	vst v63  }
0x6a: {  	_ =	swait.ge [sflag:s7], $0xA000  }
0x6b: {  	[sflag:s7] =	ssyncset.done $0x0  }
0x6c: {  	[sflag:s7] =	ssyncadd.s32 $0xFFFF6000  }
0x6d: {  	[tilespmem:s10], [sflag:$0x1] =	stream.indirect.gather [hbm4b:s3+s11], $0x80, s20, s11, $0xb8;
	[tilespmem:$0x17F80] =	vst v63  }
0x6e: {  	_ =	swait.ge [sflag:s12], $0xA000  }
0x6f: {  	[sflag:s12] =	ssyncset.done $0x0  }
0x70: {  	s0 =	rddreg [dreg:$0xe];
	[sflag:s12] =	ssyncadd.s32 $0xFFFF6000  }
0x71: {  	[hbm4b:s0+s2] =	stream.linear.scatter [tilespmem:s9], [sflag:$0x4], $0xA000, $0x38;
	[tilespmem:$0x17F80] =	vst v63  }
0x72: {  	_ =	swait.ge [sflag:s16], $0xA000  }
0x73: {  	[sflag:s16] =	ssyncset.done $0x0  }
0x74: {  	[sflag:s16] =	ssyncadd.s32 $0xFFFF6000  }
0x75: {  	[tilespmem:s9], [sflag:$0x2] =	stream.indirect.gather [hbm4b:s3+s11], $0x80, s19, s11, $0xb8;
	[tilespmem:$0x17F80] =	vst v63  }
0x76: {  	_ =	swait.ge [sflag:s14], $0xA000  }
0x77: {  	[sflag:s14] =	ssyncset.done $0x0  }
0x78: {  	[sflag:s14] =	ssyncadd.s32 $0xFFFF6000  }
0x79: {  	[hbm4b:s15+s2] =	stream.linear.scatter [tilespmem:s10], [sflag:$0x3], $0xA000, $0x38;
	[tilespmem:$0x17F80] =	vst v63  }
0x7a: {  	_ =	swait.ge [sflag:s7], $0xA000  }
0x7b: {  	[sflag:s7] =	ssyncset.done $0x0  }
0x7c: {  	[sflag:s7] =	ssyncadd.s32 $0xFFFF6000  }
0x7d: {  	[tilespmem:s10], [sflag:$0x1] =	stream.indirect.gather [hbm4b:s3+s11], $0x80, s18, s11, $0xb8;
	[tilespmem:$0x17F80] =	vst v63  }
0x7e: {  	_ =	swait.ge [sflag:s12], $0xA000  }
0x7f: {  	[sflag:s12] =	ssyncset.done $0x0  }
0x80: {  	[sflag:s12] =	ssyncadd.s32 $0xFFFF6000  }
0x81: {  	[hbm4b:s8+s2] =	stream.linear.scatter [tilespmem:s9], [sflag:$0x4], $0xA000, $0x38;
	[tilespmem:$0x17F80] =	vst v63  }
0x82: {  	_ =	swait.ge [sflag:s16], $0xA000  }
0x83: {  	[sflag:s16] =	ssyncset.done $0x0  }
0x84: {  	[sflag:s16] =	ssyncadd.s32 $0xFFFF6000  }
0x85: {  	[tilespmem:s9], [sflag:$0x2] =	stream.indirect.gather [hbm4b:s3+s11], $0x80, s17, s11, $0xb8;
	[tilespmem:$0x17F80] =	vst v63  }
0x86: {  	_ =	swait.ge [sflag:s14], $0xA000  }
0x87: {  	[sflag:s14] =	ssyncset.done $0x0  }
0x88: {  	[sflag:s14] =	ssyncadd.s32 $0xFFFF6000  }
0x89: {  	[hbm4b:s6+s2] =	stream.linear.scatter [tilespmem:s10], [sflag:$0x3], $0xA000, $0x38;
	[tilespmem:$0x17F80] =	vst v63  }
0x8a: {  	_ =	swait.ge [sflag:s12], $0xA000  }
0x8b: {  	[sflag:s12] =	ssyncset.done $0x0  }
0x8c: {  	p1 =	sne.s32 s1, $0x1;
	[sflag:s12] =	ssyncadd.s32 $0xFFFF6000  }
0x8d: {  	[hbm4b:s5+s2] =	stream.linear.scatter [tilespmem:s9], [sflag:$0x5], $0xA000, $0x38;
	[tilespmem:$0x17F80] =	vst v63  }
.Ltmp1:
0x8e: {  	_ =	swait.ge [sflag:s4], $0xA000;
	(pc) =	sbr.rel @!p1 .LBB2_3-.Ltmp1, $4  }
0x8f: {  	[sflag:s4] =	ssyncset.done $0x0  }
0x90: {  	[sflag:s4] =	ssyncadd.s32 $0xFFFF6000  }
0x91: {  	s1 =	sadd.s32 $0xFFFFFFFF, s1;
	_ =	swait.ge [sflag:s7], $0xA000  }
0x92: {  	p0 =	por $0x1, $0x1;
	s0 =	rddreg [dreg:$0x3];
	[sflag:s7] =	ssyncset.done $0x0  }
.LBB2_2:
0x93: {  	[sflag:s7] =	ssyncadd.s32 $0xFFFF6000  }
0x94: {  	[tilespmem:s2], [sflag:$0x5] =	stream.linear.gather [hbm4b:s0+s2], $0x60, $0x38;
	[tilespmem:$0x17F80] =	vst v63  }
0x95: {  	_ =	swait.ge [sflag:s4], $0x60  }
0x96: {  	[sflag:s4] =	ssyncset.done $0x0  }
0x97: {  	[sflag:s4] =	ssyncadd.s32 $0xFFFFFFA0  }
0x98: {  	[tilespmem:s30], [sflag:$0x5] =	stream.indirect.gather [hbm4b:s13+s31], $0x80, s2, s31, $0xb8;
	[tilespmem:$0x17F80] =	vst v63  }
0x99: {  	_ =	swait.ge [sflag:s4], $0x3000  }
0x9a: {  	[sflag:s4] =	ssyncset.done $0x0  }
0x9b: {  	s0 =	rddreg [dreg:$0x4];
	[sflag:s4] =	ssyncadd.s32 $0xFFFFD000  }
0x9c: {  	[hbm4b:s0+s2] =	stream.linear.scatter [tilespmem:s30], [sflag:$0x5], $0x3000, $0x38;
	[tilespmem:$0x17F80] =	vst v63  }
0x9d: {  	_ =	swait.ge [sflag:s4], $0x3000  }
0x9e: {  	[sflag:s4] =	ssyncset.done $0x0  }
0x9f: {  	s0 =	rddreg [dreg:$0x5];
	[sflag:s4] =	ssyncadd.s32 $0xFFFFD000  }
0xa0: {  	[tilespmem:s28], [sflag:$0x5] =	stream.linear.gather [hbm4b:s0+s2], $0x780, $0x38;
	[tilespmem:$0x17F80] =	vst v63  }
0xa1: {  	_ =	swait.ge [sflag:s4], $0x780  }
0xa2: {  	[sflag:s4] =	ssyncset.done $0x0  }
0xa3: {  	s0 =	rddreg [dreg:$0x6];
	[sflag:s4] =	ssyncadd.s32 $0xFFFFF880  }
0xa4: {  	[tilespmem:s21], [sflag:$0x5] =	stream.linear.gather [hbm4b:s0+s2], $0x780, $0x38;
	[tilespmem:$0x17F80] =	vst v63  }
0xa5: {  	_ =	swait.ge [sflag:s4], $0x780  }
0xa6: {  	[sflag:s4] =	ssyncset.done $0x0  }
0xa7: {  	[sflag:s4] =	ssyncadd.s32 $0xFFFFF880  }
0xa8: {  	[tilespmem:s10], [sflag:$0x1] =	stream.indirect.gather [hbm4b:s13+s11], $0x80, s28, s11, $0xb8;
	[tilespmem:$0x17F80] =	vst v63  }
0xa9: {  	_ = 	snop  }
0xaa: {  	[tilespmem:s9], [sflag:$0x2] =	stream.indirect.gather [hbm4b:s13+s11], $0x80, s29, s11, $0xb8;
	[tilespmem:$0x17F80] =	vst v63  }
0xab: {  	_ =	swait.ge [sflag:s14], $0xA000  }
0xac: {  	[sflag:s14] =	ssyncset.done $0x0  }
0xad: {  	s0 =	rddreg [dreg:$0x7];
	[sflag:s14] =	ssyncadd.s32 $0xFFFF6000  }
0xae: {  	[hbm4b:s0+s2] =	stream.linear.scatter [tilespmem:s10], [sflag:$0x3], $0xA000, $0x38;
	[tilespmem:$0x17F80] =	vst v63  }
0xaf: {  	_ =	swait.ge [sflag:s7], $0xA000  }
0xb0: {  	[sflag:s7] =	ssyncset.done $0x0  }
0xb1: {  	[sflag:s7] =	ssyncadd.s32 $0xFFFF6000  }
0xb2: {  	[tilespmem:s10], [sflag:$0x1] =	stream.indirect.gather [hbm4b:s13+s11], $0x80, s26, s11, $0xb8;
	[tilespmem:$0x17F80] =	vst v63  }
0xb3: {  	_ =	swait.ge [sflag:s12], $0xA000  }
0xb4: {  	[sflag:s12] =	ssyncset.done $0x0  }
0xb5: {  	s0 =	rddreg [dreg:$0x8];
	[sflag:s12] =	ssyncadd.s32 $0xFFFF6000  }
0xb6: {  	[hbm4b:s0+s2] =	stream.linear.scatter [tilespmem:s9], [sflag:$0x4], $0xA000, $0x38;
	[tilespmem:$0x17F80] =	vst v63  }
0xb7: {  	_ =	swait.ge [sflag:s16], $0xA000  }
0xb8: {  	[sflag:s16] =	ssyncset.done $0x0  }
0xb9: {  	[sflag:s16] =	ssyncadd.s32 $0xFFFF6000  }
0xba: {  	[tilespmem:s9], [sflag:$0x2] =	stream.indirect.gather [hbm4b:s13+s11], $0x80, s25, s11, $0xb8;
	[tilespmem:$0x17F80] =	vst v63  }
0xbb: {  	_ =	swait.ge [sflag:s14], $0xA000  }
0xbc: {  	[sflag:s14] =	ssyncset.done $0x0  }
0xbd: {  	s0 =	rddreg [dreg:$0x9];
	[sflag:s14] =	ssyncadd.s32 $0xFFFF6000  }
0xbe: {  	[hbm4b:s0+s2] =	stream.linear.scatter [tilespmem:s10], [sflag:$0x3], $0xA000, $0x38;
	[tilespmem:$0x17F80] =	vst v63  }
0xbf: {  	_ =	swait.ge [sflag:s7], $0xA000  }
0xc0: {  	[sflag:s7] =	ssyncset.done $0x0  }
0xc1: {  	[sflag:s7] =	ssyncadd.s32 $0xFFFF6000  }
0xc2: {  	[tilespmem:s10], [sflag:$0x1] =	stream.indirect.gather [hbm4b:s13+s11], $0x80, s24, s11, $0xb8;
	[tilespmem:$0x17F80] =	vst v63  }
0xc3: {  	_ =	swait.ge [sflag:s12], $0xA000  }
0xc4: {  	[sflag:s12] =	ssyncset.done $0x0  }
0xc5: {  	s0 =	rddreg [dreg:$0xa];
	[sflag:s12] =	ssyncadd.s32 $0xFFFF6000  }
0xc6: {  	[hbm4b:s0+s2] =	stream.linear.scatter [tilespmem:s9], [sflag:$0x4], $0xA000, $0x38;
	[tilespmem:$0x17F80] =	vst v63  }
0xc7: {  	_ =	swait.ge [sflag:s16], $0xA000  }
0xc8: {  	[sflag:s16] =	ssyncset.done $0x0  }
0xc9: {  	[sflag:s16] =	ssyncadd.s32 $0xFFFF6000  }
0xca: {  	[tilespmem:s9], [sflag:$0x2] =	stream.indirect.gather [hbm4b:s13+s11], $0x80, s23, s11, $0xb8;
	[tilespmem:$0x17F80] =	vst v63  }
0xcb: {  	_ =	swait.ge [sflag:s14], $0xA000  }
0xcc: {  	[sflag:s14] =	ssyncset.done $0x0  }
0xcd: {  	s0 =	rddreg [dreg:$0xb];
	[sflag:s14] =	ssyncadd.s32 $0xFFFF6000  }
0xce: {  	[hbm4b:s0+s2] =	stream.linear.scatter [tilespmem:s10], [sflag:$0x3], $0xA000, $0x38;
	[tilespmem:$0x17F80] =	vst v63  }
0xcf: {  	_ =	swait.ge [sflag:s7], $0xA000  }
0xd0: {  	[sflag:s7] =	ssyncset.done $0x0  }
0xd1: {  	[sflag:s7] =	ssyncadd.s32 $0xFFFF6000  }
0xd2: {  	[tilespmem:s10], [sflag:$0x1] =	stream.indirect.gather [hbm4b:s3+s11], $0x80, s21, s11, $0xb8;
	[tilespmem:$0x17F80] =	vst v63  }
0xd3: {  	_ =	swait.ge [sflag:s12], $0xA000  }
0xd4: {  	[sflag:s12] =	ssyncset.done $0x0  }
0xd5: {  	s0 =	rddreg [dreg:$0xc];
	[sflag:s12] =	ssyncadd.s32 $0xFFFF6000  }
0xd6: {  	[hbm4b:s0+s2] =	stream.linear.scatter [tilespmem:s9], [sflag:$0x4], $0xA000, $0x38;
	[tilespmem:$0x17F80] =	vst v63  }
0xd7: {  	_ =	swait.ge [sflag:s16], $0xA000  }
0xd8: {  	[sflag:s16] =	ssyncset.done $0x0  }
0xd9: {  	[sflag:s16] =	ssyncadd.s32 $0xFFFF6000  }
0xda: {  	[tilespmem:s9], [sflag:$0x2] =	stream.indirect.gather [hbm4b:s3+s11], $0x80, s22, s11, $0xb8;
	[tilespmem:$0x17F80] =	vst v63  }
0xdb: {  	_ =	swait.ge [sflag:s14], $0xA000  }
0xdc: {  	[sflag:s14] =	ssyncset.done $0x0  }
0xdd: {  	s0 =	rddreg [dreg:$0xd];
	[sflag:s14] =	ssyncadd.s32 $0xFFFF6000  }
0xde: {  	[hbm4b:s0+s2] =	stream.linear.scatter [tilespmem:s10], [sflag:$0x3], $0xA000, $0x38;
	[tilespmem:$0x17F80] =	vst v63  }
0xdf: {  	_ =	swait.ge [sflag:s7], $0xA000  }
0xe0: {  	[sflag:s7] =	ssyncset.done $0x0  }
0xe1: {  	[sflag:s7] =	ssyncadd.s32 $0xFFFF6000  }
0xe2: {  	[tilespmem:s10], [sflag:$0x1] =	stream.indirect.gather [hbm4b:s3+s11], $0x80, s20, s11, $0xb8;
	[tilespmem:$0x17F80] =	vst v63  }
0xe3: {  	_ =	swait.ge [sflag:s12], $0xA000  }
0xe4: {  	[sflag:s12] =	ssyncset.done $0x0  }
0xe5: {  	s0 =	rddreg [dreg:$0xe];
	[sflag:s12] =	ssyncadd.s32 $0xFFFF6000  }
0xe6: {  	[hbm4b:s0+s2] =	stream.linear.scatter [tilespmem:s9], [sflag:$0x4], $0xA000, $0x38;
	[tilespmem:$0x17F80] =	vst v63  }
0xe7: {  	_ =	swait.ge [sflag:s16], $0xA000  }
0xe8: {  	[sflag:s16] =	ssyncset.done $0x0  }
0xe9: {  	[sflag:s16] =	ssyncadd.s32 $0xFFFF6000  }
0xea: {  	[tilespmem:s9], [sflag:$0x2] =	stream.indirect.gather [hbm4b:s3+s11], $0x80, s19, s11, $0xb8;
	[tilespmem:$0x17F80] =	vst v63  }
0xeb: {  	_ =	swait.ge [sflag:s14], $0xA000  }
0xec: {  	[sflag:s14] =	ssyncset.done $0x0  }
0xed: {  	[sflag:s14] =	ssyncadd.s32 $0xFFFF6000  }
0xee: {  	[hbm4b:s15+s2] =	stream.linear.scatter [tilespmem:s10], [sflag:$0x3], $0xA000, $0x38;
	[tilespmem:$0x17F80] =	vst v63  }
0xef: {  	_ =	swait.ge [sflag:s7], $0xA000  }
0xf0: {  	[sflag:s7] =	ssyncset.done $0x0  }
0xf1: {  	[sflag:s7] =	ssyncadd.s32 $0xFFFF6000  }
0xf2: {  	[tilespmem:s10], [sflag:$0x1] =	stream.indirect.gather [hbm4b:s3+s11], $0x80, s18, s11, $0xb8;
	[tilespmem:$0x17F80] =	vst v63  }
0xf3: {  	_ =	swait.ge [sflag:s12], $0xA000  }
0xf4: {  	[sflag:s12] =	ssyncset.done $0x0  }
0xf5: {  	[sflag:s12] =	ssyncadd.s32 $0xFFFF6000  }
0xf6: {  	[hbm4b:s8+s2] =	stream.linear.scatter [tilespmem:s9], [sflag:$0x4], $0xA000, $0x38;
	[tilespmem:$0x17F80] =	vst v63  }
0xf7: {  	_ =	swait.ge [sflag:s16], $0xA000  }
0xf8: {  	[sflag:s16] =	ssyncset.done $0x0  }
0xf9: {  	[sflag:s16] =	ssyncadd.s32 $0xFFFF6000  }
0xfa: {  	[tilespmem:s9], [sflag:$0x2] =	stream.indirect.gather [hbm4b:s3+s11], $0x80, s17, s11, $0xb8;
	[tilespmem:$0x17F80] =	vst v63  }
0xfb: {  	_ =	swait.ge [sflag:s14], $0xA000  }
0xfc: {  	[sflag:s14] =	ssyncset.done $0x0  }
0xfd: {  	[sflag:s14] =	ssyncadd.s32 $0xFFFF6000  }
0xfe: {  	[hbm4b:s6+s2] =	stream.linear.scatter [tilespmem:s10], [sflag:$0x3], $0xA000, $0x38;
	[tilespmem:$0x17F80] =	vst v63  }
0xff: {  	_ =	swait.ge [sflag:s12], $0xA000  }
0x100: {  	[sflag:s12] =	ssyncset.done $0x0  }
0x101: {  	p1 =	sne.s32 s1, $0x1;
	[sflag:s12] =	ssyncadd.s32 $0xFFFF6000  }
0x102: {  	[hbm4b:s5+s2] =	stream.linear.scatter [tilespmem:s9], [sflag:$0x5], $0xA000, $0x38;
	[tilespmem:$0x17F80] =	vst v63  }
.Ltmp2:
0x103: {  	_ =	swait.ge [sflag:s4], $0xA000;
	(pc) =	sbr.rel @p1 .LBB2_2-.Ltmp2, $4  }
0x104: {  	[sflag:s4] =	ssyncset.done $0x0  }
0x105: {  	[sflag:s4] =	ssyncadd.s32 $0xFFFF6000  }
0x106: {  	_ =	swait.ge [sflag:s7], $0xA000  }
0x107: {  	s1 =	sadd.s32 $0xFFFFFFFF, s1;
	s0 =	rddreg [dreg:$0x3];
	[sflag:s7] =	ssyncset.done $0x0  }
.LBB2_3:
0x108: {  	[sflag:s7] =	ssyncadd.s32 @p0 $0xFFFF6000  }
0x109: {  	[tilespmem:s2], [sflag:$0x5] =	stream.linear.gather [hbm4b:s0+s2], $0x60, $0x38;
	[tilespmem:$0x17F80] =	vst v63  }
0x10a: {  	_ =	swait.ge [sflag:s4], $0x60  }
0x10b: {  	[sflag:s4] =	ssyncset.done $0x0  }
0x10c: {  	[sflag:s4] =	ssyncadd.s32 $0xFFFFFFA0  }
0x10d: {  	[tilespmem:s30], [sflag:$0x5] =	stream.indirect.gather [hbm4b:s13+s31], $0x80, s2, s31, $0xb8;
	[tilespmem:$0x17F80] =	vst v63  }
0x10e: {  	_ =	swait.ge [sflag:s4], $0x3000  }
0x10f: {  	[sflag:s4] =	ssyncset.done $0x0  }
0x110: {  	s1 =	rddreg [dreg:$0x4];
	[sflag:s4] =	ssyncadd.s32 $0xFFFFD000  }
0x111: {  	[hbm4b:s1+s2] =	stream.linear.scatter [tilespmem:s30], [sflag:$0x5], $0x3000, $0x38;
	[tilespmem:$0x17F80] =	vst v63  }
0x112: {  	_ =	swait.ge [sflag:s4], $0x3000  }
0x113: {  	[sflag:s4] =	ssyncset.done $0x0  }
0x114: {  	s31 =	rddreg [dreg:$0x5];
	[sflag:s4] =	ssyncadd.s32 $0xFFFFD000  }
0x115: {  	[tilespmem:s28], [sflag:$0x5] =	stream.linear.gather [hbm4b:s31+s2], $0x780, $0x38;
	[tilespmem:$0x17F80] =	vst v63  }
0x116: {  	_ =	swait.ge [sflag:s4], $0x780  }
0x117: {  	[sflag:s4] =	ssyncset.done $0x0  }
0x118: {  	s1 =	rddreg [dreg:$0x6];
	[sflag:s4] =	ssyncadd.s32 $0xFFFFF880  }
0x119: {  	[tilespmem:s21], [sflag:$0x5] =	stream.linear.gather [hbm4b:s1+s2], $0x780, $0x38;
	[tilespmem:$0x17F80] =	vst v63  }
0x11a: {  	_ =	swait.ge [sflag:s4], $0x780  }
0x11b: {  	[sflag:s4] =	ssyncset.done $0x0  }
0x11c: {  	[sflag:s4] =	ssyncadd.s32 $0xFFFFF880  }
0x11d: {  	[tilespmem:s10], [sflag:$0x1] =	stream.indirect.gather [hbm4b:s13+s11], $0x80, s28, s11, $0xb8;
	[tilespmem:$0x17F80] =	vst v63  }
0x11e: {  	_ = 	snop  }
0x11f: {  	[tilespmem:s9], [sflag:$0x2] =	stream.indirect.gather [hbm4b:s13+s11], $0x80, s29, s11, $0xb8;
	[tilespmem:$0x17F80] =	vst v63  }
0x120: {  	_ =	swait.ge [sflag:s14], $0xA000  }
0x121: {  	[sflag:s14] =	ssyncset.done $0x0  }
0x122: {  	s30 =	rddreg [dreg:$0x7];
	[sflag:s14] =	ssyncadd.s32 $0xFFFF6000  }
0x123: {  	[hbm4b:s30+s2] =	stream.linear.scatter [tilespmem:s10], [sflag:$0x3], $0xA000, $0x38;
	[tilespmem:$0x17F80] =	vst v63  }
0x124: {  	_ =	swait.ge [sflag:s7], $0xA000  }
0x125: {  	[sflag:s7] =	ssyncset.done $0x0  }
0x126: {  	[sflag:s7] =	ssyncadd.s32 $0xFFFF6000  }
0x127: {  	[tilespmem:s10], [sflag:$0x1] =	stream.indirect.gather [hbm4b:s13+s11], $0x80, s26, s11, $0xb8;
	[tilespmem:$0x17F80] =	vst v63  }
0x128: {  	_ =	swait.ge [sflag:s12], $0xA000  }
0x129: {  	[sflag:s12] =	ssyncset.done $0x0  }
0x12a: {  	s31 =	rddreg [dreg:$0x8];
	[sflag:s12] =	ssyncadd.s32 $0xFFFF6000  }
0x12b: {  	[hbm4b:s31+s2] =	stream.linear.scatter [tilespmem:s9], [sflag:$0x4], $0xA000, $0x38;
	[tilespmem:$0x17F80] =	vst v63  }
0x12c: {  	_ =	swait.ge [sflag:s16], $0xA000  }
0x12d: {  	[sflag:s16] =	ssyncset.done $0x0  }
0x12e: {  	[sflag:s16] =	ssyncadd.s32 $0xFFFF6000  }
0x12f: {  	[tilespmem:s9], [sflag:$0x2] =	stream.indirect.gather [hbm4b:s13+s11], $0x80, s25, s11, $0xb8;
	[tilespmem:$0x17F80] =	vst v63  }
0x130: {  	_ =	swait.ge [sflag:s14], $0xA000  }
0x131: {  	[sflag:s14] =	ssyncset.done $0x0  }
0x132: {  	s1 =	rddreg [dreg:$0x9];
	[sflag:s14] =	ssyncadd.s32 $0xFFFF6000  }
0x133: {  	[hbm4b:s1+s2] =	stream.linear.scatter [tilespmem:s10], [sflag:$0x3], $0xA000, $0x38;
	[tilespmem:$0x17F80] =	vst v63  }
0x134: {  	_ =	swait.ge [sflag:s7], $0xA000  }
0x135: {  	[sflag:s7] =	ssyncset.done $0x0  }
0x136: {  	[sflag:s7] =	ssyncadd.s32 $0xFFFF6000  }
0x137: {  	[tilespmem:s10], [sflag:$0x1] =	stream.indirect.gather [hbm4b:s13+s11], $0x80, s24, s11, $0xb8;
	[tilespmem:$0x17F80] =	vst v63  }
0x138: {  	_ =	swait.ge [sflag:s12], $0xA000  }
0x139: {  	[sflag:s12] =	ssyncset.done $0x0  }
0x13a: {  	s25 =	rddreg [dreg:$0xa];
	[sflag:s12] =	ssyncadd.s32 $0xFFFF6000  }
0x13b: {  	[hbm4b:s25+s2] =	stream.linear.scatter [tilespmem:s9], [sflag:$0x4], $0xA000, $0x38;
	[tilespmem:$0x17F80] =	vst v63  }
0x13c: {  	_ =	swait.ge [sflag:s16], $0xA000  }
0x13d: {  	[sflag:s16] =	ssyncset.done $0x0  }
0x13e: {  	[sflag:s16] =	ssyncadd.s32 $0xFFFF6000  }
0x13f: {  	[tilespmem:s9], [sflag:$0x2] =	stream.indirect.gather [hbm4b:s13+s11], $0x80, s23, s11, $0xb8;
	[tilespmem:$0x17F80] =	vst v63  }
0x140: {  	_ =	swait.ge [sflag:s14], $0xA000  }
0x141: {  	[sflag:s14] =	ssyncset.done $0x0  }
0x142: {  	s26 =	rddreg [dreg:$0xb];
	[sflag:s14] =	ssyncadd.s32 $0xFFFF6000  }
0x143: {  	[hbm4b:s26+s2] =	stream.linear.scatter [tilespmem:s10], [sflag:$0x3], $0xA000, $0x38;
	[tilespmem:$0x17F80] =	vst v63  }
0x144: {  	_ =	swait.ge [sflag:s7], $0xA000  }
0x145: {  	[sflag:s7] =	ssyncset.done $0x0  }
0x146: {  	[sflag:s7] =	ssyncadd.s32 $0xFFFF6000  }
0x147: {  	[tilespmem:s10], [sflag:$0x1] =	stream.indirect.gather [hbm4b:s3+s11], $0x80, s21, s11, $0xb8;
	[tilespmem:$0x17F80] =	vst v63  }
0x148: {  	_ =	swait.ge [sflag:s12], $0xA000  }
0x149: {  	[sflag:s12] =	ssyncset.done $0x0  }
0x14a: {  	s28 =	rddreg [dreg:$0xc];
	[sflag:s12] =	ssyncadd.s32 $0xFFFF6000  }
0x14b: {  	[hbm4b:s28+s2] =	stream.linear.scatter [tilespmem:s9], [sflag:$0x4], $0xA000, $0x38;
	[tilespmem:$0x17F80] =	vst v63  }
0x14c: {  	_ =	swait.ge [sflag:s16], $0xA000  }
0x14d: {  	[sflag:s16] =	ssyncset.done $0x0  }
0x14e: {  	[sflag:s16] =	ssyncadd.s32 $0xFFFF6000  }
0x14f: {  	[tilespmem:s9], [sflag:$0x2] =	stream.indirect.gather [hbm4b:s3+s11], $0x80, s22, s11, $0xb8;
	[tilespmem:$0x17F80] =	vst v63  }
0x150: {  	_ =	swait.ge [sflag:s14], $0xA000  }
0x151: {  	[sflag:s14] =	ssyncset.done $0x0  }
0x152: {  	s29 =	rddreg [dreg:$0xd];
	[sflag:s14] =	ssyncadd.s32 $0xFFFF6000  }
0x153: {  	[hbm4b:s29+s2] =	stream.linear.scatter [tilespmem:s10], [sflag:$0x3], $0xA000, $0x38;
	[tilespmem:$0x17F80] =	vst v63  }
0x154: {  	_ =	swait.ge [sflag:s7], $0xA000  }
0x155: {  	[sflag:s7] =	ssyncset.done $0x0  }
0x156: {  	[sflag:s7] =	ssyncadd.s32 $0xFFFF6000  }
0x157: {  	[tilespmem:s10], [sflag:$0x1] =	stream.indirect.gather [hbm4b:s3+s11], $0x80, s20, s11, $0xb8;
	[tilespmem:$0x17F80] =	vst v63  }
0x158: {  	_ =	swait.ge [sflag:s12], $0xA000  }
0x159: {  	[sflag:s12] =	ssyncset.done $0x0  }
0x15a: {  	s30 =	rddreg [dreg:$0xe];
	[sflag:s12] =	ssyncadd.s32 $0xFFFF6000  }
0x15b: {  	[hbm4b:s30+s2] =	stream.linear.scatter [tilespmem:s9], [sflag:$0x4], $0xA000, $0x38;
	[tilespmem:$0x17F80] =	vst v63  }
0x15c: {  	_ =	swait.ge [sflag:s16], $0xA000  }
0x15d: {  	[sflag:s16] =	ssyncset.done $0x0  }
0x15e: {  	[sflag:s16] =	ssyncadd.s32 $0xFFFF6000  }
0x15f: {  	[tilespmem:s9], [sflag:$0x2] =	stream.indirect.gather [hbm4b:s3+s11], $0x80, s19, s11, $0xb8;
	[tilespmem:$0x17F80] =	vst v63  }
0x160: {  	_ =	swait.ge [sflag:s14], $0xA000  }
0x161: {  	[sflag:s14] =	ssyncset.done $0x0  }
0x162: {  	[sflag:s14] =	ssyncadd.s32 $0xFFFF6000  }
0x163: {  	[hbm4b:s15+s2] =	stream.linear.scatter [tilespmem:s10], [sflag:$0x3], $0xA000, $0x38;
	[tilespmem:$0x17F80] =	vst v63  }
0x164: {  	_ =	swait.ge [sflag:s7], $0xA000  }
0x165: {  	[sflag:s7] =	ssyncset.done $0x0  }
0x166: {  	[sflag:s7] =	ssyncadd.s32 $0xFFFF6000  }
0x167: {  	[tilespmem:s10], [sflag:$0x1] =	stream.indirect.gather [hbm4b:s3+s11], $0x80, s18, s11, $0xb8;
	[tilespmem:$0x17F80] =	vst v63  }
0x168: {  	_ =	swait.ge [sflag:s12], $0xA000  }
0x169: {  	[sflag:s12] =	ssyncset.done $0x0  }
0x16a: {  	[sflag:s12] =	ssyncadd.s32 $0xFFFF6000  }
0x16b: {  	[hbm4b:s8+s2] =	stream.linear.scatter [tilespmem:s9], [sflag:$0x4], $0xA000, $0x38;
	[tilespmem:$0x17F80] =	vst v63  }
0x16c: {  	_ =	swait.ge [sflag:s16], $0xA000  }
0x16d: {  	[sflag:s16] =	ssyncset.done $0x0  }
0x16e: {  	[sflag:s16] =	ssyncadd.s32 $0xFFFF6000  }
0x16f: {  	[tilespmem:s9], [sflag:$0x2] =	stream.indirect.gather [hbm4b:s3+s11], $0x80, s17, s11, $0xb8;
	[tilespmem:$0x17F80] =	vst v63  }
0x170: {  	_ =	swait.ge [sflag:s14], $0xA000  }
0x171: {  	[sflag:s14] =	ssyncset.done $0x0  }
0x172: {  	[sflag:s14] =	ssyncadd.s32 $0xFFFF6000  }
0x173: {  	[hbm4b:s6+s2] =	stream.linear.scatter [tilespmem:s10], [sflag:$0x3], $0xA000, $0x38;
	[tilespmem:$0x17F80] =	vst v63  }
0x174: {  	_ =	swait.ge [sflag:s12], $0xA000  }
0x175: {  	[sflag:s12] =	ssyncset.done $0x0  }
0x176: {  	[sflag:s12] =	ssyncadd.s32 $0xFFFF6000  }
0x177: {  	[hbm4b:s5+s2] =	stream.linear.scatter [tilespmem:s9], [sflag:$0x5], $0xA000, $0x38;
	[tilespmem:$0x17F80] =	vst v63  }
0x178: {  	_ =	swait.ge [sflag:s4], $0xA000  }
0x179: {  	[sflag:s4] =	ssyncset.done $0x0  }
0x17a: {  	[sflag:s4] =	ssyncadd.s32 $0xFFFF6000  }
0x17b: {  	_ =	swait.ge [sflag:s7], $0xA000  }
0x17c: {  	[sflag:s7] =	ssyncset.done $0x0  }
0x17d: {  	[sflag:s7] =	ssyncadd.s32 $0xFFFF6000  }
0x17e: {  	_ =	sfence.sel $0x180000  }
0x17f: {  	[bflag:$0x0] =	sbarrier.arrive $0xFFFF  }
0x180: {  	_ =	strace $0x9000004D  }
0x181: {  	s31 =	stileid.u32;
	[bflag:$0x2] =	sbarrier.arrive $0xFFFF  }
0x182: {  	p0 =	sne.s32 s31, $0x0;
	s0 =	rddreg [dreg:$0x2]  }
0x183: {  	s0 =	sadd.s32 @!p0 $0x100000, s0  }
0x184: {  	[sflag:s0] =	ssyncadd.tile.s32 @!p0 $0x1;
	_ =	shalt  }
.Lfunc_end2:
_tile_overlayer_lowered:
.L_overlay_start_2:
0x185: {  	(tag) =	ssettag $0x2  }
0x186: {  	s0 =	rddreg [dreg:$0x0];
	s2 =	stileid.u32  }
0x187: {  	s1 =	rddreg [dreg:$0x1];
	p0 =	sne.s32 s2, $0x0  }
0x188: {  	s3 =	rddreg [dreg:$0x2];
	[bflag:$0x3] =	sbarrier.arrive $0xFFFF;
	s2 =	simm.s32 @!p0 $0x1C05  }
0x189: {  	[timem:s3], [sflag:s2] =	dma.local @!p0 [hbm:s0], s1  }
0x18a: {  	s0 =	simm.s32 @!p0 $0x5  }
0x18b: {  	_ =	swait.ge @!p0 [sflag:s0], s1  }
0x18c: {  	s1 =	ssub.s32 @!p0 $0x0, s1;
	[sflag:s0] =	ssyncset.done @!p0 $0x0  }
0x18d: {  	[sflag:s0] =	ssyncadd.s32 @!p0 s1  }
0x18e: {  	[bflag:$0x3] =	sbarrier.arrive $0xFFFF  }
0x18f: {  	_ =	shalt  }

// kernel: kernel.19.cloned.1.call-start
scs
__scs_entry_jumppad:
0x0: {  	(pc) =	sbr.rel $0x88, $3  }
0x1: {  	(tag) =	ssettag $0x0;
	lr =	simm.s32 $0x1  }
0x2: {  	[smem:$0x3F7E] =	sst lr;
	_ =	strace $0xD0000000  }
0x3: {  	_ = 	snop  }
0x4: {  	_ = 	snop  }
0x5: {  	_ = 	snop  }
0x6: {  	_ = 	snop  }
0x7: {  	_ = 	snop  }
__scs_overlays_trampoline_lowered:
0x8: {  	[smem:$0x3F8D] =	sst s0  }
0x9: {  	[smem:$0x3F8E] =	sst s1  }
0xa: {  	[smem:$0x3F8F] =	sst s2  }
0xb: {  	[smem:$0x3F90] =	sst s3  }
0xc: {  	[smem:$0x3F91] =	sst s4  }
0xd: {  	[smem:$0x3F92] =	sst s5  }
0xe: {  	[smem:$0x3F93] =	sst s6  }
0xf: {  	[smem:$0x3F94] =	sst s7  }
0x10: {  	[smem:$0x3F95] =	sst s8  }
0x11: {  	[smem:$0x3F96] =	sst s9;
	s0 =	simm.s32 @!p0 $0x0  }
0x12: {  	s1 =	sld [smem:$0x3F7C];
	s0 =	simm.s32 @p0 $0x1  }
0x13: {  	[smem:$0x3F97] =	sst s0;
	s0 =	simm.s32 @!p1 $0x0  }
0x14: {  	s2 =	sld [smem:$0x3F7B];
	s0 =	simm.s32 @p1 $0x1  }
0x15: {  	[smem:$0x3F98] =	sst s0;
	s0 =	simm.s32 @!p2 $0x0  }
0x16: {  	s3 =	sld [smem:$0x3FDB];
	s0 =	simm.s32 @p2 $0x1  }
0x17: {  	s4 =	simm.s32 $0x1BF5;
	[smem:$0x3F9A] =	sst s0  }
0x18: {  	s0 =	sld [smem:$0x3F7D];
	_ =	swait.ge [sflag:s4], $0x0  }
0x19: {  	s7 =	sld [smem:$0x3F7E]  }
0x1a: {  	s8 =	sadd.s32 $0xFFFFE003, lr  }
0x1b: {  	s9 =	sadd.s32 $0xFFFFFEF7, lr;
	s5 =	simm.s32 $0xFFFFFFFF;
	p2 =	slt.u32 s8, $0xFFFFF086  }
0x1c: {  	p1 =	slt.u32 s9, $0xF7A;
	s5 =	simm.s32 @!p2 $0x0  }
0x1d: {  	s5 =	simm.s32 @p1 $0x1;
	p0 =	seq.s32 s7, s2  }
0x1e: {  	s7 =	smul.u32 @!p0 $0xF7A, s2;
	p2 =	seq.s32 @!p0 s5, $0x0  }
0x1f: {  	s9 =	smul.u32 $0xF7A, s1;
	s8 =	simm.s32 @!p0 $0x1BF5;
	p2 =	por !p2, p0  }
0x20: {  	[sflag:s8] =	ssyncset.s32 @!p0 $0xFFFFF086;
	s6 =	sadd.s32 @!p0 s3, s7;
	s7 =	simm.s32 @!p0 $0x108  }
0x21: {  	s3 =	sadd.s32 s3, s9;
	s6 =	sadd.s32 @!p0 $0x88, s6;
	s7 =	simm.s32 @p2 $0x1082  }
0x22: {  	[simem:s7], [sflag:s8] =	dma.local @!p0 [hbm:s6], $0xF7A  }
0x23: {  	s9 =	sor.u32 $0xD0000000, s2;
	s6 =	simm.s32 $0x108;
	_ =	swait.ge @!p0 [sflag:s8], $0x0  }
0x24: {  	s3 =	sadd.s32 $0x88, s3;
	s6 =	simm.s32 @!p1 $0x1082;
	[sflag:s4] =	ssyncset.s32 $0xFFFFF086  }
0x25: {  	[simem:s6], [sflag:s4] =	dma.local [hbm:s3], $0xF7A  }
0x26: {  	[smem:$0x3F7E] =	sst s1;
	(tag) =	ssettag s2;
	_ =	strace s9  }
0x27: {  	s1 =	sld [smem:$0x3F8E]  }
0x28: {  	s2 =	sld [smem:$0x3F8F]  }
0x29: {  	s4 =	sld [smem:$0x3F91]  }
0x2a: {  	p0 =	seq.s32 s5, $0x0;
	s5 =	sld [smem:$0x3F92]  }
0x2b: {  	s6 =	sld [smem:$0x3F93]  }
0x2c: {  	s7 =	sld [smem:$0x3F94]  }
0x2d: {  	s3 =	simm.s32 $0x108;
	s8 =	sld [smem:$0x3F95]  }
0x2e: {  	s3 =	simm.s32 @!p0 $0x1082;
	s9 =	sld [smem:$0x3F96]  }
0x2f: {  	lr =	sadd.s32 s0, s3;
	s0 =	sld [smem:$0x3F8D]  }
0x30: {  	s3 =	sld [smem:$0x3F90]  }
0x31: {  	[smem:$0x3F99] =	sst s10  }
0x32: {  	s10 =	sld [smem:$0x3F97];
	_ =	sdelay $0x3  }
0x33: {  	p0 =	seq.s32 s10, $0x1;
	s10 =	sld [smem:$0x3F99];
	_ =	sdelay $0x3  }
0x34: {  	[smem:$0x3F99] =	sst s10  }
0x35: {  	s10 =	sld [smem:$0x3F98];
	_ =	sdelay $0x3  }
0x36: {  	p1 =	seq.s32 s10, $0x1;
	s10 =	sld [smem:$0x3F99];
	_ =	sdelay $0x3  }
0x37: {  	[smem:$0x3F99] =	sst s10  }
0x38: {  	s10 =	sld [smem:$0x3F9A]  }
0x39: {  	_ = 	snop;
	(pc) =	sbr.ind lr, $3  }
0x3a: {  	_ = 	snop  }
0x3b: {  	_ = 	snop  }
0x3c: {  	p2 =	seq.s32 s10, $0x1;
	s10 =	sld [smem:$0x3F99]  }
0x3d: {  	_ =	shalt  }
0x3e: {  	_ =	shalt  }
0x3f: {  	_ =	shalt  }
0x40: {  	_ =	shalt  }
0x41: {  	_ =	shalt  }
0x42: {  	_ =	shalt  }
0x43: {  	_ =	shalt  }
0x44: {  	_ =	shalt  }
0x45: {  	_ =	shalt  }
0x46: {  	_ =	shalt  }
0x47: {  	_ =	shalt  }
0x48: {  	_ =	shalt  }
0x49: {  	_ =	shalt  }
0x4a: {  	_ =	shalt  }
0x4b: {  	_ =	shalt  }
0x4c: {  	_ =	shalt  }
0x4d: {  	_ =	shalt  }
0x4e: {  	_ =	shalt  }
0x4f: {  	_ =	shalt  }
0x50: {  	_ =	shalt  }
0x51: {  	_ =	shalt  }
0x52: {  	_ =	shalt  }
0x53: {  	_ =	shalt  }
0x54: {  	_ =	shalt  }
0x55: {  	_ =	shalt  }
0x56: {  	_ =	shalt  }
0x57: {  	_ =	shalt  }
0x58: {  	_ =	shalt  }
0x59: {  	_ =	shalt  }
0x5a: {  	_ =	shalt  }
0x5b: {  	_ =	shalt  }
0x5c: {  	_ =	shalt  }
0x5d: {  	_ =	shalt  }
0x5e: {  	_ =	shalt  }
0x5f: {  	_ =	shalt  }
0x60: {  	_ =	shalt  }
0x61: {  	_ =	shalt  }
0x62: {  	_ =	shalt  }
0x63: {  	_ =	shalt  }
0x64: {  	_ =	shalt  }
0x65: {  	_ =	shalt  }
0x66: {  	_ =	shalt  }
0x67: {  	_ =	shalt  }
0x68: {  	_ =	shalt  }
0x69: {  	_ =	shalt  }
0x6a: {  	_ =	shalt  }
0x6b: {  	_ =	shalt  }
0x6c: {  	_ =	shalt  }
0x6d: {  	_ =	shalt  }
0x6e: {  	_ =	shalt  }
0x6f: {  	_ =	shalt  }
0x70: {  	_ =	shalt  }
0x71: {  	_ =	shalt  }
0x72: {  	_ =	shalt  }
0x73: {  	_ =	shalt  }
0x74: {  	_ =	shalt  }
0x75: {  	_ =	shalt  }
0x76: {  	_ =	shalt  }
0x77: {  	_ =	shalt  }
0x78: {  	_ =	shalt  }
0x79: {  	_ =	shalt  }
0x7a: {  	_ =	shalt  }
0x7b: {  	_ =	shalt  }
0x7c: {  	_ =	shalt  }
0x7d: {  	_ =	shalt  }
0x7e: {  	_ =	shalt  }
0x7f: {  	_ =	shalt  }
0x80: {  	_ =	shalt  }
0x81: {  	_ =	shalt  }
0x82: {  	_ =	shalt  }
0x83: {  	_ =	shalt  }
0x84: {  	_ =	shalt  }
0x85: {  	_ =	shalt  }
0x86: {  	_ =	shalt  }
0x87: {  	_ =	shalt  }
.Lfunc_end0:
.L_simem_size_0:
called_computation.3_lowered:
.L_overlay_start_0:
0x88: {  	s2 =	sld [smem:$0x3FD9]  }
0x89: {  	s3 =	sld [smem:$0x3FFE];
	_ =	sdelay $0x1  }
0x8a: {  	s1 =	srdreg.scid  }
0x8b: {  	s0 =	sand.u32 $0x1, s1  }
0x8c: {  	s16 =	sshll.u32 s0, $0xA;
	s2 =	sadd.s32 s3, s2  }
0x8d: {  	s2 =	sadd.s32 s2, s16  }
0x8e: {  	[smem:$0x3FA5] =	sst s2  }
0x8f: {  	_ = 	snop  }
0x90: {  	(tm) =	ssettm $0x1  }
0x91: {  	s17 =	sld [smem:$0x3FFB];
	_ =	sdelay $0x3  }
0x92: {  	_ =	strace s17  }
0x93: {  	s2 =	sld [smem:$0x3FFC];
	_ =	sdelay $0x3  }
0x94: {  	_ =	strace s2  }
0x95: {  	s2 =	sld [smem:$0x3FFD];
	_ =	sdelay $0x3  }
0x96: {  	_ =	strace s2  }
0x97: {  	_ =	strace $0x8FFFFFFF  }
0x98: {  	s18 =	sld [smem:$0x3FDB];
	_ =	sdelay $0x1  }
0x99: {  	s19 =	simm.s32 $_scs_section_size  }
0x9a: {  	s4 =	simm.s32 $_size__tile_overlayer_lowered;
	s5 =	simm.s32 $_tile_overlayer_lowered  }
0x9b: {  	s22 =	simm.s32 $0x1BFF;
	s21 =	sshll.u32 s5, $0x1;
	s2 =	sadd.s32 s19, s18  }
0x9c: {  	s6 =	simm.s32 $0x0;
	s20 =	sshll.u32 s4, $0x1;
	s4 =	sadd.s32 s21, s2  }
0x9d: {  	[timem:s6], [sflag:s22] =	dma.local [hbm:s4], s20  }
0x9e: {  	_ =	swait.ge [sflag:s22], s20  }
0x9f: {  	s3 =	ssub.s32 $0x0, s20;
	[sflag:s22] =	ssyncset.done $0x0  }
0xa0: {  	[sflag:s22] =	ssyncadd.s32 s3;
	_ =	sdelay $0x1  }
0xa1: {  	s23 =	simm.s32 $0x1B8B  }
0xa2: {  	_ =	swait.ge [sflag:s23], $0x1  }
0xa3: {  	[sflag:s23] =	ssyncset.done $0x0  }
0xa4: {  	s25 =	simm.s32 $0x1B8E;
	s24 =	sld [smem:$0x3FFE];
	[sflag:s23] =	ssyncadd.s32 $0xFFFFFFFF  }
0xa5: {  	s26 =	simm.s32 $execute0_lowered;
	[smem:$0x3FD2] =	sst s25  }
0xa6: {  	s4 =	sshll.u32 s26, $0x1;
	_ =	strace $0x8000004F;
	[dreg:$0x1] =	wrdreg $0xFFFFFFFF  }
0xa7: {  	s28 =	simm.s32 $_size_execute0_lowered;
	s2 =	sadd.s32 s2, s4;
	[dreg:$0x0] =	wrdreg $0x0  }
0xa8: {  	s4 =	sshll.u32 s28, $0x1;
	[dreg:$0x2] =	wrdreg s2  }
0xa9: {  	[dreg:$0x3] =	wrdreg s4  }
0xaa: {  	[dreg:$0x4] =	wrdreg $0xC0  }
0xab: {  	_ =	task [dreg:s6], $0x5FFFF  }
0xac: {  	[dreg:$0x1] =	wrdreg $0xFFFFFFFF  }
0xad: {  	[dreg:$0x0] =	wrdreg $0x60  }
0xae: {  	[dreg:$0x2] =	wrdreg s24  }
0xaf: {  	[dreg:$0x3] =	wrdreg $0x9  }
0xb0: {  	_ =	task.clear_ibuf [dreg:s6], $0x4FFFF;
	_ =	strace $0x9000004F  }
0xb1: {  	s29 =	simm.s32 $0x9;
	_ =	strace $0x80000051  }
0xb2: {  	_ =	swait.ge [sflag:s29], $0x1  }
0xb3: {  	[sflag:s29] =	ssyncadd.s32 $0xFFFFFFFF  }
0xb4: {  	_ =	strace $0x90000051  }
0xb5: {  	_ =	sfence  }
0xb6: {  	s30 =	sld [smem:$0x0];
	_ =	sdelay $0x2  }
0xb7: {  	s31 =	sshll.u32 s1, $0xD;
	s1 =	sshrl.u32 s1, $0x2  }
0xb8: {  	s3 =	sand.u32 $0x4000, s31;
	s1 =	sadd.s32 s1, s30  }
0xb9: {  	s0 =	sor.u32 s3, s0;
	s1 =	sshll.u32 s1, $0x11  }
0xba: {  	s0 =	sor.u32 s1, s0  }
0xbb: {  	s0 =	sadd.s32 $0x8F2B, s0  }
0xbc: {  	[sflag:s0] =	ssyncadd.remote.s32 $0x1  }
0xbd: {  	_ =	sfence.sel $0xFFFF  }
0xbe: {  	[dreg:$0x0] =	wrdreg $0xFFFFFFFF;
	(pc) =	sbr.abs _section_cstart, $3  }
0xbf: {  	[dreg:$0x1] =	wrdreg $0xFFFFFFFF  }
0xc0: {  	_ =	task.clear_ibuf [dreg:s6], $0x2FFFF;
	_ =	strace $0x9FFFFFFF  }
0xc1: {  	(tm) =	ssettm $0x7FFFFFFF  }
tec
execute0_lowered:
.L_overlay_start_1:
0x0: {  	(tag) =	ssettag $0x1  }
0x1: {  	s0 =	srdreg.scid  }
0x2: {  	s12 =	sand.u32 $0x1, s0  }
0x3: {  	s0 =	stileid.u32;
	s1 =	sshll.u32 s12, $0x4  }
0x4: {  	s8 =	sor.u32 s0, s1  }
0x5: {  	s9 =	rddreg [dreg:$0x0];
	s2 =	simm.s32 $0x0;
	s11 =	smul.u32 $0x3C0, s8  }
0x6: {  	[smem:$0x7FF] =	sst s2  }
0x7: {  	s13 =	sadd.s32 $0x10400, s9;
	s1 =	rddreg [dreg:$0x1];
	s3 =	sshrl.u32 s11, $0x3  }
0x8: {  	_ =	strace $0x80000050;
	s4 =	sadd.s32 s13, s3;
	s3 =	simm.s32 $0x1  }
0x9: {  	[tilespmem:s2], [sflag:$0x1] =	stream.linear.gather [hbm4b:s4+s2], $0x140, $0x38;
	[tilespmem:$0xA180] =	vst v63  }
0xa: {  	_ =	swait.ge [sflag:s3], $0x140  }
0xb: {  	s6 =	simm.s32 $0x140;
	[sflag:s3] =	ssyncset.done $0x0  }
0xc: {  	s7 =	simm.s32 $0x180;
	s5 =	sadd.s32 $0x11400, s9;
	[sflag:s3] =	ssyncadd.s32 $0xFFFFFEC0  }
0xd: {  	[tilespmem:s7], [sflag:$0x1] =	stream.indirect.gather [hbm4b:s5+s6], $0x80, s2, s6, $0xb8;
	[tilespmem:$0xA180] =	vst v63  }
0xe: {  	s8 =	smul.u32 $0x3C00, s8;
	_ =	swait.ge [sflag:s3], $0xA000  }
0xf: {  	s14 =	sadd.s32 $0x182800, s9;
	[sflag:s3] =	ssyncset.done $0x0  }
0x10: {  	s8 =	sadd.s32 s14, s8;
	[sflag:s3] =	ssyncadd.s32 $0xFFFF6000  }
0x11: {  	[hbm4b:s8+s2] =	stream.linear.scatter [tilespmem:s7], [sflag:$0x1], $0xA000, $0x38;
	[tilespmem:$0xA180] =	vst v63  }
0x12: {  	s10 =	sadd.s32 $0x140, s11;
	_ =	swait.ge [sflag:s3], $0xA000  }
0x13: {  	s29 =	sshrl.u32 s10, $0x3;
	[sflag:s3] =	ssyncset.done $0x0  }
0x14: {  	s9 =	sadd.s32 s13, s29;
	[sflag:s3] =	ssyncadd.s32 $0xFFFF6000  }
0x15: {  	[tilespmem:s2], [sflag:$0x1] =	stream.linear.gather [hbm4b:s9+s2], $0x140, $0x38;
	[tilespmem:$0xA180] =	vst v63  }
0x16: {  	_ =	swait.ge [sflag:s3], $0x140  }
0x17: {  	[sflag:s3] =	ssyncset.done $0x0  }
0x18: {  	[sflag:s3] =	ssyncadd.s32 $0xFFFFFEC0  }
0x19: {  	[tilespmem:s7], [sflag:$0x1] =	stream.indirect.gather [hbm4b:s5+s6], $0x80, s2, s6, $0xb8;
	[tilespmem:$0xA180] =	vst v63  }
0x1a: {  	_ =	swait.ge [sflag:s3], $0xA000  }
0x1b: {  	s10 =	sshll.u32 s10, $0x4;
	[sflag:s3] =	ssyncset.done $0x0  }
0x1c: {  	s10 =	sadd.s32 s14, s10;
	[sflag:s3] =	ssyncadd.s32 $0xFFFF6000  }
0x1d: {  	[hbm4b:s10+s2] =	stream.linear.scatter [tilespmem:s7], [sflag:$0x1], $0xA000, $0x38;
	[tilespmem:$0xA180] =	vst v63  }
0x1e: {  	s15 =	sadd.s32 $0x280, s11;
	_ =	swait.ge [sflag:s3], $0xA000  }
0x1f: {  	s11 =	sshrl.u32 s15, $0x3;
	[sflag:s3] =	ssyncset.done $0x0  }
0x20: {  	s12 =	ssub.s32 $0x2, s12;
	s11 =	sadd.s32 s13, s11;
	[sflag:s3] =	ssyncadd.s32 $0xFFFF6000  }
0x21: {  	[tilespmem:s2], [sflag:$0x1] =	stream.linear.gather [hbm4b:s11+s2], $0x140, $0x38;
	[tilespmem:$0xA180] =	vst v63  }
0x22: {  	s30 =	sshrl.u32 s12, $0x1;
	_ =	swait.ge [sflag:s3], $0x140  }
0x23: {  	s13 =	ssub.s32 s12, s30;
	[sflag:s3] =	ssyncset.done $0x0  }
0x24: {  	s13 =	smax.u32 s13, $0x1;
	[sflag:s3] =	ssyncadd.s32 $0xFFFFFEC0  }
0x25: {  	[tilespmem:s7], [sflag:$0x1] =	stream.indirect.gather [hbm4b:s5+s6], $0x80, s2, s6, $0xb8;
	[tilespmem:$0xA180] =	vst v63  }
0x26: {  	p0 =	sne.s32 s13, $0x1;
	_ =	swait.ge [sflag:s3], $0xA000  }
.Ltmp0:
0x27: {  	s31 =	sshll.u32 s15, $0x4;
	[sflag:s3] =	ssyncset.done $0x0;
	(pc) =	sbr.rel @!p0 .LBB2_2-.Ltmp0, $4  }
0x28: {  	s12 =	sadd.s32 s14, s31;
	[sflag:s3] =	ssyncadd.s32 $0xFFFF6000  }
0x29: {  	[hbm4b:s12+s2] =	stream.linear.scatter [tilespmem:s7], [sflag:$0x1], $0xA000, $0x38;
	[tilespmem:$0xA180] =	vst v63  }
0x2a: {  	_ =	swait.ge [sflag:s3], $0xA000  }
0x2b: {  	s13 =	sadd.s32 $0xFFFFFFFF, s13;
	[sflag:s3] =	ssyncset.done $0x0  }
.LBB2_1:
0x2c: {  	p0 =	sne.s32 s13, $0x1;
	s13 =	sadd.s32 $0xFFFFFFFF, s13;
	[sflag:s3] =	ssyncadd.s32 $0xFFFF6000  }
0x2d: {  	[tilespmem:s2], [sflag:$0x1] =	stream.linear.gather [hbm4b:s4+s2], $0x140, $0x38;
	[tilespmem:$0xA180] =	vst v63  }
0x2e: {  	_ =	swait.ge [sflag:s3], $0x140  }
0x2f: {  	[sflag:s3] =	ssyncset.done $0x0  }
0x30: {  	[sflag:s3] =	ssyncadd.s32 $0xFFFFFEC0  }
0x31: {  	[tilespmem:s7], [sflag:$0x1] =	stream.indirect.gather [hbm4b:s5+s6], $0x80, s2, s6, $0xb8;
	[tilespmem:$0xA180] =	vst v63  }
0x32: {  	_ =	swait.ge [sflag:s3], $0xA000  }
0x33: {  	[sflag:s3] =	ssyncset.done $0x0  }
0x34: {  	[sflag:s3] =	ssyncadd.s32 $0xFFFF6000  }
0x35: {  	[hbm4b:s8+s2] =	stream.linear.scatter [tilespmem:s7], [sflag:$0x1], $0xA000, $0x38;
	[tilespmem:$0xA180] =	vst v63  }
0x36: {  	_ =	swait.ge [sflag:s3], $0xA000  }
0x37: {  	[sflag:s3] =	ssyncset.done $0x0  }
0x38: {  	[sflag:s3] =	ssyncadd.s32 $0xFFFF6000  }
0x39: {  	[tilespmem:s2], [sflag:$0x1] =	stream.linear.gather [hbm4b:s9+s2], $0x140, $0x38;
	[tilespmem:$0xA180] =	vst v63  }
0x3a: {  	_ =	swait.ge [sflag:s3], $0x140  }
0x3b: {  	[sflag:s3] =	ssyncset.done $0x0  }
0x3c: {  	[sflag:s3] =	ssyncadd.s32 $0xFFFFFEC0  }
0x3d: {  	[tilespmem:s7], [sflag:$0x1] =	stream.indirect.gather [hbm4b:s5+s6], $0x80, s2, s6, $0xb8;
	[tilespmem:$0xA180] =	vst v63  }
0x3e: {  	_ =	swait.ge [sflag:s3], $0xA000  }
0x3f: {  	[sflag:s3] =	ssyncset.done $0x0  }
0x40: {  	[sflag:s3] =	ssyncadd.s32 $0xFFFF6000  }
0x41: {  	[hbm4b:s10+s2] =	stream.linear.scatter [tilespmem:s7], [sflag:$0x1], $0xA000, $0x38;
	[tilespmem:$0xA180] =	vst v63  }
0x42: {  	_ =	swait.ge [sflag:s3], $0xA000  }
0x43: {  	[sflag:s3] =	ssyncset.done $0x0  }
0x44: {  	[sflag:s3] =	ssyncadd.s32 $0xFFFF6000  }
0x45: {  	[tilespmem:s2], [sflag:$0x1] =	stream.linear.gather [hbm4b:s11+s2], $0x140, $0x38;
	[tilespmem:$0xA180] =	vst v63  }
0x46: {  	_ =	swait.ge [sflag:s3], $0x140  }
0x47: {  	[sflag:s3] =	ssyncset.done $0x0  }
0x48: {  	[sflag:s3] =	ssyncadd.s32 $0xFFFFFEC0  }
0x49: {  	[tilespmem:s7], [sflag:$0x1] =	stream.indirect.gather [hbm4b:s5+s6], $0x80, s2, s6, $0xb8;
	[tilespmem:$0xA180] =	vst v63  }
0x4a: {  	_ =	swait.ge [sflag:s3], $0xA000  }
.Ltmp1:
0x4b: {  	[sflag:s3] =	ssyncset.done $0x0;
	(pc) =	sbr.rel @p0 .LBB2_1-.Ltmp1, $4  }
0x4c: {  	[sflag:s3] =	ssyncadd.s32 $0xFFFF6000  }
0x4d: {  	[hbm4b:s12+s2] =	stream.linear.scatter [tilespmem:s7], [sflag:$0x1], $0xA000, $0x38;
	[tilespmem:$0xA180] =	vst v63  }
0x4e: {  	_ =	swait.ge [sflag:s3], $0xA000  }
0x4f: {  	[sflag:s3] =	ssyncset.done $0x0  }
.LBB2_2:
0x50: {  	[sflag:s3] =	ssyncadd.s32 $0xFFFF6000  }
0x51: {  	_ =	sfence.sel $0x180000  }
0x52: {  	[bflag:$0x0] =	sbarrier.arrive $0xFFFF  }
0x53: {  	p0 =	sne.s32 s0, $0x0;
	_ =	strace $0x90000050  }
0x54: {  	s0 =	sadd.s32 @!p0 $0x100000, s1;
	[bflag:$0x2] =	sbarrier.arrive $0xFFFF  }
0x55: {  	[sflag:s0] =	ssyncadd.tile.s32 @!p0 $0x1;
	_ =	shalt  }
.Lfunc_end2:
_tile_overlayer_lowered:
.L_overlay_start_2:
0x56: {  	(tag) =	ssettag $0x2  }
0x57: {  	s0 =	rddreg [dreg:$0x0];
	s2 =	stileid.u32  }
0x58: {  	s1 =	rddreg [dreg:$0x1];
	p0 =	sne.s32 s2, $0x0  }
0x59: {  	s3 =	rddreg [dreg:$0x2];
	[bflag:$0x3] =	sbarrier.arrive $0xFFFF;
	s2 =	simm.s32 @!p0 $0x1C01  }
0x5a: {  	[timem:s3], [sflag:s2] =	dma.local @!p0 [hbm:s0], s1  }
0x5b: {  	s0 =	simm.s32 @!p0 $0x1  }
0x5c: {  	_ =	swait.ge @!p0 [sflag:s0], s1  }
0x5d: {  	s1 =	ssub.s32 @!p0 $0x0, s1;
	[sflag:s0] =	ssyncset.done @!p0 $0x0  }
0x5e: {  	[sflag:s0] =	ssyncadd.s32 @!p0 s1  }
0x5f: {  	[bflag:$0x3] =	sbarrier.arrive $0xFFFF  }
0x60: {  	_ =	shalt  }

</sc_bundles>
